<compile_context>
chip_gen: v7x
topology: tpu7x:2x2x1
jax: 0.10.2.dev20260603
libtpu: 0.0.44.dev20260713+nightly
codegen_flags: <defaults>
</compile_context>

<pallas_src>
import jax
import jax.numpy as jnp
from jax import lax
from jax.experimental import pallas as pl
from jax.experimental.pallas import tpu as pltpu
from jax.experimental.pallas import tpu_sc as plsc

LATENT_DIM = 32
BATCH = 16384
NUM_CORES = 2
NUM_SUBCORES = 16
NUM_WORKERS = NUM_CORES * NUM_SUBCORES
B_PER_W = BATCH // NUM_WORKERS
NB = 8
LANE_COLS = 128
PAD_COLS = 128


def _pmf_body(uidx_hbm, iidx_hbm, wut_hbm, wit_hbm, out_hbm,
              uidx_v, iidx_v, ubufs, ibufs, out_v, usems, isems):
    wid = lax.axis_index("s") * NUM_CORES + lax.axis_index("c")
    base = wid * B_PER_W

    pltpu.sync_copy(uidx_hbm.at[pl.ds(base, B_PER_W)], uidx_v)
    pltpu.sync_copy(iidx_hbm.at[pl.ds(base, B_PER_W)], iidx_v)

    lane = lax.iota(jnp.int32, 16)

    def scalar_at(ref, chunk_base, off):
        return ref[pl.ds(chunk_base, 16)][off]

    def fire(iu, ii, slot):
        ucol0 = pl.multiple_of((iu >> 7) * LANE_COLS, LANE_COLS)
        icol0 = pl.multiple_of((ii >> 7) * LANE_COLS, LANE_COLS)
        pltpu.async_copy(wut_hbm.at[:, pl.ds(ucol0, LANE_COLS)],
                         ubufs.at[slot, :, pl.ds(0, LANE_COLS)],
                         usems.at[slot])
        pltpu.async_copy(wit_hbm.at[:, pl.ds(icol0, LANE_COLS)],
                         ibufs.at[slot, :, pl.ds(0, LANE_COLS)],
                         isems.at[slot])

    for s in range(NB):
        fire(scalar_at(uidx_v, 0, s), scalar_at(iidx_v, 0, s), s)

    def g_body(g, _):
        b0 = g * 16
        accv = jnp.zeros((16,), jnp.float32)
        for q in range(16 // NB):
            for s in range(NB):
                b = b0 + q * NB + s
                pltpu.make_async_copy(
                    wut_hbm.at[:, pl.ds(0, LANE_COLS)],
                    ubufs.at[s, :, pl.ds(0, LANE_COLS)], usems.at[s]).wait()
                pltpu.make_async_copy(
                    wit_hbm.at[:, pl.ds(0, LANE_COLS)],
                    ibufs.at[s, :, pl.ds(0, LANE_COLS)], isems.at[s]).wait()
                x = q * NB + s
                ucol = jnp.full((16,),
                                scalar_at(uidx_v, b0, x) & (LANE_COLS - 1),
                                jnp.int32)
                icol = jnp.full((16,),
                                scalar_at(iidx_v, b0, x) & (LANE_COLS - 1),
                                jnp.int32)
                glo = plsc.load_gather(ubufs.at[s], [lane, ucol])
                ghi = plsc.load_gather(ubufs.at[s], [lane + 16, ucol])
                vlo = plsc.load_gather(ibufs.at[s], [lane, icol])
                vhi = plsc.load_gather(ibufs.at[s], [lane + 16, icol])
                pu = glo * vlo + ghi * vhi
                r = lax.reduce_sum(pu, axes=(0,))

                y = x + NB
                ybase, yoff = (b0, y) if y < 16 else (b0 + 16, y - 16)

                @pl.when(b + NB < B_PER_W)
                def _():
                    fire(scalar_at(uidx_v, ybase, yoff),
                         scalar_at(iidx_v, ybase, yoff), s)

                accv = jnp.where(lane == x, r, accv)
        plsc.store_scatter(out_v, [b0 + lane], accv)
        return 0

    lax.fori_loop(0, B_PER_W // 16, g_body, 0)
    pltpu.sync_copy(out_v, out_hbm.at[pl.ds(base, B_PER_W)])


@jax.jit
def kernel(user_indices, item_indices, w_user, w_item):
    user_indices = user_indices.astype(jnp.int32)
    item_indices = item_indices.astype(jnp.int32)
    mesh = plsc.VectorSubcoreMesh(core_axis_name="c", subcore_axis_name="s")
    run = pl.kernel(
        _pmf_body,
        out_type=jax.ShapeDtypeStruct((BATCH,), jnp.float32),
        mesh=mesh,
        compiler_params=pltpu.CompilerParams(needs_layout_passes=False,
                                             use_tc_tiling_on_sc=True),
        scratch_types=[
            pltpu.VMEM((B_PER_W,), jnp.int32),
            pltpu.VMEM((B_PER_W,), jnp.int32),
            pltpu.VMEM((NB, LATENT_DIM, PAD_COLS), jnp.float32),
            pltpu.VMEM((NB, LATENT_DIM, PAD_COLS), jnp.float32),
            pltpu.VMEM((B_PER_W,), jnp.float32),
            pltpu.SemaphoreType.DMA((NB,)),
            pltpu.SemaphoreType.DMA((NB,)),
        ],
    )
    return run(user_indices, item_indices, w_user.T, w_item.T)

# --- scband reference (transcript-rebuilt; emitter-appended) ---
"""Pipeline reference for scband-probabilistic-matrix-factorization-21423296872535 (READ-ONLY COPY).

The authoritative reference and input builder live on the scoring server;
editing this copy changes nothing except your own understanding.
"""

import jax, jax.numpy as jnp
import numpy as np

NUM_USER = 1000000
NUM_ITEM = 1000000
LATENT_DIM = 32
BATCH = 16384


def setup_inputs(seed: int = 0) -> dict:
    key = jax.random.key(seed)
    k1, k2, k3, k4 = jax.random.split(key, 4)
    user_indices = jax.random.randint(k1, (BATCH,), 0, NUM_USER, dtype=jnp.int64 if jax.config.jax_enable_x64 else jnp.int32)
    item_indices = jax.random.randint(k2, (BATCH,), 0, NUM_ITEM, dtype=jnp.int64 if jax.config.jax_enable_x64 else jnp.int32)
    w_user = jax.random.normal(k3, (NUM_USER, LATENT_DIM), dtype=jnp.float32) * 0.1
    w_item = jax.random.normal(k4, (NUM_ITEM, LATENT_DIM), dtype=jnp.float32) * 0.1
    return {"user_indices": user_indices, "item_indices": item_indices, "w_user": w_user, "w_item": w_item}


def reference(user_indices, item_indices, w_user, w_item):
    user_embeds = jnp.take(w_user, user_indices, axis=0)
    item_embeds = jnp.take(w_item, item_indices, axis=0)
    estimate_ratings = jnp.sum(user_embeds * item_embeds, axis=-1)
    return estimate_ratings

if __name__ == "__main__":
    import jax
    _d = setup_inputs()
    print(jax.jit(kernel)(*tuple(_d.values())))

</pallas_src>

<mosaic_0001>
#map = affine_map<(d0, d1) -> (0)>
#map1 = affine_map<(d0, d1) -> (0, 0)>
module attributes {stable_mosaic.version = 14 : i64} {
  func.func @_pmf_body(%arg0: i32, %arg1: i32, %arg2: memref<16384xi32, #tpu.memory_space<hbm>>, %arg3: memref<16384xi32, #tpu.memory_space<hbm>>, %arg4: memref<32x1000000xf32, #tpu.memory_space<hbm>>, %arg5: memref<32x1000000xf32, #tpu.memory_space<hbm>>, %arg6: memref<16384xf32, #tpu.memory_space<hbm>>, %arg7: memref<512xi32, #tpu.memory_space<vmem>>, %arg8: memref<512xi32, #tpu.memory_space<vmem>>, %arg9: memref<8x32x128xf32, #tpu.memory_space<vmem>>, %arg10: memref<8x32x128xf32, #tpu.memory_space<vmem>>, %arg11: memref<512xf32, #tpu.memory_space<vmem>>, %arg12: memref<8x!tpu.dma_semaphore, #tpu.memory_space<semaphore_mem>>, %arg13: memref<8x!tpu.dma_semaphore, #tpu.memory_space<semaphore_mem>>) attributes {dimension_semantics = [#tpu.dimension_semantics<core_parallel>, #tpu.dimension_semantics<subcore_parallel>], iteration_bounds = array<i64: 2, 16>, scalar_prefetch = 0 : i64, scratch_operands = 7 : i64, tpu.core_type = #tpu.core_type<sc_vector_subcore>, window_params = [{transform_indices = #map}, {transform_indices = #map}, {transform_indices = #map1}, {transform_indices = #map1}, {transform_indices = #map}]} {
    %mul3A = arith.constant 2 : i32
    %mul3A_0 = arith.muli %arg1, %mul3A : i32
    %add3A = arith.addi %mul3A_0, %arg0 : i32
    %mul3A_1 = arith.constant 512 : i32
    %mul3A_2 = arith.muli %add3A, %mul3A_1 : i32
    "tpu.region"() ({
      %run_scoped3A = tpu.sem_alloc : memref<!tpu.dma_semaphore, #tpu.memory_space<semaphore_mem>>
      %dma_start3A_403 = tpu.memref_slice %arg2[%mul3A_2] : memref<16384xi32, #tpu.memory_space<hbm>> -> memref<512xi32, #tpu.memory_space<hbm>>
      %dma_start3A_404 = tpu.memref_slice %arg2[%mul3A_2] : memref<16384xi32, #tpu.memory_space<hbm>> -> memref<512xi32, #tpu.memory_space<hbm>>
      tpu.enqueue_dma source(%dma_start3A_404 : memref<512xi32, #tpu.memory_space<hbm>>) target(%arg7 : memref<512xi32, #tpu.memory_space<vmem>>) target_semaphore(%run_scoped3A : memref<!tpu.dma_semaphore, #tpu.memory_space<semaphore_mem>>)
      %dma_wait3A = tpu.memref_slice %arg2[%mul3A_2] : memref<16384xi32, #tpu.memory_space<hbm>> -> memref<512xi32, #tpu.memory_space<hbm>>
      %dma_wait3A_405 = tpu.memref_slice %arg2[%mul3A_2] : memref<16384xi32, #tpu.memory_space<hbm>> -> memref<512xi32, #tpu.memory_space<hbm>>
      tpu.wait_dma2 semaphore(%run_scoped3A : memref<!tpu.dma_semaphore, #tpu.memory_space<semaphore_mem>>) src(%dma_wait3A_405 : memref<512xi32, #tpu.memory_space<hbm>>) dst(%arg7 : memref<512xi32, #tpu.memory_space<vmem>>)
      tpu.yield
    }) : () -> ()
    "tpu.region"() ({
      %run_scoped3A = tpu.sem_alloc : memref<!tpu.dma_semaphore, #tpu.memory_space<semaphore_mem>>
      %dma_start3A_403 = tpu.memref_slice %arg3[%mul3A_2] : memref<16384xi32, #tpu.memory_space<hbm>> -> memref<512xi32, #tpu.memory_space<hbm>>
      %dma_start3A_404 = tpu.memref_slice %arg3[%mul3A_2] : memref<16384xi32, #tpu.memory_space<hbm>> -> memref<512xi32, #tpu.memory_space<hbm>>
      tpu.enqueue_dma source(%dma_start3A_404 : memref<512xi32, #tpu.memory_space<hbm>>) target(%arg8 : memref<512xi32, #tpu.memory_space<vmem>>) target_semaphore(%run_scoped3A : memref<!tpu.dma_semaphore, #tpu.memory_space<semaphore_mem>>)
      %dma_wait3A = tpu.memref_slice %arg3[%mul3A_2] : memref<16384xi32, #tpu.memory_space<hbm>> -> memref<512xi32, #tpu.memory_space<hbm>>
      %dma_wait3A_405 = tpu.memref_slice %arg3[%mul3A_2] : memref<16384xi32, #tpu.memory_space<hbm>> -> memref<512xi32, #tpu.memory_space<hbm>>
      tpu.wait_dma2 semaphore(%run_scoped3A : memref<!tpu.dma_semaphore, #tpu.memory_space<semaphore_mem>>) src(%dma_wait3A_405 : memref<512xi32, #tpu.memory_space<hbm>>) dst(%arg8 : memref<512xi32, #tpu.memory_space<vmem>>)
      tpu.yield
    }) : () -> ()
    %iota3A = tpu.iota {dimensions = array<i32: 0>} : vector<16xi32>
    %get3A = arith.constant 0 : index
    %get3A_3 = tpu.vector_load %arg7[%get3A] {strides = array<i32>} : memref<512xi32, #tpu.memory_space<vmem>>, vector<16xi32>,
    %slice3A = vector.extract_strided_slice %get3A_3 {offsets = [0], sizes = [1], strides = [1]} : vector<16xi32> to vector<1xi32>
    %squeeze3A = vector.extract %slice3A[0] : i32 from vector<1xi32>
    %get3A_4 = arith.constant 0 : index
    %get3A_5 = tpu.vector_load %arg8[%get3A_4] {strides = array<i32>} : memref<512xi32, #tpu.memory_space<vmem>>, vector<16xi32>,
    %slice3A_6 = vector.extract_strided_slice %get3A_5 {offsets = [0], sizes = [1], strides = [1]} : vector<16xi32> to vector<1xi32>
    %squeeze3A_7 = vector.extract %slice3A_6[0] : i32 from vector<1xi32>
    %shift_right_arithmetic3A = arith.constant 7 : i32
    %shift_right_arithmetic3A_8 = arith.shrsi %squeeze3A, %shift_right_arithmetic3A : i32
    %mul3A_9 = arith.constant 128 : i32
    %mul3A_10 = arith.muli %shift_right_arithmetic3A_8, %mul3A_9 : i32
    %multiple_of3A = tpu.assume_multiple %mul3A_10, 128 : i32
    %shift_right_arithmetic3A_11 = arith.constant 7 : i32
    %shift_right_arithmetic3A_12 = arith.shrsi %squeeze3A_7, %shift_right_arithmetic3A_11 : i32
    %mul3A_13 = arith.constant 128 : i32
    %mul3A_14 = arith.muli %shift_right_arithmetic3A_12, %mul3A_13 : i32
    %multiple_of3A_15 = tpu.assume_multiple %mul3A_14, 128 : i32
    %dma_start3A = arith.constant 0 : i32
    %dma_start3A_16 = arith.constant 0 : i32
    %dma_start3A_17 = arith.constant 0 : i32
    %dma_start3A_18 = arith.constant 0 : i32
    %dma_start3A_19 = tpu.memref_slice %arg9[%dma_start3A, %dma_start3A_17, %dma_start3A_18] : memref<8x32x128xf32, #tpu.memory_space<vmem>> -> memref<1x32x128xf32, #tpu.memory_space<vmem>>
    %dma_start3A_20 = tpu.memref_squeeze %dma_start3A_19 : memref<1x32x128xf32, #tpu.memory_space<vmem>> -> memref<32x128xf32, #tpu.memory_space<vmem>>
    %dma_start3A_21 = arith.constant 0 : i32
    %dma_start3A_22 = tpu.memref_slice %arg4[%dma_start3A_21, %multiple_of3A] : memref<32x1000000xf32, #tpu.memory_space<hbm>> -> memref<32x128xf32, #tpu.memory_space<hbm>>
    %dma_start3A_23 = tpu.memref_slice %arg12[%dma_start3A_16] : memref<8x!tpu.dma_semaphore, #tpu.memory_space<semaphore_mem>> -> memref<1x!tpu.dma_semaphore, #tpu.memory_space<semaphore_mem>>
    %dma_start3A_24 = tpu.memref_squeeze %dma_start3A_23 : memref<1x!tpu.dma_semaphore, #tpu.memory_space<semaphore_mem>> -> memref<!tpu.dma_semaphore, #tpu.memory_space<semaphore_mem>>
    %dma_start3A_25 = arith.constant 0 : i32
    %dma_start3A_26 = arith.constant 0 : i32
    %dma_start3A_27 = tpu.memref_slice %arg9[%dma_start3A, %dma_start3A_25, %dma_start3A_26] : memref<8x32x128xf32, #tpu.memory_space<vmem>> -> memref<1x32x128xf32, #tpu.memory_space<vmem>>
    %dma_start3A_28 = tpu.memref_squeeze %dma_start3A_27 : memref<1x32x128xf32, #tpu.memory_space<vmem>> -> memref<32x128xf32, #tpu.memory_space<vmem>>
    %dma_start3A_29 = arith.constant 0 : i32
    %dma_start3A_30 = tpu.memref_slice %arg4[%dma_start3A_29, %multiple_of3A] : memref<32x1000000xf32, #tpu.memory_space<hbm>> -> memref<32x128xf32, #tpu.memory_space<hbm>>
    tpu.enqueue_dma source(%dma_start3A_30 : memref<32x128xf32, #tpu.memory_space<hbm>>) target(%dma_start3A_28 : memref<32x128xf32, #tpu.memory_space<vmem>>) target_semaphore(%dma_start3A_24 : memref<!tpu.dma_semaphore, #tpu.memory_space<semaphore_mem>>)
    %dma_start3A_31 = arith.constant 0 : i32
    %dma_start3A_32 = arith.constant 0 : i32
    %dma_start3A_33 = arith.constant 0 : i32
    %dma_start3A_34 = arith.constant 0 : i32
    %dma_start3A_35 = tpu.memref_slice %arg10[%dma_start3A_31, %dma_start3A_33, %dma_start3A_34] : memref<8x32x128xf32, #tpu.memory_space<vmem>> -> memref<1x32x128xf32, #tpu.memory_space<vmem>>
    %dma_start3A_36 = tpu.memref_squeeze %dma_start3A_35 : memref<1x32x128xf32, #tpu.memory_space<vmem>> -> memref<32x128xf32, #tpu.memory_space<vmem>>
    %dma_start3A_37 = arith.constant 0 : i32
    %dma_start3A_38 = tpu.memref_slice %arg5[%dma_start3A_37, %multiple_of3A_15] : memref<32x1000000xf32, #tpu.memory_space<hbm>> -> memref<32x128xf32, #tpu.memory_space<hbm>>
    %dma_start3A_39 = tpu.memref_slice %arg13[%dma_start3A_32] : memref<8x!tpu.dma_semaphore, #tpu.memory_space<semaphore_mem>> -> memref<1x!tpu.dma_semaphore, #tpu.memory_space<semaphore_mem>>
    %dma_start3A_40 = tpu.memref_squeeze %dma_start3A_39 : memref<1x!tpu.dma_semaphore, #tpu.memory_space<semaphore_mem>> -> memref<!tpu.dma_semaphore, #tpu.memory_space<semaphore_mem>>
    %dma_start3A_41 = arith.constant 0 : i32
    %dma_start3A_42 = arith.constant 0 : i32
    %dma_start3A_43 = tpu.memref_slice %arg10[%dma_start3A_31, %dma_start3A_41, %dma_start3A_42] : memref<8x32x128xf32, #tpu.memory_space<vmem>> -> memref<1x32x128xf32, #tpu.memory_space<vmem>>
    %dma_start3A_44 = tpu.memref_squeeze %dma_start3A_43 : memref<1x32x128xf32, #tpu.memory_space<vmem>> -> memref<32x128xf32, #tpu.memory_space<vmem>>
    %dma_start3A_45 = arith.constant 0 : i32
    %dma_start3A_46 = tpu.memref_slice %arg5[%dma_start3A_45, %multiple_of3A_15] : memref<32x1000000xf32, #tpu.memory_space<hbm>> -> memref<32x128xf32, #tpu.memory_space<hbm>>
    tpu.enqueue_dma source(%dma_start3A_46 : memref<32x128xf32, #tpu.memory_space<hbm>>) target(%dma_start3A_44 : memref<32x128xf32, #tpu.memory_space<vmem>>) target_semaphore(%dma_start3A_40 : memref<!tpu.dma_semaphore, #tpu.memory_space<semaphore_mem>>)
    %get3A_47 = arith.constant 0 : index
    %get3A_48 = tpu.vector_load %arg7[%get3A_47] {strides = array<i32>} : memref<512xi32, #tpu.memory_space<vmem>>, vector<16xi32>,
    %slice3A_49 = vector.extract_strided_slice %get3A_48 {offsets = [1], sizes = [1], strides = [1]} : vector<16xi32> to vector<1xi32>
    %squeeze3A_50 = vector.extract %slice3A_49[0] : i32 from vector<1xi32>
    %get3A_51 = arith.constant 0 : index
    %get3A_52 = tpu.vector_load %arg8[%get3A_51] {strides = array<i32>} : memref<512xi32, #tpu.memory_space<vmem>>, vector<16xi32>,
    %slice3A_53 = vector.extract_strided_slice %get3A_52 {offsets = [1], sizes = [1], strides = [1]} : vector<16xi32> to vector<1xi32>
    %squeeze3A_54 = vector.extract %slice3A_53[0] : i32 from vector<1xi32>
    %shift_right_arithmetic3A_55 = arith.constant 7 : i32
    %shift_right_arithmetic3A_56 = arith.shrsi %squeeze3A_50, %shift_right_arithmetic3A_55 : i32
    %mul3A_57 = arith.constant 128 : i32
    %mul3A_58 = arith.muli %shift_right_arithmetic3A_56, %mul3A_57 : i32
    %multiple_of3A_59 = tpu.assume_multiple %mul3A_58, 128 : i32
    %shift_right_arithmetic3A_60 = arith.constant 7 : i32
    %shift_right_arithmetic3A_61 = arith.shrsi %squeeze3A_54, %shift_right_arithmetic3A_60 : i32
    %mul3A_62 = arith.constant 128 : i32
    %mul3A_63 = arith.muli %shift_right_arithmetic3A_61, %mul3A_62 : i32
    %multiple_of3A_64 = tpu.assume_multiple %mul3A_63, 128 : i32
    %dma_start3A_65 = arith.constant 1 : i32
    %dma_start3A_66 = arith.constant 1 : i32
    %dma_start3A_67 = arith.constant 0 : i32
    %dma_start3A_68 = arith.constant 0 : i32
    %dma_start3A_69 = tpu.memref_slice %arg9[%dma_start3A_65, %dma_start3A_67, %dma_start3A_68] : memref<8x32x128xf32, #tpu.memory_space<vmem>> -> memref<1x32x128xf32, #tpu.memory_space<vmem>>
    %dma_start3A_70 = tpu.memref_squeeze %dma_start3A_69 : memref<1x32x128xf32, #tpu.memory_space<vmem>> -> memref<32x128xf32, #tpu.memory_space<vmem>>
    %dma_start3A_71 = arith.constant 0 : i32
    %dma_start3A_72 = tpu.memref_slice %arg4[%dma_start3A_71, %multiple_of3A_59] : memref<32x1000000xf32, #tpu.memory_space<hbm>> -> memref<32x128xf32, #tpu.memory_space<hbm>>
    %dma_start3A_73 = tpu.memref_slice %arg12[%dma_start3A_66] : memref<8x!tpu.dma_semaphore, #tpu.memory_space<semaphore_mem>> -> memref<1x!tpu.dma_semaphore, #tpu.memory_space<semaphore_mem>>
    %dma_start3A_74 = tpu.memref_squeeze %dma_start3A_73 : memref<1x!tpu.dma_semaphore, #tpu.memory_space<semaphore_mem>> -> memref<!tpu.dma_semaphore, #tpu.memory_space<semaphore_mem>>
    %dma_start3A_75 = arith.constant 0 : i32
    %dma_start3A_76 = arith.constant 0 : i32
    %dma_start3A_77 = tpu.memref_slice %arg9[%dma_start3A_65, %dma_start3A_75, %dma_start3A_76] : memref<8x32x128xf32, #tpu.memory_space<vmem>> -> memref<1x32x128xf32, #tpu.memory_space<vmem>>
    %dma_start3A_78 = tpu.memref_squeeze %dma_start3A_77 : memref<1x32x128xf32, #tpu.memory_space<vmem>> -> memref<32x128xf32, #tpu.memory_space<vmem>>
    %dma_start3A_79 = arith.constant 0 : i32
    %dma_start3A_80 = tpu.memref_slice %arg4[%dma_start3A_79, %multiple_of3A_59] : memref<32x1000000xf32, #tpu.memory_space<hbm>> -> memref<32x128xf32, #tpu.memory_space<hbm>>
    tpu.enqueue_dma source(%dma_start3A_80 : memref<32x128xf32, #tpu.memory_space<hbm>>) target(%dma_start3A_78 : memref<32x128xf32, #tpu.memory_space<vmem>>) target_semaphore(%dma_start3A_74 : memref<!tpu.dma_semaphore, #tpu.memory_space<semaphore_mem>>)
    %dma_start3A_81 = arith.constant 1 : i32
    %dma_start3A_82 = arith.constant 1 : i32
    %dma_start3A_83 = arith.constant 0 : i32
    %dma_start3A_84 = arith.constant 0 : i32
    %dma_start3A_85 = tpu.memref_slice %arg10[%dma_start3A_81, %dma_start3A_83, %dma_start3A_84] : memref<8x32x128xf32, #tpu.memory_space<vmem>> -> memref<1x32x128xf32, #tpu.memory_space<vmem>>
    %dma_start3A_86 = tpu.memref_squeeze %dma_start3A_85 : memref<1x32x128xf32, #tpu.memory_space<vmem>> -> memref<32x128xf32, #tpu.memory_space<vmem>>
    %dma_start3A_87 = arith.constant 0 : i32
    %dma_start3A_88 = tpu.memref_slice %arg5[%dma_start3A_87, %multiple_of3A_64] : memref<32x1000000xf32, #tpu.memory_space<hbm>> -> memref<32x128xf32, #tpu.memory_space<hbm>>
    %dma_start3A_89 = tpu.memref_slice %arg13[%dma_start3A_82] : memref<8x!tpu.dma_semaphore, #tpu.memory_space<semaphore_mem>> -> memref<1x!tpu.dma_semaphore, #tpu.memory_space<semaphore_mem>>
    %dma_start3A_90 = tpu.memref_squeeze %dma_start3A_89 : memref<1x!tpu.dma_semaphore, #tpu.memory_space<semaphore_mem>> -> memref<!tpu.dma_semaphore, #tpu.memory_space<semaphore_mem>>
    %dma_start3A_91 = arith.constant 0 : i32
    %dma_start3A_92 = arith.constant 0 : i32
    %dma_start3A_93 = tpu.memref_slice %arg10[%dma_start3A_81, %dma_start3A_91, %dma_start3A_92] : memref<8x32x128xf32, #tpu.memory_space<vmem>> -> memref<1x32x128xf32, #tpu.memory_space<vmem>>
    %dma_start3A_94 = tpu.memref_squeeze %dma_start3A_93 : memref<1x32x128xf32, #tpu.memory_space<vmem>> -> memref<32x128xf32, #tpu.memory_space<vmem>>
    %dma_start3A_95 = arith.constant 0 : i32
    %dma_start3A_96 = tpu.memref_slice %arg5[%dma_start3A_95, %multiple_of3A_64] : memref<32x1000000xf32, #tpu.memory_space<hbm>> -> memref<32x128xf32, #tpu.memory_space<hbm>>
    tpu.enqueue_dma source(%dma_start3A_96 : memref<32x128xf32, #tpu.memory_space<hbm>>) target(%dma_start3A_94 : memref<32x128xf32, #tpu.memory_space<vmem>>) target_semaphore(%dma_start3A_90 : memref<!tpu.dma_semaphore, #tpu.memory_space<semaphore_mem>>)
    %get3A_97 = arith.constant 0 : index
    %get3A_98 = tpu.vector_load %arg7[%get3A_97] {strides = array<i32>} : memref<512xi32, #tpu.memory_space<vmem>>, vector<16xi32>,
    %slice3A_99 = vector.extract_strided_slice %get3A_98 {offsets = [2], sizes = [1], strides = [1]} : vector<16xi32> to vector<1xi32>
    %squeeze3A_100 = vector.extract %slice3A_99[0] : i32 from vector<1xi32>
    %get3A_101 = arith.constant 0 : index
    %get3A_102 = tpu.vector_load %arg8[%get3A_101] {strides = array<i32>} : memref<512xi32, #tpu.memory_space<vmem>>, vector<16xi32>,
    %slice3A_103 = vector.extract_strided_slice %get3A_102 {offsets = [2], sizes = [1], strides = [1]} : vector<16xi32> to vector<1xi32>
    %squeeze3A_104 = vector.extract %slice3A_103[0] : i32 from vector<1xi32>
    %shift_right_arithmetic3A_105 = arith.constant 7 : i32
    %shift_right_arithmetic3A_106 = arith.shrsi %squeeze3A_100, %shift_right_arithmetic3A_105 : i32
    %mul3A_107 = arith.constant 128 : i32
    %mul3A_108 = arith.muli %shift_right_arithmetic3A_106, %mul3A_107 : i32
    %multiple_of3A_109 = tpu.assume_multiple %mul3A_108, 128 : i32
    %shift_right_arithmetic3A_110 = arith.constant 7 : i32
    %shift_right_arithmetic3A_111 = arith.shrsi %squeeze3A_104, %shift_right_arithmetic3A_110 : i32
    %mul3A_112 = arith.constant 128 : i32
    %mul3A_113 = arith.muli %shift_right_arithmetic3A_111, %mul3A_112 : i32
    %multiple_of3A_114 = tpu.assume_multiple %mul3A_113, 128 : i32
    %dma_start3A_115 = arith.constant 2 : i32
    %dma_start3A_116 = arith.constant 2 : i32
    %dma_start3A_117 = arith.constant 0 : i32
    %dma_start3A_118 = arith.constant 0 : i32
    %dma_start3A_119 = tpu.memref_slice %arg9[%dma_start3A_115, %dma_start3A_117, %dma_start3A_118] : memref<8x32x128xf32, #tpu.memory_space<vmem>> -> memref<1x32x128xf32, #tpu.memory_space<vmem>>
    %dma_start3A_120 = tpu.memref_squeeze %dma_start3A_119 : memref<1x32x128xf32, #tpu.memory_space<vmem>> -> memref<32x128xf32, #tpu.memory_space<vmem>>
    %dma_start3A_121 = arith.constant 0 : i32
    %dma_start3A_122 = tpu.memref_slice %arg4[%dma_start3A_121, %multiple_of3A_109] : memref<32x1000000xf32, #tpu.memory_space<hbm>> -> memref<32x128xf32, #tpu.memory_space<hbm>>
    %dma_start3A_123 = tpu.memref_slice %arg12[%dma_start3A_116] : memref<8x!tpu.dma_semaphore, #tpu.memory_space<semaphore_mem>> -> memref<1x!tpu.dma_semaphore, #tpu.memory_space<semaphore_mem>>
    %dma_start3A_124 = tpu.memref_squeeze %dma_start3A_123 : memref<1x!tpu.dma_semaphore, #tpu.memory_space<semaphore_mem>> -> memref<!tpu.dma_semaphore, #tpu.memory_space<semaphore_mem>>
    %dma_start3A_125 = arith.constant 0 : i32
    %dma_start3A_126 = arith.constant 0 : i32
    %dma_start3A_127 = tpu.memref_slice %arg9[%dma_start3A_115, %dma_start3A_125, %dma_start3A_126] : memref<8x32x128xf32, #tpu.memory_space<vmem>> -> memref<1x32x128xf32, #tpu.memory_space<vmem>>
    %dma_start3A_128 = tpu.memref_squeeze %dma_start3A_127 : memref<1x32x128xf32, #tpu.memory_space<vmem>> -> memref<32x128xf32, #tpu.memory_space<vmem>>
    %dma_start3A_129 = arith.constant 0 : i32
    %dma_start3A_130 = tpu.memref_slice %arg4[%dma_start3A_129, %multiple_of3A_109] : memref<32x1000000xf32, #tpu.memory_space<hbm>> -> memref<32x128xf32, #tpu.memory_space<hbm>>
    tpu.enqueue_dma source(%dma_start3A_130 : memref<32x128xf32, #tpu.memory_space<hbm>>) target(%dma_start3A_128 : memref<32x128xf32, #tpu.memory_space<vmem>>) target_semaphore(%dma_start3A_124 : memref<!tpu.dma_semaphore, #tpu.memory_space<semaphore_mem>>)
    %dma_start3A_131 = arith.constant 2 : i32
    %dma_start3A_132 = arith.constant 2 : i32
    %dma_start3A_133 = arith.constant 0 : i32
    %dma_start3A_134 = arith.constant 0 : i32
    %dma_start3A_135 = tpu.memref_slice %arg10[%dma_start3A_131, %dma_start3A_133, %dma_start3A_134] : memref<8x32x128xf32, #tpu.memory_space<vmem>> -> memref<1x32x128xf32, #tpu.memory_space<vmem>>
    %dma_start3A_136 = tpu.memref_squeeze %dma_start3A_135 : memref<1x32x128xf32, #tpu.memory_space<vmem>> -> memref<32x128xf32, #tpu.memory_space<vmem>>
    %dma_start3A_137 = arith.constant 0 : i32
    %dma_start3A_138 = tpu.memref_slice %arg5[%dma_start3A_137, %multiple_of3A_114] : memref<32x1000000xf32, #tpu.memory_space<hbm>> -> memref<32x128xf32, #tpu.memory_space<hbm>>
    %dma_start3A_139 = tpu.memref_slice %arg13[%dma_start3A_132] : memref<8x!tpu.dma_semaphore, #tpu.memory_space<semaphore_mem>> -> memref<1x!tpu.dma_semaphore, #tpu.memory_space<semaphore_mem>>
    %dma_start3A_140 = tpu.memref_squeeze %dma_start3A_139 : memref<1x!tpu.dma_semaphore, #tpu.memory_space<semaphore_mem>> -> memref<!tpu.dma_semaphore, #tpu.memory_space<semaphore_mem>>
    %dma_start3A_141 = arith.constant 0 : i32
    %dma_start3A_142 = arith.constant 0 : i32
    %dma_start3A_143 = tpu.memref_slice %arg10[%dma_start3A_131, %dma_start3A_141, %dma_start3A_142] : memref<8x32x128xf32, #tpu.memory_space<vmem>> -> memref<1x32x128xf32, #tpu.memory_space<vmem>>
    %dma_start3A_144 = tpu.memref_squeeze %dma_start3A_143 : memref<1x32x128xf32, #tpu.memory_space<vmem>> -> memref<32x128xf32, #tpu.memory_space<vmem>>
    %dma_start3A_145 = arith.constant 0 : i32
    %dma_start3A_146 = tpu.memref_slice %arg5[%dma_start3A_145, %multiple_of3A_114] : memref<32x1000000xf32, #tpu.memory_space<hbm>> -> memref<32x128xf32, #tpu.memory_space<hbm>>
    tpu.enqueue_dma source(%dma_start3A_146 : memref<32x128xf32, #tpu.memory_space<hbm>>) target(%dma_start3A_144 : memref<32x128xf32, #tpu.memory_space<vmem>>) target_semaphore(%dma_start3A_140 : memref<!tpu.dma_semaphore, #tpu.memory_space<semaphore_mem>>)
    %get3A_147 = arith.constant 0 : index
    %get3A_148 = tpu.vector_load %arg7[%get3A_147] {strides = array<i32>} : memref<512xi32, #tpu.memory_space<vmem>>, vector<16xi32>,
    %slice3A_149 = vector.extract_strided_slice %get3A_148 {offsets = [3], sizes = [1], strides = [1]} : vector<16xi32> to vector<1xi32>
    %squeeze3A_150 = vector.extract %slice3A_149[0] : i32 from vector<1xi32>
    %get3A_151 = arith.constant 0 : index
    %get3A_152 = tpu.vector_load %arg8[%get3A_151] {strides = array<i32>} : memref<512xi32, #tpu.memory_space<vmem>>, vector<16xi32>,
    %slice3A_153 = vector.extract_strided_slice %get3A_152 {offsets = [3], sizes = [1], strides = [1]} : vector<16xi32> to vector<1xi32>
    %squeeze3A_154 = vector.extract %slice3A_153[0] : i32 from vector<1xi32>
    %shift_right_arithmetic3A_155 = arith.constant 7 : i32
    %shift_right_arithmetic3A_156 = arith.shrsi %squeeze3A_150, %shift_right_arithmetic3A_155 : i32
    %mul3A_157 = arith.constant 128 : i32
    %mul3A_158 = arith.muli %shift_right_arithmetic3A_156, %mul3A_157 : i32
    %multiple_of3A_159 = tpu.assume_multiple %mul3A_158, 128 : i32
    %shift_right_arithmetic3A_160 = arith.constant 7 : i32
    %shift_right_arithmetic3A_161 = arith.shrsi %squeeze3A_154, %shift_right_arithmetic3A_160 : i32
    %mul3A_162 = arith.constant 128 : i32
    %mul3A_163 = arith.muli %shift_right_arithmetic3A_161, %mul3A_162 : i32
    %multiple_of3A_164 = tpu.assume_multiple %mul3A_163, 128 : i32
    %dma_start3A_165 = arith.constant 3 : i32
    %dma_start3A_166 = arith.constant 3 : i32
    %dma_start3A_167 = arith.constant 0 : i32
    %dma_start3A_168 = arith.constant 0 : i32
    %dma_start3A_169 = tpu.memref_slice %arg9[%dma_start3A_165, %dma_start3A_167, %dma_start3A_168] : memref<8x32x128xf32, #tpu.memory_space<vmem>> -> memref<1x32x128xf32, #tpu.memory_space<vmem>>
    %dma_start3A_170 = tpu.memref_squeeze %dma_start3A_169 : memref<1x32x128xf32, #tpu.memory_space<vmem>> -> memref<32x128xf32, #tpu.memory_space<vmem>>
    %dma_start3A_171 = arith.constant 0 : i32
    %dma_start3A_172 = tpu.memref_slice %arg4[%dma_start3A_171, %multiple_of3A_159] : memref<32x1000000xf32, #tpu.memory_space<hbm>> -> memref<32x128xf32, #tpu.memory_space<hbm>>
    %dma_start3A_173 = tpu.memref_slice %arg12[%dma_start3A_166] : memref<8x!tpu.dma_semaphore, #tpu.memory_space<semaphore_mem>> -> memref<1x!tpu.dma_semaphore, #tpu.memory_space<semaphore_mem>>
    %dma_start3A_174 = tpu.memref_squeeze %dma_start3A_173 : memref<1x!tpu.dma_semaphore, #tpu.memory_space<semaphore_mem>> -> memref<!tpu.dma_semaphore, #tpu.memory_space<semaphore_mem>>
    %dma_start3A_175 = arith.constant 0 : i32
    %dma_start3A_176 = arith.constant 0 : i32
    %dma_start3A_177 = tpu.memref_slice %arg9[%dma_start3A_165, %dma_start3A_175, %dma_start3A_176] : memref<8x32x128xf32, #tpu.memory_space<vmem>> -> memref<1x32x128xf32, #tpu.memory_space<vmem>>
    %dma_start3A_178 = tpu.memref_squeeze %dma_start3A_177 : memref<1x32x128xf32, #tpu.memory_space<vmem>> -> memref<32x128xf32, #tpu.memory_space<vmem>>
    %dma_start3A_179 = arith.constant 0 : i32
    %dma_start3A_180 = tpu.memref_slice %arg4[%dma_start3A_179, %multiple_of3A_159] : memref<32x1000000xf32, #tpu.memory_space<hbm>> -> memref<32x128xf32, #tpu.memory_space<hbm>>
    tpu.enqueue_dma source(%dma_start3A_180 : memref<32x128xf32, #tpu.memory_space<hbm>>) target(%dma_start3A_178 : memref<32x128xf32, #tpu.memory_space<vmem>>) target_semaphore(%dma_start3A_174 : memref<!tpu.dma_semaphore, #tpu.memory_space<semaphore_mem>>)
    %dma_start3A_181 = arith.constant 3 : i32
    %dma_start3A_182 = arith.constant 3 : i32
    %dma_start3A_183 = arith.constant 0 : i32
    %dma_start3A_184 = arith.constant 0 : i32
    %dma_start3A_185 = tpu.memref_slice %arg10[%dma_start3A_181, %dma_start3A_183, %dma_start3A_184] : memref<8x32x128xf32, #tpu.memory_space<vmem>> -> memref<1x32x128xf32, #tpu.memory_space<vmem>>
    %dma_start3A_186 = tpu.memref_squeeze %dma_start3A_185 : memref<1x32x128xf32, #tpu.memory_space<vmem>> -> memref<32x128xf32, #tpu.memory_space<vmem>>
    %dma_start3A_187 = arith.constant 0 : i32
    %dma_start3A_188 = tpu.memref_slice %arg5[%dma_start3A_187, %multiple_of3A_164] : memref<32x1000000xf32, #tpu.memory_space<hbm>> -> memref<32x128xf32, #tpu.memory_space<hbm>>
    %dma_start3A_189 = tpu.memref_slice %arg13[%dma_start3A_182] : memref<8x!tpu.dma_semaphore, #tpu.memory_space<semaphore_mem>> -> memref<1x!tpu.dma_semaphore, #tpu.memory_space<semaphore_mem>>
    %dma_start3A_190 = tpu.memref_squeeze %dma_start3A_189 : memref<1x!tpu.dma_semaphore, #tpu.memory_space<semaphore_mem>> -> memref<!tpu.dma_semaphore, #tpu.memory_space<semaphore_mem>>
    %dma_start3A_191 = arith.constant 0 : i32
    %dma_start3A_192 = arith.constant 0 : i32
    %dma_start3A_193 = tpu.memref_slice %arg10[%dma_start3A_181, %dma_start3A_191, %dma_start3A_192] : memref<8x32x128xf32, #tpu.memory_space<vmem>> -> memref<1x32x128xf32, #tpu.memory_space<vmem>>
    %dma_start3A_194 = tpu.memref_squeeze %dma_start3A_193 : memref<1x32x128xf32, #tpu.memory_space<vmem>> -> memref<32x128xf32, #tpu.memory_space<vmem>>
    %dma_start3A_195 = arith.constant 0 : i32
    %dma_start3A_196 = tpu.memref_slice %arg5[%dma_start3A_195, %multiple_of3A_164] : memref<32x1000000xf32, #tpu.memory_space<hbm>> -> memref<32x128xf32, #tpu.memory_space<hbm>>
    tpu.enqueue_dma source(%dma_start3A_196 : memref<32x128xf32, #tpu.memory_space<hbm>>) target(%dma_start3A_194 : memref<32x128xf32, #tpu.memory_space<vmem>>) target_semaphore(%dma_start3A_190 : memref<!tpu.dma_semaphore, #tpu.memory_space<semaphore_mem>>)
    %get3A_197 = arith.constant 0 : index
    %get3A_198 = tpu.vector_load %arg7[%get3A_197] {strides = array<i32>} : memref<512xi32, #tpu.memory_space<vmem>>, vector<16xi32>,
    %slice3A_199 = vector.extract_strided_slice %get3A_198 {offsets = [4], sizes = [1], strides = [1]} : vector<16xi32> to vector<1xi32>
    %squeeze3A_200 = vector.extract %slice3A_199[0] : i32 from vector<1xi32>
    %get3A_201 = arith.constant 0 : index
    %get3A_202 = tpu.vector_load %arg8[%get3A_201] {strides = array<i32>} : memref<512xi32, #tpu.memory_space<vmem>>, vector<16xi32>,
    %slice3A_203 = vector.extract_strided_slice %get3A_202 {offsets = [4], sizes = [1], strides = [1]} : vector<16xi32> to vector<1xi32>
    %squeeze3A_204 = vector.extract %slice3A_203[0] : i32 from vector<1xi32>
    %shift_right_arithmetic3A_205 = arith.constant 7 : i32
    %shift_right_arithmetic3A_206 = arith.shrsi %squeeze3A_200, %shift_right_arithmetic3A_205 : i32
    %mul3A_207 = arith.constant 128 : i32
    %mul3A_208 = arith.muli %shift_right_arithmetic3A_206, %mul3A_207 : i32
    %multiple_of3A_209 = tpu.assume_multiple %mul3A_208, 128 : i32
    %shift_right_arithmetic3A_210 = arith.constant 7 : i32
    %shift_right_arithmetic3A_211 = arith.shrsi %squeeze3A_204, %shift_right_arithmetic3A_210 : i32
    %mul3A_212 = arith.constant 128 : i32
    %mul3A_213 = arith.muli %shift_right_arithmetic3A_211, %mul3A_212 : i32
    %multiple_of3A_214 = tpu.assume_multiple %mul3A_213, 128 : i32
    %dma_start3A_215 = arith.constant 4 : i32
    %dma_start3A_216 = arith.constant 4 : i32
    %dma_start3A_217 = arith.constant 0 : i32
    %dma_start3A_218 = arith.constant 0 : i32
    %dma_start3A_219 = tpu.memref_slice %arg9[%dma_start3A_215, %dma_start3A_217, %dma_start3A_218] : memref<8x32x128xf32, #tpu.memory_space<vmem>> -> memref<1x32x128xf32, #tpu.memory_space<vmem>>
    %dma_start3A_220 = tpu.memref_squeeze %dma_start3A_219 : memref<1x32x128xf32, #tpu.memory_space<vmem>> -> memref<32x128xf32, #tpu.memory_space<vmem>>
    %dma_start3A_221 = arith.constant 0 : i32
    %dma_start3A_222 = tpu.memref_slice %arg4[%dma_start3A_221, %multiple_of3A_209] : memref<32x1000000xf32, #tpu.memory_space<hbm>> -> memref<32x128xf32, #tpu.memory_space<hbm>>
    %dma_start3A_223 = tpu.memref_slice %arg12[%dma_start3A_216] : memref<8x!tpu.dma_semaphore, #tpu.memory_space<semaphore_mem>> -> memref<1x!tpu.dma_semaphore, #tpu.memory_space<semaphore_mem>>
    %dma_start3A_224 = tpu.memref_squeeze %dma_start3A_223 : memref<1x!tpu.dma_semaphore, #tpu.memory_space<semaphore_mem>> -> memref<!tpu.dma_semaphore, #tpu.memory_space<semaphore_mem>>
    %dma_start3A_225 = arith.constant 0 : i32
    %dma_start3A_226 = arith.constant 0 : i32
    %dma_start3A_227 = tpu.memref_slice %arg9[%dma_start3A_215, %dma_start3A_225, %dma_start3A_226] : memref<8x32x128xf32, #tpu.memory_space<vmem>> -> memref<1x32x128xf32, #tpu.memory_space<vmem>>
    %dma_start3A_228 = tpu.memref_squeeze %dma_start3A_227 : memref<1x32x128xf32, #tpu.memory_space<vmem>> -> memref<32x128xf32, #tpu.memory_space<vmem>>
    %dma_start3A_229 = arith.constant 0 : i32
    %dma_start3A_230 = tpu.memref_slice %arg4[%dma_start3A_229, %multiple_of3A_209] : memref<32x1000000xf32, #tpu.memory_space<hbm>> -> memref<32x128xf32, #tpu.memory_space<hbm>>
    tpu.enqueue_dma source(%dma_start3A_230 : memref<32x128xf32, #tpu.memory_space<hbm>>) target(%dma_start3A_228 : memref<32x128xf32, #tpu.memory_space<vmem>>) target_semaphore(%dma_start3A_224 : memref<!tpu.dma_semaphore, #tpu.memory_space<semaphore_mem>>)
    %dma_start3A_231 = arith.constant 4 : i32
    %dma_start3A_232 = arith.constant 4 : i32
    %dma_start3A_233 = arith.constant 0 : i32
    %dma_start3A_234 = arith.constant 0 : i32
    %dma_start3A_235 = tpu.memref_slice %arg10[%dma_start3A_231, %dma_start3A_233, %dma_start3A_234] : memref<8x32x128xf32, #tpu.memory_space<vmem>> -> memref<1x32x128xf32, #tpu.memory_space<vmem>>
    %dma_start3A_236 = tpu.memref_squeeze %dma_start3A_235 : memref<1x32x128xf32, #tpu.memory_space<vmem>> -> memref<32x128xf32, #tpu.memory_space<vmem>>
    %dma_start3A_237 = arith.constant 0 : i32
    %dma_start3A_238 = tpu.memref_slice %arg5[%dma_start3A_237, %multiple_of3A_214] : memref<32x1000000xf32, #tpu.memory_space<hbm>> -> memref<32x128xf32, #tpu.memory_space<hbm>>
    %dma_start3A_239 = tpu.memref_slice %arg13[%dma_start3A_232] : memref<8x!tpu.dma_semaphore, #tpu.memory_space<semaphore_mem>> -> memref<1x!tpu.dma_semaphore, #tpu.memory_space<semaphore_mem>>
    %dma_start3A_240 = tpu.memref_squeeze %dma_start3A_239 : memref<1x!tpu.dma_semaphore, #tpu.memory_space<semaphore_mem>> -> memref<!tpu.dma_semaphore, #tpu.memory_space<semaphore_mem>>
    %dma_start3A_241 = arith.constant 0 : i32
    %dma_start3A_242 = arith.constant 0 : i32
    %dma_start3A_243 = tpu.memref_slice %arg10[%dma_start3A_231, %dma_start3A_241, %dma_start3A_242] : memref<8x32x128xf32, #tpu.memory_space<vmem>> -> memref<1x32x128xf32, #tpu.memory_space<vmem>>
    %dma_start3A_244 = tpu.memref_squeeze %dma_start3A_243 : memref<1x32x128xf32, #tpu.memory_space<vmem>> -> memref<32x128xf32, #tpu.memory_space<vmem>>
    %dma_start3A_245 = arith.constant 0 : i32
    %dma_start3A_246 = tpu.memref_slice %arg5[%dma_start3A_245, %multiple_of3A_214] : memref<32x1000000xf32, #tpu.memory_space<hbm>> -> memref<32x128xf32, #tpu.memory_space<hbm>>
    tpu.enqueue_dma source(%dma_start3A_246 : memref<32x128xf32, #tpu.memory_space<hbm>>) target(%dma_start3A_244 : memref<32x128xf32, #tpu.memory_space<vmem>>) target_semaphore(%dma_start3A_240 : memref<!tpu.dma_semaphore, #tpu.memory_space<semaphore_mem>>)
    %get3A_247 = arith.constant 0 : index
    %get3A_248 = tpu.vector_load %arg7[%get3A_247] {strides = array<i32>} : memref<512xi32, #tpu.memory_space<vmem>>, vector<16xi32>,
    %slice3A_249 = vector.extract_strided_slice %get3A_248 {offsets = [5], sizes = [1], strides = [1]} : vector<16xi32> to vector<1xi32>
    %squeeze3A_250 = vector.extract %slice3A_249[0] : i32 from vector<1xi32>
    %get3A_251 = arith.constant 0 : index
    %get3A_252 = tpu.vector_load %arg8[%get3A_251] {strides = array<i32>} : memref<512xi32, #tpu.memory_space<vmem>>, vector<16xi32>,
    %slice3A_253 = vector.extract_strided_slice %get3A_252 {offsets = [5], sizes = [1], strides = [1]} : vector<16xi32> to vector<1xi32>
    %squeeze3A_254 = vector.extract %slice3A_253[0] : i32 from vector<1xi32>
    %shift_right_arithmetic3A_255 = arith.constant 7 : i32
    %shift_right_arithmetic3A_256 = arith.shrsi %squeeze3A_250, %shift_right_arithmetic3A_255 : i32
    %mul3A_257 = arith.constant 128 : i32
    %mul3A_258 = arith.muli %shift_right_arithmetic3A_256, %mul3A_257 : i32
    %multiple_of3A_259 = tpu.assume_multiple %mul3A_258, 128 : i32
    %shift_right_arithmetic3A_260 = arith.constant 7 : i32
    %shift_right_arithmetic3A_261 = arith.shrsi %squeeze3A_254, %shift_right_arithmetic3A_260 : i32
    %mul3A_262 = arith.constant 128 : i32
    %mul3A_263 = arith.muli %shift_right_arithmetic3A_261, %mul3A_262 : i32
    %multiple_of3A_264 = tpu.assume_multiple %mul3A_263, 128 : i32
    %dma_start3A_265 = arith.constant 5 : i32
    %dma_start3A_266 = arith.constant 5 : i32
    %dma_start3A_267 = arith.constant 0 : i32
    %dma_start3A_268 = arith.constant 0 : i32
    %dma_start3A_269 = tpu.memref_slice %arg9[%dma_start3A_265, %dma_start3A_267, %dma_start3A_268] : memref<8x32x128xf32, #tpu.memory_space<vmem>> -> memref<1x32x128xf32, #tpu.memory_space<vmem>>
    %dma_start3A_270 = tpu.memref_squeeze %dma_start3A_269 : memref<1x32x128xf32, #tpu.memory_space<vmem>> -> memref<32x128xf32, #tpu.memory_space<vmem>>
    %dma_start3A_271 = arith.constant 0 : i32
    %dma_start3A_272 = tpu.memref_slice %arg4[%dma_start3A_271, %multiple_of3A_259] : memref<32x1000000xf32, #tpu.memory_space<hbm>> -> memref<32x128xf32, #tpu.memory_space<hbm>>
    %dma_start3A_273 = tpu.memref_slice %arg12[%dma_start3A_266] : memref<8x!tpu.dma_semaphore, #tpu.memory_space<semaphore_mem>> -> memref<1x!tpu.dma_semaphore, #tpu.memory_space<semaphore_mem>>
    %dma_start3A_274 = tpu.memref_squeeze %dma_start3A_273 : memref<1x!tpu.dma_semaphore, #tpu.memory_space<semaphore_mem>> -> memref<!tpu.dma_semaphore, #tpu.memory_space<semaphore_mem>>
    %dma_start3A_275 = arith.constant 0 : i32
    %dma_start3A_276 = arith.constant 0 : i32
    %dma_start3A_277 = tpu.memref_slice %arg9[%dma_start3A_265, %dma_start3A_275, %dma_start3A_276] : memref<8x32x128xf32, #tpu.memory_space<vmem>> -> memref<1x32x128xf32, #tpu.memory_space<vmem>>
    %dma_start3A_278 = tpu.memref_squeeze %dma_start3A_277 : memref<1x32x128xf32, #tpu.memory_space<vmem>> -> memref<32x128xf32, #tpu.memory_space<vmem>>
    %dma_start3A_279 = arith.constant 0 : i32
    %dma_start3A_280 = tpu.memref_slice %arg4[%dma_start3A_279, %multiple_of3A_259] : memref<32x1000000xf32, #tpu.memory_space<hbm>> -> memref<32x128xf32, #tpu.memory_space<hbm>>
    tpu.enqueue_dma source(%dma_start3A_280 : memref<32x128xf32, #tpu.memory_space<hbm>>) target(%dma_start3A_278 : memref<32x128xf32, #tpu.memory_space<vmem>>) target_semaphore(%dma_start3A_274 : memref<!tpu.dma_semaphore, #tpu.memory_space<semaphore_mem>>)
    %dma_start3A_281 = arith.constant 5 : i32
    %dma_start3A_282 = arith.constant 5 : i32
    %dma_start3A_283 = arith.constant 0 : i32
    %dma_start3A_284 = arith.constant 0 : i32
    %dma_start3A_285 = tpu.memref_slice %arg10[%dma_start3A_281, %dma_start3A_283, %dma_start3A_284] : memref<8x32x128xf32, #tpu.memory_space<vmem>> -> memref<1x32x128xf32, #tpu.memory_space<vmem>>
    %dma_start3A_286 = tpu.memref_squeeze %dma_start3A_285 : memref<1x32x128xf32, #tpu.memory_space<vmem>> -> memref<32x128xf32, #tpu.memory_space<vmem>>
    %dma_start3A_287 = arith.constant 0 : i32
    %dma_start3A_288 = tpu.memref_slice %arg5[%dma_start3A_287, %multiple_of3A_264] : memref<32x1000000xf32, #tpu.memory_space<hbm>> -> memref<32x128xf32, #tpu.memory_space<hbm>>
    %dma_start3A_289 = tpu.memref_slice %arg13[%dma_start3A_282] : memref<8x!tpu.dma_semaphore, #tpu.memory_space<semaphore_mem>> -> memref<1x!tpu.dma_semaphore, #tpu.memory_space<semaphore_mem>>
    %dma_start3A_290 = tpu.memref_squeeze %dma_start3A_289 : memref<1x!tpu.dma_semaphore, #tpu.memory_space<semaphore_mem>> -> memref<!tpu.dma_semaphore, #tpu.memory_space<semaphore_mem>>
    %dma_start3A_291 = arith.constant 0 : i32
    %dma_start3A_292 = arith.constant 0 : i32
    %dma_start3A_293 = tpu.memref_slice %arg10[%dma_start3A_281, %dma_start3A_291, %dma_start3A_292] : memref<8x32x128xf32, #tpu.memory_space<vmem>> -> memref<1x32x128xf32, #tpu.memory_space<vmem>>
    %dma_start3A_294 = tpu.memref_squeeze %dma_start3A_293 : memref<1x32x128xf32, #tpu.memory_space<vmem>> -> memref<32x128xf32, #tpu.memory_space<vmem>>
    %dma_start3A_295 = arith.constant 0 : i32
    %dma_start3A_296 = tpu.memref_slice %arg5[%dma_start3A_295, %multiple_of3A_264] : memref<32x1000000xf32, #tpu.memory_space<hbm>> -> memref<32x128xf32, #tpu.memory_space<hbm>>
    tpu.enqueue_dma source(%dma_start3A_296 : memref<32x128xf32, #tpu.memory_space<hbm>>) target(%dma_start3A_294 : memref<32x128xf32, #tpu.memory_space<vmem>>) target_semaphore(%dma_start3A_290 : memref<!tpu.dma_semaphore, #tpu.memory_space<semaphore_mem>>)
    %get3A_297 = arith.constant 0 : index
    %get3A_298 = tpu.vector_load %arg7[%get3A_297] {strides = array<i32>} : memref<512xi32, #tpu.memory_space<vmem>>, vector<16xi32>,
    %slice3A_299 = vector.extract_strided_slice %get3A_298 {offsets = [6], sizes = [1], strides = [1]} : vector<16xi32> to vector<1xi32>
    %squeeze3A_300 = vector.extract %slice3A_299[0] : i32 from vector<1xi32>
    %get3A_301 = arith.constant 0 : index
    %get3A_302 = tpu.vector_load %arg8[%get3A_301] {strides = array<i32>} : memref<512xi32, #tpu.memory_space<vmem>>, vector<16xi32>,
    %slice3A_303 = vector.extract_strided_slice %get3A_302 {offsets = [6], sizes = [1], strides = [1]} : vector<16xi32> to vector<1xi32>
    %squeeze3A_304 = vector.extract %slice3A_303[0] : i32 from vector<1xi32>
    %shift_right_arithmetic3A_305 = arith.constant 7 : i32
    %shift_right_arithmetic3A_306 = arith.shrsi %squeeze3A_300, %shift_right_arithmetic3A_305 : i32
    %mul3A_307 = arith.constant 128 : i32
    %mul3A_308 = arith.muli %shift_right_arithmetic3A_306, %mul3A_307 : i32
    %multiple_of3A_309 = tpu.assume_multiple %mul3A_308, 128 : i32
    %shift_right_arithmetic3A_310 = arith.constant 7 : i32
    %shift_right_arithmetic3A_311 = arith.shrsi %squeeze3A_304, %shift_right_arithmetic3A_310 : i32
    %mul3A_312 = arith.constant 128 : i32
    %mul3A_313 = arith.muli %shift_right_arithmetic3A_311, %mul3A_312 : i32
    %multiple_of3A_314 = tpu.assume_multiple %mul3A_313, 128 : i32
    %dma_start3A_315 = arith.constant 6 : i32
    %dma_start3A_316 = arith.constant 6 : i32
    %dma_start3A_317 = arith.constant 0 : i32
    %dma_start3A_318 = arith.constant 0 : i32
    %dma_start3A_319 = tpu.memref_slice %arg9[%dma_start3A_315, %dma_start3A_317, %dma_start3A_318] : memref<8x32x128xf32, #tpu.memory_space<vmem>> -> memref<1x32x128xf32, #tpu.memory_space<vmem>>
    %dma_start3A_320 = tpu.memref_squeeze %dma_start3A_319 : memref<1x32x128xf32, #tpu.memory_space<vmem>> -> memref<32x128xf32, #tpu.memory_space<vmem>>
    %dma_start3A_321 = arith.constant 0 : i32
    %dma_start3A_322 = tpu.memref_slice %arg4[%dma_start3A_321, %multiple_of3A_309] : memref<32x1000000xf32, #tpu.memory_space<hbm>> -> memref<32x128xf32, #tpu.memory_space<hbm>>
    %dma_start3A_323 = tpu.memref_slice %arg12[%dma_start3A_316] : memref<8x!tpu.dma_semaphore, #tpu.memory_space<semaphore_mem>> -> memref<1x!tpu.dma_semaphore, #tpu.memory_space<semaphore_mem>>
    %dma_start3A_324 = tpu.memref_squeeze %dma_start3A_323 : memref<1x!tpu.dma_semaphore, #tpu.memory_space<semaphore_mem>> -> memref<!tpu.dma_semaphore, #tpu.memory_space<semaphore_mem>>
    %dma_start3A_325 = arith.constant 0 : i32
    %dma_start3A_326 = arith.constant 0 : i32
    %dma_start3A_327 = tpu.memref_slice %arg9[%dma_start3A_315, %dma_start3A_325, %dma_start3A_326] : memref<8x32x128xf32, #tpu.memory_space<vmem>> -> memref<1x32x128xf32, #tpu.memory_space<vmem>>
    %dma_start3A_328 = tpu.memref_squeeze %dma_start3A_327 : memref<1x32x128xf32, #tpu.memory_space<vmem>> -> memref<32x128xf32, #tpu.memory_space<vmem>>
    %dma_start3A_329 = arith.constant 0 : i32
    %dma_start3A_330 = tpu.memref_slice %arg4[%dma_start3A_329, %multiple_of3A_309] : memref<32x1000000xf32, #tpu.memory_space<hbm>> -> memref<32x128xf32, #tpu.memory_space<hbm>>
    tpu.enqueue_dma source(%dma_start3A_330 : memref<32x128xf32, #tpu.memory_space<hbm>>) target(%dma_start3A_328 : memref<32x128xf32, #tpu.memory_space<vmem>>) target_semaphore(%dma_start3A_324 : memref<!tpu.dma_semaphore, #tpu.memory_space<semaphore_mem>>)
    %dma_start3A_331 = arith.constant 6 : i32
    %dma_start3A_332 = arith.constant 6 : i32
    %dma_start3A_333 = arith.constant 0 : i32
    %dma_start3A_334 = arith.constant 0 : i32
    %dma_start3A_335 = tpu.memref_slice %arg10[%dma_start3A_331, %dma_start3A_333, %dma_start3A_334] : memref<8x32x128xf32, #tpu.memory_space<vmem>> -> memref<1x32x128xf32, #tpu.memory_space<vmem>>
    %dma_start3A_336 = tpu.memref_squeeze %dma_start3A_335 : memref<1x32x128xf32, #tpu.memory_space<vmem>> -> memref<32x128xf32, #tpu.memory_space<vmem>>
    %dma_start3A_337 = arith.constant 0 : i32
    %dma_start3A_338 = tpu.memref_slice %arg5[%dma_start3A_337, %multiple_of3A_314] : memref<32x1000000xf32, #tpu.memory_space<hbm>> -> memref<32x128xf32, #tpu.memory_space<hbm>>
    %dma_start3A_339 = tpu.memref_slice %arg13[%dma_start3A_332] : memref<8x!tpu.dma_semaphore, #tpu.memory_space<semaphore_mem>> -> memref<1x!tpu.dma_semaphore, #tpu.memory_space<semaphore_mem>>
    %dma_start3A_340 = tpu.memref_squeeze %dma_start3A_339 : memref<1x!tpu.dma_semaphore, #tpu.memory_space<semaphore_mem>> -> memref<!tpu.dma_semaphore, #tpu.memory_space<semaphore_mem>>
    %dma_start3A_341 = arith.constant 0 : i32
    %dma_start3A_342 = arith.constant 0 : i32
    %dma_start3A_343 = tpu.memref_slice %arg10[%dma_start3A_331, %dma_start3A_341, %dma_start3A_342] : memref<8x32x128xf32, #tpu.memory_space<vmem>> -> memref<1x32x128xf32, #tpu.memory_space<vmem>>
    %dma_start3A_344 = tpu.memref_squeeze %dma_start3A_343 : memref<1x32x128xf32, #tpu.memory_space<vmem>> -> memref<32x128xf32, #tpu.memory_space<vmem>>
    %dma_start3A_345 = arith.constant 0 : i32
    %dma_start3A_346 = tpu.memref_slice %arg5[%dma_start3A_345, %multiple_of3A_314] : memref<32x1000000xf32, #tpu.memory_space<hbm>> -> memref<32x128xf32, #tpu.memory_space<hbm>>
    tpu.enqueue_dma source(%dma_start3A_346 : memref<32x128xf32, #tpu.memory_space<hbm>>) target(%dma_start3A_344 : memref<32x128xf32, #tpu.memory_space<vmem>>) target_semaphore(%dma_start3A_340 : memref<!tpu.dma_semaphore, #tpu.memory_space<semaphore_mem>>)
    %get3A_347 = arith.constant 0 : index
    %get3A_348 = tpu.vector_load %arg7[%get3A_347] {strides = array<i32>} : memref<512xi32, #tpu.memory_space<vmem>>, vector<16xi32>,
    %slice3A_349 = vector.extract_strided_slice %get3A_348 {offsets = [7], sizes = [1], strides = [1]} : vector<16xi32> to vector<1xi32>
    %squeeze3A_350 = vector.extract %slice3A_349[0] : i32 from vector<1xi32>
    %get3A_351 = arith.constant 0 : index
    %get3A_352 = tpu.vector_load %arg8[%get3A_351] {strides = array<i32>} : memref<512xi32, #tpu.memory_space<vmem>>, vector<16xi32>,
    %slice3A_353 = vector.extract_strided_slice %get3A_352 {offsets = [7], sizes = [1], strides = [1]} : vector<16xi32> to vector<1xi32>
    %squeeze3A_354 = vector.extract %slice3A_353[0] : i32 from vector<1xi32>
    %shift_right_arithmetic3A_355 = arith.constant 7 : i32
    %shift_right_arithmetic3A_356 = arith.shrsi %squeeze3A_350, %shift_right_arithmetic3A_355 : i32
    %mul3A_357 = arith.constant 128 : i32
    %mul3A_358 = arith.muli %shift_right_arithmetic3A_356, %mul3A_357 : i32
    %multiple_of3A_359 = tpu.assume_multiple %mul3A_358, 128 : i32
    %shift_right_arithmetic3A_360 = arith.constant 7 : i32
    %shift_right_arithmetic3A_361 = arith.shrsi %squeeze3A_354, %shift_right_arithmetic3A_360 : i32
    %mul3A_362 = arith.constant 128 : i32
    %mul3A_363 = arith.muli %shift_right_arithmetic3A_361, %mul3A_362 : i32
    %multiple_of3A_364 = tpu.assume_multiple %mul3A_363, 128 : i32
    %dma_start3A_365 = arith.constant 7 : i32
    %dma_start3A_366 = arith.constant 7 : i32
    %dma_start3A_367 = arith.constant 0 : i32
    %dma_start3A_368 = arith.constant 0 : i32
    %dma_start3A_369 = tpu.memref_slice %arg9[%dma_start3A_365, %dma_start3A_367, %dma_start3A_368] : memref<8x32x128xf32, #tpu.memory_space<vmem>> -> memref<1x32x128xf32, #tpu.memory_space<vmem>>
    %dma_start3A_370 = tpu.memref_squeeze %dma_start3A_369 : memref<1x32x128xf32, #tpu.memory_space<vmem>> -> memref<32x128xf32, #tpu.memory_space<vmem>>
    %dma_start3A_371 = arith.constant 0 : i32
    %dma_start3A_372 = tpu.memref_slice %arg4[%dma_start3A_371, %multiple_of3A_359] : memref<32x1000000xf32, #tpu.memory_space<hbm>> -> memref<32x128xf32, #tpu.memory_space<hbm>>
    %dma_start3A_373 = tpu.memref_slice %arg12[%dma_start3A_366] : memref<8x!tpu.dma_semaphore, #tpu.memory_space<semaphore_mem>> -> memref<1x!tpu.dma_semaphore, #tpu.memory_space<semaphore_mem>>
    %dma_start3A_374 = tpu.memref_squeeze %dma_start3A_373 : memref<1x!tpu.dma_semaphore, #tpu.memory_space<semaphore_mem>> -> memref<!tpu.dma_semaphore, #tpu.memory_space<semaphore_mem>>
    %dma_start3A_375 = arith.constant 0 : i32
    %dma_start3A_376 = arith.constant 0 : i32
    %dma_start3A_377 = tpu.memref_slice %arg9[%dma_start3A_365, %dma_start3A_375, %dma_start3A_376] : memref<8x32x128xf32, #tpu.memory_space<vmem>> -> memref<1x32x128xf32, #tpu.memory_space<vmem>>
    %dma_start3A_378 = tpu.memref_squeeze %dma_start3A_377 : memref<1x32x128xf32, #tpu.memory_space<vmem>> -> memref<32x128xf32, #tpu.memory_space<vmem>>
    %dma_start3A_379 = arith.constant 0 : i32
    %dma_start3A_380 = tpu.memref_slice %arg4[%dma_start3A_379, %multiple_of3A_359] : memref<32x1000000xf32, #tpu.memory_space<hbm>> -> memref<32x128xf32, #tpu.memory_space<hbm>>
    tpu.enqueue_dma source(%dma_start3A_380 : memref<32x128xf32, #tpu.memory_space<hbm>>) target(%dma_start3A_378 : memref<32x128xf32, #tpu.memory_space<vmem>>) target_semaphore(%dma_start3A_374 : memref<!tpu.dma_semaphore, #tpu.memory_space<semaphore_mem>>)
    %dma_start3A_381 = arith.constant 7 : i32
    %dma_start3A_382 = arith.constant 7 : i32
    %dma_start3A_383 = arith.constant 0 : i32
    %dma_start3A_384 = arith.constant 0 : i32
    %dma_start3A_385 = tpu.memref_slice %arg10[%dma_start3A_381, %dma_start3A_383, %dma_start3A_384] : memref<8x32x128xf32, #tpu.memory_space<vmem>> -> memref<1x32x128xf32, #tpu.memory_space<vmem>>
    %dma_start3A_386 = tpu.memref_squeeze %dma_start3A_385 : memref<1x32x128xf32, #tpu.memory_space<vmem>> -> memref<32x128xf32, #tpu.memory_space<vmem>>
    %dma_start3A_387 = arith.constant 0 : i32
    %dma_start3A_388 = tpu.memref_slice %arg5[%dma_start3A_387, %multiple_of3A_364] : memref<32x1000000xf32, #tpu.memory_space<hbm>> -> memref<32x128xf32, #tpu.memory_space<hbm>>
    %dma_start3A_389 = tpu.memref_slice %arg13[%dma_start3A_382] : memref<8x!tpu.dma_semaphore, #tpu.memory_space<semaphore_mem>> -> memref<1x!tpu.dma_semaphore, #tpu.memory_space<semaphore_mem>>
    %dma_start3A_390 = tpu.memref_squeeze %dma_start3A_389 : memref<1x!tpu.dma_semaphore, #tpu.memory_space<semaphore_mem>> -> memref<!tpu.dma_semaphore, #tpu.memory_space<semaphore_mem>>
    %dma_start3A_391 = arith.constant 0 : i32
    %dma_start3A_392 = arith.constant 0 : i32
    %dma_start3A_393 = tpu.memref_slice %arg10[%dma_start3A_381, %dma_start3A_391, %dma_start3A_392] : memref<8x32x128xf32, #tpu.memory_space<vmem>> -> memref<1x32x128xf32, #tpu.memory_space<vmem>>
    %dma_start3A_394 = tpu.memref_squeeze %dma_start3A_393 : memref<1x32x128xf32, #tpu.memory_space<vmem>> -> memref<32x128xf32, #tpu.memory_space<vmem>>
    %dma_start3A_395 = arith.constant 0 : i32
    %dma_start3A_396 = tpu.memref_slice %arg5[%dma_start3A_395, %multiple_of3A_364] : memref<32x1000000xf32, #tpu.memory_space<hbm>> -> memref<32x128xf32, #tpu.memory_space<hbm>>
    tpu.enqueue_dma source(%dma_start3A_396 : memref<32x128xf32, #tpu.memory_space<hbm>>) target(%dma_start3A_394 : memref<32x128xf32, #tpu.memory_space<vmem>>) target_semaphore(%dma_start3A_390 : memref<!tpu.dma_semaphore, #tpu.memory_space<semaphore_mem>>)
    %scan3A = arith.constant 0 : i32
    %scan3A_397 = arith.constant 0 : i32
    %scan3A_398 = arith.constant 32 : i32
    %scan3A_399 = arith.addi %scan3A_397, %scan3A_398 : i32
    %scan3A_400 = arith.constant 1 : i32
    %scan3A_401 = scf.for %scan3A_403 = %scan3A_397 to %scan3A_399 step %scan3A_400 iter_args(%scan3A_404 = %scan3A) -> (i32)  : i32 {
      %mul3A_405 = arith.constant 16 : i32
      %mul3A_406 = arith.muli %scan3A_403, %mul3A_405 : i32
      %broadcast_in_dim3A = arith.constant 0.000000e+00 : f32
      %broadcast_in_dim3A_407 = vector.broadcast %broadcast_in_dim3A : f32 to vector<16xf32>
      %add3A_408 = arith.constant 0 : i32
      %add3A_409 = arith.addi %mul3A_406, %add3A_408 : i32
      %add3A_410 = arith.constant 0 : i32
      %add3A_411 = arith.addi %add3A_409, %add3A_410 : i32
      %dma_wait3A = arith.constant 0 : i32
      %dma_wait3A_412 = arith.constant 0 : i32
      %dma_wait3A_413 = arith.constant 0 : i32
      %dma_wait3A_414 = arith.constant 0 : i32
      %dma_wait3A_415 = tpu.memref_slice %arg9[%dma_wait3A, %dma_wait3A_413, %dma_wait3A_414] : memref<8x32x128xf32, #tpu.memory_space<vmem>> -> memref<1x32x128xf32, #tpu.memory_space<vmem>>
      %dma_wait3A_416 = tpu.memref_squeeze %dma_wait3A_415 : memref<1x32x128xf32, #tpu.memory_space<vmem>> -> memref<32x128xf32, #tpu.memory_space<vmem>>
      %dma_wait3A_417 = arith.constant 0 : i32
      %dma_wait3A_418 = arith.constant 0 : i32
      %dma_wait3A_419 = tpu.memref_slice %arg4[%dma_wait3A_417, %dma_wait3A_418] : memref<32x1000000xf32, #tpu.memory_space<hbm>> -> memref<32x128xf32, #tpu.memory_space<hbm>>
      %dma_wait3A_420 = tpu.memref_slice %arg12[%dma_wait3A_412] : memref<8x!tpu.dma_semaphore, #tpu.memory_space<semaphore_mem>> -> memref<1x!tpu.dma_semaphore, #tpu.memory_space<semaphore_mem>>
      %dma_wait3A_421 = tpu.memref_squeeze %dma_wait3A_420 : memref<1x!tpu.dma_semaphore, #tpu.memory_space<semaphore_mem>> -> memref<!tpu.dma_semaphore, #tpu.memory_space<semaphore_mem>>
      %dma_wait3A_422 = arith.constant 0 : i32
      %dma_wait3A_423 = arith.constant 0 : i32
      %dma_wait3A_424 = tpu.memref_slice %arg9[%dma_wait3A, %dma_wait3A_422, %dma_wait3A_423] : memref<8x32x128xf32, #tpu.memory_space<vmem>> -> memref<1x32x128xf32, #tpu.memory_space<vmem>>
      %dma_wait3A_425 = tpu.memref_squeeze %dma_wait3A_424 : memref<1x32x128xf32, #tpu.memory_space<vmem>> -> memref<32x128xf32, #tpu.memory_space<vmem>>
      %dma_wait3A_426 = arith.constant 0 : i32
      %dma_wait3A_427 = arith.constant 0 : i32
      %dma_wait3A_428 = tpu.memref_slice %arg4[%dma_wait3A_426, %dma_wait3A_427] : memref<32x1000000xf32, #tpu.memory_space<hbm>> -> memref<32x128xf32, #tpu.memory_space<hbm>>
      tpu.wait_dma2 semaphore(%dma_wait3A_421 : memref<!tpu.dma_semaphore, #tpu.memory_space<semaphore_mem>>) src(%dma_wait3A_428 : memref<32x128xf32, #tpu.memory_space<hbm>>) dst(%dma_wait3A_425 : memref<32x128xf32, #tpu.memory_space<vmem>>)
      %dma_wait3A_429 = arith.constant 0 : i32
      %dma_wait3A_430 = arith.constant 0 : i32
      %dma_wait3A_431 = arith.constant 0 : i32
      %dma_wait3A_432 = arith.constant 0 : i32
      %dma_wait3A_433 = tpu.memref_slice %arg10[%dma_wait3A_429, %dma_wait3A_431, %dma_wait3A_432] : memref<8x32x128xf32, #tpu.memory_space<vmem>> -> memref<1x32x128xf32, #tpu.memory_space<vmem>>
      %dma_wait3A_434 = tpu.memref_squeeze %dma_wait3A_433 : memref<1x32x128xf32, #tpu.memory_space<vmem>> -> memref<32x128xf32, #tpu.memory_space<vmem>>
      %dma_wait3A_435 = arith.constant 0 : i32
      %dma_wait3A_436 = arith.constant 0 : i32
      %dma_wait3A_437 = tpu.memref_slice %arg5[%dma_wait3A_435, %dma_wait3A_436] : memref<32x1000000xf32, #tpu.memory_space<hbm>> -> memref<32x128xf32, #tpu.memory_space<hbm>>
      %dma_wait3A_438 = tpu.memref_slice %arg13[%dma_wait3A_430] : memref<8x!tpu.dma_semaphore, #tpu.memory_space<semaphore_mem>> -> memref<1x!tpu.dma_semaphore, #tpu.memory_space<semaphore_mem>>
      %dma_wait3A_439 = tpu.memref_squeeze %dma_wait3A_438 : memref<1x!tpu.dma_semaphore, #tpu.memory_space<semaphore_mem>> -> memref<!tpu.dma_semaphore, #tpu.memory_space<semaphore_mem>>
      %dma_wait3A_440 = arith.constant 0 : i32
      %dma_wait3A_441 = arith.constant 0 : i32
      %dma_wait3A_442 = tpu.memref_slice %arg10[%dma_wait3A_429, %dma_wait3A_440, %dma_wait3A_441] : memref<8x32x128xf32, #tpu.memory_space<vmem>> -> memref<1x32x128xf32, #tpu.memory_space<vmem>>
      %dma_wait3A_443 = tpu.memref_squeeze %dma_wait3A_442 : memref<1x32x128xf32, #tpu.memory_space<vmem>> -> memref<32x128xf32, #tpu.memory_space<vmem>>
      %dma_wait3A_444 = arith.constant 0 : i32
      %dma_wait3A_445 = arith.constant 0 : i32
      %dma_wait3A_446 = tpu.memref_slice %arg5[%dma_wait3A_444, %dma_wait3A_445] : memref<32x1000000xf32, #tpu.memory_space<hbm>> -> memref<32x128xf32, #tpu.memory_space<hbm>>
      tpu.wait_dma2 semaphore(%dma_wait3A_439 : memref<!tpu.dma_semaphore, #tpu.memory_space<semaphore_mem>>) src(%dma_wait3A_446 : memref<32x128xf32, #tpu.memory_space<hbm>>) dst(%dma_wait3A_443 : memref<32x128xf32, #tpu.memory_space<vmem>>)
      %get3A_447 = arith.index_cast %mul3A_406 : i32 to index
      %get3A_448 = tpu.vector_load %arg7[%get3A_447] {strides = array<i32>} : memref<512xi32, #tpu.memory_space<vmem>>, vector<16xi32>,
      %slice3A_449 = vector.extract_strided_slice %get3A_448 {offsets = [0], sizes = [1], strides = [1]} : vector<16xi32> to vector<1xi32>
      %squeeze3A_450 = vector.extract %slice3A_449[0] : i32 from vector<1xi32>
      %and3A = arith.constant 127 : i32
      %and3A_451 = arith.andi %squeeze3A_450, %and3A : i32
      %broadcast_in_dim3A_452 = vector.broadcast %and3A_451 : i32 to vector<16xi32>
      %get3A_453 = arith.index_cast %mul3A_406 : i32 to index
      %get3A_454 = tpu.vector_load %arg8[%get3A_453] {strides = array<i32>} : memref<512xi32, #tpu.memory_space<vmem>>, vector<16xi32>,
      %slice3A_455 = vector.extract_strided_slice %get3A_454 {offsets = [0], sizes = [1], strides = [1]} : vector<16xi32> to vector<1xi32>
      %squeeze3A_456 = vector.extract %slice3A_455[0] : i32 from vector<1xi32>
      %and3A_457 = arith.constant 127 : i32
      %and3A_458 = arith.andi %squeeze3A_456, %and3A_457 : i32
      %broadcast_in_dim3A_459 = vector.broadcast %and3A_458 : i32 to vector<16xi32>
      %gather3A = arith.constant 0 : i32
      %gather3A_460 = arith.constant 0 : i32
      %gather3A_461 = arith.constant 0 : i32
      %gather3A_462 = tpu.memref_slice %arg9[%gather3A, %gather3A_460, %gather3A_461] : memref<8x32x128xf32, #tpu.memory_space<vmem>> -> memref<1x32x128xf32, #tpu.memory_space<vmem>>
      %gather3A_463 = tpu.memref_squeeze %gather3A_462 : memref<1x32x128xf32, #tpu.memory_space<vmem>> -> memref<32x128xf32, #tpu.memory_space<vmem>>
      %gather3A_464 = tpu.vector_load_idx %gather3A_463[%iota3A, %broadcast_in_dim3A_452] : memref<32x128xf32, #tpu.memory_space<vmem>>[vector<16xi32>, vector<16xi32>], vector<16xf32>,
      %add3A_465 = arith.constant 16 : i32
      %add3A_466 = vector.broadcast %add3A_465 : i32 to vector<16xi32>
      %add3A_467 = arith.addi %iota3A, %add3A_466 : vector<16xi32>
      %gather3A_468 = arith.constant 0 : i32
      %gather3A_469 = arith.constant 0 : i32
      %gather3A_470 = arith.constant 0 : i32
      %gather3A_471 = tpu.memref_slice %arg9[%gather3A_468, %gather3A_469, %gather3A_470] : memref<8x32x128xf32, #tpu.memory_space<vmem>> -> memref<1x32x128xf32, #tpu.memory_space<vmem>>
      %gather3A_472 = tpu.memref_squeeze %gather3A_471 : memref<1x32x128xf32, #tpu.memory_space<vmem>> -> memref<32x128xf32, #tpu.memory_space<vmem>>
      %gather3A_473 = tpu.vector_load_idx %gather3A_472[%add3A_467, %broadcast_in_dim3A_452] : memref<32x128xf32, #tpu.memory_space<vmem>>[vector<16xi32>, vector<16xi32>], vector<16xf32>,
      %gather3A_474 = arith.constant 0 : i32
      %gather3A_475 = arith.constant 0 : i32
      %gather3A_476 = arith.constant 0 : i32
      %gather3A_477 = tpu.memref_slice %arg10[%gather3A_474, %gather3A_475, %gather3A_476] : memref<8x32x128xf32, #tpu.memory_space<vmem>> -> memref<1x32x128xf32, #tpu.memory_space<vmem>>
      %gather3A_478 = tpu.memref_squeeze %gather3A_477 : memref<1x32x128xf32, #tpu.memory_space<vmem>> -> memref<32x128xf32, #tpu.memory_space<vmem>>
      %gather3A_479 = tpu.vector_load_idx %gather3A_478[%iota3A, %broadcast_in_dim3A_459] : memref<32x128xf32, #tpu.memory_space<vmem>>[vector<16xi32>, vector<16xi32>], vector<16xf32>,
      %add3A_480 = arith.constant 16 : i32
      %add3A_481 = vector.broadcast %add3A_480 : i32 to vector<16xi32>
      %add3A_482 = arith.addi %iota3A, %add3A_481 : vector<16xi32>
      %gather3A_483 = arith.constant 0 : i32
      %gather3A_484 = arith.constant 0 : i32
      %gather3A_485 = arith.constant 0 : i32
      %gather3A_486 = tpu.memref_slice %arg10[%gather3A_483, %gather3A_484, %gather3A_485] : memref<8x32x128xf32, #tpu.memory_space<vmem>> -> memref<1x32x128xf32, #tpu.memory_space<vmem>>
      %gather3A_487 = tpu.memref_squeeze %gather3A_486 : memref<1x32x128xf32, #tpu.memory_space<vmem>> -> memref<32x128xf32, #tpu.memory_space<vmem>>
      %gather3A_488 = tpu.vector_load_idx %gather3A_487[%add3A_482, %broadcast_in_dim3A_459] : memref<32x128xf32, #tpu.memory_space<vmem>>[vector<16xi32>, vector<16xi32>], vector<16xf32>,
      %mul3A_489 = arith.mulf %gather3A_464, %gather3A_479 : vector<16xf32>
      %mul3A_490 = arith.mulf %gather3A_473, %gather3A_488 : vector<16xf32>
      %add3A_491 = arith.addf %mul3A_489, %mul3A_490 : vector<16xf32>
      %reduce_sum3A = arith.constant true
      %reduce_sum3A_492 = vector.broadcast %reduce_sum3A : i1 to vector<16xi1>
      %reduce_sum3A_493 = tpu.scan <sum>, %add3A_491 masked %reduce_sum3A_492 : vector<16xf32>, vector<16xi1> -> vector<16xf32>
      %reduce_sum3A_494 = vector.extract %reduce_sum3A_493[15] : f32 from vector<16xf32>
      %add3A_495 = arith.constant 8 : i32
      %add3A_496 = arith.addi %add3A_411, %add3A_495 : i32
      %lt3A = arith.constant 512 : i32
      %lt3A_497 = arith.cmpi slt, %add3A_496, %lt3A : i32
      %convert_element_type3A = arith.extui %lt3A_497 : i1 to i32
      %cond3A = arith.constant 0 : i32
      %cond3A_498 = arith.cmpi ne, %convert_element_type3A, %cond3A : i32
      scf.if %cond3A_498 {
        %get3A_2066 = arith.index_cast %mul3A_406 : i32 to index
        %get3A_2067 = tpu.vector_load %arg7[%get3A_2066] {strides = array<i32>} : memref<512xi32, #tpu.memory_space<vmem>>, vector<16xi32>,
        %slice3A_2068 = vector.extract_strided_slice %get3A_2067 {offsets = [8], sizes = [1], strides = [1]} : vector<16xi32> to vector<1xi32>
        %squeeze3A_2069 = vector.extract %slice3A_2068[0] : i32 from vector<1xi32>
        %get3A_2070 = arith.index_cast %mul3A_406 : i32 to index
        %get3A_2071 = tpu.vector_load %arg8[%get3A_2070] {strides = array<i32>} : memref<512xi32, #tpu.memory_space<vmem>>, vector<16xi32>,
        %slice3A_2072 = vector.extract_strided_slice %get3A_2071 {offsets = [8], sizes = [1], strides = [1]} : vector<16xi32> to vector<1xi32>
        %squeeze3A_2073 = vector.extract %slice3A_2072[0] : i32 from vector<1xi32>
        %shift_right_arithmetic3A_2074 = arith.constant 7 : i32
        %shift_right_arithmetic3A_2075 = arith.shrsi %squeeze3A_2069, %shift_right_arithmetic3A_2074 : i32
        %mul3A_2076 = arith.constant 128 : i32
        %mul3A_2077 = arith.muli %shift_right_arithmetic3A_2075, %mul3A_2076 : i32
        %multiple_of3A_2078 = tpu.assume_multiple %mul3A_2077, 128 : i32
        %shift_right_arithmetic3A_2079 = arith.constant 7 : i32
        %shift_right_arithmetic3A_2080 = arith.shrsi %squeeze3A_2073, %shift_right_arithmetic3A_2079 : i32
        %mul3A_2081 = arith.constant 128 : i32
        %mul3A_2082 = arith.muli %shift_right_arithmetic3A_2080, %mul3A_2081 : i32
        %multiple_of3A_2083 = tpu.assume_multiple %mul3A_2082, 128 : i32
        %dma_start3A_2084 = arith.constant 0 : i32
        %dma_start3A_2085 = arith.constant 0 : i32
        %dma_start3A_2086 = arith.constant 0 : i32
        %dma_start3A_2087 = arith.constant 0 : i32
        %dma_start3A_2088 = tpu.memref_slice %arg9[%dma_start3A_2084, %dma_start3A_2086, %dma_start3A_2087] : memref<8x32x128xf32, #tpu.memory_space<vmem>> -> memref<1x32x128xf32, #tpu.memory_space<vmem>>
        %dma_start3A_2089 = tpu.memref_squeeze %dma_start3A_2088 : memref<1x32x128xf32, #tpu.memory_space<vmem>> -> memref<32x128xf32, #tpu.memory_space<vmem>>
        %dma_start3A_2090 = arith.constant 0 : i32
        %dma_start3A_2091 = tpu.memref_slice %arg4[%dma_start3A_2090, %multiple_of3A_2078] : memref<32x1000000xf32, #tpu.memory_space<hbm>> -> memref<32x128xf32, #tpu.memory_space<hbm>>
        %dma_start3A_2092 = tpu.memref_slice %arg12[%dma_start3A_2085] : memref<8x!tpu.dma_semaphore, #tpu.memory_space<semaphore_mem>> -> memref<1x!tpu.dma_semaphore, #tpu.memory_space<semaphore_mem>>
        %dma_start3A_2093 = tpu.memref_squeeze %dma_start3A_2092 : memref<1x!tpu.dma_semaphore, #tpu.memory_space<semaphore_mem>> -> memref<!tpu.dma_semaphore, #tpu.memory_space<semaphore_mem>>
        %dma_start3A_2094 = arith.constant 0 : i32
        %dma_start3A_2095 = arith.constant 0 : i32
        %dma_start3A_2096 = tpu.memref_slice %arg9[%dma_start3A_2084, %dma_start3A_2094, %dma_start3A_2095] : memref<8x32x128xf32, #tpu.memory_space<vmem>> -> memref<1x32x128xf32, #tpu.memory_space<vmem>>
        %dma_start3A_2097 = tpu.memref_squeeze %dma_start3A_2096 : memref<1x32x128xf32, #tpu.memory_space<vmem>> -> memref<32x128xf32, #tpu.memory_space<vmem>>
        %dma_start3A_2098 = arith.constant 0 : i32
        %dma_start3A_2099 = tpu.memref_slice %arg4[%dma_start3A_2098, %multiple_of3A_2078] : memref<32x1000000xf32, #tpu.memory_space<hbm>> -> memref<32x128xf32, #tpu.memory_space<hbm>>
        tpu.enqueue_dma source(%dma_start3A_2099 : memref<32x128xf32, #tpu.memory_space<hbm>>) target(%dma_start3A_2097 : memref<32x128xf32, #tpu.memory_space<vmem>>) target_semaphore(%dma_start3A_2093 : memref<!tpu.dma_semaphore, #tpu.memory_space<semaphore_mem>>)
        %dma_start3A_2100 = arith.constant 0 : i32
        %dma_start3A_2101 = arith.constant 0 : i32
        %dma_start3A_2102 = arith.constant 0 : i32
        %dma_start3A_2103 = arith.constant 0 : i32
        %dma_start3A_2104 = tpu.memref_slice %arg10[%dma_start3A_2100, %dma_start3A_2102, %dma_start3A_2103] : memref<8x32x128xf32, #tpu.memory_space<vmem>> -> memref<1x32x128xf32, #tpu.memory_space<vmem>>
        %dma_start3A_2105 = tpu.memref_squeeze %dma_start3A_2104 : memref<1x32x128xf32, #tpu.memory_space<vmem>> -> memref<32x128xf32, #tpu.memory_space<vmem>>
        %dma_start3A_2106 = arith.constant 0 : i32
        %dma_start3A_2107 = tpu.memref_slice %arg5[%dma_start3A_2106, %multiple_of3A_2083] : memref<32x1000000xf32, #tpu.memory_space<hbm>> -> memref<32x128xf32, #tpu.memory_space<hbm>>
        %dma_start3A_2108 = tpu.memref_slice %arg13[%dma_start3A_2101] : memref<8x!tpu.dma_semaphore, #tpu.memory_space<semaphore_mem>> -> memref<1x!tpu.dma_semaphore, #tpu.memory_space<semaphore_mem>>
        %dma_start3A_2109 = tpu.memref_squeeze %dma_start3A_2108 : memref<1x!tpu.dma_semaphore, #tpu.memory_space<semaphore_mem>> -> memref<!tpu.dma_semaphore, #tpu.memory_space<semaphore_mem>>
        %dma_start3A_2110 = arith.constant 0 : i32
        %dma_start3A_2111 = arith.constant 0 : i32
        %dma_start3A_2112 = tpu.memref_slice %arg10[%dma_start3A_2100, %dma_start3A_2110, %dma_start3A_2111] : memref<8x32x128xf32, #tpu.memory_space<vmem>> -> memref<1x32x128xf32, #tpu.memory_space<vmem>>
        %dma_start3A_2113 = tpu.memref_squeeze %dma_start3A_2112 : memref<1x32x128xf32, #tpu.memory_space<vmem>> -> memref<32x128xf32, #tpu.memory_space<vmem>>
        %dma_start3A_2114 = arith.constant 0 : i32
        %dma_start3A_2115 = tpu.memref_slice %arg5[%dma_start3A_2114, %multiple_of3A_2083] : memref<32x1000000xf32, #tpu.memory_space<hbm>> -> memref<32x128xf32, #tpu.memory_space<hbm>>
        tpu.enqueue_dma source(%dma_start3A_2115 : memref<32x128xf32, #tpu.memory_space<hbm>>) target(%dma_start3A_2113 : memref<32x128xf32, #tpu.memory_space<vmem>>) target_semaphore(%dma_start3A_2109 : memref<!tpu.dma_semaphore, #tpu.memory_space<semaphore_mem>>)
      } else {
      }
      %eq3A = arith.constant 0 : i32
      %eq3A_499 = vector.broadcast %eq3A : i32 to vector<16xi32>
      %eq3A_500 = arith.cmpi eq, %iota3A, %eq3A_499 : vector<16xi32>
      %broadcast_in_dim3A_501 = vector.broadcast %reduce_sum3A_494 : f32 to vector<16xf32>
      %select_n3A = arith.select %eq3A_500, %broadcast_in_dim3A_501, %broadcast_in_dim3A_407 : vector<16xi1>, vector<16xf32>
      %add3A_502 = arith.constant 0 : i32
      %add3A_503 = arith.addi %mul3A_406, %add3A_502 : i32
      %add3A_504 = arith.constant 1 : i32
      %add3A_505 = arith.addi %add3A_503, %add3A_504 : i32
      %dma_wait3A_506 = arith.constant 1 : i32
      %dma_wait3A_507 = arith.constant 1 : i32
      %dma_wait3A_508 = arith.constant 0 : i32
      %dma_wait3A_509 = arith.constant 0 : i32
      %dma_wait3A_510 = tpu.memref_slice %arg9[%dma_wait3A_506, %dma_wait3A_508, %dma_wait3A_509] : memref<8x32x128xf32, #tpu.memory_space<vmem>> -> memref<1x32x128xf32, #tpu.memory_space<vmem>>
      %dma_wait3A_511 = tpu.memref_squeeze %dma_wait3A_510 : memref<1x32x128xf32, #tpu.memory_space<vmem>> -> memref<32x128xf32, #tpu.memory_space<vmem>>
      %dma_wait3A_512 = arith.constant 0 : i32
      %dma_wait3A_513 = arith.constant 0 : i32
      %dma_wait3A_514 = tpu.memref_slice %arg4[%dma_wait3A_512, %dma_wait3A_513] : memref<32x1000000xf32, #tpu.memory_space<hbm>> -> memref<32x128xf32, #tpu.memory_space<hbm>>
      %dma_wait3A_515 = tpu.memref_slice %arg12[%dma_wait3A_507] : memref<8x!tpu.dma_semaphore, #tpu.memory_space<semaphore_mem>> -> memref<1x!tpu.dma_semaphore, #tpu.memory_space<semaphore_mem>>
      %dma_wait3A_516 = tpu.memref_squeeze %dma_wait3A_515 : memref<1x!tpu.dma_semaphore, #tpu.memory_space<semaphore_mem>> -> memref<!tpu.dma_semaphore, #tpu.memory_space<semaphore_mem>>
      %dma_wait3A_517 = arith.constant 0 : i32
      %dma_wait3A_518 = arith.constant 0 : i32
      %dma_wait3A_519 = tpu.memref_slice %arg9[%dma_wait3A_506, %dma_wait3A_517, %dma_wait3A_518] : memref<8x32x128xf32, #tpu.memory_space<vmem>> -> memref<1x32x128xf32, #tpu.memory_space<vmem>>
      %dma_wait3A_520 = tpu.memref_squeeze %dma_wait3A_519 : memref<1x32x128xf32, #tpu.memory_space<vmem>> -> memref<32x128xf32, #tpu.memory_space<vmem>>
      %dma_wait3A_521 = arith.constant 0 : i32
      %dma_wait3A_522 = arith.constant 0 : i32
      %dma_wait3A_523 = tpu.memref_slice %arg4[%dma_wait3A_521, %dma_wait3A_522] : memref<32x1000000xf32, #tpu.memory_space<hbm>> -> memref<32x128xf32, #tpu.memory_space<hbm>>
      tpu.wait_dma2 semaphore(%dma_wait3A_516 : memref<!tpu.dma_semaphore, #tpu.memory_space<semaphore_mem>>) src(%dma_wait3A_523 : memref<32x128xf32, #tpu.memory_space<hbm>>) dst(%dma_wait3A_520 : memref<32x128xf32, #tpu.memory_space<vmem>>)
      %dma_wait3A_524 = arith.constant 1 : i32
      %dma_wait3A_525 = arith.constant 1 : i32
      %dma_wait3A_526 = arith.constant 0 : i32
      %dma_wait3A_527 = arith.constant 0 : i32
      %dma_wait3A_528 = tpu.memref_slice %arg10[%dma_wait3A_524, %dma_wait3A_526, %dma_wait3A_527] : memref<8x32x128xf32, #tpu.memory_space<vmem>> -> memref<1x32x128xf32, #tpu.memory_space<vmem>>
      %dma_wait3A_529 = tpu.memref_squeeze %dma_wait3A_528 : memref<1x32x128xf32, #tpu.memory_space<vmem>> -> memref<32x128xf32, #tpu.memory_space<vmem>>
      %dma_wait3A_530 = arith.constant 0 : i32
      %dma_wait3A_531 = arith.constant 0 : i32
      %dma_wait3A_532 = tpu.memref_slice %arg5[%dma_wait3A_530, %dma_wait3A_531] : memref<32x1000000xf32, #tpu.memory_space<hbm>> -> memref<32x128xf32, #tpu.memory_space<hbm>>
      %dma_wait3A_533 = tpu.memref_slice %arg13[%dma_wait3A_525] : memref<8x!tpu.dma_semaphore, #tpu.memory_space<semaphore_mem>> -> memref<1x!tpu.dma_semaphore, #tpu.memory_space<semaphore_mem>>
      %dma_wait3A_534 = tpu.memref_squeeze %dma_wait3A_533 : memref<1x!tpu.dma_semaphore, #tpu.memory_space<semaphore_mem>> -> memref<!tpu.dma_semaphore, #tpu.memory_space<semaphore_mem>>
      %dma_wait3A_535 = arith.constant 0 : i32
      %dma_wait3A_536 = arith.constant 0 : i32
      %dma_wait3A_537 = tpu.memref_slice %arg10[%dma_wait3A_524, %dma_wait3A_535, %dma_wait3A_536] : memref<8x32x128xf32, #tpu.memory_space<vmem>> -> memref<1x32x128xf32, #tpu.memory_space<vmem>>
      %dma_wait3A_538 = tpu.memref_squeeze %dma_wait3A_537 : memref<1x32x128xf32, #tpu.memory_space<vmem>> -> memref<32x128xf32, #tpu.memory_space<vmem>>
      %dma_wait3A_539 = arith.constant 0 : i32
      %dma_wait3A_540 = arith.constant 0 : i32
      %dma_wait3A_541 = tpu.memref_slice %arg5[%dma_wait3A_539, %dma_wait3A_540] : memref<32x1000000xf32, #tpu.memory_space<hbm>> -> memref<32x128xf32, #tpu.memory_space<hbm>>
      tpu.wait_dma2 semaphore(%dma_wait3A_534 : memref<!tpu.dma_semaphore, #tpu.memory_space<semaphore_mem>>) src(%dma_wait3A_541 : memref<32x128xf32, #tpu.memory_space<hbm>>) dst(%dma_wait3A_538 : memref<32x128xf32, #tpu.memory_space<vmem>>)
      %get3A_542 = arith.index_cast %mul3A_406 : i32 to index
      %get3A_543 = tpu.vector_load %arg7[%get3A_542] {strides = array<i32>} : memref<512xi32, #tpu.memory_space<vmem>>, vector<16xi32>,
      %slice3A_544 = vector.extract_strided_slice %get3A_543 {offsets = [1], sizes = [1], strides = [1]} : vector<16xi32> to vector<1xi32>
      %squeeze3A_545 = vector.extract %slice3A_544[0] : i32 from vector<1xi32>
      %and3A_546 = arith.constant 127 : i32
      %and3A_547 = arith.andi %squeeze3A_545, %and3A_546 : i32
      %broadcast_in_dim3A_548 = vector.broadcast %and3A_547 : i32 to vector<16xi32>
      %get3A_549 = arith.index_cast %mul3A_406 : i32 to index
      %get3A_550 = tpu.vector_load %arg8[%get3A_549] {strides = array<i32>} : memref<512xi32, #tpu.memory_space<vmem>>, vector<16xi32>,
      %slice3A_551 = vector.extract_strided_slice %get3A_550 {offsets = [1], sizes = [1], strides = [1]} : vector<16xi32> to vector<1xi32>
      %squeeze3A_552 = vector.extract %slice3A_551[0] : i32 from vector<1xi32>
      %and3A_553 = arith.constant 127 : i32
      %and3A_554 = arith.andi %squeeze3A_552, %and3A_553 : i32
      %broadcast_in_dim3A_555 = vector.broadcast %and3A_554 : i32 to vector<16xi32>
      %gather3A_556 = arith.constant 1 : i32
      %gather3A_557 = arith.constant 0 : i32
      %gather3A_558 = arith.constant 0 : i32
      %gather3A_559 = tpu.memref_slice %arg9[%gather3A_556, %gather3A_557, %gather3A_558] : memref<8x32x128xf32, #tpu.memory_space<vmem>> -> memref<1x32x128xf32, #tpu.memory_space<vmem>>
      %gather3A_560 = tpu.memref_squeeze %gather3A_559 : memref<1x32x128xf32, #tpu.memory_space<vmem>> -> memref<32x128xf32, #tpu.memory_space<vmem>>
      %gather3A_561 = tpu.vector_load_idx %gather3A_560[%iota3A, %broadcast_in_dim3A_548] : memref<32x128xf32, #tpu.memory_space<vmem>>[vector<16xi32>, vector<16xi32>], vector<16xf32>,
      %add3A_562 = arith.constant 16 : i32
      %add3A_563 = vector.broadcast %add3A_562 : i32 to vector<16xi32>
      %add3A_564 = arith.addi %iota3A, %add3A_563 : vector<16xi32>
      %gather3A_565 = arith.constant 1 : i32
      %gather3A_566 = arith.constant 0 : i32
      %gather3A_567 = arith.constant 0 : i32
      %gather3A_568 = tpu.memref_slice %arg9[%gather3A_565, %gather3A_566, %gather3A_567] : memref<8x32x128xf32, #tpu.memory_space<vmem>> -> memref<1x32x128xf32, #tpu.memory_space<vmem>>
      %gather3A_569 = tpu.memref_squeeze %gather3A_568 : memref<1x32x128xf32, #tpu.memory_space<vmem>> -> memref<32x128xf32, #tpu.memory_space<vmem>>
      %gather3A_570 = tpu.vector_load_idx %gather3A_569[%add3A_564, %broadcast_in_dim3A_548] : memref<32x128xf32, #tpu.memory_space<vmem>>[vector<16xi32>, vector<16xi32>], vector<16xf32>,
      %gather3A_571 = arith.constant 1 : i32
      %gather3A_572 = arith.constant 0 : i32
      %gather3A_573 = arith.constant 0 : i32
      %gather3A_574 = tpu.memref_slice %arg10[%gather3A_571, %gather3A_572, %gather3A_573] : memref<8x32x128xf32, #tpu.memory_space<vmem>> -> memref<1x32x128xf32, #tpu.memory_space<vmem>>
      %gather3A_575 = tpu.memref_squeeze %gather3A_574 : memref<1x32x128xf32, #tpu.memory_space<vmem>> -> memref<32x128xf32, #tpu.memory_space<vmem>>
      %gather3A_576 = tpu.vector_load_idx %gather3A_575[%iota3A, %broadcast_in_dim3A_555] : memref<32x128xf32, #tpu.memory_space<vmem>>[vector<16xi32>, vector<16xi32>], vector<16xf32>,
      %add3A_577 = arith.constant 16 : i32
      %add3A_578 = vector.broadcast %add3A_577 : i32 to vector<16xi32>
      %add3A_579 = arith.addi %iota3A, %add3A_578 : vector<16xi32>
      %gather3A_580 = arith.constant 1 : i32
      %gather3A_581 = arith.constant 0 : i32
      %gather3A_582 = arith.constant 0 : i32
      %gather3A_583 = tpu.memref_slice %arg10[%gather3A_580, %gather3A_581, %gather3A_582] : memref<8x32x128xf32, #tpu.memory_space<vmem>> -> memref<1x32x128xf32, #tpu.memory_space<vmem>>
      %gather3A_584 = tpu.memref_squeeze %gather3A_583 : memref<1x32x128xf32, #tpu.memory_space<vmem>> -> memref<32x128xf32, #tpu.memory_space<vmem>>
      %gather3A_585 = tpu.vector_load_idx %gather3A_584[%add3A_579, %broadcast_in_dim3A_555] : memref<32x128xf32, #tpu.memory_space<vmem>>[vector<16xi32>, vector<16xi32>], vector<16xf32>,
      %mul3A_586 = arith.mulf %gather3A_561, %gather3A_576 : vector<16xf32>
      %mul3A_587 = arith.mulf %gather3A_570, %gather3A_585 : vector<16xf32>
      %add3A_588 = arith.addf %mul3A_586, %mul3A_587 : vector<16xf32>
      %reduce_sum3A_589 = arith.constant true
      %reduce_sum3A_590 = vector.broadcast %reduce_sum3A_589 : i1 to vector<16xi1>
      %reduce_sum3A_591 = tpu.scan <sum>, %add3A_588 masked %reduce_sum3A_590 : vector<16xf32>, vector<16xi1> -> vector<16xf32>
      %reduce_sum3A_592 = vector.extract %reduce_sum3A_591[15] : f32 from vector<16xf32>
      %add3A_593 = arith.constant 8 : i32
      %add3A_594 = arith.addi %add3A_505, %add3A_593 : i32
      %lt3A_595 = arith.constant 512 : i32
      %lt3A_596 = arith.cmpi slt, %add3A_594, %lt3A_595 : i32
      %convert_element_type3A_597 = arith.extui %lt3A_596 : i1 to i32
      %cond3A_598 = arith.constant 0 : i32
      %cond3A_599 = arith.cmpi ne, %convert_element_type3A_597, %cond3A_598 : i32
      scf.if %cond3A_599 {
        %get3A_2066 = arith.index_cast %mul3A_406 : i32 to index
        %get3A_2067 = tpu.vector_load %arg7[%get3A_2066] {strides = array<i32>} : memref<512xi32, #tpu.memory_space<vmem>>, vector<16xi32>,
        %slice3A_2068 = vector.extract_strided_slice %get3A_2067 {offsets = [9], sizes = [1], strides = [1]} : vector<16xi32> to vector<1xi32>
        %squeeze3A_2069 = vector.extract %slice3A_2068[0] : i32 from vector<1xi32>
        %get3A_2070 = arith.index_cast %mul3A_406 : i32 to index
        %get3A_2071 = tpu.vector_load %arg8[%get3A_2070] {strides = array<i32>} : memref<512xi32, #tpu.memory_space<vmem>>, vector<16xi32>,
        %slice3A_2072 = vector.extract_strided_slice %get3A_2071 {offsets = [9], sizes = [1], strides = [1]} : vector<16xi32> to vector<1xi32>
        %squeeze3A_2073 = vector.extract %slice3A_2072[0] : i32 from vector<1xi32>
        %shift_right_arithmetic3A_2074 = arith.constant 7 : i32
        %shift_right_arithmetic3A_2075 = arith.shrsi %squeeze3A_2069, %shift_right_arithmetic3A_2074 : i32
        %mul3A_2076 = arith.constant 128 : i32
        %mul3A_2077 = arith.muli %shift_right_arithmetic3A_2075, %mul3A_2076 : i32
        %multiple_of3A_2078 = tpu.assume_multiple %mul3A_2077, 128 : i32
        %shift_right_arithmetic3A_2079 = arith.constant 7 : i32
        %shift_right_arithmetic3A_2080 = arith.shrsi %squeeze3A_2073, %shift_right_arithmetic3A_2079 : i32
        %mul3A_2081 = arith.constant 128 : i32
        %mul3A_2082 = arith.muli %shift_right_arithmetic3A_2080, %mul3A_2081 : i32
        %multiple_of3A_2083 = tpu.assume_multiple %mul3A_2082, 128 : i32
        %dma_start3A_2084 = arith.constant 1 : i32
        %dma_start3A_2085 = arith.constant 1 : i32
        %dma_start3A_2086 = arith.constant 0 : i32
        %dma_start3A_2087 = arith.constant 0 : i32
        %dma_start3A_2088 = tpu.memref_slice %arg9[%dma_start3A_2084, %dma_start3A_2086, %dma_start3A_2087] : memref<8x32x128xf32, #tpu.memory_space<vmem>> -> memref<1x32x128xf32, #tpu.memory_space<vmem>>
        %dma_start3A_2089 = tpu.memref_squeeze %dma_start3A_2088 : memref<1x32x128xf32, #tpu.memory_space<vmem>> -> memref<32x128xf32, #tpu.memory_space<vmem>>
        %dma_start3A_2090 = arith.constant 0 : i32
        %dma_start3A_2091 = tpu.memref_slice %arg4[%dma_start3A_2090, %multiple_of3A_2078] : memref<32x1000000xf32, #tpu.memory_space<hbm>> -> memref<32x128xf32, #tpu.memory_space<hbm>>
        %dma_start3A_2092 = tpu.memref_slice %arg12[%dma_start3A_2085] : memref<8x!tpu.dma_semaphore, #tpu.memory_space<semaphore_mem>> -> memref<1x!tpu.dma_semaphore, #tpu.memory_space<semaphore_mem>>
        %dma_start3A_2093 = tpu.memref_squeeze %dma_start3A_2092 : memref<1x!tpu.dma_semaphore, #tpu.memory_space<semaphore_mem>> -> memref<!tpu.dma_semaphore, #tpu.memory_space<semaphore_mem>>
        %dma_start3A_2094 = arith.constant 0 : i32
        %dma_start3A_2095 = arith.constant 0 : i32
        %dma_start3A_2096 = tpu.memref_slice %arg9[%dma_start3A_2084, %dma_start3A_2094, %dma_start3A_2095] : memref<8x32x128xf32, #tpu.memory_space<vmem>> -> memref<1x32x128xf32, #tpu.memory_space<vmem>>
        %dma_start3A_2097 = tpu.memref_squeeze %dma_start3A_2096 : memref<1x32x128xf32, #tpu.memory_space<vmem>> -> memref<32x128xf32, #tpu.memory_space<vmem>>
        %dma_start3A_2098 = arith.constant 0 : i32
        %dma_start3A_2099 = tpu.memref_slice %arg4[%dma_start3A_2098, %multiple_of3A_2078] : memref<32x1000000xf32, #tpu.memory_space<hbm>> -> memref<32x128xf32, #tpu.memory_space<hbm>>
        tpu.enqueue_dma source(%dma_start3A_2099 : memref<32x128xf32, #tpu.memory_space<hbm>>) target(%dma_start3A_2097 : memref<32x128xf32, #tpu.memory_space<vmem>>) target_semaphore(%dma_start3A_2093 : memref<!tpu.dma_semaphore, #tpu.memory_space<semaphore_mem>>)
        %dma_start3A_2100 = arith.constant 1 : i32
        %dma_start3A_2101 = arith.constant 1 : i32
        %dma_start3A_2102 = arith.constant 0 : i32
        %dma_start3A_2103 = arith.constant 0 : i32
        %dma_start3A_2104 = tpu.memref_slice %arg10[%dma_start3A_2100, %dma_start3A_2102, %dma_start3A_2103] : memref<8x32x128xf32, #tpu.memory_space<vmem>> -> memref<1x32x128xf32, #tpu.memory_space<vmem>>
        %dma_start3A_2105 = tpu.memref_squeeze %dma_start3A_2104 : memref<1x32x128xf32, #tpu.memory_space<vmem>> -> memref<32x128xf32, #tpu.memory_space<vmem>>
        %dma_start3A_2106 = arith.constant 0 : i32
        %dma_start3A_2107 = tpu.memref_slice %arg5[%dma_start3A_2106, %multiple_of3A_2083] : memref<32x1000000xf32, #tpu.memory_space<hbm>> -> memref<32x128xf32, #tpu.memory_space<hbm>>
        %dma_start3A_2108 = tpu.memref_slice %arg13[%dma_start3A_2101] : memref<8x!tpu.dma_semaphore, #tpu.memory_space<semaphore_mem>> -> memref<1x!tpu.dma_semaphore, #tpu.memory_space<semaphore_mem>>
        %dma_start3A_2109 = tpu.memref_squeeze %dma_start3A_2108 : memref<1x!tpu.dma_semaphore, #tpu.memory_space<semaphore_mem>> -> memref<!tpu.dma_semaphore, #tpu.memory_space<semaphore_mem>>
        %dma_start3A_2110 = arith.constant 0 : i32
        %dma_start3A_2111 = arith.constant 0 : i32
        %dma_start3A_2112 = tpu.memref_slice %arg10[%dma_start3A_2100, %dma_start3A_2110, %dma_start3A_2111] : memref<8x32x128xf32, #tpu.memory_space<vmem>> -> memref<1x32x128xf32, #tpu.memory_space<vmem>>
        %dma_start3A_2113 = tpu.memref_squeeze %dma_start3A_2112 : memref<1x32x128xf32, #tpu.memory_space<vmem>> -> memref<32x128xf32, #tpu.memory_space<vmem>>
        %dma_start3A_2114 = arith.constant 0 : i32
        %dma_start3A_2115 = tpu.memref_slice %arg5[%dma_start3A_2114, %multiple_of3A_2083] : memref<32x1000000xf32, #tpu.memory_space<hbm>> -> memref<32x128xf32, #tpu.memory_space<hbm>>
        tpu.enqueue_dma source(%dma_start3A_2115 : memref<32x128xf32, #tpu.memory_space<hbm>>) target(%dma_start3A_2113 : memref<32x128xf32, #tpu.memory_space<vmem>>) target_semaphore(%dma_start3A_2109 : memref<!tpu.dma_semaphore, #tpu.memory_space<semaphore_mem>>)
      } else {
      }
      %eq3A_600 = arith.constant 1 : i32
      %eq3A_601 = vector.broadcast %eq3A_600 : i32 to vector<16xi32>
      %eq3A_602 = arith.cmpi eq, %iota3A, %eq3A_601 : vector<16xi32>
      %broadcast_in_dim3A_603 = vector.broadcast %reduce_sum3A_592 : f32 to vector<16xf32>
      %select_n3A_604 = arith.select %eq3A_602, %broadcast_in_dim3A_603, %select_n3A : vector<16xi1>, vector<16xf32>
      %add3A_605 = arith.constant 0 : i32
      %add3A_606 = arith.addi %mul3A_406, %add3A_605 : i32
      %add3A_607 = arith.constant 2 : i32
      %add3A_608 = arith.addi %add3A_606, %add3A_607 : i32
      %dma_wait3A_609 = arith.constant 2 : i32
      %dma_wait3A_610 = arith.constant 2 : i32
      %dma_wait3A_611 = arith.constant 0 : i32
      %dma_wait3A_612 = arith.constant 0 : i32
      %dma_wait3A_613 = tpu.memref_slice %arg9[%dma_wait3A_609, %dma_wait3A_611, %dma_wait3A_612] : memref<8x32x128xf32, #tpu.memory_space<vmem>> -> memref<1x32x128xf32, #tpu.memory_space<vmem>>
      %dma_wait3A_614 = tpu.memref_squeeze %dma_wait3A_613 : memref<1x32x128xf32, #tpu.memory_space<vmem>> -> memref<32x128xf32, #tpu.memory_space<vmem>>
      %dma_wait3A_615 = arith.constant 0 : i32
      %dma_wait3A_616 = arith.constant 0 : i32
      %dma_wait3A_617 = tpu.memref_slice %arg4[%dma_wait3A_615, %dma_wait3A_616] : memref<32x1000000xf32, #tpu.memory_space<hbm>> -> memref<32x128xf32, #tpu.memory_space<hbm>>
      %dma_wait3A_618 = tpu.memref_slice %arg12[%dma_wait3A_610] : memref<8x!tpu.dma_semaphore, #tpu.memory_space<semaphore_mem>> -> memref<1x!tpu.dma_semaphore, #tpu.memory_space<semaphore_mem>>
      %dma_wait3A_619 = tpu.memref_squeeze %dma_wait3A_618 : memref<1x!tpu.dma_semaphore, #tpu.memory_space<semaphore_mem>> -> memref<!tpu.dma_semaphore, #tpu.memory_space<semaphore_mem>>
      %dma_wait3A_620 = arith.constant 0 : i32
      %dma_wait3A_621 = arith.constant 0 : i32
      %dma_wait3A_622 = tpu.memref_slice %arg9[%dma_wait3A_609, %dma_wait3A_620, %dma_wait3A_621] : memref<8x32x128xf32, #tpu.memory_space<vmem>> -> memref<1x32x128xf32, #tpu.memory_space<vmem>>
      %dma_wait3A_623 = tpu.memref_squeeze %dma_wait3A_622 : memref<1x32x128xf32, #tpu.memory_space<vmem>> -> memref<32x128xf32, #tpu.memory_space<vmem>>
      %dma_wait3A_624 = arith.constant 0 : i32
      %dma_wait3A_625 = arith.constant 0 : i32
      %dma_wait3A_626 = tpu.memref_slice %arg4[%dma_wait3A_624, %dma_wait3A_625] : memref<32x1000000xf32, #tpu.memory_space<hbm>> -> memref<32x128xf32, #tpu.memory_space<hbm>>
      tpu.wait_dma2 semaphore(%dma_wait3A_619 : memref<!tpu.dma_semaphore, #tpu.memory_space<semaphore_mem>>) src(%dma_wait3A_626 : memref<32x128xf32, #tpu.memory_space<hbm>>) dst(%dma_wait3A_623 : memref<32x128xf32, #tpu.memory_space<vmem>>)
      %dma_wait3A_627 = arith.constant 2 : i32
      %dma_wait3A_628 = arith.constant 2 : i32
      %dma_wait3A_629 = arith.constant 0 : i32
      %dma_wait3A_630 = arith.constant 0 : i32
      %dma_wait3A_631 = tpu.memref_slice %arg10[%dma_wait3A_627, %dma_wait3A_629, %dma_wait3A_630] : memref<8x32x128xf32, #tpu.memory_space<vmem>> -> memref<1x32x128xf32, #tpu.memory_space<vmem>>
      %dma_wait3A_632 = tpu.memref_squeeze %dma_wait3A_631 : memref<1x32x128xf32, #tpu.memory_space<vmem>> -> memref<32x128xf32, #tpu.memory_space<vmem>>
      %dma_wait3A_633 = arith.constant 0 : i32
      %dma_wait3A_634 = arith.constant 0 : i32
      %dma_wait3A_635 = tpu.memref_slice %arg5[%dma_wait3A_633, %dma_wait3A_634] : memref<32x1000000xf32, #tpu.memory_space<hbm>> -> memref<32x128xf32, #tpu.memory_space<hbm>>
      %dma_wait3A_636 = tpu.memref_slice %arg13[%dma_wait3A_628] : memref<8x!tpu.dma_semaphore, #tpu.memory_space<semaphore_mem>> -> memref<1x!tpu.dma_semaphore, #tpu.memory_space<semaphore_mem>>
      %dma_wait3A_637 = tpu.memref_squeeze %dma_wait3A_636 : memref<1x!tpu.dma_semaphore, #tpu.memory_space<semaphore_mem>> -> memref<!tpu.dma_semaphore, #tpu.memory_space<semaphore_mem>>
      %dma_wait3A_638 = arith.constant 0 : i32
      %dma_wait3A_639 = arith.constant 0 : i32
      %dma_wait3A_640 = tpu.memref_slice %arg10[%dma_wait3A_627, %dma_wait3A_638, %dma_wait3A_639] : memref<8x32x128xf32, #tpu.memory_space<vmem>> -> memref<1x32x128xf32, #tpu.memory_space<vmem>>
      %dma_wait3A_641 = tpu.memref_squeeze %dma_wait3A_640 : memref<1x32x128xf32, #tpu.memory_space<vmem>> -> memref<32x128xf32, #tpu.memory_space<vmem>>
      %dma_wait3A_642 = arith.constant 0 : i32
      %dma_wait3A_643 = arith.constant 0 : i32
      %dma_wait3A_644 = tpu.memref_slice %arg5[%dma_wait3A_642, %dma_wait3A_643] : memref<32x1000000xf32, #tpu.memory_space<hbm>> -> memref<32x128xf32, #tpu.memory_space<hbm>>
      tpu.wait_dma2 semaphore(%dma_wait3A_637 : memref<!tpu.dma_semaphore, #tpu.memory_space<semaphore_mem>>) src(%dma_wait3A_644 : memref<32x128xf32, #tpu.memory_space<hbm>>) dst(%dma_wait3A_641 : memref<32x128xf32, #tpu.memory_space<vmem>>)
      %get3A_645 = arith.index_cast %mul3A_406 : i32 to index
      %get3A_646 = tpu.vector_load %arg7[%get3A_645] {strides = array<i32>} : memref<512xi32, #tpu.memory_space<vmem>>, vector<16xi32>,
      %slice3A_647 = vector.extract_strided_slice %get3A_646 {offsets = [2], sizes = [1], strides = [1]} : vector<16xi32> to vector<1xi32>
      %squeeze3A_648 = vector.extract %slice3A_647[0] : i32 from vector<1xi32>
      %and3A_649 = arith.constant 127 : i32
      %and3A_650 = arith.andi %squeeze3A_648, %and3A_649 : i32
      %broadcast_in_dim3A_651 = vector.broadcast %and3A_650 : i32 to vector<16xi32>
      %get3A_652 = arith.index_cast %mul3A_406 : i32 to index
      %get3A_653 = tpu.vector_load %arg8[%get3A_652] {strides = array<i32>} : memref<512xi32, #tpu.memory_space<vmem>>, vector<16xi32>,
      %slice3A_654 = vector.extract_strided_slice %get3A_653 {offsets = [2], sizes = [1], strides = [1]} : vector<16xi32> to vector<1xi32>
      %squeeze3A_655 = vector.extract %slice3A_654[0] : i32 from vector<1xi32>
      %and3A_656 = arith.constant 127 : i32
      %and3A_657 = arith.andi %squeeze3A_655, %and3A_656 : i32
      %broadcast_in_dim3A_658 = vector.broadcast %and3A_657 : i32 to vector<16xi32>
      %gather3A_659 = arith.constant 2 : i32
      %gather3A_660 = arith.constant 0 : i32
      %gather3A_661 = arith.constant 0 : i32
      %gather3A_662 = tpu.memref_slice %arg9[%gather3A_659, %gather3A_660, %gather3A_661] : memref<8x32x128xf32, #tpu.memory_space<vmem>> -> memref<1x32x128xf32, #tpu.memory_space<vmem>>
      %gather3A_663 = tpu.memref_squeeze %gather3A_662 : memref<1x32x128xf32, #tpu.memory_space<vmem>> -> memref<32x128xf32, #tpu.memory_space<vmem>>
      %gather3A_664 = tpu.vector_load_idx %gather3A_663[%iota3A, %broadcast_in_dim3A_651] : memref<32x128xf32, #tpu.memory_space<vmem>>[vector<16xi32>, vector<16xi32>], vector<16xf32>,
      %add3A_665 = arith.constant 16 : i32
      %add3A_666 = vector.broadcast %add3A_665 : i32 to vector<16xi32>
      %add3A_667 = arith.addi %iota3A, %add3A_666 : vector<16xi32>
      %gather3A_668 = arith.constant 2 : i32
      %gather3A_669 = arith.constant 0 : i32
      %gather3A_670 = arith.constant 0 : i32
      %gather3A_671 = tpu.memref_slice %arg9[%gather3A_668, %gather3A_669, %gather3A_670] : memref<8x32x128xf32, #tpu.memory_space<vmem>> -> memref<1x32x128xf32, #tpu.memory_space<vmem>>
      %gather3A_672 = tpu.memref_squeeze %gather3A_671 : memref<1x32x128xf32, #tpu.memory_space<vmem>> -> memref<32x128xf32, #tpu.memory_space<vmem>>
      %gather3A_673 = tpu.vector_load_idx %gather3A_672[%add3A_667, %broadcast_in_dim3A_651] : memref<32x128xf32, #tpu.memory_space<vmem>>[vector<16xi32>, vector<16xi32>], vector<16xf32>,
      %gather3A_674 = arith.constant 2 : i32
      %gather3A_675 = arith.constant 0 : i32
      %gather3A_676 = arith.constant 0 : i32
      %gather3A_677 = tpu.memref_slice %arg10[%gather3A_674, %gather3A_675, %gather3A_676] : memref<8x32x128xf32, #tpu.memory_space<vmem>> -> memref<1x32x128xf32, #tpu.memory_space<vmem>>
      %gather3A_678 = tpu.memref_squeeze %gather3A_677 : memref<1x32x128xf32, #tpu.memory_space<vmem>> -> memref<32x128xf32, #tpu.memory_space<vmem>>
      %gather3A_679 = tpu.vector_load_idx %gather3A_678[%iota3A, %broadcast_in_dim3A_658] : memref<32x128xf32, #tpu.memory_space<vmem>>[vector<16xi32>, vector<16xi32>], vector<16xf32>,
      %add3A_680 = arith.constant 16 : i32
      %add3A_681 = vector.broadcast %add3A_680 : i32 to vector<16xi32>
      %add3A_682 = arith.addi %iota3A, %add3A_681 : vector<16xi32>
      %gather3A_683 = arith.constant 2 : i32
      %gather3A_684 = arith.constant 0 : i32
      %gather3A_685 = arith.constant 0 : i32
      %gather3A_686 = tpu.memref_slice %arg10[%gather3A_683, %gather3A_684, %gather3A_685] : memref<8x32x128xf32, #tpu.memory_space<vmem>> -> memref<1x32x128xf32, #tpu.memory_space<vmem>>
      %gather3A_687 = tpu.memref_squeeze %gather3A_686 : memref<1x32x128xf32, #tpu.memory_space<vmem>> -> memref<32x128xf32, #tpu.memory_space<vmem>>
      %gather3A_688 = tpu.vector_load_idx %gather3A_687[%add3A_682, %broadcast_in_dim3A_658] : memref<32x128xf32, #tpu.memory_space<vmem>>[vector<16xi32>, vector<16xi32>], vector<16xf32>,
      %mul3A_689 = arith.mulf %gather3A_664, %gather3A_679 : vector<16xf32>
      %mul3A_690 = arith.mulf %gather3A_673, %gather3A_688 : vector<16xf32>
      %add3A_691 = arith.addf %mul3A_689, %mul3A_690 : vector<16xf32>
      %reduce_sum3A_692 = arith.constant true
      %reduce_sum3A_693 = vector.broadcast %reduce_sum3A_692 : i1 to vector<16xi1>
      %reduce_sum3A_694 = tpu.scan <sum>, %add3A_691 masked %reduce_sum3A_693 : vector<16xf32>, vector<16xi1> -> vector<16xf32>
      %reduce_sum3A_695 = vector.extract %reduce_sum3A_694[15] : f32 from vector<16xf32>
      %add3A_696 = arith.constant 8 : i32
      %add3A_697 = arith.addi %add3A_608, %add3A_696 : i32
      %lt3A_698 = arith.constant 512 : i32
      %lt3A_699 = arith.cmpi slt, %add3A_697, %lt3A_698 : i32
      %convert_element_type3A_700 = arith.extui %lt3A_699 : i1 to i32
      %cond3A_701 = arith.constant 0 : i32
      %cond3A_702 = arith.cmpi ne, %convert_element_type3A_700, %cond3A_701 : i32
      scf.if %cond3A_702 {
        %get3A_2066 = arith.index_cast %mul3A_406 : i32 to index
        %get3A_2067 = tpu.vector_load %arg7[%get3A_2066] {strides = array<i32>} : memref<512xi32, #tpu.memory_space<vmem>>, vector<16xi32>,
        %slice3A_2068 = vector.extract_strided_slice %get3A_2067 {offsets = [10], sizes = [1], strides = [1]} : vector<16xi32> to vector<1xi32>
        %squeeze3A_2069 = vector.extract %slice3A_2068[0] : i32 from vector<1xi32>
        %get3A_2070 = arith.index_cast %mul3A_406 : i32 to index
        %get3A_2071 = tpu.vector_load %arg8[%get3A_2070] {strides = array<i32>} : memref<512xi32, #tpu.memory_space<vmem>>, vector<16xi32>,
        %slice3A_2072 = vector.extract_strided_slice %get3A_2071 {offsets = [10], sizes = [1], strides = [1]} : vector<16xi32> to vector<1xi32>
        %squeeze3A_2073 = vector.extract %slice3A_2072[0] : i32 from vector<1xi32>
        %shift_right_arithmetic3A_2074 = arith.constant 7 : i32
        %shift_right_arithmetic3A_2075 = arith.shrsi %squeeze3A_2069, %shift_right_arithmetic3A_2074 : i32
        %mul3A_2076 = arith.constant 128 : i32
        %mul3A_2077 = arith.muli %shift_right_arithmetic3A_2075, %mul3A_2076 : i32
        %multiple_of3A_2078 = tpu.assume_multiple %mul3A_2077, 128 : i32
        %shift_right_arithmetic3A_2079 = arith.constant 7 : i32
        %shift_right_arithmetic3A_2080 = arith.shrsi %squeeze3A_2073, %shift_right_arithmetic3A_2079 : i32
        %mul3A_2081 = arith.constant 128 : i32
        %mul3A_2082 = arith.muli %shift_right_arithmetic3A_2080, %mul3A_2081 : i32
        %multiple_of3A_2083 = tpu.assume_multiple %mul3A_2082, 128 : i32
        %dma_start3A_2084 = arith.constant 2 : i32
        %dma_start3A_2085 = arith.constant 2 : i32
        %dma_start3A_2086 = arith.constant 0 : i32
        %dma_start3A_2087 = arith.constant 0 : i32
        %dma_start3A_2088 = tpu.memref_slice %arg9[%dma_start3A_2084, %dma_start3A_2086, %dma_start3A_2087] : memref<8x32x128xf32, #tpu.memory_space<vmem>> -> memref<1x32x128xf32, #tpu.memory_space<vmem>>
        %dma_start3A_2089 = tpu.memref_squeeze %dma_start3A_2088 : memref<1x32x128xf32, #tpu.memory_space<vmem>> -> memref<32x128xf32, #tpu.memory_space<vmem>>
        %dma_start3A_2090 = arith.constant 0 : i32
        %dma_start3A_2091 = tpu.memref_slice %arg4[%dma_start3A_2090, %multiple_of3A_2078] : memref<32x1000000xf32, #tpu.memory_space<hbm>> -> memref<32x128xf32, #tpu.memory_space<hbm>>
        %dma_start3A_2092 = tpu.memref_slice %arg12[%dma_start3A_2085] : memref<8x!tpu.dma_semaphore, #tpu.memory_space<semaphore_mem>> -> memref<1x!tpu.dma_semaphore, #tpu.memory_space<semaphore_mem>>
        %dma_start3A_2093 = tpu.memref_squeeze %dma_start3A_2092 : memref<1x!tpu.dma_semaphore, #tpu.memory_space<semaphore_mem>> -> memref<!tpu.dma_semaphore, #tpu.memory_space<semaphore_mem>>
        %dma_start3A_2094 = arith.constant 0 : i32
        %dma_start3A_2095 = arith.constant 0 : i32
        %dma_start3A_2096 = tpu.memref_slice %arg9[%dma_start3A_2084, %dma_start3A_2094, %dma_start3A_2095] : memref<8x32x128xf32, #tpu.memory_space<vmem>> -> memref<1x32x128xf32, #tpu.memory_space<vmem>>
        %dma_start3A_2097 = tpu.memref_squeeze %dma_start3A_2096 : memref<1x32x128xf32, #tpu.memory_space<vmem>> -> memref<32x128xf32, #tpu.memory_space<vmem>>
        %dma_start3A_2098 = arith.constant 0 : i32
        %dma_start3A_2099 = tpu.memref_slice %arg4[%dma_start3A_2098, %multiple_of3A_2078] : memref<32x1000000xf32, #tpu.memory_space<hbm>> -> memref<32x128xf32, #tpu.memory_space<hbm>>
        tpu.enqueue_dma source(%dma_start3A_2099 : memref<32x128xf32, #tpu.memory_space<hbm>>) target(%dma_start3A_2097 : memref<32x128xf32, #tpu.memory_space<vmem>>) target_semaphore(%dma_start3A_2093 : memref<!tpu.dma_semaphore, #tpu.memory_space<semaphore_mem>>)
        %dma_start3A_2100 = arith.constant 2 : i32
        %dma_start3A_2101 = arith.constant 2 : i32
        %dma_start3A_2102 = arith.constant 0 : i32
        %dma_start3A_2103 = arith.constant 0 : i32
        %dma_start3A_2104 = tpu.memref_slice %arg10[%dma_start3A_2100, %dma_start3A_2102, %dma_start3A_2103] : memref<8x32x128xf32, #tpu.memory_space<vmem>> -> memref<1x32x128xf32, #tpu.memory_space<vmem>>
        %dma_start3A_2105 = tpu.memref_squeeze %dma_start3A_2104 : memref<1x32x128xf32, #tpu.memory_space<vmem>> -> memref<32x128xf32, #tpu.memory_space<vmem>>
        %dma_start3A_2106 = arith.constant 0 : i32
        %dma_start3A_2107 = tpu.memref_slice %arg5[%dma_start3A_2106, %multiple_of3A_2083] : memref<32x1000000xf32, #tpu.memory_space<hbm>> -> memref<32x128xf32, #tpu.memory_space<hbm>>
        %dma_start3A_2108 = tpu.memref_slice %arg13[%dma_start3A_2101] : memref<8x!tpu.dma_semaphore, #tpu.memory_space<semaphore_mem>> -> memref<1x!tpu.dma_semaphore, #tpu.memory_space<semaphore_mem>>
        %dma_start3A_2109 = tpu.memref_squeeze %dma_start3A_2108 : memref<1x!tpu.dma_semaphore, #tpu.memory_space<semaphore_mem>> -> memref<!tpu.dma_semaphore, #tpu.memory_space<semaphore_mem>>
        %dma_start3A_2110 = arith.constant 0 : i32
        %dma_start3A_2111 = arith.constant 0 : i32
        %dma_start3A_2112 = tpu.memref_slice %arg10[%dma_start3A_2100, %dma_start3A_2110, %dma_start3A_2111] : memref<8x32x128xf32, #tpu.memory_space<vmem>> -> memref<1x32x128xf32, #tpu.memory_space<vmem>>
        %dma_start3A_2113 = tpu.memref_squeeze %dma_start3A_2112 : memref<1x32x128xf32, #tpu.memory_space<vmem>> -> memref<32x128xf32, #tpu.memory_space<vmem>>
        %dma_start3A_2114 = arith.constant 0 : i32
        %dma_start3A_2115 = tpu.memref_slice %arg5[%dma_start3A_2114, %multiple_of3A_2083] : memref<32x1000000xf32, #tpu.memory_space<hbm>> -> memref<32x128xf32, #tpu.memory_space<hbm>>
        tpu.enqueue_dma source(%dma_start3A_2115 : memref<32x128xf32, #tpu.memory_space<hbm>>) target(%dma_start3A_2113 : memref<32x128xf32, #tpu.memory_space<vmem>>) target_semaphore(%dma_start3A_2109 : memref<!tpu.dma_semaphore, #tpu.memory_space<semaphore_mem>>)
      } else {
      }
      %eq3A_703 = arith.constant 2 : i32
      %eq3A_704 = vector.broadcast %eq3A_703 : i32 to vector<16xi32>
      %eq3A_705 = arith.cmpi eq, %iota3A, %eq3A_704 : vector<16xi32>
      %broadcast_in_dim3A_706 = vector.broadcast %reduce_sum3A_695 : f32 to vector<16xf32>
      %select_n3A_707 = arith.select %eq3A_705, %broadcast_in_dim3A_706, %select_n3A_604 : vector<16xi1>, vector<16xf32>
      %add3A_708 = arith.constant 0 : i32
      %add3A_709 = arith.addi %mul3A_406, %add3A_708 : i32
      %add3A_710 = arith.constant 3 : i32
      %add3A_711 = arith.addi %add3A_709, %add3A_710 : i32
      %dma_wait3A_712 = arith.constant 3 : i32
      %dma_wait3A_713 = arith.constant 3 : i32
      %dma_wait3A_714 = arith.constant 0 : i32
      %dma_wait3A_715 = arith.constant 0 : i32
      %dma_wait3A_716 = tpu.memref_slice %arg9[%dma_wait3A_712, %dma_wait3A_714, %dma_wait3A_715] : memref<8x32x128xf32, #tpu.memory_space<vmem>> -> memref<1x32x128xf32, #tpu.memory_space<vmem>>
      %dma_wait3A_717 = tpu.memref_squeeze %dma_wait3A_716 : memref<1x32x128xf32, #tpu.memory_space<vmem>> -> memref<32x128xf32, #tpu.memory_space<vmem>>
      %dma_wait3A_718 = arith.constant 0 : i32
      %dma_wait3A_719 = arith.constant 0 : i32
      %dma_wait3A_720 = tpu.memref_slice %arg4[%dma_wait3A_718, %dma_wait3A_719] : memref<32x1000000xf32, #tpu.memory_space<hbm>> -> memref<32x128xf32, #tpu.memory_space<hbm>>
      %dma_wait3A_721 = tpu.memref_slice %arg12[%dma_wait3A_713] : memref<8x!tpu.dma_semaphore, #tpu.memory_space<semaphore_mem>> -> memref<1x!tpu.dma_semaphore, #tpu.memory_space<semaphore_mem>>
      %dma_wait3A_722 = tpu.memref_squeeze %dma_wait3A_721 : memref<1x!tpu.dma_semaphore, #tpu.memory_space<semaphore_mem>> -> memref<!tpu.dma_semaphore, #tpu.memory_space<semaphore_mem>>
      %dma_wait3A_723 = arith.constant 0 : i32
      %dma_wait3A_724 = arith.constant 0 : i32
      %dma_wait3A_725 = tpu.memref_slice %arg9[%dma_wait3A_712, %dma_wait3A_723, %dma_wait3A_724] : memref<8x32x128xf32, #tpu.memory_space<vmem>> -> memref<1x32x128xf32, #tpu.memory_space<vmem>>
      %dma_wait3A_726 = tpu.memref_squeeze %dma_wait3A_725 : memref<1x32x128xf32, #tpu.memory_space<vmem>> -> memref<32x128xf32, #tpu.memory_space<vmem>>
      %dma_wait3A_727 = arith.constant 0 : i32
      %dma_wait3A_728 = arith.constant 0 : i32
      %dma_wait3A_729 = tpu.memref_slice %arg4[%dma_wait3A_727, %dma_wait3A_728] : memref<32x1000000xf32, #tpu.memory_space<hbm>> -> memref<32x128xf32, #tpu.memory_space<hbm>>
      tpu.wait_dma2 semaphore(%dma_wait3A_722 : memref<!tpu.dma_semaphore, #tpu.memory_space<semaphore_mem>>) src(%dma_wait3A_729 : memref<32x128xf32, #tpu.memory_space<hbm>>) dst(%dma_wait3A_726 : memref<32x128xf32, #tpu.memory_space<vmem>>)
      %dma_wait3A_730 = arith.constant 3 : i32
      %dma_wait3A_731 = arith.constant 3 : i32
      %dma_wait3A_732 = arith.constant 0 : i32
      %dma_wait3A_733 = arith.constant 0 : i32
      %dma_wait3A_734 = tpu.memref_slice %arg10[%dma_wait3A_730, %dma_wait3A_732, %dma_wait3A_733] : memref<8x32x128xf32, #tpu.memory_space<vmem>> -> memref<1x32x128xf32, #tpu.memory_space<vmem>>
      %dma_wait3A_735 = tpu.memref_squeeze %dma_wait3A_734 : memref<1x32x128xf32, #tpu.memory_space<vmem>> -> memref<32x128xf32, #tpu.memory_space<vmem>>
      %dma_wait3A_736 = arith.constant 0 : i32
      %dma_wait3A_737 = arith.constant 0 : i32
      %dma_wait3A_738 = tpu.memref_slice %arg5[%dma_wait3A_736, %dma_wait3A_737] : memref<32x1000000xf32, #tpu.memory_space<hbm>> -> memref<32x128xf32, #tpu.memory_space<hbm>>
      %dma_wait3A_739 = tpu.memref_slice %arg13[%dma_wait3A_731] : memref<8x!tpu.dma_semaphore, #tpu.memory_space<semaphore_mem>> -> memref<1x!tpu.dma_semaphore, #tpu.memory_space<semaphore_mem>>
      %dma_wait3A_740 = tpu.memref_squeeze %dma_wait3A_739 : memref<1x!tpu.dma_semaphore, #tpu.memory_space<semaphore_mem>> -> memref<!tpu.dma_semaphore, #tpu.memory_space<semaphore_mem>>
      %dma_wait3A_741 = arith.constant 0 : i32
      %dma_wait3A_742 = arith.constant 0 : i32
      %dma_wait3A_743 = tpu.memref_slice %arg10[%dma_wait3A_730, %dma_wait3A_741, %dma_wait3A_742] : memref<8x32x128xf32, #tpu.memory_space<vmem>> -> memref<1x32x128xf32, #tpu.memory_space<vmem>>
      %dma_wait3A_744 = tpu.memref_squeeze %dma_wait3A_743 : memref<1x32x128xf32, #tpu.memory_space<vmem>> -> memref<32x128xf32, #tpu.memory_space<vmem>>
      %dma_wait3A_745 = arith.constant 0 : i32
      %dma_wait3A_746 = arith.constant 0 : i32
      %dma_wait3A_747 = tpu.memref_slice %arg5[%dma_wait3A_745, %dma_wait3A_746] : memref<32x1000000xf32, #tpu.memory_space<hbm>> -> memref<32x128xf32, #tpu.memory_space<hbm>>
      tpu.wait_dma2 semaphore(%dma_wait3A_740 : memref<!tpu.dma_semaphore, #tpu.memory_space<semaphore_mem>>) src(%dma_wait3A_747 : memref<32x128xf32, #tpu.memory_space<hbm>>) dst(%dma_wait3A_744 : memref<32x128xf32, #tpu.memory_space<vmem>>)
      %get3A_748 = arith.index_cast %mul3A_406 : i32 to index
      %get3A_749 = tpu.vector_load %arg7[%get3A_748] {strides = array<i32>} : memref<512xi32, #tpu.memory_space<vmem>>, vector<16xi32>,
      %slice3A_750 = vector.extract_strided_slice %get3A_749 {offsets = [3], sizes = [1], strides = [1]} : vector<16xi32> to vector<1xi32>
      %squeeze3A_751 = vector.extract %slice3A_750[0] : i32 from vector<1xi32>
      %and3A_752 = arith.constant 127 : i32
      %and3A_753 = arith.andi %squeeze3A_751, %and3A_752 : i32
      %broadcast_in_dim3A_754 = vector.broadcast %and3A_753 : i32 to vector<16xi32>
      %get3A_755 = arith.index_cast %mul3A_406 : i32 to index
      %get3A_756 = tpu.vector_load %arg8[%get3A_755] {strides = array<i32>} : memref<512xi32, #tpu.memory_space<vmem>>, vector<16xi32>,
      %slice3A_757 = vector.extract_strided_slice %get3A_756 {offsets = [3], sizes = [1], strides = [1]} : vector<16xi32> to vector<1xi32>
      %squeeze3A_758 = vector.extract %slice3A_757[0] : i32 from vector<1xi32>
      %and3A_759 = arith.constant 127 : i32
      %and3A_760 = arith.andi %squeeze3A_758, %and3A_759 : i32
      %broadcast_in_dim3A_761 = vector.broadcast %and3A_760 : i32 to vector<16xi32>
      %gather3A_762 = arith.constant 3 : i32
      %gather3A_763 = arith.constant 0 : i32
      %gather3A_764 = arith.constant 0 : i32
      %gather3A_765 = tpu.memref_slice %arg9[%gather3A_762, %gather3A_763, %gather3A_764] : memref<8x32x128xf32, #tpu.memory_space<vmem>> -> memref<1x32x128xf32, #tpu.memory_space<vmem>>
      %gather3A_766 = tpu.memref_squeeze %gather3A_765 : memref<1x32x128xf32, #tpu.memory_space<vmem>> -> memref<32x128xf32, #tpu.memory_space<vmem>>
      %gather3A_767 = tpu.vector_load_idx %gather3A_766[%iota3A, %broadcast_in_dim3A_754] : memref<32x128xf32, #tpu.memory_space<vmem>>[vector<16xi32>, vector<16xi32>], vector<16xf32>,
      %add3A_768 = arith.constant 16 : i32
      %add3A_769 = vector.broadcast %add3A_768 : i32 to vector<16xi32>
      %add3A_770 = arith.addi %iota3A, %add3A_769 : vector<16xi32>
      %gather3A_771 = arith.constant 3 : i32
      %gather3A_772 = arith.constant 0 : i32
      %gather3A_773 = arith.constant 0 : i32
      %gather3A_774 = tpu.memref_slice %arg9[%gather3A_771, %gather3A_772, %gather3A_773] : memref<8x32x128xf32, #tpu.memory_space<vmem>> -> memref<1x32x128xf32, #tpu.memory_space<vmem>>
      %gather3A_775 = tpu.memref_squeeze %gather3A_774 : memref<1x32x128xf32, #tpu.memory_space<vmem>> -> memref<32x128xf32, #tpu.memory_space<vmem>>
      %gather3A_776 = tpu.vector_load_idx %gather3A_775[%add3A_770, %broadcast_in_dim3A_754] : memref<32x128xf32, #tpu.memory_space<vmem>>[vector<16xi32>, vector<16xi32>], vector<16xf32>,
      %gather3A_777 = arith.constant 3 : i32
      %gather3A_778 = arith.constant 0 : i32
      %gather3A_779 = arith.constant 0 : i32
      %gather3A_780 = tpu.memref_slice %arg10[%gather3A_777, %gather3A_778, %gather3A_779] : memref<8x32x128xf32, #tpu.memory_space<vmem>> -> memref<1x32x128xf32, #tpu.memory_space<vmem>>
      %gather3A_781 = tpu.memref_squeeze %gather3A_780 : memref<1x32x128xf32, #tpu.memory_space<vmem>> -> memref<32x128xf32, #tpu.memory_space<vmem>>
      %gather3A_782 = tpu.vector_load_idx %gather3A_781[%iota3A, %broadcast_in_dim3A_761] : memref<32x128xf32, #tpu.memory_space<vmem>>[vector<16xi32>, vector<16xi32>], vector<16xf32>,
      %add3A_783 = arith.constant 16 : i32
      %add3A_784 = vector.broadcast %add3A_783 : i32 to vector<16xi32>
      %add3A_785 = arith.addi %iota3A, %add3A_784 : vector<16xi32>
      %gather3A_786 = arith.constant 3 : i32
      %gather3A_787 = arith.constant 0 : i32
      %gather3A_788 = arith.constant 0 : i32
      %gather3A_789 = tpu.memref_slice %arg10[%gather3A_786, %gather3A_787, %gather3A_788] : memref<8x32x128xf32, #tpu.memory_space<vmem>> -> memref<1x32x128xf32, #tpu.memory_space<vmem>>
      %gather3A_790 = tpu.memref_squeeze %gather3A_789 : memref<1x32x128xf32, #tpu.memory_space<vmem>> -> memref<32x128xf32, #tpu.memory_space<vmem>>
      %gather3A_791 = tpu.vector_load_idx %gather3A_790[%add3A_785, %broadcast_in_dim3A_761] : memref<32x128xf32, #tpu.memory_space<vmem>>[vector<16xi32>, vector<16xi32>], vector<16xf32>,
      %mul3A_792 = arith.mulf %gather3A_767, %gather3A_782 : vector<16xf32>
      %mul3A_793 = arith.mulf %gather3A_776, %gather3A_791 : vector<16xf32>
      %add3A_794 = arith.addf %mul3A_792, %mul3A_793 : vector<16xf32>
      %reduce_sum3A_795 = arith.constant true
      %reduce_sum3A_796 = vector.broadcast %reduce_sum3A_795 : i1 to vector<16xi1>
      %reduce_sum3A_797 = tpu.scan <sum>, %add3A_794 masked %reduce_sum3A_796 : vector<16xf32>, vector<16xi1> -> vector<16xf32>
      %reduce_sum3A_798 = vector.extract %reduce_sum3A_797[15] : f32 from vector<16xf32>
      %add3A_799 = arith.constant 8 : i32
      %add3A_800 = arith.addi %add3A_711, %add3A_799 : i32
      %lt3A_801 = arith.constant 512 : i32
      %lt3A_802 = arith.cmpi slt, %add3A_800, %lt3A_801 : i32
      %convert_element_type3A_803 = arith.extui %lt3A_802 : i1 to i32
      %cond3A_804 = arith.constant 0 : i32
      %cond3A_805 = arith.cmpi ne, %convert_element_type3A_803, %cond3A_804 : i32
      scf.if %cond3A_805 {
        %get3A_2066 = arith.index_cast %mul3A_406 : i32 to index
        %get3A_2067 = tpu.vector_load %arg7[%get3A_2066] {strides = array<i32>} : memref<512xi32, #tpu.memory_space<vmem>>, vector<16xi32>,
        %slice3A_2068 = vector.extract_strided_slice %get3A_2067 {offsets = [11], sizes = [1], strides = [1]} : vector<16xi32> to vector<1xi32>
        %squeeze3A_2069 = vector.extract %slice3A_2068[0] : i32 from vector<1xi32>
        %get3A_2070 = arith.index_cast %mul3A_406 : i32 to index
        %get3A_2071 = tpu.vector_load %arg8[%get3A_2070] {strides = array<i32>} : memref<512xi32, #tpu.memory_space<vmem>>, vector<16xi32>,
        %slice3A_2072 = vector.extract_strided_slice %get3A_2071 {offsets = [11], sizes = [1], strides = [1]} : vector<16xi32> to vector<1xi32>
        %squeeze3A_2073 = vector.extract %slice3A_2072[0] : i32 from vector<1xi32>
        %shift_right_arithmetic3A_2074 = arith.constant 7 : i32
        %shift_right_arithmetic3A_2075 = arith.shrsi %squeeze3A_2069, %shift_right_arithmetic3A_2074 : i32
        %mul3A_2076 = arith.constant 128 : i32
        %mul3A_2077 = arith.muli %shift_right_arithmetic3A_2075, %mul3A_2076 : i32
        %multiple_of3A_2078 = tpu.assume_multiple %mul3A_2077, 128 : i32
        %shift_right_arithmetic3A_2079 = arith.constant 7 : i32
        %shift_right_arithmetic3A_2080 = arith.shrsi %squeeze3A_2073, %shift_right_arithmetic3A_2079 : i32
        %mul3A_2081 = arith.constant 128 : i32
        %mul3A_2082 = arith.muli %shift_right_arithmetic3A_2080, %mul3A_2081 : i32
        %multiple_of3A_2083 = tpu.assume_multiple %mul3A_2082, 128 : i32
        %dma_start3A_2084 = arith.constant 3 : i32
        %dma_start3A_2085 = arith.constant 3 : i32
        %dma_start3A_2086 = arith.constant 0 : i32
        %dma_start3A_2087 = arith.constant 0 : i32
        %dma_start3A_2088 = tpu.memref_slice %arg9[%dma_start3A_2084, %dma_start3A_2086, %dma_start3A_2087] : memref<8x32x128xf32, #tpu.memory_space<vmem>> -> memref<1x32x128xf32, #tpu.memory_space<vmem>>
        %dma_start3A_2089 = tpu.memref_squeeze %dma_start3A_2088 : memref<1x32x128xf32, #tpu.memory_space<vmem>> -> memref<32x128xf32, #tpu.memory_space<vmem>>
        %dma_start3A_2090 = arith.constant 0 : i32
        %dma_start3A_2091 = tpu.memref_slice %arg4[%dma_start3A_2090, %multiple_of3A_2078] : memref<32x1000000xf32, #tpu.memory_space<hbm>> -> memref<32x128xf32, #tpu.memory_space<hbm>>
        %dma_start3A_2092 = tpu.memref_slice %arg12[%dma_start3A_2085] : memref<8x!tpu.dma_semaphore, #tpu.memory_space<semaphore_mem>> -> memref<1x!tpu.dma_semaphore, #tpu.memory_space<semaphore_mem>>
        %dma_start3A_2093 = tpu.memref_squeeze %dma_start3A_2092 : memref<1x!tpu.dma_semaphore, #tpu.memory_space<semaphore_mem>> -> memref<!tpu.dma_semaphore, #tpu.memory_space<semaphore_mem>>
        %dma_start3A_2094 = arith.constant 0 : i32
        %dma_start3A_2095 = arith.constant 0 : i32
        %dma_start3A_2096 = tpu.memref_slice %arg9[%dma_start3A_2084, %dma_start3A_2094, %dma_start3A_2095] : memref<8x32x128xf32, #tpu.memory_space<vmem>> -> memref<1x32x128xf32, #tpu.memory_space<vmem>>
        %dma_start3A_2097 = tpu.memref_squeeze %dma_start3A_2096 : memref<1x32x128xf32, #tpu.memory_space<vmem>> -> memref<32x128xf32, #tpu.memory_space<vmem>>
        %dma_start3A_2098 = arith.constant 0 : i32
        %dma_start3A_2099 = tpu.memref_slice %arg4[%dma_start3A_2098, %multiple_of3A_2078] : memref<32x1000000xf32, #tpu.memory_space<hbm>> -> memref<32x128xf32, #tpu.memory_space<hbm>>
        tpu.enqueue_dma source(%dma_start3A_2099 : memref<32x128xf32, #tpu.memory_space<hbm>>) target(%dma_start3A_2097 : memref<32x128xf32, #tpu.memory_space<vmem>>) target_semaphore(%dma_start3A_2093 : memref<!tpu.dma_semaphore, #tpu.memory_space<semaphore_mem>>)
        %dma_start3A_2100 = arith.constant 3 : i32
        %dma_start3A_2101 = arith.constant 3 : i32
        %dma_start3A_2102 = arith.constant 0 : i32
        %dma_start3A_2103 = arith.constant 0 : i32
        %dma_start3A_2104 = tpu.memref_slice %arg10[%dma_start3A_2100, %dma_start3A_2102, %dma_start3A_2103] : memref<8x32x128xf32, #tpu.memory_space<vmem>> -> memref<1x32x128xf32, #tpu.memory_space<vmem>>
        %dma_start3A_2105 = tpu.memref_squeeze %dma_start3A_2104 : memref<1x32x128xf32, #tpu.memory_space<vmem>> -> memref<32x128xf32, #tpu.memory_space<vmem>>
        %dma_start3A_2106 = arith.constant 0 : i32
        %dma_start3A_2107 = tpu.memref_slice %arg5[%dma_start3A_2106, %multiple_of3A_2083] : memref<32x1000000xf32, #tpu.memory_space<hbm>> -> memref<32x128xf32, #tpu.memory_space<hbm>>
        %dma_start3A_2108 = tpu.memref_slice %arg13[%dma_start3A_2101] : memref<8x!tpu.dma_semaphore, #tpu.memory_space<semaphore_mem>> -> memref<1x!tpu.dma_semaphore, #tpu.memory_space<semaphore_mem>>
        %dma_start3A_2109 = tpu.memref_squeeze %dma_start3A_2108 : memref<1x!tpu.dma_semaphore, #tpu.memory_space<semaphore_mem>> -> memref<!tpu.dma_semaphore, #tpu.memory_space<semaphore_mem>>
        %dma_start3A_2110 = arith.constant 0 : i32
        %dma_start3A_2111 = arith.constant 0 : i32
        %dma_start3A_2112 = tpu.memref_slice %arg10[%dma_start3A_2100, %dma_start3A_2110, %dma_start3A_2111] : memref<8x32x128xf32, #tpu.memory_space<vmem>> -> memref<1x32x128xf32, #tpu.memory_space<vmem>>
        %dma_start3A_2113 = tpu.memref_squeeze %dma_start3A_2112 : memref<1x32x128xf32, #tpu.memory_space<vmem>> -> memref<32x128xf32, #tpu.memory_space<vmem>>
        %dma_start3A_2114 = arith.constant 0 : i32
        %dma_start3A_2115 = tpu.memref_slice %arg5[%dma_start3A_2114, %multiple_of3A_2083] : memref<32x1000000xf32, #tpu.memory_space<hbm>> -> memref<32x128xf32, #tpu.memory_space<hbm>>
        tpu.enqueue_dma source(%dma_start3A_2115 : memref<32x128xf32, #tpu.memory_space<hbm>>) target(%dma_start3A_2113 : memref<32x128xf32, #tpu.memory_space<vmem>>) target_semaphore(%dma_start3A_2109 : memref<!tpu.dma_semaphore, #tpu.memory_space<semaphore_mem>>)
      } else {
      }
      %eq3A_806 = arith.constant 3 : i32
      %eq3A_807 = vector.broadcast %eq3A_806 : i32 to vector<16xi32>
      %eq3A_808 = arith.cmpi eq, %iota3A, %eq3A_807 : vector<16xi32>
      %broadcast_in_dim3A_809 = vector.broadcast %reduce_sum3A_798 : f32 to vector<16xf32>
      %select_n3A_810 = arith.select %eq3A_808, %broadcast_in_dim3A_809, %select_n3A_707 : vector<16xi1>, vector<16xf32>
      %add3A_811 = arith.constant 0 : i32
      %add3A_812 = arith.addi %mul3A_406, %add3A_811 : i32
      %add3A_813 = arith.constant 4 : i32
      %add3A_814 = arith.addi %add3A_812, %add3A_813 : i32
      %dma_wait3A_815 = arith.constant 4 : i32
      %dma_wait3A_816 = arith.constant 4 : i32
      %dma_wait3A_817 = arith.constant 0 : i32
      %dma_wait3A_818 = arith.constant 0 : i32
      %dma_wait3A_819 = tpu.memref_slice %arg9[%dma_wait3A_815, %dma_wait3A_817, %dma_wait3A_818] : memref<8x32x128xf32, #tpu.memory_space<vmem>> -> memref<1x32x128xf32, #tpu.memory_space<vmem>>
      %dma_wait3A_820 = tpu.memref_squeeze %dma_wait3A_819 : memref<1x32x128xf32, #tpu.memory_space<vmem>> -> memref<32x128xf32, #tpu.memory_space<vmem>>
      %dma_wait3A_821 = arith.constant 0 : i32
      %dma_wait3A_822 = arith.constant 0 : i32
      %dma_wait3A_823 = tpu.memref_slice %arg4[%dma_wait3A_821, %dma_wait3A_822] : memref<32x1000000xf32, #tpu.memory_space<hbm>> -> memref<32x128xf32, #tpu.memory_space<hbm>>
      %dma_wait3A_824 = tpu.memref_slice %arg12[%dma_wait3A_816] : memref<8x!tpu.dma_semaphore, #tpu.memory_space<semaphore_mem>> -> memref<1x!tpu.dma_semaphore, #tpu.memory_space<semaphore_mem>>
      %dma_wait3A_825 = tpu.memref_squeeze %dma_wait3A_824 : memref<1x!tpu.dma_semaphore, #tpu.memory_space<semaphore_mem>> -> memref<!tpu.dma_semaphore, #tpu.memory_space<semaphore_mem>>
      %dma_wait3A_826 = arith.constant 0 : i32
      %dma_wait3A_827 = arith.constant 0 : i32
      %dma_wait3A_828 = tpu.memref_slice %arg9[%dma_wait3A_815, %dma_wait3A_826, %dma_wait3A_827] : memref<8x32x128xf32, #tpu.memory_space<vmem>> -> memref<1x32x128xf32, #tpu.memory_space<vmem>>
      %dma_wait3A_829 = tpu.memref_squeeze %dma_wait3A_828 : memref<1x32x128xf32, #tpu.memory_space<vmem>> -> memref<32x128xf32, #tpu.memory_space<vmem>>
      %dma_wait3A_830 = arith.constant 0 : i32
      %dma_wait3A_831 = arith.constant 0 : i32
      %dma_wait3A_832 = tpu.memref_slice %arg4[%dma_wait3A_830, %dma_wait3A_831] : memref<32x1000000xf32, #tpu.memory_space<hbm>> -> memref<32x128xf32, #tpu.memory_space<hbm>>
      tpu.wait_dma2 semaphore(%dma_wait3A_825 : memref<!tpu.dma_semaphore, #tpu.memory_space<semaphore_mem>>) src(%dma_wait3A_832 : memref<32x128xf32, #tpu.memory_space<hbm>>) dst(%dma_wait3A_829 : memref<32x128xf32, #tpu.memory_space<vmem>>)
      %dma_wait3A_833 = arith.constant 4 : i32
      %dma_wait3A_834 = arith.constant 4 : i32
      %dma_wait3A_835 = arith.constant 0 : i32
      %dma_wait3A_836 = arith.constant 0 : i32
      %dma_wait3A_837 = tpu.memref_slice %arg10[%dma_wait3A_833, %dma_wait3A_835, %dma_wait3A_836] : memref<8x32x128xf32, #tpu.memory_space<vmem>> -> memref<1x32x128xf32, #tpu.memory_space<vmem>>
      %dma_wait3A_838 = tpu.memref_squeeze %dma_wait3A_837 : memref<1x32x128xf32, #tpu.memory_space<vmem>> -> memref<32x128xf32, #tpu.memory_space<vmem>>
      %dma_wait3A_839 = arith.constant 0 : i32
      %dma_wait3A_840 = arith.constant 0 : i32
      %dma_wait3A_841 = tpu.memref_slice %arg5[%dma_wait3A_839, %dma_wait3A_840] : memref<32x1000000xf32, #tpu.memory_space<hbm>> -> memref<32x128xf32, #tpu.memory_space<hbm>>
      %dma_wait3A_842 = tpu.memref_slice %arg13[%dma_wait3A_834] : memref<8x!tpu.dma_semaphore, #tpu.memory_space<semaphore_mem>> -> memref<1x!tpu.dma_semaphore, #tpu.memory_space<semaphore_mem>>
      %dma_wait3A_843 = tpu.memref_squeeze %dma_wait3A_842 : memref<1x!tpu.dma_semaphore, #tpu.memory_space<semaphore_mem>> -> memref<!tpu.dma_semaphore, #tpu.memory_space<semaphore_mem>>
      %dma_wait3A_844 = arith.constant 0 : i32
      %dma_wait3A_845 = arith.constant 0 : i32
      %dma_wait3A_846 = tpu.memref_slice %arg10[%dma_wait3A_833, %dma_wait3A_844, %dma_wait3A_845] : memref<8x32x128xf32, #tpu.memory_space<vmem>> -> memref<1x32x128xf32, #tpu.memory_space<vmem>>
      %dma_wait3A_847 = tpu.memref_squeeze %dma_wait3A_846 : memref<1x32x128xf32, #tpu.memory_space<vmem>> -> memref<32x128xf32, #tpu.memory_space<vmem>>
      %dma_wait3A_848 = arith.constant 0 : i32
      %dma_wait3A_849 = arith.constant 0 : i32
      %dma_wait3A_850 = tpu.memref_slice %arg5[%dma_wait3A_848, %dma_wait3A_849] : memref<32x1000000xf32, #tpu.memory_space<hbm>> -> memref<32x128xf32, #tpu.memory_space<hbm>>
      tpu.wait_dma2 semaphore(%dma_wait3A_843 : memref<!tpu.dma_semaphore, #tpu.memory_space<semaphore_mem>>) src(%dma_wait3A_850 : memref<32x128xf32, #tpu.memory_space<hbm>>) dst(%dma_wait3A_847 : memref<32x128xf32, #tpu.memory_space<vmem>>)
      %get3A_851 = arith.index_cast %mul3A_406 : i32 to index
      %get3A_852 = tpu.vector_load %arg7[%get3A_851] {strides = array<i32>} : memref<512xi32, #tpu.memory_space<vmem>>, vector<16xi32>,
      %slice3A_853 = vector.extract_strided_slice %get3A_852 {offsets = [4], sizes = [1], strides = [1]} : vector<16xi32> to vector<1xi32>
      %squeeze3A_854 = vector.extract %slice3A_853[0] : i32 from vector<1xi32>
      %and3A_855 = arith.constant 127 : i32
      %and3A_856 = arith.andi %squeeze3A_854, %and3A_855 : i32
      %broadcast_in_dim3A_857 = vector.broadcast %and3A_856 : i32 to vector<16xi32>
      %get3A_858 = arith.index_cast %mul3A_406 : i32 to index
      %get3A_859 = tpu.vector_load %arg8[%get3A_858] {strides = array<i32>} : memref<512xi32, #tpu.memory_space<vmem>>, vector<16xi32>,
      %slice3A_860 = vector.extract_strided_slice %get3A_859 {offsets = [4], sizes = [1], strides = [1]} : vector<16xi32> to vector<1xi32>
      %squeeze3A_861 = vector.extract %slice3A_860[0] : i32 from vector<1xi32>
      %and3A_862 = arith.constant 127 : i32
      %and3A_863 = arith.andi %squeeze3A_861, %and3A_862 : i32
      %broadcast_in_dim3A_864 = vector.broadcast %and3A_863 : i32 to vector<16xi32>
      %gather3A_865 = arith.constant 4 : i32
      %gather3A_866 = arith.constant 0 : i32
      %gather3A_867 = arith.constant 0 : i32
      %gather3A_868 = tpu.memref_slice %arg9[%gather3A_865, %gather3A_866, %gather3A_867] : memref<8x32x128xf32, #tpu.memory_space<vmem>> -> memref<1x32x128xf32, #tpu.memory_space<vmem>>
      %gather3A_869 = tpu.memref_squeeze %gather3A_868 : memref<1x32x128xf32, #tpu.memory_space<vmem>> -> memref<32x128xf32, #tpu.memory_space<vmem>>
      %gather3A_870 = tpu.vector_load_idx %gather3A_869[%iota3A, %broadcast_in_dim3A_857] : memref<32x128xf32, #tpu.memory_space<vmem>>[vector<16xi32>, vector<16xi32>], vector<16xf32>,
      %add3A_871 = arith.constant 16 : i32
      %add3A_872 = vector.broadcast %add3A_871 : i32 to vector<16xi32>
      %add3A_873 = arith.addi %iota3A, %add3A_872 : vector<16xi32>
      %gather3A_874 = arith.constant 4 : i32
      %gather3A_875 = arith.constant 0 : i32
      %gather3A_876 = arith.constant 0 : i32
      %gather3A_877 = tpu.memref_slice %arg9[%gather3A_874, %gather3A_875, %gather3A_876] : memref<8x32x128xf32, #tpu.memory_space<vmem>> -> memref<1x32x128xf32, #tpu.memory_space<vmem>>
      %gather3A_878 = tpu.memref_squeeze %gather3A_877 : memref<1x32x128xf32, #tpu.memory_space<vmem>> -> memref<32x128xf32, #tpu.memory_space<vmem>>
      %gather3A_879 = tpu.vector_load_idx %gather3A_878[%add3A_873, %broadcast_in_dim3A_857] : memref<32x128xf32, #tpu.memory_space<vmem>>[vector<16xi32>, vector<16xi32>], vector<16xf32>,
      %gather3A_880 = arith.constant 4 : i32
      %gather3A_881 = arith.constant 0 : i32
      %gather3A_882 = arith.constant 0 : i32
      %gather3A_883 = tpu.memref_slice %arg10[%gather3A_880, %gather3A_881, %gather3A_882] : memref<8x32x128xf32, #tpu.memory_space<vmem>> -> memref<1x32x128xf32, #tpu.memory_space<vmem>>
      %gather3A_884 = tpu.memref_squeeze %gather3A_883 : memref<1x32x128xf32, #tpu.memory_space<vmem>> -> memref<32x128xf32, #tpu.memory_space<vmem>>
      %gather3A_885 = tpu.vector_load_idx %gather3A_884[%iota3A, %broadcast_in_dim3A_864] : memref<32x128xf32, #tpu.memory_space<vmem>>[vector<16xi32>, vector<16xi32>], vector<16xf32>,
      %add3A_886 = arith.constant 16 : i32
      %add3A_887 = vector.broadcast %add3A_886 : i32 to vector<16xi32>
      %add3A_888 = arith.addi %iota3A, %add3A_887 : vector<16xi32>
      %gather3A_889 = arith.constant 4 : i32
      %gather3A_890 = arith.constant 0 : i32
      %gather3A_891 = arith.constant 0 : i32
      %gather3A_892 = tpu.memref_slice %arg10[%gather3A_889, %gather3A_890, %gather3A_891] : memref<8x32x128xf32, #tpu.memory_space<vmem>> -> memref<1x32x128xf32, #tpu.memory_space<vmem>>
      %gather3A_893 = tpu.memref_squeeze %gather3A_892 : memref<1x32x128xf32, #tpu.memory_space<vmem>> -> memref<32x128xf32, #tpu.memory_space<vmem>>
      %gather3A_894 = tpu.vector_load_idx %gather3A_893[%add3A_888, %broadcast_in_dim3A_864] : memref<32x128xf32, #tpu.memory_space<vmem>>[vector<16xi32>, vector<16xi32>], vector<16xf32>,
      %mul3A_895 = arith.mulf %gather3A_870, %gather3A_885 : vector<16xf32>
      %mul3A_896 = arith.mulf %gather3A_879, %gather3A_894 : vector<16xf32>
      %add3A_897 = arith.addf %mul3A_895, %mul3A_896 : vector<16xf32>
      %reduce_sum3A_898 = arith.constant true
      %reduce_sum3A_899 = vector.broadcast %reduce_sum3A_898 : i1 to vector<16xi1>
      %reduce_sum3A_900 = tpu.scan <sum>, %add3A_897 masked %reduce_sum3A_899 : vector<16xf32>, vector<16xi1> -> vector<16xf32>
      %reduce_sum3A_901 = vector.extract %reduce_sum3A_900[15] : f32 from vector<16xf32>
      %add3A_902 = arith.constant 8 : i32
      %add3A_903 = arith.addi %add3A_814, %add3A_902 : i32
      %lt3A_904 = arith.constant 512 : i32
      %lt3A_905 = arith.cmpi slt, %add3A_903, %lt3A_904 : i32
      %convert_element_type3A_906 = arith.extui %lt3A_905 : i1 to i32
      %cond3A_907 = arith.constant 0 : i32
      %cond3A_908 = arith.cmpi ne, %convert_element_type3A_906, %cond3A_907 : i32
      scf.if %cond3A_908 {
        %get3A_2066 = arith.index_cast %mul3A_406 : i32 to index
        %get3A_2067 = tpu.vector_load %arg7[%get3A_2066] {strides = array<i32>} : memref<512xi32, #tpu.memory_space<vmem>>, vector<16xi32>,
        %slice3A_2068 = vector.extract_strided_slice %get3A_2067 {offsets = [12], sizes = [1], strides = [1]} : vector<16xi32> to vector<1xi32>
        %squeeze3A_2069 = vector.extract %slice3A_2068[0] : i32 from vector<1xi32>
        %get3A_2070 = arith.index_cast %mul3A_406 : i32 to index
        %get3A_2071 = tpu.vector_load %arg8[%get3A_2070] {strides = array<i32>} : memref<512xi32, #tpu.memory_space<vmem>>, vector<16xi32>,
        %slice3A_2072 = vector.extract_strided_slice %get3A_2071 {offsets = [12], sizes = [1], strides = [1]} : vector<16xi32> to vector<1xi32>
        %squeeze3A_2073 = vector.extract %slice3A_2072[0] : i32 from vector<1xi32>
        %shift_right_arithmetic3A_2074 = arith.constant 7 : i32
        %shift_right_arithmetic3A_2075 = arith.shrsi %squeeze3A_2069, %shift_right_arithmetic3A_2074 : i32
        %mul3A_2076 = arith.constant 128 : i32
        %mul3A_2077 = arith.muli %shift_right_arithmetic3A_2075, %mul3A_2076 : i32
        %multiple_of3A_2078 = tpu.assume_multiple %mul3A_2077, 128 : i32
        %shift_right_arithmetic3A_2079 = arith.constant 7 : i32
        %shift_right_arithmetic3A_2080 = arith.shrsi %squeeze3A_2073, %shift_right_arithmetic3A_2079 : i32
        %mul3A_2081 = arith.constant 128 : i32
        %mul3A_2082 = arith.muli %shift_right_arithmetic3A_2080, %mul3A_2081 : i32
        %multiple_of3A_2083 = tpu.assume_multiple %mul3A_2082, 128 : i32
        %dma_start3A_2084 = arith.constant 4 : i32
        %dma_start3A_2085 = arith.constant 4 : i32
        %dma_start3A_2086 = arith.constant 0 : i32
        %dma_start3A_2087 = arith.constant 0 : i32
        %dma_start3A_2088 = tpu.memref_slice %arg9[%dma_start3A_2084, %dma_start3A_2086, %dma_start3A_2087] : memref<8x32x128xf32, #tpu.memory_space<vmem>> -> memref<1x32x128xf32, #tpu.memory_space<vmem>>
        %dma_start3A_2089 = tpu.memref_squeeze %dma_start3A_2088 : memref<1x32x128xf32, #tpu.memory_space<vmem>> -> memref<32x128xf32, #tpu.memory_space<vmem>>
        %dma_start3A_2090 = arith.constant 0 : i32
        %dma_start3A_2091 = tpu.memref_slice %arg4[%dma_start3A_2090, %multiple_of3A_2078] : memref<32x1000000xf32, #tpu.memory_space<hbm>> -> memref<32x128xf32, #tpu.memory_space<hbm>>
        %dma_start3A_2092 = tpu.memref_slice %arg12[%dma_start3A_2085] : memref<8x!tpu.dma_semaphore, #tpu.memory_space<semaphore_mem>> -> memref<1x!tpu.dma_semaphore, #tpu.memory_space<semaphore_mem>>
        %dma_start3A_2093 = tpu.memref_squeeze %dma_start3A_2092 : memref<1x!tpu.dma_semaphore, #tpu.memory_space<semaphore_mem>> -> memref<!tpu.dma_semaphore, #tpu.memory_space<semaphore_mem>>
        %dma_start3A_2094 = arith.constant 0 : i32
        %dma_start3A_2095 = arith.constant 0 : i32
        %dma_start3A_2096 = tpu.memref_slice %arg9[%dma_start3A_2084, %dma_start3A_2094, %dma_start3A_2095] : memref<8x32x128xf32, #tpu.memory_space<vmem>> -> memref<1x32x128xf32, #tpu.memory_space<vmem>>
        %dma_start3A_2097 = tpu.memref_squeeze %dma_start3A_2096 : memref<1x32x128xf32, #tpu.memory_space<vmem>> -> memref<32x128xf32, #tpu.memory_space<vmem>>
        %dma_start3A_2098 = arith.constant 0 : i32
        %dma_start3A_2099 = tpu.memref_slice %arg4[%dma_start3A_2098, %multiple_of3A_2078] : memref<32x1000000xf32, #tpu.memory_space<hbm>> -> memref<32x128xf32, #tpu.memory_space<hbm>>
        tpu.enqueue_dma source(%dma_start3A_2099 : memref<32x128xf32, #tpu.memory_space<hbm>>) target(%dma_start3A_2097 : memref<32x128xf32, #tpu.memory_space<vmem>>) target_semaphore(%dma_start3A_2093 : memref<!tpu.dma_semaphore, #tpu.memory_space<semaphore_mem>>)
        %dma_start3A_2100 = arith.constant 4 : i32
        %dma_start3A_2101 = arith.constant 4 : i32
        %dma_start3A_2102 = arith.constant 0 : i32
        %dma_start3A_2103 = arith.constant 0 : i32
        %dma_start3A_2104 = tpu.memref_slice %arg10[%dma_start3A_2100, %dma_start3A_2102, %dma_start3A_2103] : memref<8x32x128xf32, #tpu.memory_space<vmem>> -> memref<1x32x128xf32, #tpu.memory_space<vmem>>
        %dma_start3A_2105 = tpu.memref_squeeze %dma_start3A_2104 : memref<1x32x128xf32, #tpu.memory_space<vmem>> -> memref<32x128xf32, #tpu.memory_space<vmem>>
        %dma_start3A_2106 = arith.constant 0 : i32
        %dma_start3A_2107 = tpu.memref_slice %arg5[%dma_start3A_2106, %multiple_of3A_2083] : memref<32x1000000xf32, #tpu.memory_space<hbm>> -> memref<32x128xf32, #tpu.memory_space<hbm>>
        %dma_start3A_2108 = tpu.memref_slice %arg13[%dma_start3A_2101] : memref<8x!tpu.dma_semaphore, #tpu.memory_space<semaphore_mem>> -> memref<1x!tpu.dma_semaphore, #tpu.memory_space<semaphore_mem>>
        %dma_start3A_2109 = tpu.memref_squeeze %dma_start3A_2108 : memref<1x!tpu.dma_semaphore, #tpu.memory_space<semaphore_mem>> -> memref<!tpu.dma_semaphore, #tpu.memory_space<semaphore_mem>>
        %dma_start3A_2110 = arith.constant 0 : i32
        %dma_start3A_2111 = arith.constant 0 : i32
        %dma_start3A_2112 = tpu.memref_slice %arg10[%dma_start3A_2100, %dma_start3A_2110, %dma_start3A_2111] : memref<8x32x128xf32, #tpu.memory_space<vmem>> -> memref<1x32x128xf32, #tpu.memory_space<vmem>>
        %dma_start3A_2113 = tpu.memref_squeeze %dma_start3A_2112 : memref<1x32x128xf32, #tpu.memory_space<vmem>> -> memref<32x128xf32, #tpu.memory_space<vmem>>
        %dma_start3A_2114 = arith.constant 0 : i32
        %dma_start3A_2115 = tpu.memref_slice %arg5[%dma_start3A_2114, %multiple_of3A_2083] : memref<32x1000000xf32, #tpu.memory_space<hbm>> -> memref<32x128xf32, #tpu.memory_space<hbm>>
        tpu.enqueue_dma source(%dma_start3A_2115 : memref<32x128xf32, #tpu.memory_space<hbm>>) target(%dma_start3A_2113 : memref<32x128xf32, #tpu.memory_space<vmem>>) target_semaphore(%dma_start3A_2109 : memref<!tpu.dma_semaphore, #tpu.memory_space<semaphore_mem>>)
      } else {
      }
      %eq3A_909 = arith.constant 4 : i32
      %eq3A_910 = vector.broadcast %eq3A_909 : i32 to vector<16xi32>
      %eq3A_911 = arith.cmpi eq, %iota3A, %eq3A_910 : vector<16xi32>
      %broadcast_in_dim3A_912 = vector.broadcast %reduce_sum3A_901 : f32 to vector<16xf32>
      %select_n3A_913 = arith.select %eq3A_911, %broadcast_in_dim3A_912, %select_n3A_810 : vector<16xi1>, vector<16xf32>
      %add3A_914 = arith.constant 0 : i32
      %add3A_915 = arith.addi %mul3A_406, %add3A_914 : i32
      %add3A_916 = arith.constant 5 : i32
      %add3A_917 = arith.addi %add3A_915, %add3A_916 : i32
      %dma_wait3A_918 = arith.constant 5 : i32
      %dma_wait3A_919 = arith.constant 5 : i32
      %dma_wait3A_920 = arith.constant 0 : i32
      %dma_wait3A_921 = arith.constant 0 : i32
      %dma_wait3A_922 = tpu.memref_slice %arg9[%dma_wait3A_918, %dma_wait3A_920, %dma_wait3A_921] : memref<8x32x128xf32, #tpu.memory_space<vmem>> -> memref<1x32x128xf32, #tpu.memory_space<vmem>>
      %dma_wait3A_923 = tpu.memref_squeeze %dma_wait3A_922 : memref<1x32x128xf32, #tpu.memory_space<vmem>> -> memref<32x128xf32, #tpu.memory_space<vmem>>
      %dma_wait3A_924 = arith.constant 0 : i32
      %dma_wait3A_925 = arith.constant 0 : i32
      %dma_wait3A_926 = tpu.memref_slice %arg4[%dma_wait3A_924, %dma_wait3A_925] : memref<32x1000000xf32, #tpu.memory_space<hbm>> -> memref<32x128xf32, #tpu.memory_space<hbm>>
      %dma_wait3A_927 = tpu.memref_slice %arg12[%dma_wait3A_919] : memref<8x!tpu.dma_semaphore, #tpu.memory_space<semaphore_mem>> -> memref<1x!tpu.dma_semaphore, #tpu.memory_space<semaphore_mem>>
      %dma_wait3A_928 = tpu.memref_squeeze %dma_wait3A_927 : memref<1x!tpu.dma_semaphore, #tpu.memory_space<semaphore_mem>> -> memref<!tpu.dma_semaphore, #tpu.memory_space<semaphore_mem>>
      %dma_wait3A_929 = arith.constant 0 : i32
      %dma_wait3A_930 = arith.constant 0 : i32
      %dma_wait3A_931 = tpu.memref_slice %arg9[%dma_wait3A_918, %dma_wait3A_929, %dma_wait3A_930] : memref<8x32x128xf32, #tpu.memory_space<vmem>> -> memref<1x32x128xf32, #tpu.memory_space<vmem>>
      %dma_wait3A_932 = tpu.memref_squeeze %dma_wait3A_931 : memref<1x32x128xf32, #tpu.memory_space<vmem>> -> memref<32x128xf32, #tpu.memory_space<vmem>>
      %dma_wait3A_933 = arith.constant 0 : i32
      %dma_wait3A_934 = arith.constant 0 : i32
      %dma_wait3A_935 = tpu.memref_slice %arg4[%dma_wait3A_933, %dma_wait3A_934] : memref<32x1000000xf32, #tpu.memory_space<hbm>> -> memref<32x128xf32, #tpu.memory_space<hbm>>
      tpu.wait_dma2 semaphore(%dma_wait3A_928 : memref<!tpu.dma_semaphore, #tpu.memory_space<semaphore_mem>>) src(%dma_wait3A_935 : memref<32x128xf32, #tpu.memory_space<hbm>>) dst(%dma_wait3A_932 : memref<32x128xf32, #tpu.memory_space<vmem>>)
      %dma_wait3A_936 = arith.constant 5 : i32
      %dma_wait3A_937 = arith.constant 5 : i32
      %dma_wait3A_938 = arith.constant 0 : i32
      %dma_wait3A_939 = arith.constant 0 : i32
      %dma_wait3A_940 = tpu.memref_slice %arg10[%dma_wait3A_936, %dma_wait3A_938, %dma_wait3A_939] : memref<8x32x128xf32, #tpu.memory_space<vmem>> -> memref<1x32x128xf32, #tpu.memory_space<vmem>>
      %dma_wait3A_941 = tpu.memref_squeeze %dma_wait3A_940 : memref<1x32x128xf32, #tpu.memory_space<vmem>> -> memref<32x128xf32, #tpu.memory_space<vmem>>
      %dma_wait3A_942 = arith.constant 0 : i32
      %dma_wait3A_943 = arith.constant 0 : i32
      %dma_wait3A_944 = tpu.memref_slice %arg5[%dma_wait3A_942, %dma_wait3A_943] : memref<32x1000000xf32, #tpu.memory_space<hbm>> -> memref<32x128xf32, #tpu.memory_space<hbm>>
      %dma_wait3A_945 = tpu.memref_slice %arg13[%dma_wait3A_937] : memref<8x!tpu.dma_semaphore, #tpu.memory_space<semaphore_mem>> -> memref<1x!tpu.dma_semaphore, #tpu.memory_space<semaphore_mem>>
      %dma_wait3A_946 = tpu.memref_squeeze %dma_wait3A_945 : memref<1x!tpu.dma_semaphore, #tpu.memory_space<semaphore_mem>> -> memref<!tpu.dma_semaphore, #tpu.memory_space<semaphore_mem>>
      %dma_wait3A_947 = arith.constant 0 : i32
      %dma_wait3A_948 = arith.constant 0 : i32
      %dma_wait3A_949 = tpu.memref_slice %arg10[%dma_wait3A_936, %dma_wait3A_947, %dma_wait3A_948] : memref<8x32x128xf32, #tpu.memory_space<vmem>> -> memref<1x32x128xf32, #tpu.memory_space<vmem>>
      %dma_wait3A_950 = tpu.memref_squeeze %dma_wait3A_949 : memref<1x32x128xf32, #tpu.memory_space<vmem>> -> memref<32x128xf32, #tpu.memory_space<vmem>>
      %dma_wait3A_951 = arith.constant 0 : i32
      %dma_wait3A_952 = arith.constant 0 : i32
      %dma_wait3A_953 = tpu.memref_slice %arg5[%dma_wait3A_951, %dma_wait3A_952] : memref<32x1000000xf32, #tpu.memory_space<hbm>> -> memref<32x128xf32, #tpu.memory_space<hbm>>
      tpu.wait_dma2 semaphore(%dma_wait3A_946 : memref<!tpu.dma_semaphore, #tpu.memory_space<semaphore_mem>>) src(%dma_wait3A_953 : memref<32x128xf32, #tpu.memory_space<hbm>>) dst(%dma_wait3A_950 : memref<32x128xf32, #tpu.memory_space<vmem>>)
      %get3A_954 = arith.index_cast %mul3A_406 : i32 to index
      %get3A_955 = tpu.vector_load %arg7[%get3A_954] {strides = array<i32>} : memref<512xi32, #tpu.memory_space<vmem>>, vector<16xi32>,
      %slice3A_956 = vector.extract_strided_slice %get3A_955 {offsets = [5], sizes = [1], strides = [1]} : vector<16xi32> to vector<1xi32>
      %squeeze3A_957 = vector.extract %slice3A_956[0] : i32 from vector<1xi32>
      %and3A_958 = arith.constant 127 : i32
      %and3A_959 = arith.andi %squeeze3A_957, %and3A_958 : i32
      %broadcast_in_dim3A_960 = vector.broadcast %and3A_959 : i32 to vector<16xi32>
      %get3A_961 = arith.index_cast %mul3A_406 : i32 to index
      %get3A_962 = tpu.vector_load %arg8[%get3A_961] {strides = array<i32>} : memref<512xi32, #tpu.memory_space<vmem>>, vector<16xi32>,
      %slice3A_963 = vector.extract_strided_slice %get3A_962 {offsets = [5], sizes = [1], strides = [1]} : vector<16xi32> to vector<1xi32>
      %squeeze3A_964 = vector.extract %slice3A_963[0] : i32 from vector<1xi32>
      %and3A_965 = arith.constant 127 : i32
      %and3A_966 = arith.andi %squeeze3A_964, %and3A_965 : i32
      %broadcast_in_dim3A_967 = vector.broadcast %and3A_966 : i32 to vector<16xi32>
      %gather3A_968 = arith.constant 5 : i32
      %gather3A_969 = arith.constant 0 : i32
      %gather3A_970 = arith.constant 0 : i32
      %gather3A_971 = tpu.memref_slice %arg9[%gather3A_968, %gather3A_969, %gather3A_970] : memref<8x32x128xf32, #tpu.memory_space<vmem>> -> memref<1x32x128xf32, #tpu.memory_space<vmem>>
      %gather3A_972 = tpu.memref_squeeze %gather3A_971 : memref<1x32x128xf32, #tpu.memory_space<vmem>> -> memref<32x128xf32, #tpu.memory_space<vmem>>
      %gather3A_973 = tpu.vector_load_idx %gather3A_972[%iota3A, %broadcast_in_dim3A_960] : memref<32x128xf32, #tpu.memory_space<vmem>>[vector<16xi32>, vector<16xi32>], vector<16xf32>,
      %add3A_974 = arith.constant 16 : i32
      %add3A_975 = vector.broadcast %add3A_974 : i32 to vector<16xi32>
      %add3A_976 = arith.addi %iota3A, %add3A_975 : vector<16xi32>
      %gather3A_977 = arith.constant 5 : i32
      %gather3A_978 = arith.constant 0 : i32
      %gather3A_979 = arith.constant 0 : i32
      %gather3A_980 = tpu.memref_slice %arg9[%gather3A_977, %gather3A_978, %gather3A_979] : memref<8x32x128xf32, #tpu.memory_space<vmem>> -> memref<1x32x128xf32, #tpu.memory_space<vmem>>
      %gather3A_981 = tpu.memref_squeeze %gather3A_980 : memref<1x32x128xf32, #tpu.memory_space<vmem>> -> memref<32x128xf32, #tpu.memory_space<vmem>>
      %gather3A_982 = tpu.vector_load_idx %gather3A_981[%add3A_976, %broadcast_in_dim3A_960] : memref<32x128xf32, #tpu.memory_space<vmem>>[vector<16xi32>, vector<16xi32>], vector<16xf32>,
      %gather3A_983 = arith.constant 5 : i32
      %gather3A_984 = arith.constant 0 : i32
      %gather3A_985 = arith.constant 0 : i32
      %gather3A_986 = tpu.memref_slice %arg10[%gather3A_983, %gather3A_984, %gather3A_985] : memref<8x32x128xf32, #tpu.memory_space<vmem>> -> memref<1x32x128xf32, #tpu.memory_space<vmem>>
      %gather3A_987 = tpu.memref_squeeze %gather3A_986 : memref<1x32x128xf32, #tpu.memory_space<vmem>> -> memref<32x128xf32, #tpu.memory_space<vmem>>
      %gather3A_988 = tpu.vector_load_idx %gather3A_987[%iota3A, %broadcast_in_dim3A_967] : memref<32x128xf32, #tpu.memory_space<vmem>>[vector<16xi32>, vector<16xi32>], vector<16xf32>,
      %add3A_989 = arith.constant 16 : i32
      %add3A_990 = vector.broadcast %add3A_989 : i32 to vector<16xi32>
      %add3A_991 = arith.addi %iota3A, %add3A_990 : vector<16xi32>
      %gather3A_992 = arith.constant 5 : i32
      %gather3A_993 = arith.constant 0 : i32
      %gather3A_994 = arith.constant 0 : i32
      %gather3A_995 = tpu.memref_slice %arg10[%gather3A_992, %gather3A_993, %gather3A_994] : memref<8x32x128xf32, #tpu.memory_space<vmem>> -> memref<1x32x128xf32, #tpu.memory_space<vmem>>
      %gather3A_996 = tpu.memref_squeeze %gather3A_995 : memref<1x32x128xf32, #tpu.memory_space<vmem>> -> memref<32x128xf32, #tpu.memory_space<vmem>>
      %gather3A_997 = tpu.vector_load_idx %gather3A_996[%add3A_991, %broadcast_in_dim3A_967] : memref<32x128xf32, #tpu.memory_space<vmem>>[vector<16xi32>, vector<16xi32>], vector<16xf32>,
      %mul3A_998 = arith.mulf %gather3A_973, %gather3A_988 : vector<16xf32>
      %mul3A_999 = arith.mulf %gather3A_982, %gather3A_997 : vector<16xf32>
      %add3A_1000 = arith.addf %mul3A_998, %mul3A_999 : vector<16xf32>
      %reduce_sum3A_1001 = arith.constant true
      %reduce_sum3A_1002 = vector.broadcast %reduce_sum3A_1001 : i1 to vector<16xi1>
      %reduce_sum3A_1003 = tpu.scan <sum>, %add3A_1000 masked %reduce_sum3A_1002 : vector<16xf32>, vector<16xi1> -> vector<16xf32>
      %reduce_sum3A_1004 = vector.extract %reduce_sum3A_1003[15] : f32 from vector<16xf32>
      %add3A_1005 = arith.constant 8 : i32
      %add3A_1006 = arith.addi %add3A_917, %add3A_1005 : i32
      %lt3A_1007 = arith.constant 512 : i32
      %lt3A_1008 = arith.cmpi slt, %add3A_1006, %lt3A_1007 : i32
      %convert_element_type3A_1009 = arith.extui %lt3A_1008 : i1 to i32
      %cond3A_1010 = arith.constant 0 : i32
      %cond3A_1011 = arith.cmpi ne, %convert_element_type3A_1009, %cond3A_1010 : i32
      scf.if %cond3A_1011 {
        %get3A_2066 = arith.index_cast %mul3A_406 : i32 to index
        %get3A_2067 = tpu.vector_load %arg7[%get3A_2066] {strides = array<i32>} : memref<512xi32, #tpu.memory_space<vmem>>, vector<16xi32>,
        %slice3A_2068 = vector.extract_strided_slice %get3A_2067 {offsets = [13], sizes = [1], strides = [1]} : vector<16xi32> to vector<1xi32>
        %squeeze3A_2069 = vector.extract %slice3A_2068[0] : i32 from vector<1xi32>
        %get3A_2070 = arith.index_cast %mul3A_406 : i32 to index
        %get3A_2071 = tpu.vector_load %arg8[%get3A_2070] {strides = array<i32>} : memref<512xi32, #tpu.memory_space<vmem>>, vector<16xi32>,
        %slice3A_2072 = vector.extract_strided_slice %get3A_2071 {offsets = [13], sizes = [1], strides = [1]} : vector<16xi32> to vector<1xi32>
        %squeeze3A_2073 = vector.extract %slice3A_2072[0] : i32 from vector<1xi32>
        %shift_right_arithmetic3A_2074 = arith.constant 7 : i32
        %shift_right_arithmetic3A_2075 = arith.shrsi %squeeze3A_2069, %shift_right_arithmetic3A_2074 : i32
        %mul3A_2076 = arith.constant 128 : i32
        %mul3A_2077 = arith.muli %shift_right_arithmetic3A_2075, %mul3A_2076 : i32
        %multiple_of3A_2078 = tpu.assume_multiple %mul3A_2077, 128 : i32
        %shift_right_arithmetic3A_2079 = arith.constant 7 : i32
        %shift_right_arithmetic3A_2080 = arith.shrsi %squeeze3A_2073, %shift_right_arithmetic3A_2079 : i32
        %mul3A_2081 = arith.constant 128 : i32
        %mul3A_2082 = arith.muli %shift_right_arithmetic3A_2080, %mul3A_2081 : i32
        %multiple_of3A_2083 = tpu.assume_multiple %mul3A_2082, 128 : i32
        %dma_start3A_2084 = arith.constant 5 : i32
        %dma_start3A_2085 = arith.constant 5 : i32
        %dma_start3A_2086 = arith.constant 0 : i32
        %dma_start3A_2087 = arith.constant 0 : i32
        %dma_start3A_2088 = tpu.memref_slice %arg9[%dma_start3A_2084, %dma_start3A_2086, %dma_start3A_2087] : memref<8x32x128xf32, #tpu.memory_space<vmem>> -> memref<1x32x128xf32, #tpu.memory_space<vmem>>
        %dma_start3A_2089 = tpu.memref_squeeze %dma_start3A_2088 : memref<1x32x128xf32, #tpu.memory_space<vmem>> -> memref<32x128xf32, #tpu.memory_space<vmem>>
        %dma_start3A_2090 = arith.constant 0 : i32
        %dma_start3A_2091 = tpu.memref_slice %arg4[%dma_start3A_2090, %multiple_of3A_2078] : memref<32x1000000xf32, #tpu.memory_space<hbm>> -> memref<32x128xf32, #tpu.memory_space<hbm>>
        %dma_start3A_2092 = tpu.memref_slice %arg12[%dma_start3A_2085] : memref<8x!tpu.dma_semaphore, #tpu.memory_space<semaphore_mem>> -> memref<1x!tpu.dma_semaphore, #tpu.memory_space<semaphore_mem>>
        %dma_start3A_2093 = tpu.memref_squeeze %dma_start3A_2092 : memref<1x!tpu.dma_semaphore, #tpu.memory_space<semaphore_mem>> -> memref<!tpu.dma_semaphore, #tpu.memory_space<semaphore_mem>>
        %dma_start3A_2094 = arith.constant 0 : i32
        %dma_start3A_2095 = arith.constant 0 : i32
        %dma_start3A_2096 = tpu.memref_slice %arg9[%dma_start3A_2084, %dma_start3A_2094, %dma_start3A_2095] : memref<8x32x128xf32, #tpu.memory_space<vmem>> -> memref<1x32x128xf32, #tpu.memory_space<vmem>>
        %dma_start3A_2097 = tpu.memref_squeeze %dma_start3A_2096 : memref<1x32x128xf32, #tpu.memory_space<vmem>> -> memref<32x128xf32, #tpu.memory_space<vmem>>
        %dma_start3A_2098 = arith.constant 0 : i32
        %dma_start3A_2099 = tpu.memref_slice %arg4[%dma_start3A_2098, %multiple_of3A_2078] : memref<32x1000000xf32, #tpu.memory_space<hbm>> -> memref<32x128xf32, #tpu.memory_space<hbm>>
        tpu.enqueue_dma source(%dma_start3A_2099 : memref<32x128xf32, #tpu.memory_space<hbm>>) target(%dma_start3A_2097 : memref<32x128xf32, #tpu.memory_space<vmem>>) target_semaphore(%dma_start3A_2093 : memref<!tpu.dma_semaphore, #tpu.memory_space<semaphore_mem>>)
        %dma_start3A_2100 = arith.constant 5 : i32
        %dma_start3A_2101 = arith.constant 5 : i32
        %dma_start3A_2102 = arith.constant 0 : i32
        %dma_start3A_2103 = arith.constant 0 : i32
        %dma_start3A_2104 = tpu.memref_slice %arg10[%dma_start3A_2100, %dma_start3A_2102, %dma_start3A_2103] : memref<8x32x128xf32, #tpu.memory_space<vmem>> -> memref<1x32x128xf32, #tpu.memory_space<vmem>>
        %dma_start3A_2105 = tpu.memref_squeeze %dma_start3A_2104 : memref<1x32x128xf32, #tpu.memory_space<vmem>> -> memref<32x128xf32, #tpu.memory_space<vmem>>
        %dma_start3A_2106 = arith.constant 0 : i32
        %dma_start3A_2107 = tpu.memref_slice %arg5[%dma_start3A_2106, %multiple_of3A_2083] : memref<32x1000000xf32, #tpu.memory_space<hbm>> -> memref<32x128xf32, #tpu.memory_space<hbm>>
        %dma_start3A_2108 = tpu.memref_slice %arg13[%dma_start3A_2101] : memref<8x!tpu.dma_semaphore, #tpu.memory_space<semaphore_mem>> -> memref<1x!tpu.dma_semaphore, #tpu.memory_space<semaphore_mem>>
        %dma_start3A_2109 = tpu.memref_squeeze %dma_start3A_2108 : memref<1x!tpu.dma_semaphore, #tpu.memory_space<semaphore_mem>> -> memref<!tpu.dma_semaphore, #tpu.memory_space<semaphore_mem>>
        %dma_start3A_2110 = arith.constant 0 : i32
        %dma_start3A_2111 = arith.constant 0 : i32
        %dma_start3A_2112 = tpu.memref_slice %arg10[%dma_start3A_2100, %dma_start3A_2110, %dma_start3A_2111] : memref<8x32x128xf32, #tpu.memory_space<vmem>> -> memref<1x32x128xf32, #tpu.memory_space<vmem>>
        %dma_start3A_2113 = tpu.memref_squeeze %dma_start3A_2112 : memref<1x32x128xf32, #tpu.memory_space<vmem>> -> memref<32x128xf32, #tpu.memory_space<vmem>>
        %dma_start3A_2114 = arith.constant 0 : i32
        %dma_start3A_2115 = tpu.memref_slice %arg5[%dma_start3A_2114, %multiple_of3A_2083] : memref<32x1000000xf32, #tpu.memory_space<hbm>> -> memref<32x128xf32, #tpu.memory_space<hbm>>
        tpu.enqueue_dma source(%dma_start3A_2115 : memref<32x128xf32, #tpu.memory_space<hbm>>) target(%dma_start3A_2113 : memref<32x128xf32, #tpu.memory_space<vmem>>) target_semaphore(%dma_start3A_2109 : memref<!tpu.dma_semaphore, #tpu.memory_space<semaphore_mem>>)
      } else {
      }
      %eq3A_1012 = arith.constant 5 : i32
      %eq3A_1013 = vector.broadcast %eq3A_1012 : i32 to vector<16xi32>
      %eq3A_1014 = arith.cmpi eq, %iota3A, %eq3A_1013 : vector<16xi32>
      %broadcast_in_dim3A_1015 = vector.broadcast %reduce_sum3A_1004 : f32 to vector<16xf32>
      %select_n3A_1016 = arith.select %eq3A_1014, %broadcast_in_dim3A_1015, %select_n3A_913 : vector<16xi1>, vector<16xf32>
      %add3A_1017 = arith.constant 0 : i32
      %add3A_1018 = arith.addi %mul3A_406, %add3A_1017 : i32
      %add3A_1019 = arith.constant 6 : i32
      %add3A_1020 = arith.addi %add3A_1018, %add3A_1019 : i32
      %dma_wait3A_1021 = arith.constant 6 : i32
      %dma_wait3A_1022 = arith.constant 6 : i32
      %dma_wait3A_1023 = arith.constant 0 : i32
      %dma_wait3A_1024 = arith.constant 0 : i32
      %dma_wait3A_1025 = tpu.memref_slice %arg9[%dma_wait3A_1021, %dma_wait3A_1023, %dma_wait3A_1024] : memref<8x32x128xf32, #tpu.memory_space<vmem>> -> memref<1x32x128xf32, #tpu.memory_space<vmem>>
      %dma_wait3A_1026 = tpu.memref_squeeze %dma_wait3A_1025 : memref<1x32x128xf32, #tpu.memory_space<vmem>> -> memref<32x128xf32, #tpu.memory_space<vmem>>
      %dma_wait3A_1027 = arith.constant 0 : i32
      %dma_wait3A_1028 = arith.constant 0 : i32
      %dma_wait3A_1029 = tpu.memref_slice %arg4[%dma_wait3A_1027, %dma_wait3A_1028] : memref<32x1000000xf32, #tpu.memory_space<hbm>> -> memref<32x128xf32, #tpu.memory_space<hbm>>
      %dma_wait3A_1030 = tpu.memref_slice %arg12[%dma_wait3A_1022] : memref<8x!tpu.dma_semaphore, #tpu.memory_space<semaphore_mem>> -> memref<1x!tpu.dma_semaphore, #tpu.memory_space<semaphore_mem>>
      %dma_wait3A_1031 = tpu.memref_squeeze %dma_wait3A_1030 : memref<1x!tpu.dma_semaphore, #tpu.memory_space<semaphore_mem>> -> memref<!tpu.dma_semaphore, #tpu.memory_space<semaphore_mem>>
      %dma_wait3A_1032 = arith.constant 0 : i32
      %dma_wait3A_1033 = arith.constant 0 : i32
      %dma_wait3A_1034 = tpu.memref_slice %arg9[%dma_wait3A_1021, %dma_wait3A_1032, %dma_wait3A_1033] : memref<8x32x128xf32, #tpu.memory_space<vmem>> -> memref<1x32x128xf32, #tpu.memory_space<vmem>>
      %dma_wait3A_1035 = tpu.memref_squeeze %dma_wait3A_1034 : memref<1x32x128xf32, #tpu.memory_space<vmem>> -> memref<32x128xf32, #tpu.memory_space<vmem>>
      %dma_wait3A_1036 = arith.constant 0 : i32
      %dma_wait3A_1037 = arith.constant 0 : i32
      %dma_wait3A_1038 = tpu.memref_slice %arg4[%dma_wait3A_1036, %dma_wait3A_1037] : memref<32x1000000xf32, #tpu.memory_space<hbm>> -> memref<32x128xf32, #tpu.memory_space<hbm>>
      tpu.wait_dma2 semaphore(%dma_wait3A_1031 : memref<!tpu.dma_semaphore, #tpu.memory_space<semaphore_mem>>) src(%dma_wait3A_1038 : memref<32x128xf32, #tpu.memory_space<hbm>>) dst(%dma_wait3A_1035 : memref<32x128xf32, #tpu.memory_space<vmem>>)
      %dma_wait3A_1039 = arith.constant 6 : i32
      %dma_wait3A_1040 = arith.constant 6 : i32
      %dma_wait3A_1041 = arith.constant 0 : i32
      %dma_wait3A_1042 = arith.constant 0 : i32
      %dma_wait3A_1043 = tpu.memref_slice %arg10[%dma_wait3A_1039, %dma_wait3A_1041, %dma_wait3A_1042] : memref<8x32x128xf32, #tpu.memory_space<vmem>> -> memref<1x32x128xf32, #tpu.memory_space<vmem>>
      %dma_wait3A_1044 = tpu.memref_squeeze %dma_wait3A_1043 : memref<1x32x128xf32, #tpu.memory_space<vmem>> -> memref<32x128xf32, #tpu.memory_space<vmem>>
      %dma_wait3A_1045 = arith.constant 0 : i32
      %dma_wait3A_1046 = arith.constant 0 : i32
      %dma_wait3A_1047 = tpu.memref_slice %arg5[%dma_wait3A_1045, %dma_wait3A_1046] : memref<32x1000000xf32, #tpu.memory_space<hbm>> -> memref<32x128xf32, #tpu.memory_space<hbm>>
      %dma_wait3A_1048 = tpu.memref_slice %arg13[%dma_wait3A_1040] : memref<8x!tpu.dma_semaphore, #tpu.memory_space<semaphore_mem>> -> memref<1x!tpu.dma_semaphore, #tpu.memory_space<semaphore_mem>>
      %dma_wait3A_1049 = tpu.memref_squeeze %dma_wait3A_1048 : memref<1x!tpu.dma_semaphore, #tpu.memory_space<semaphore_mem>> -> memref<!tpu.dma_semaphore, #tpu.memory_space<semaphore_mem>>
      %dma_wait3A_1050 = arith.constant 0 : i32
      %dma_wait3A_1051 = arith.constant 0 : i32
      %dma_wait3A_1052 = tpu.memref_slice %arg10[%dma_wait3A_1039, %dma_wait3A_1050, %dma_wait3A_1051] : memref<8x32x128xf32, #tpu.memory_space<vmem>> -> memref<1x32x128xf32, #tpu.memory_space<vmem>>
      %dma_wait3A_1053 = tpu.memref_squeeze %dma_wait3A_1052 : memref<1x32x128xf32, #tpu.memory_space<vmem>> -> memref<32x128xf32, #tpu.memory_space<vmem>>
      %dma_wait3A_1054 = arith.constant 0 : i32
      %dma_wait3A_1055 = arith.constant 0 : i32
      %dma_wait3A_1056 = tpu.memref_slice %arg5[%dma_wait3A_1054, %dma_wait3A_1055] : memref<32x1000000xf32, #tpu.memory_space<hbm>> -> memref<32x128xf32, #tpu.memory_space<hbm>>
      tpu.wait_dma2 semaphore(%dma_wait3A_1049 : memref<!tpu.dma_semaphore, #tpu.memory_space<semaphore_mem>>) src(%dma_wait3A_1056 : memref<32x128xf32, #tpu.memory_space<hbm>>) dst(%dma_wait3A_1053 : memref<32x128xf32, #tpu.memory_space<vmem>>)
      %get3A_1057 = arith.index_cast %mul3A_406 : i32 to index
      %get3A_1058 = tpu.vector_load %arg7[%get3A_1057] {strides = array<i32>} : memref<512xi32, #tpu.memory_space<vmem>>, vector<16xi32>,
      %slice3A_1059 = vector.extract_strided_slice %get3A_1058 {offsets = [6], sizes = [1], strides = [1]} : vector<16xi32> to vector<1xi32>
      %squeeze3A_1060 = vector.extract %slice3A_1059[0] : i32 from vector<1xi32>
      %and3A_1061 = arith.constant 127 : i32
      %and3A_1062 = arith.andi %squeeze3A_1060, %and3A_1061 : i32
      %broadcast_in_dim3A_1063 = vector.broadcast %and3A_1062 : i32 to vector<16xi32>
      %get3A_1064 = arith.index_cast %mul3A_406 : i32 to index
      %get3A_1065 = tpu.vector_load %arg8[%get3A_1064] {strides = array<i32>} : memref<512xi32, #tpu.memory_space<vmem>>, vector<16xi32>,
      %slice3A_1066 = vector.extract_strided_slice %get3A_1065 {offsets = [6], sizes = [1], strides = [1]} : vector<16xi32> to vector<1xi32>
      %squeeze3A_1067 = vector.extract %slice3A_1066[0] : i32 from vector<1xi32>
      %and3A_1068 = arith.constant 127 : i32
      %and3A_1069 = arith.andi %squeeze3A_1067, %and3A_1068 : i32
      %broadcast_in_dim3A_1070 = vector.broadcast %and3A_1069 : i32 to vector<16xi32>
      %gather3A_1071 = arith.constant 6 : i32
      %gather3A_1072 = arith.constant 0 : i32
      %gather3A_1073 = arith.constant 0 : i32
      %gather3A_1074 = tpu.memref_slice %arg9[%gather3A_1071, %gather3A_1072, %gather3A_1073] : memref<8x32x128xf32, #tpu.memory_space<vmem>> -> memref<1x32x128xf32, #tpu.memory_space<vmem>>
      %gather3A_1075 = tpu.memref_squeeze %gather3A_1074 : memref<1x32x128xf32, #tpu.memory_space<vmem>> -> memref<32x128xf32, #tpu.memory_space<vmem>>
      %gather3A_1076 = tpu.vector_load_idx %gather3A_1075[%iota3A, %broadcast_in_dim3A_1063] : memref<32x128xf32, #tpu.memory_space<vmem>>[vector<16xi32>, vector<16xi32>], vector<16xf32>,
      %add3A_1077 = arith.constant 16 : i32
      %add3A_1078 = vector.broadcast %add3A_1077 : i32 to vector<16xi32>
      %add3A_1079 = arith.addi %iota3A, %add3A_1078 : vector<16xi32>
      %gather3A_1080 = arith.constant 6 : i32
      %gather3A_1081 = arith.constant 0 : i32
      %gather3A_1082 = arith.constant 0 : i32
      %gather3A_1083 = tpu.memref_slice %arg9[%gather3A_1080, %gather3A_1081, %gather3A_1082] : memref<8x32x128xf32, #tpu.memory_space<vmem>> -> memref<1x32x128xf32, #tpu.memory_space<vmem>>
      %gather3A_1084 = tpu.memref_squeeze %gather3A_1083 : memref<1x32x128xf32, #tpu.memory_space<vmem>> -> memref<32x128xf32, #tpu.memory_space<vmem>>
      %gather3A_1085 = tpu.vector_load_idx %gather3A_1084[%add3A_1079, %broadcast_in_dim3A_1063] : memref<32x128xf32, #tpu.memory_space<vmem>>[vector<16xi32>, vector<16xi32>], vector<16xf32>,
      %gather3A_1086 = arith.constant 6 : i32
      %gather3A_1087 = arith.constant 0 : i32
      %gather3A_1088 = arith.constant 0 : i32
      %gather3A_1089 = tpu.memref_slice %arg10[%gather3A_1086, %gather3A_1087, %gather3A_1088] : memref<8x32x128xf32, #tpu.memory_space<vmem>> -> memref<1x32x128xf32, #tpu.memory_space<vmem>>
      %gather3A_1090 = tpu.memref_squeeze %gather3A_1089 : memref<1x32x128xf32, #tpu.memory_space<vmem>> -> memref<32x128xf32, #tpu.memory_space<vmem>>
      %gather3A_1091 = tpu.vector_load_idx %gather3A_1090[%iota3A, %broadcast_in_dim3A_1070] : memref<32x128xf32, #tpu.memory_space<vmem>>[vector<16xi32>, vector<16xi32>], vector<16xf32>,
      %add3A_1092 = arith.constant 16 : i32
      %add3A_1093 = vector.broadcast %add3A_1092 : i32 to vector<16xi32>
      %add3A_1094 = arith.addi %iota3A, %add3A_1093 : vector<16xi32>
      %gather3A_1095 = arith.constant 6 : i32
      %gather3A_1096 = arith.constant 0 : i32
      %gather3A_1097 = arith.constant 0 : i32
      %gather3A_1098 = tpu.memref_slice %arg10[%gather3A_1095, %gather3A_1096, %gather3A_1097] : memref<8x32x128xf32, #tpu.memory_space<vmem>> -> memref<1x32x128xf32, #tpu.memory_space<vmem>>
      %gather3A_1099 = tpu.memref_squeeze %gather3A_1098 : memref<1x32x128xf32, #tpu.memory_space<vmem>> -> memref<32x128xf32, #tpu.memory_space<vmem>>
      %gather3A_1100 = tpu.vector_load_idx %gather3A_1099[%add3A_1094, %broadcast_in_dim3A_1070] : memref<32x128xf32, #tpu.memory_space<vmem>>[vector<16xi32>, vector<16xi32>], vector<16xf32>,
      %mul3A_1101 = arith.mulf %gather3A_1076, %gather3A_1091 : vector<16xf32>
      %mul3A_1102 = arith.mulf %gather3A_1085, %gather3A_1100 : vector<16xf32>
      %add3A_1103 = arith.addf %mul3A_1101, %mul3A_1102 : vector<16xf32>
      %reduce_sum3A_1104 = arith.constant true
      %reduce_sum3A_1105 = vector.broadcast %reduce_sum3A_1104 : i1 to vector<16xi1>
      %reduce_sum3A_1106 = tpu.scan <sum>, %add3A_1103 masked %reduce_sum3A_1105 : vector<16xf32>, vector<16xi1> -> vector<16xf32>
      %reduce_sum3A_1107 = vector.extract %reduce_sum3A_1106[15] : f32 from vector<16xf32>
      %add3A_1108 = arith.constant 8 : i32
      %add3A_1109 = arith.addi %add3A_1020, %add3A_1108 : i32
      %lt3A_1110 = arith.constant 512 : i32
      %lt3A_1111 = arith.cmpi slt, %add3A_1109, %lt3A_1110 : i32
      %convert_element_type3A_1112 = arith.extui %lt3A_1111 : i1 to i32
      %cond3A_1113 = arith.constant 0 : i32
      %cond3A_1114 = arith.cmpi ne, %convert_element_type3A_1112, %cond3A_1113 : i32
      scf.if %cond3A_1114 {
        %get3A_2066 = arith.index_cast %mul3A_406 : i32 to index
        %get3A_2067 = tpu.vector_load %arg7[%get3A_2066] {strides = array<i32>} : memref<512xi32, #tpu.memory_space<vmem>>, vector<16xi32>,
        %slice3A_2068 = vector.extract_strided_slice %get3A_2067 {offsets = [14], sizes = [1], strides = [1]} : vector<16xi32> to vector<1xi32>
        %squeeze3A_2069 = vector.extract %slice3A_2068[0] : i32 from vector<1xi32>
        %get3A_2070 = arith.index_cast %mul3A_406 : i32 to index
        %get3A_2071 = tpu.vector_load %arg8[%get3A_2070] {strides = array<i32>} : memref<512xi32, #tpu.memory_space<vmem>>, vector<16xi32>,
        %slice3A_2072 = vector.extract_strided_slice %get3A_2071 {offsets = [14], sizes = [1], strides = [1]} : vector<16xi32> to vector<1xi32>
        %squeeze3A_2073 = vector.extract %slice3A_2072[0] : i32 from vector<1xi32>
        %shift_right_arithmetic3A_2074 = arith.constant 7 : i32
        %shift_right_arithmetic3A_2075 = arith.shrsi %squeeze3A_2069, %shift_right_arithmetic3A_2074 : i32
        %mul3A_2076 = arith.constant 128 : i32
        %mul3A_2077 = arith.muli %shift_right_arithmetic3A_2075, %mul3A_2076 : i32
        %multiple_of3A_2078 = tpu.assume_multiple %mul3A_2077, 128 : i32
        %shift_right_arithmetic3A_2079 = arith.constant 7 : i32
        %shift_right_arithmetic3A_2080 = arith.shrsi %squeeze3A_2073, %shift_right_arithmetic3A_2079 : i32
        %mul3A_2081 = arith.constant 128 : i32
        %mul3A_2082 = arith.muli %shift_right_arithmetic3A_2080, %mul3A_2081 : i32
        %multiple_of3A_2083 = tpu.assume_multiple %mul3A_2082, 128 : i32
        %dma_start3A_2084 = arith.constant 6 : i32
        %dma_start3A_2085 = arith.constant 6 : i32
        %dma_start3A_2086 = arith.constant 0 : i32
        %dma_start3A_2087 = arith.constant 0 : i32
        %dma_start3A_2088 = tpu.memref_slice %arg9[%dma_start3A_2084, %dma_start3A_2086, %dma_start3A_2087] : memref<8x32x128xf32, #tpu.memory_space<vmem>> -> memref<1x32x128xf32, #tpu.memory_space<vmem>>
        %dma_start3A_2089 = tpu.memref_squeeze %dma_start3A_2088 : memref<1x32x128xf32, #tpu.memory_space<vmem>> -> memref<32x128xf32, #tpu.memory_space<vmem>>
        %dma_start3A_2090 = arith.constant 0 : i32
        %dma_start3A_2091 = tpu.memref_slice %arg4[%dma_start3A_2090, %multiple_of3A_2078] : memref<32x1000000xf32, #tpu.memory_space<hbm>> -> memref<32x128xf32, #tpu.memory_space<hbm>>
        %dma_start3A_2092 = tpu.memref_slice %arg12[%dma_start3A_2085] : memref<8x!tpu.dma_semaphore, #tpu.memory_space<semaphore_mem>> -> memref<1x!tpu.dma_semaphore, #tpu.memory_space<semaphore_mem>>
        %dma_start3A_2093 = tpu.memref_squeeze %dma_start3A_2092 : memref<1x!tpu.dma_semaphore, #tpu.memory_space<semaphore_mem>> -> memref<!tpu.dma_semaphore, #tpu.memory_space<semaphore_mem>>
        %dma_start3A_2094 = arith.constant 0 : i32
        %dma_start3A_2095 = arith.constant 0 : i32
        %dma_start3A_2096 = tpu.memref_slice %arg9[%dma_start3A_2084, %dma_start3A_2094, %dma_start3A_2095] : memref<8x32x128xf32, #tpu.memory_space<vmem>> -> memref<1x32x128xf32, #tpu.memory_space<vmem>>
        %dma_start3A_2097 = tpu.memref_squeeze %dma_start3A_2096 : memref<1x32x128xf32, #tpu.memory_space<vmem>> -> memref<32x128xf32, #tpu.memory_space<vmem>>
        %dma_start3A_2098 = arith.constant 0 : i32
        %dma_start3A_2099 = tpu.memref_slice %arg4[%dma_start3A_2098, %multiple_of3A_2078] : memref<32x1000000xf32, #tpu.memory_space<hbm>> -> memref<32x128xf32, #tpu.memory_space<hbm>>
        tpu.enqueue_dma source(%dma_start3A_2099 : memref<32x128xf32, #tpu.memory_space<hbm>>) target(%dma_start3A_2097 : memref<32x128xf32, #tpu.memory_space<vmem>>) target_semaphore(%dma_start3A_2093 : memref<!tpu.dma_semaphore, #tpu.memory_space<semaphore_mem>>)
        %dma_start3A_2100 = arith.constant 6 : i32
        %dma_start3A_2101 = arith.constant 6 : i32
        %dma_start3A_2102 = arith.constant 0 : i32
        %dma_start3A_2103 = arith.constant 0 : i32
        %dma_start3A_2104 = tpu.memref_slice %arg10[%dma_start3A_2100, %dma_start3A_2102, %dma_start3A_2103] : memref<8x32x128xf32, #tpu.memory_space<vmem>> -> memref<1x32x128xf32, #tpu.memory_space<vmem>>
        %dma_start3A_2105 = tpu.memref_squeeze %dma_start3A_2104 : memref<1x32x128xf32, #tpu.memory_space<vmem>> -> memref<32x128xf32, #tpu.memory_space<vmem>>
        %dma_start3A_2106 = arith.constant 0 : i32
        %dma_start3A_2107 = tpu.memref_slice %arg5[%dma_start3A_2106, %multiple_of3A_2083] : memref<32x1000000xf32, #tpu.memory_space<hbm>> -> memref<32x128xf32, #tpu.memory_space<hbm>>
        %dma_start3A_2108 = tpu.memref_slice %arg13[%dma_start3A_2101] : memref<8x!tpu.dma_semaphore, #tpu.memory_space<semaphore_mem>> -> memref<1x!tpu.dma_semaphore, #tpu.memory_space<semaphore_mem>>
        %dma_start3A_2109 = tpu.memref_squeeze %dma_start3A_2108 : memref<1x!tpu.dma_semaphore, #tpu.memory_space<semaphore_mem>> -> memref<!tpu.dma_semaphore, #tpu.memory_space<semaphore_mem>>
        %dma_start3A_2110 = arith.constant 0 : i32
        %dma_start3A_2111 = arith.constant 0 : i32
        %dma_start3A_2112 = tpu.memref_slice %arg10[%dma_start3A_2100, %dma_start3A_2110, %dma_start3A_2111] : memref<8x32x128xf32, #tpu.memory_space<vmem>> -> memref<1x32x128xf32, #tpu.memory_space<vmem>>
        %dma_start3A_2113 = tpu.memref_squeeze %dma_start3A_2112 : memref<1x32x128xf32, #tpu.memory_space<vmem>> -> memref<32x128xf32, #tpu.memory_space<vmem>>
        %dma_start3A_2114 = arith.constant 0 : i32
        %dma_start3A_2115 = tpu.memref_slice %arg5[%dma_start3A_2114, %multiple_of3A_2083] : memref<32x1000000xf32, #tpu.memory_space<hbm>> -> memref<32x128xf32, #tpu.memory_space<hbm>>
        tpu.enqueue_dma source(%dma_start3A_2115 : memref<32x128xf32, #tpu.memory_space<hbm>>) target(%dma_start3A_2113 : memref<32x128xf32, #tpu.memory_space<vmem>>) target_semaphore(%dma_start3A_2109 : memref<!tpu.dma_semaphore, #tpu.memory_space<semaphore_mem>>)
      } else {
      }
      %eq3A_1115 = arith.constant 6 : i32
      %eq3A_1116 = vector.broadcast %eq3A_1115 : i32 to vector<16xi32>
      %eq3A_1117 = arith.cmpi eq, %iota3A, %eq3A_1116 : vector<16xi32>
      %broadcast_in_dim3A_1118 = vector.broadcast %reduce_sum3A_1107 : f32 to vector<16xf32>
      %select_n3A_1119 = arith.select %eq3A_1117, %broadcast_in_dim3A_1118, %select_n3A_1016 : vector<16xi1>, vector<16xf32>
      %add3A_1120 = arith.constant 0 : i32
      %add3A_1121 = arith.addi %mul3A_406, %add3A_1120 : i32
      %add3A_1122 = arith.constant 7 : i32
      %add3A_1123 = arith.addi %add3A_1121, %add3A_1122 : i32
      %dma_wait3A_1124 = arith.constant 7 : i32
      %dma_wait3A_1125 = arith.constant 7 : i32
      %dma_wait3A_1126 = arith.constant 0 : i32
      %dma_wait3A_1127 = arith.constant 0 : i32
      %dma_wait3A_1128 = tpu.memref_slice %arg9[%dma_wait3A_1124, %dma_wait3A_1126, %dma_wait3A_1127] : memref<8x32x128xf32, #tpu.memory_space<vmem>> -> memref<1x32x128xf32, #tpu.memory_space<vmem>>
      %dma_wait3A_1129 = tpu.memref_squeeze %dma_wait3A_1128 : memref<1x32x128xf32, #tpu.memory_space<vmem>> -> memref<32x128xf32, #tpu.memory_space<vmem>>
      %dma_wait3A_1130 = arith.constant 0 : i32
      %dma_wait3A_1131 = arith.constant 0 : i32
      %dma_wait3A_1132 = tpu.memref_slice %arg4[%dma_wait3A_1130, %dma_wait3A_1131] : memref<32x1000000xf32, #tpu.memory_space<hbm>> -> memref<32x128xf32, #tpu.memory_space<hbm>>
      %dma_wait3A_1133 = tpu.memref_slice %arg12[%dma_wait3A_1125] : memref<8x!tpu.dma_semaphore, #tpu.memory_space<semaphore_mem>> -> memref<1x!tpu.dma_semaphore, #tpu.memory_space<semaphore_mem>>
      %dma_wait3A_1134 = tpu.memref_squeeze %dma_wait3A_1133 : memref<1x!tpu.dma_semaphore, #tpu.memory_space<semaphore_mem>> -> memref<!tpu.dma_semaphore, #tpu.memory_space<semaphore_mem>>
      %dma_wait3A_1135 = arith.constant 0 : i32
      %dma_wait3A_1136 = arith.constant 0 : i32
      %dma_wait3A_1137 = tpu.memref_slice %arg9[%dma_wait3A_1124, %dma_wait3A_1135, %dma_wait3A_1136] : memref<8x32x128xf32, #tpu.memory_space<vmem>> -> memref<1x32x128xf32, #tpu.memory_space<vmem>>
      %dma_wait3A_1138 = tpu.memref_squeeze %dma_wait3A_1137 : memref<1x32x128xf32, #tpu.memory_space<vmem>> -> memref<32x128xf32, #tpu.memory_space<vmem>>
      %dma_wait3A_1139 = arith.constant 0 : i32
      %dma_wait3A_1140 = arith.constant 0 : i32
      %dma_wait3A_1141 = tpu.memref_slice %arg4[%dma_wait3A_1139, %dma_wait3A_1140] : memref<32x1000000xf32, #tpu.memory_space<hbm>> -> memref<32x128xf32, #tpu.memory_space<hbm>>
      tpu.wait_dma2 semaphore(%dma_wait3A_1134 : memref<!tpu.dma_semaphore, #tpu.memory_space<semaphore_mem>>) src(%dma_wait3A_1141 : memref<32x128xf32, #tpu.memory_space<hbm>>) dst(%dma_wait3A_1138 : memref<32x128xf32, #tpu.memory_space<vmem>>)
      %dma_wait3A_1142 = arith.constant 7 : i32
      %dma_wait3A_1143 = arith.constant 7 : i32
      %dma_wait3A_1144 = arith.constant 0 : i32
      %dma_wait3A_1145 = arith.constant 0 : i32
      %dma_wait3A_1146 = tpu.memref_slice %arg10[%dma_wait3A_1142, %dma_wait3A_1144, %dma_wait3A_1145] : memref<8x32x128xf32, #tpu.memory_space<vmem>> -> memref<1x32x128xf32, #tpu.memory_space<vmem>>
      %dma_wait3A_1147 = tpu.memref_squeeze %dma_wait3A_1146 : memref<1x32x128xf32, #tpu.memory_space<vmem>> -> memref<32x128xf32, #tpu.memory_space<vmem>>
      %dma_wait3A_1148 = arith.constant 0 : i32
      %dma_wait3A_1149 = arith.constant 0 : i32
      %dma_wait3A_1150 = tpu.memref_slice %arg5[%dma_wait3A_1148, %dma_wait3A_1149] : memref<32x1000000xf32, #tpu.memory_space<hbm>> -> memref<32x128xf32, #tpu.memory_space<hbm>>
      %dma_wait3A_1151 = tpu.memref_slice %arg13[%dma_wait3A_1143] : memref<8x!tpu.dma_semaphore, #tpu.memory_space<semaphore_mem>> -> memref<1x!tpu.dma_semaphore, #tpu.memory_space<semaphore_mem>>
      %dma_wait3A_1152 = tpu.memref_squeeze %dma_wait3A_1151 : memref<1x!tpu.dma_semaphore, #tpu.memory_space<semaphore_mem>> -> memref<!tpu.dma_semaphore, #tpu.memory_space<semaphore_mem>>
      %dma_wait3A_1153 = arith.constant 0 : i32
      %dma_wait3A_1154 = arith.constant 0 : i32
      %dma_wait3A_1155 = tpu.memref_slice %arg10[%dma_wait3A_1142, %dma_wait3A_1153, %dma_wait3A_1154] : memref<8x32x128xf32, #tpu.memory_space<vmem>> -> memref<1x32x128xf32, #tpu.memory_space<vmem>>
      %dma_wait3A_1156 = tpu.memref_squeeze %dma_wait3A_1155 : memref<1x32x128xf32, #tpu.memory_space<vmem>> -> memref<32x128xf32, #tpu.memory_space<vmem>>
      %dma_wait3A_1157 = arith.constant 0 : i32
      %dma_wait3A_1158 = arith.constant 0 : i32
      %dma_wait3A_1159 = tpu.memref_slice %arg5[%dma_wait3A_1157, %dma_wait3A_1158] : memref<32x1000000xf32, #tpu.memory_space<hbm>> -> memref<32x128xf32, #tpu.memory_space<hbm>>
      tpu.wait_dma2 semaphore(%dma_wait3A_1152 : memref<!tpu.dma_semaphore, #tpu.memory_space<semaphore_mem>>) src(%dma_wait3A_1159 : memref<32x128xf32, #tpu.memory_space<hbm>>) dst(%dma_wait3A_1156 : memref<32x128xf32, #tpu.memory_space<vmem>>)
      %get3A_1160 = arith.index_cast %mul3A_406 : i32 to index
      %get3A_1161 = tpu.vector_load %arg7[%get3A_1160] {strides = array<i32>} : memref<512xi32, #tpu.memory_space<vmem>>, vector<16xi32>,
      %slice3A_1162 = vector.extract_strided_slice %get3A_1161 {offsets = [7], sizes = [1], strides = [1]} : vector<16xi32> to vector<1xi32>
      %squeeze3A_1163 = vector.extract %slice3A_1162[0] : i32 from vector<1xi32>
      %and3A_1164 = arith.constant 127 : i32
      %and3A_1165 = arith.andi %squeeze3A_1163, %and3A_1164 : i32
      %broadcast_in_dim3A_1166 = vector.broadcast %and3A_1165 : i32 to vector<16xi32>
      %get3A_1167 = arith.index_cast %mul3A_406 : i32 to index
      %get3A_1168 = tpu.vector_load %arg8[%get3A_1167] {strides = array<i32>} : memref<512xi32, #tpu.memory_space<vmem>>, vector<16xi32>,
      %slice3A_1169 = vector.extract_strided_slice %get3A_1168 {offsets = [7], sizes = [1], strides = [1]} : vector<16xi32> to vector<1xi32>
      %squeeze3A_1170 = vector.extract %slice3A_1169[0] : i32 from vector<1xi32>
      %and3A_1171 = arith.constant 127 : i32
      %and3A_1172 = arith.andi %squeeze3A_1170, %and3A_1171 : i32
      %broadcast_in_dim3A_1173 = vector.broadcast %and3A_1172 : i32 to vector<16xi32>
      %gather3A_1174 = arith.constant 7 : i32
      %gather3A_1175 = arith.constant 0 : i32
      %gather3A_1176 = arith.constant 0 : i32
      %gather3A_1177 = tpu.memref_slice %arg9[%gather3A_1174, %gather3A_1175, %gather3A_1176] : memref<8x32x128xf32, #tpu.memory_space<vmem>> -> memref<1x32x128xf32, #tpu.memory_space<vmem>>
      %gather3A_1178 = tpu.memref_squeeze %gather3A_1177 : memref<1x32x128xf32, #tpu.memory_space<vmem>> -> memref<32x128xf32, #tpu.memory_space<vmem>>
      %gather3A_1179 = tpu.vector_load_idx %gather3A_1178[%iota3A, %broadcast_in_dim3A_1166] : memref<32x128xf32, #tpu.memory_space<vmem>>[vector<16xi32>, vector<16xi32>], vector<16xf32>,
      %add3A_1180 = arith.constant 16 : i32
      %add3A_1181 = vector.broadcast %add3A_1180 : i32 to vector<16xi32>
      %add3A_1182 = arith.addi %iota3A, %add3A_1181 : vector<16xi32>
      %gather3A_1183 = arith.constant 7 : i32
      %gather3A_1184 = arith.constant 0 : i32
      %gather3A_1185 = arith.constant 0 : i32
      %gather3A_1186 = tpu.memref_slice %arg9[%gather3A_1183, %gather3A_1184, %gather3A_1185] : memref<8x32x128xf32, #tpu.memory_space<vmem>> -> memref<1x32x128xf32, #tpu.memory_space<vmem>>
      %gather3A_1187 = tpu.memref_squeeze %gather3A_1186 : memref<1x32x128xf32, #tpu.memory_space<vmem>> -> memref<32x128xf32, #tpu.memory_space<vmem>>
      %gather3A_1188 = tpu.vector_load_idx %gather3A_1187[%add3A_1182, %broadcast_in_dim3A_1166] : memref<32x128xf32, #tpu.memory_space<vmem>>[vector<16xi32>, vector<16xi32>], vector<16xf32>,
      %gather3A_1189 = arith.constant 7 : i32
      %gather3A_1190 = arith.constant 0 : i32
      %gather3A_1191 = arith.constant 0 : i32
      %gather3A_1192 = tpu.memref_slice %arg10[%gather3A_1189, %gather3A_1190, %gather3A_1191] : memref<8x32x128xf32, #tpu.memory_space<vmem>> -> memref<1x32x128xf32, #tpu.memory_space<vmem>>
      %gather3A_1193 = tpu.memref_squeeze %gather3A_1192 : memref<1x32x128xf32, #tpu.memory_space<vmem>> -> memref<32x128xf32, #tpu.memory_space<vmem>>
      %gather3A_1194 = tpu.vector_load_idx %gather3A_1193[%iota3A, %broadcast_in_dim3A_1173] : memref<32x128xf32, #tpu.memory_space<vmem>>[vector<16xi32>, vector<16xi32>], vector<16xf32>,
      %add3A_1195 = arith.constant 16 : i32
      %add3A_1196 = vector.broadcast %add3A_1195 : i32 to vector<16xi32>
      %add3A_1197 = arith.addi %iota3A, %add3A_1196 : vector<16xi32>
      %gather3A_1198 = arith.constant 7 : i32
      %gather3A_1199 = arith.constant 0 : i32
      %gather3A_1200 = arith.constant 0 : i32
      %gather3A_1201 = tpu.memref_slice %arg10[%gather3A_1198, %gather3A_1199, %gather3A_1200] : memref<8x32x128xf32, #tpu.memory_space<vmem>> -> memref<1x32x128xf32, #tpu.memory_space<vmem>>
      %gather3A_1202 = tpu.memref_squeeze %gather3A_1201 : memref<1x32x128xf32, #tpu.memory_space<vmem>> -> memref<32x128xf32, #tpu.memory_space<vmem>>
      %gather3A_1203 = tpu.vector_load_idx %gather3A_1202[%add3A_1197, %broadcast_in_dim3A_1173] : memref<32x128xf32, #tpu.memory_space<vmem>>[vector<16xi32>, vector<16xi32>], vector<16xf32>,
      %mul3A_1204 = arith.mulf %gather3A_1179, %gather3A_1194 : vector<16xf32>
      %mul3A_1205 = arith.mulf %gather3A_1188, %gather3A_1203 : vector<16xf32>
      %add3A_1206 = arith.addf %mul3A_1204, %mul3A_1205 : vector<16xf32>
      %reduce_sum3A_1207 = arith.constant true
      %reduce_sum3A_1208 = vector.broadcast %reduce_sum3A_1207 : i1 to vector<16xi1>
      %reduce_sum3A_1209 = tpu.scan <sum>, %add3A_1206 masked %reduce_sum3A_1208 : vector<16xf32>, vector<16xi1> -> vector<16xf32>
      %reduce_sum3A_1210 = vector.extract %reduce_sum3A_1209[15] : f32 from vector<16xf32>
      %add3A_1211 = arith.constant 8 : i32
      %add3A_1212 = arith.addi %add3A_1123, %add3A_1211 : i32
      %lt3A_1213 = arith.constant 512 : i32
      %lt3A_1214 = arith.cmpi slt, %add3A_1212, %lt3A_1213 : i32
      %convert_element_type3A_1215 = arith.extui %lt3A_1214 : i1 to i32
      %cond3A_1216 = arith.constant 0 : i32
      %cond3A_1217 = arith.cmpi ne, %convert_element_type3A_1215, %cond3A_1216 : i32
      scf.if %cond3A_1217 {
        %get3A_2066 = arith.index_cast %mul3A_406 : i32 to index
        %get3A_2067 = tpu.vector_load %arg7[%get3A_2066] {strides = array<i32>} : memref<512xi32, #tpu.memory_space<vmem>>, vector<16xi32>,
        %slice3A_2068 = vector.extract_strided_slice %get3A_2067 {offsets = [15], sizes = [1], strides = [1]} : vector<16xi32> to vector<1xi32>
        %squeeze3A_2069 = vector.extract %slice3A_2068[0] : i32 from vector<1xi32>
        %get3A_2070 = arith.index_cast %mul3A_406 : i32 to index
        %get3A_2071 = tpu.vector_load %arg8[%get3A_2070] {strides = array<i32>} : memref<512xi32, #tpu.memory_space<vmem>>, vector<16xi32>,
        %slice3A_2072 = vector.extract_strided_slice %get3A_2071 {offsets = [15], sizes = [1], strides = [1]} : vector<16xi32> to vector<1xi32>
        %squeeze3A_2073 = vector.extract %slice3A_2072[0] : i32 from vector<1xi32>
        %shift_right_arithmetic3A_2074 = arith.constant 7 : i32
        %shift_right_arithmetic3A_2075 = arith.shrsi %squeeze3A_2069, %shift_right_arithmetic3A_2074 : i32
        %mul3A_2076 = arith.constant 128 : i32
        %mul3A_2077 = arith.muli %shift_right_arithmetic3A_2075, %mul3A_2076 : i32
        %multiple_of3A_2078 = tpu.assume_multiple %mul3A_2077, 128 : i32
        %shift_right_arithmetic3A_2079 = arith.constant 7 : i32
        %shift_right_arithmetic3A_2080 = arith.shrsi %squeeze3A_2073, %shift_right_arithmetic3A_2079 : i32
        %mul3A_2081 = arith.constant 128 : i32
        %mul3A_2082 = arith.muli %shift_right_arithmetic3A_2080, %mul3A_2081 : i32
        %multiple_of3A_2083 = tpu.assume_multiple %mul3A_2082, 128 : i32
        %dma_start3A_2084 = arith.constant 7 : i32
        %dma_start3A_2085 = arith.constant 7 : i32
        %dma_start3A_2086 = arith.constant 0 : i32
        %dma_start3A_2087 = arith.constant 0 : i32
        %dma_start3A_2088 = tpu.memref_slice %arg9[%dma_start3A_2084, %dma_start3A_2086, %dma_start3A_2087] : memref<8x32x128xf32, #tpu.memory_space<vmem>> -> memref<1x32x128xf32, #tpu.memory_space<vmem>>
        %dma_start3A_2089 = tpu.memref_squeeze %dma_start3A_2088 : memref<1x32x128xf32, #tpu.memory_space<vmem>> -> memref<32x128xf32, #tpu.memory_space<vmem>>
        %dma_start3A_2090 = arith.constant 0 : i32
        %dma_start3A_2091 = tpu.memref_slice %arg4[%dma_start3A_2090, %multiple_of3A_2078] : memref<32x1000000xf32, #tpu.memory_space<hbm>> -> memref<32x128xf32, #tpu.memory_space<hbm>>
        %dma_start3A_2092 = tpu.memref_slice %arg12[%dma_start3A_2085] : memref<8x!tpu.dma_semaphore, #tpu.memory_space<semaphore_mem>> -> memref<1x!tpu.dma_semaphore, #tpu.memory_space<semaphore_mem>>
        %dma_start3A_2093 = tpu.memref_squeeze %dma_start3A_2092 : memref<1x!tpu.dma_semaphore, #tpu.memory_space<semaphore_mem>> -> memref<!tpu.dma_semaphore, #tpu.memory_space<semaphore_mem>>
        %dma_start3A_2094 = arith.constant 0 : i32
        %dma_start3A_2095 = arith.constant 0 : i32
        %dma_start3A_2096 = tpu.memref_slice %arg9[%dma_start3A_2084, %dma_start3A_2094, %dma_start3A_2095] : memref<8x32x128xf32, #tpu.memory_space<vmem>> -> memref<1x32x128xf32, #tpu.memory_space<vmem>>
        %dma_start3A_2097 = tpu.memref_squeeze %dma_start3A_2096 : memref<1x32x128xf32, #tpu.memory_space<vmem>> -> memref<32x128xf32, #tpu.memory_space<vmem>>
        %dma_start3A_2098 = arith.constant 0 : i32
        %dma_start3A_2099 = tpu.memref_slice %arg4[%dma_start3A_2098, %multiple_of3A_2078] : memref<32x1000000xf32, #tpu.memory_space<hbm>> -> memref<32x128xf32, #tpu.memory_space<hbm>>
        tpu.enqueue_dma source(%dma_start3A_2099 : memref<32x128xf32, #tpu.memory_space<hbm>>) target(%dma_start3A_2097 : memref<32x128xf32, #tpu.memory_space<vmem>>) target_semaphore(%dma_start3A_2093 : memref<!tpu.dma_semaphore, #tpu.memory_space<semaphore_mem>>)
        %dma_start3A_2100 = arith.constant 7 : i32
        %dma_start3A_2101 = arith.constant 7 : i32
        %dma_start3A_2102 = arith.constant 0 : i32
        %dma_start3A_2103 = arith.constant 0 : i32
        %dma_start3A_2104 = tpu.memref_slice %arg10[%dma_start3A_2100, %dma_start3A_2102, %dma_start3A_2103] : memref<8x32x128xf32, #tpu.memory_space<vmem>> -> memref<1x32x128xf32, #tpu.memory_space<vmem>>
        %dma_start3A_2105 = tpu.memref_squeeze %dma_start3A_2104 : memref<1x32x128xf32, #tpu.memory_space<vmem>> -> memref<32x128xf32, #tpu.memory_space<vmem>>
        %dma_start3A_2106 = arith.constant 0 : i32
        %dma_start3A_2107 = tpu.memref_slice %arg5[%dma_start3A_2106, %multiple_of3A_2083] : memref<32x1000000xf32, #tpu.memory_space<hbm>> -> memref<32x128xf32, #tpu.memory_space<hbm>>
        %dma_start3A_2108 = tpu.memref_slice %arg13[%dma_start3A_2101] : memref<8x!tpu.dma_semaphore, #tpu.memory_space<semaphore_mem>> -> memref<1x!tpu.dma_semaphore, #tpu.memory_space<semaphore_mem>>
        %dma_start3A_2109 = tpu.memref_squeeze %dma_start3A_2108 : memref<1x!tpu.dma_semaphore, #tpu.memory_space<semaphore_mem>> -> memref<!tpu.dma_semaphore, #tpu.memory_space<semaphore_mem>>
        %dma_start3A_2110 = arith.constant 0 : i32
        %dma_start3A_2111 = arith.constant 0 : i32
        %dma_start3A_2112 = tpu.memref_slice %arg10[%dma_start3A_2100, %dma_start3A_2110, %dma_start3A_2111] : memref<8x32x128xf32, #tpu.memory_space<vmem>> -> memref<1x32x128xf32, #tpu.memory_space<vmem>>
        %dma_start3A_2113 = tpu.memref_squeeze %dma_start3A_2112 : memref<1x32x128xf32, #tpu.memory_space<vmem>> -> memref<32x128xf32, #tpu.memory_space<vmem>>
        %dma_start3A_2114 = arith.constant 0 : i32
        %dma_start3A_2115 = tpu.memref_slice %arg5[%dma_start3A_2114, %multiple_of3A_2083] : memref<32x1000000xf32, #tpu.memory_space<hbm>> -> memref<32x128xf32, #tpu.memory_space<hbm>>
        tpu.enqueue_dma source(%dma_start3A_2115 : memref<32x128xf32, #tpu.memory_space<hbm>>) target(%dma_start3A_2113 : memref<32x128xf32, #tpu.memory_space<vmem>>) target_semaphore(%dma_start3A_2109 : memref<!tpu.dma_semaphore, #tpu.memory_space<semaphore_mem>>)
      } else {
      }
      %eq3A_1218 = arith.constant 7 : i32
      %eq3A_1219 = vector.broadcast %eq3A_1218 : i32 to vector<16xi32>
      %eq3A_1220 = arith.cmpi eq, %iota3A, %eq3A_1219 : vector<16xi32>
      %broadcast_in_dim3A_1221 = vector.broadcast %reduce_sum3A_1210 : f32 to vector<16xf32>
      %select_n3A_1222 = arith.select %eq3A_1220, %broadcast_in_dim3A_1221, %select_n3A_1119 : vector<16xi1>, vector<16xf32>
      %add3A_1223 = arith.constant 8 : i32
      %add3A_1224 = arith.addi %mul3A_406, %add3A_1223 : i32
      %add3A_1225 = arith.constant 0 : i32
      %add3A_1226 = arith.addi %add3A_1224, %add3A_1225 : i32
      %dma_wait3A_1227 = arith.constant 0 : i32
      %dma_wait3A_1228 = arith.constant 0 : i32
      %dma_wait3A_1229 = arith.constant 0 : i32
      %dma_wait3A_1230 = arith.constant 0 : i32
      %dma_wait3A_1231 = tpu.memref_slice %arg9[%dma_wait3A_1227, %dma_wait3A_1229, %dma_wait3A_1230] : memref<8x32x128xf32, #tpu.memory_space<vmem>> -> memref<1x32x128xf32, #tpu.memory_space<vmem>>
      %dma_wait3A_1232 = tpu.memref_squeeze %dma_wait3A_1231 : memref<1x32x128xf32, #tpu.memory_space<vmem>> -> memref<32x128xf32, #tpu.memory_space<vmem>>
      %dma_wait3A_1233 = arith.constant 0 : i32
      %dma_wait3A_1234 = arith.constant 0 : i32
      %dma_wait3A_1235 = tpu.memref_slice %arg4[%dma_wait3A_1233, %dma_wait3A_1234] : memref<32x1000000xf32, #tpu.memory_space<hbm>> -> memref<32x128xf32, #tpu.memory_space<hbm>>
      %dma_wait3A_1236 = tpu.memref_slice %arg12[%dma_wait3A_1228] : memref<8x!tpu.dma_semaphore, #tpu.memory_space<semaphore_mem>> -> memref<1x!tpu.dma_semaphore, #tpu.memory_space<semaphore_mem>>
      %dma_wait3A_1237 = tpu.memref_squeeze %dma_wait3A_1236 : memref<1x!tpu.dma_semaphore, #tpu.memory_space<semaphore_mem>> -> memref<!tpu.dma_semaphore, #tpu.memory_space<semaphore_mem>>
      %dma_wait3A_1238 = arith.constant 0 : i32
      %dma_wait3A_1239 = arith.constant 0 : i32
      %dma_wait3A_1240 = tpu.memref_slice %arg9[%dma_wait3A_1227, %dma_wait3A_1238, %dma_wait3A_1239] : memref<8x32x128xf32, #tpu.memory_space<vmem>> -> memref<1x32x128xf32, #tpu.memory_space<vmem>>
      %dma_wait3A_1241 = tpu.memref_squeeze %dma_wait3A_1240 : memref<1x32x128xf32, #tpu.memory_space<vmem>> -> memref<32x128xf32, #tpu.memory_space<vmem>>
      %dma_wait3A_1242 = arith.constant 0 : i32
      %dma_wait3A_1243 = arith.constant 0 : i32
      %dma_wait3A_1244 = tpu.memref_slice %arg4[%dma_wait3A_1242, %dma_wait3A_1243] : memref<32x1000000xf32, #tpu.memory_space<hbm>> -> memref<32x128xf32, #tpu.memory_space<hbm>>
      tpu.wait_dma2 semaphore(%dma_wait3A_1237 : memref<!tpu.dma_semaphore, #tpu.memory_space<semaphore_mem>>) src(%dma_wait3A_1244 : memref<32x128xf32, #tpu.memory_space<hbm>>) dst(%dma_wait3A_1241 : memref<32x128xf32, #tpu.memory_space<vmem>>)
      %dma_wait3A_1245 = arith.constant 0 : i32
      %dma_wait3A_1246 = arith.constant 0 : i32
      %dma_wait3A_1247 = arith.constant 0 : i32
      %dma_wait3A_1248 = arith.constant 0 : i32
      %dma_wait3A_1249 = tpu.memref_slice %arg10[%dma_wait3A_1245, %dma_wait3A_1247, %dma_wait3A_1248] : memref<8x32x128xf32, #tpu.memory_space<vmem>> -> memref<1x32x128xf32, #tpu.memory_space<vmem>>
      %dma_wait3A_1250 = tpu.memref_squeeze %dma_wait3A_1249 : memref<1x32x128xf32, #tpu.memory_space<vmem>> -> memref<32x128xf32, #tpu.memory_space<vmem>>
      %dma_wait3A_1251 = arith.constant 0 : i32
      %dma_wait3A_1252 = arith.constant 0 : i32
      %dma_wait3A_1253 = tpu.memref_slice %arg5[%dma_wait3A_1251, %dma_wait3A_1252] : memref<32x1000000xf32, #tpu.memory_space<hbm>> -> memref<32x128xf32, #tpu.memory_space<hbm>>
      %dma_wait3A_1254 = tpu.memref_slice %arg13[%dma_wait3A_1246] : memref<8x!tpu.dma_semaphore, #tpu.memory_space<semaphore_mem>> -> memref<1x!tpu.dma_semaphore, #tpu.memory_space<semaphore_mem>>
      %dma_wait3A_1255 = tpu.memref_squeeze %dma_wait3A_1254 : memref<1x!tpu.dma_semaphore, #tpu.memory_space<semaphore_mem>> -> memref<!tpu.dma_semaphore, #tpu.memory_space<semaphore_mem>>
      %dma_wait3A_1256 = arith.constant 0 : i32
      %dma_wait3A_1257 = arith.constant 0 : i32
      %dma_wait3A_1258 = tpu.memref_slice %arg10[%dma_wait3A_1245, %dma_wait3A_1256, %dma_wait3A_1257] : memref<8x32x128xf32, #tpu.memory_space<vmem>> -> memref<1x32x128xf32, #tpu.memory_space<vmem>>
      %dma_wait3A_1259 = tpu.memref_squeeze %dma_wait3A_1258 : memref<1x32x128xf32, #tpu.memory_space<vmem>> -> memref<32x128xf32, #tpu.memory_space<vmem>>
      %dma_wait3A_1260 = arith.constant 0 : i32
      %dma_wait3A_1261 = arith.constant 0 : i32
      %dma_wait3A_1262 = tpu.memref_slice %arg5[%dma_wait3A_1260, %dma_wait3A_1261] : memref<32x1000000xf32, #tpu.memory_space<hbm>> -> memref<32x128xf32, #tpu.memory_space<hbm>>
      tpu.wait_dma2 semaphore(%dma_wait3A_1255 : memref<!tpu.dma_semaphore, #tpu.memory_space<semaphore_mem>>) src(%dma_wait3A_1262 : memref<32x128xf32, #tpu.memory_space<hbm>>) dst(%dma_wait3A_1259 : memref<32x128xf32, #tpu.memory_space<vmem>>)
      %get3A_1263 = arith.index_cast %mul3A_406 : i32 to index
      %get3A_1264 = tpu.vector_load %arg7[%get3A_1263] {strides = array<i32>} : memref<512xi32, #tpu.memory_space<vmem>>, vector<16xi32>,
      %slice3A_1265 = vector.extract_strided_slice %get3A_1264 {offsets = [8], sizes = [1], strides = [1]} : vector<16xi32> to vector<1xi32>
      %squeeze3A_1266 = vector.extract %slice3A_1265[0] : i32 from vector<1xi32>
      %and3A_1267 = arith.constant 127 : i32
      %and3A_1268 = arith.andi %squeeze3A_1266, %and3A_1267 : i32
      %broadcast_in_dim3A_1269 = vector.broadcast %and3A_1268 : i32 to vector<16xi32>
      %get3A_1270 = arith.index_cast %mul3A_406 : i32 to index
      %get3A_1271 = tpu.vector_load %arg8[%get3A_1270] {strides = array<i32>} : memref<512xi32, #tpu.memory_space<vmem>>, vector<16xi32>,
      %slice3A_1272 = vector.extract_strided_slice %get3A_1271 {offsets = [8], sizes = [1], strides = [1]} : vector<16xi32> to vector<1xi32>
      %squeeze3A_1273 = vector.extract %slice3A_1272[0] : i32 from vector<1xi32>
      %and3A_1274 = arith.constant 127 : i32
      %and3A_1275 = arith.andi %squeeze3A_1273, %and3A_1274 : i32
      %broadcast_in_dim3A_1276 = vector.broadcast %and3A_1275 : i32 to vector<16xi32>
      %gather3A_1277 = arith.constant 0 : i32
      %gather3A_1278 = arith.constant 0 : i32
      %gather3A_1279 = arith.constant 0 : i32
      %gather3A_1280 = tpu.memref_slice %arg9[%gather3A_1277, %gather3A_1278, %gather3A_1279] : memref<8x32x128xf32, #tpu.memory_space<vmem>> -> memref<1x32x128xf32, #tpu.memory_space<vmem>>
      %gather3A_1281 = tpu.memref_squeeze %gather3A_1280 : memref<1x32x128xf32, #tpu.memory_space<vmem>> -> memref<32x128xf32, #tpu.memory_space<vmem>>
      %gather3A_1282 = tpu.vector_load_idx %gather3A_1281[%iota3A, %broadcast_in_dim3A_1269] : memref<32x128xf32, #tpu.memory_space<vmem>>[vector<16xi32>, vector<16xi32>], vector<16xf32>,
      %add3A_1283 = arith.constant 16 : i32
      %add3A_1284 = vector.broadcast %add3A_1283 : i32 to vector<16xi32>
      %add3A_1285 = arith.addi %iota3A, %add3A_1284 : vector<16xi32>
      %gather3A_1286 = arith.constant 0 : i32
      %gather3A_1287 = arith.constant 0 : i32
      %gather3A_1288 = arith.constant 0 : i32
      %gather3A_1289 = tpu.memref_slice %arg9[%gather3A_1286, %gather3A_1287, %gather3A_1288] : memref<8x32x128xf32, #tpu.memory_space<vmem>> -> memref<1x32x128xf32, #tpu.memory_space<vmem>>
      %gather3A_1290 = tpu.memref_squeeze %gather3A_1289 : memref<1x32x128xf32, #tpu.memory_space<vmem>> -> memref<32x128xf32, #tpu.memory_space<vmem>>
      %gather3A_1291 = tpu.vector_load_idx %gather3A_1290[%add3A_1285, %broadcast_in_dim3A_1269] : memref<32x128xf32, #tpu.memory_space<vmem>>[vector<16xi32>, vector<16xi32>], vector<16xf32>,
      %gather3A_1292 = arith.constant 0 : i32
      %gather3A_1293 = arith.constant 0 : i32
      %gather3A_1294 = arith.constant 0 : i32
      %gather3A_1295 = tpu.memref_slice %arg10[%gather3A_1292, %gather3A_1293, %gather3A_1294] : memref<8x32x128xf32, #tpu.memory_space<vmem>> -> memref<1x32x128xf32, #tpu.memory_space<vmem>>
      %gather3A_1296 = tpu.memref_squeeze %gather3A_1295 : memref<1x32x128xf32, #tpu.memory_space<vmem>> -> memref<32x128xf32, #tpu.memory_space<vmem>>
      %gather3A_1297 = tpu.vector_load_idx %gather3A_1296[%iota3A, %broadcast_in_dim3A_1276] : memref<32x128xf32, #tpu.memory_space<vmem>>[vector<16xi32>, vector<16xi32>], vector<16xf32>,
      %add3A_1298 = arith.constant 16 : i32
      %add3A_1299 = vector.broadcast %add3A_1298 : i32 to vector<16xi32>
      %add3A_1300 = arith.addi %iota3A, %add3A_1299 : vector<16xi32>
      %gather3A_1301 = arith.constant 0 : i32
      %gather3A_1302 = arith.constant 0 : i32
      %gather3A_1303 = arith.constant 0 : i32
      %gather3A_1304 = tpu.memref_slice %arg10[%gather3A_1301, %gather3A_1302, %gather3A_1303] : memref<8x32x128xf32, #tpu.memory_space<vmem>> -> memref<1x32x128xf32, #tpu.memory_space<vmem>>
      %gather3A_1305 = tpu.memref_squeeze %gather3A_1304 : memref<1x32x128xf32, #tpu.memory_space<vmem>> -> memref<32x128xf32, #tpu.memory_space<vmem>>
      %gather3A_1306 = tpu.vector_load_idx %gather3A_1305[%add3A_1300, %broadcast_in_dim3A_1276] : memref<32x128xf32, #tpu.memory_space<vmem>>[vector<16xi32>, vector<16xi32>], vector<16xf32>,
      %mul3A_1307 = arith.mulf %gather3A_1282, %gather3A_1297 : vector<16xf32>
      %mul3A_1308 = arith.mulf %gather3A_1291, %gather3A_1306 : vector<16xf32>
      %add3A_1309 = arith.addf %mul3A_1307, %mul3A_1308 : vector<16xf32>
      %reduce_sum3A_1310 = arith.constant true
      %reduce_sum3A_1311 = vector.broadcast %reduce_sum3A_1310 : i1 to vector<16xi1>
      %reduce_sum3A_1312 = tpu.scan <sum>, %add3A_1309 masked %reduce_sum3A_1311 : vector<16xf32>, vector<16xi1> -> vector<16xf32>
      %reduce_sum3A_1313 = vector.extract %reduce_sum3A_1312[15] : f32 from vector<16xf32>
      %add3A_1314 = arith.constant 16 : i32
      %add3A_1315 = arith.addi %mul3A_406, %add3A_1314 : i32
      %add3A_1316 = arith.constant 8 : i32
      %add3A_1317 = arith.addi %add3A_1226, %add3A_1316 : i32
      %lt3A_1318 = arith.constant 512 : i32
      %lt3A_1319 = arith.cmpi slt, %add3A_1317, %lt3A_1318 : i32
      %convert_element_type3A_1320 = arith.extui %lt3A_1319 : i1 to i32
      %cond3A_1321 = arith.constant 0 : i32
      %cond3A_1322 = arith.cmpi ne, %convert_element_type3A_1320, %cond3A_1321 : i32
      scf.if %cond3A_1322 {
        %get3A_2066 = arith.index_cast %add3A_1315 : i32 to index
        %get3A_2067 = tpu.vector_load %arg7[%get3A_2066] {strides = array<i32>} : memref<512xi32, #tpu.memory_space<vmem>>, vector<16xi32>,
        %slice3A_2068 = vector.extract_strided_slice %get3A_2067 {offsets = [0], sizes = [1], strides = [1]} : vector<16xi32> to vector<1xi32>
        %squeeze3A_2069 = vector.extract %slice3A_2068[0] : i32 from vector<1xi32>
        %get3A_2070 = arith.index_cast %add3A_1315 : i32 to index
        %get3A_2071 = tpu.vector_load %arg8[%get3A_2070] {strides = array<i32>} : memref<512xi32, #tpu.memory_space<vmem>>, vector<16xi32>,
        %slice3A_2072 = vector.extract_strided_slice %get3A_2071 {offsets = [0], sizes = [1], strides = [1]} : vector<16xi32> to vector<1xi32>
        %squeeze3A_2073 = vector.extract %slice3A_2072[0] : i32 from vector<1xi32>
        %shift_right_arithmetic3A_2074 = arith.constant 7 : i32
        %shift_right_arithmetic3A_2075 = arith.shrsi %squeeze3A_2069, %shift_right_arithmetic3A_2074 : i32
        %mul3A_2076 = arith.constant 128 : i32
        %mul3A_2077 = arith.muli %shift_right_arithmetic3A_2075, %mul3A_2076 : i32
        %multiple_of3A_2078 = tpu.assume_multiple %mul3A_2077, 128 : i32
        %shift_right_arithmetic3A_2079 = arith.constant 7 : i32
        %shift_right_arithmetic3A_2080 = arith.shrsi %squeeze3A_2073, %shift_right_arithmetic3A_2079 : i32
        %mul3A_2081 = arith.constant 128 : i32
        %mul3A_2082 = arith.muli %shift_right_arithmetic3A_2080, %mul3A_2081 : i32
        %multiple_of3A_2083 = tpu.assume_multiple %mul3A_2082, 128 : i32
        %dma_start3A_2084 = arith.constant 0 : i32
        %dma_start3A_2085 = arith.constant 0 : i32
        %dma_start3A_2086 = arith.constant 0 : i32
        %dma_start3A_2087 = arith.constant 0 : i32
        %dma_start3A_2088 = tpu.memref_slice %arg9[%dma_start3A_2084, %dma_start3A_2086, %dma_start3A_2087] : memref<8x32x128xf32, #tpu.memory_space<vmem>> -> memref<1x32x128xf32, #tpu.memory_space<vmem>>
        %dma_start3A_2089 = tpu.memref_squeeze %dma_start3A_2088 : memref<1x32x128xf32, #tpu.memory_space<vmem>> -> memref<32x128xf32, #tpu.memory_space<vmem>>
        %dma_start3A_2090 = arith.constant 0 : i32
        %dma_start3A_2091 = tpu.memref_slice %arg4[%dma_start3A_2090, %multiple_of3A_2078] : memref<32x1000000xf32, #tpu.memory_space<hbm>> -> memref<32x128xf32, #tpu.memory_space<hbm>>
        %dma_start3A_2092 = tpu.memref_slice %arg12[%dma_start3A_2085] : memref<8x!tpu.dma_semaphore, #tpu.memory_space<semaphore_mem>> -> memref<1x!tpu.dma_semaphore, #tpu.memory_space<semaphore_mem>>
        %dma_start3A_2093 = tpu.memref_squeeze %dma_start3A_2092 : memref<1x!tpu.dma_semaphore, #tpu.memory_space<semaphore_mem>> -> memref<!tpu.dma_semaphore, #tpu.memory_space<semaphore_mem>>
        %dma_start3A_2094 = arith.constant 0 : i32
        %dma_start3A_2095 = arith.constant 0 : i32
        %dma_start3A_2096 = tpu.memref_slice %arg9[%dma_start3A_2084, %dma_start3A_2094, %dma_start3A_2095] : memref<8x32x128xf32, #tpu.memory_space<vmem>> -> memref<1x32x128xf32, #tpu.memory_space<vmem>>
        %dma_start3A_2097 = tpu.memref_squeeze %dma_start3A_2096 : memref<1x32x128xf32, #tpu.memory_space<vmem>> -> memref<32x128xf32, #tpu.memory_space<vmem>>
        %dma_start3A_2098 = arith.constant 0 : i32
        %dma_start3A_2099 = tpu.memref_slice %arg4[%dma_start3A_2098, %multiple_of3A_2078] : memref<32x1000000xf32, #tpu.memory_space<hbm>> -> memref<32x128xf32, #tpu.memory_space<hbm>>
        tpu.enqueue_dma source(%dma_start3A_2099 : memref<32x128xf32, #tpu.memory_space<hbm>>) target(%dma_start3A_2097 : memref<32x128xf32, #tpu.memory_space<vmem>>) target_semaphore(%dma_start3A_2093 : memref<!tpu.dma_semaphore, #tpu.memory_space<semaphore_mem>>)
        %dma_start3A_2100 = arith.constant 0 : i32
        %dma_start3A_2101 = arith.constant 0 : i32
        %dma_start3A_2102 = arith.constant 0 : i32
        %dma_start3A_2103 = arith.constant 0 : i32
        %dma_start3A_2104 = tpu.memref_slice %arg10[%dma_start3A_2100, %dma_start3A_2102, %dma_start3A_2103] : memref<8x32x128xf32, #tpu.memory_space<vmem>> -> memref<1x32x128xf32, #tpu.memory_space<vmem>>
        %dma_start3A_2105 = tpu.memref_squeeze %dma_start3A_2104 : memref<1x32x128xf32, #tpu.memory_space<vmem>> -> memref<32x128xf32, #tpu.memory_space<vmem>>
        %dma_start3A_2106 = arith.constant 0 : i32
        %dma_start3A_2107 = tpu.memref_slice %arg5[%dma_start3A_2106, %multiple_of3A_2083] : memref<32x1000000xf32, #tpu.memory_space<hbm>> -> memref<32x128xf32, #tpu.memory_space<hbm>>
        %dma_start3A_2108 = tpu.memref_slice %arg13[%dma_start3A_2101] : memref<8x!tpu.dma_semaphore, #tpu.memory_space<semaphore_mem>> -> memref<1x!tpu.dma_semaphore, #tpu.memory_space<semaphore_mem>>
        %dma_start3A_2109 = tpu.memref_squeeze %dma_start3A_2108 : memref<1x!tpu.dma_semaphore, #tpu.memory_space<semaphore_mem>> -> memref<!tpu.dma_semaphore, #tpu.memory_space<semaphore_mem>>
        %dma_start3A_2110 = arith.constant 0 : i32
        %dma_start3A_2111 = arith.constant 0 : i32
        %dma_start3A_2112 = tpu.memref_slice %arg10[%dma_start3A_2100, %dma_start3A_2110, %dma_start3A_2111] : memref<8x32x128xf32, #tpu.memory_space<vmem>> -> memref<1x32x128xf32, #tpu.memory_space<vmem>>
        %dma_start3A_2113 = tpu.memref_squeeze %dma_start3A_2112 : memref<1x32x128xf32, #tpu.memory_space<vmem>> -> memref<32x128xf32, #tpu.memory_space<vmem>>
        %dma_start3A_2114 = arith.constant 0 : i32
        %dma_start3A_2115 = tpu.memref_slice %arg5[%dma_start3A_2114, %multiple_of3A_2083] : memref<32x1000000xf32, #tpu.memory_space<hbm>> -> memref<32x128xf32, #tpu.memory_space<hbm>>
        tpu.enqueue_dma source(%dma_start3A_2115 : memref<32x128xf32, #tpu.memory_space<hbm>>) target(%dma_start3A_2113 : memref<32x128xf32, #tpu.memory_space<vmem>>) target_semaphore(%dma_start3A_2109 : memref<!tpu.dma_semaphore, #tpu.memory_space<semaphore_mem>>)
      } else {
      }
      %eq3A_1323 = arith.constant 8 : i32
      %eq3A_1324 = vector.broadcast %eq3A_1323 : i32 to vector<16xi32>
      %eq3A_1325 = arith.cmpi eq, %iota3A, %eq3A_1324 : vector<16xi32>
      %broadcast_in_dim3A_1326 = vector.broadcast %reduce_sum3A_1313 : f32 to vector<16xf32>
      %select_n3A_1327 = arith.select %eq3A_1325, %broadcast_in_dim3A_1326, %select_n3A_1222 : vector<16xi1>, vector<16xf32>
      %add3A_1328 = arith.constant 8 : i32
      %add3A_1329 = arith.addi %mul3A_406, %add3A_1328 : i32
      %add3A_1330 = arith.constant 1 : i32
      %add3A_1331 = arith.addi %add3A_1329, %add3A_1330 : i32
      %dma_wait3A_1332 = arith.constant 1 : i32
      %dma_wait3A_1333 = arith.constant 1 : i32
      %dma_wait3A_1334 = arith.constant 0 : i32
      %dma_wait3A_1335 = arith.constant 0 : i32
      %dma_wait3A_1336 = tpu.memref_slice %arg9[%dma_wait3A_1332, %dma_wait3A_1334, %dma_wait3A_1335] : memref<8x32x128xf32, #tpu.memory_space<vmem>> -> memref<1x32x128xf32, #tpu.memory_space<vmem>>
      %dma_wait3A_1337 = tpu.memref_squeeze %dma_wait3A_1336 : memref<1x32x128xf32, #tpu.memory_space<vmem>> -> memref<32x128xf32, #tpu.memory_space<vmem>>
      %dma_wait3A_1338 = arith.constant 0 : i32
      %dma_wait3A_1339 = arith.constant 0 : i32
      %dma_wait3A_1340 = tpu.memref_slice %arg4[%dma_wait3A_1338, %dma_wait3A_1339] : memref<32x1000000xf32, #tpu.memory_space<hbm>> -> memref<32x128xf32, #tpu.memory_space<hbm>>
      %dma_wait3A_1341 = tpu.memref_slice %arg12[%dma_wait3A_1333] : memref<8x!tpu.dma_semaphore, #tpu.memory_space<semaphore_mem>> -> memref<1x!tpu.dma_semaphore, #tpu.memory_space<semaphore_mem>>
      %dma_wait3A_1342 = tpu.memref_squeeze %dma_wait3A_1341 : memref<1x!tpu.dma_semaphore, #tpu.memory_space<semaphore_mem>> -> memref<!tpu.dma_semaphore, #tpu.memory_space<semaphore_mem>>
      %dma_wait3A_1343 = arith.constant 0 : i32
      %dma_wait3A_1344 = arith.constant 0 : i32
      %dma_wait3A_1345 = tpu.memref_slice %arg9[%dma_wait3A_1332, %dma_wait3A_1343, %dma_wait3A_1344] : memref<8x32x128xf32, #tpu.memory_space<vmem>> -> memref<1x32x128xf32, #tpu.memory_space<vmem>>
      %dma_wait3A_1346 = tpu.memref_squeeze %dma_wait3A_1345 : memref<1x32x128xf32, #tpu.memory_space<vmem>> -> memref<32x128xf32, #tpu.memory_space<vmem>>
      %dma_wait3A_1347 = arith.constant 0 : i32
      %dma_wait3A_1348 = arith.constant 0 : i32
      %dma_wait3A_1349 = tpu.memref_slice %arg4[%dma_wait3A_1347, %dma_wait3A_1348] : memref<32x1000000xf32, #tpu.memory_space<hbm>> -> memref<32x128xf32, #tpu.memory_space<hbm>>
      tpu.wait_dma2 semaphore(%dma_wait3A_1342 : memref<!tpu.dma_semaphore, #tpu.memory_space<semaphore_mem>>) src(%dma_wait3A_1349 : memref<32x128xf32, #tpu.memory_space<hbm>>) dst(%dma_wait3A_1346 : memref<32x128xf32, #tpu.memory_space<vmem>>)
      %dma_wait3A_1350 = arith.constant 1 : i32
      %dma_wait3A_1351 = arith.constant 1 : i32
      %dma_wait3A_1352 = arith.constant 0 : i32
      %dma_wait3A_1353 = arith.constant 0 : i32
      %dma_wait3A_1354 = tpu.memref_slice %arg10[%dma_wait3A_1350, %dma_wait3A_1352, %dma_wait3A_1353] : memref<8x32x128xf32, #tpu.memory_space<vmem>> -> memref<1x32x128xf32, #tpu.memory_space<vmem>>
      %dma_wait3A_1355 = tpu.memref_squeeze %dma_wait3A_1354 : memref<1x32x128xf32, #tpu.memory_space<vmem>> -> memref<32x128xf32, #tpu.memory_space<vmem>>
      %dma_wait3A_1356 = arith.constant 0 : i32
      %dma_wait3A_1357 = arith.constant 0 : i32
      %dma_wait3A_1358 = tpu.memref_slice %arg5[%dma_wait3A_1356, %dma_wait3A_1357] : memref<32x1000000xf32, #tpu.memory_space<hbm>> -> memref<32x128xf32, #tpu.memory_space<hbm>>
      %dma_wait3A_1359 = tpu.memref_slice %arg13[%dma_wait3A_1351] : memref<8x!tpu.dma_semaphore, #tpu.memory_space<semaphore_mem>> -> memref<1x!tpu.dma_semaphore, #tpu.memory_space<semaphore_mem>>
      %dma_wait3A_1360 = tpu.memref_squeeze %dma_wait3A_1359 : memref<1x!tpu.dma_semaphore, #tpu.memory_space<semaphore_mem>> -> memref<!tpu.dma_semaphore, #tpu.memory_space<semaphore_mem>>
      %dma_wait3A_1361 = arith.constant 0 : i32
      %dma_wait3A_1362 = arith.constant 0 : i32
      %dma_wait3A_1363 = tpu.memref_slice %arg10[%dma_wait3A_1350, %dma_wait3A_1361, %dma_wait3A_1362] : memref<8x32x128xf32, #tpu.memory_space<vmem>> -> memref<1x32x128xf32, #tpu.memory_space<vmem>>
      %dma_wait3A_1364 = tpu.memref_squeeze %dma_wait3A_1363 : memref<1x32x128xf32, #tpu.memory_space<vmem>> -> memref<32x128xf32, #tpu.memory_space<vmem>>
      %dma_wait3A_1365 = arith.constant 0 : i32
      %dma_wait3A_1366 = arith.constant 0 : i32
      %dma_wait3A_1367 = tpu.memref_slice %arg5[%dma_wait3A_1365, %dma_wait3A_1366] : memref<32x1000000xf32, #tpu.memory_space<hbm>> -> memref<32x128xf32, #tpu.memory_space<hbm>>
      tpu.wait_dma2 semaphore(%dma_wait3A_1360 : memref<!tpu.dma_semaphore, #tpu.memory_space<semaphore_mem>>) src(%dma_wait3A_1367 : memref<32x128xf32, #tpu.memory_space<hbm>>) dst(%dma_wait3A_1364 : memref<32x128xf32, #tpu.memory_space<vmem>>)
      %get3A_1368 = arith.index_cast %mul3A_406 : i32 to index
      %get3A_1369 = tpu.vector_load %arg7[%get3A_1368] {strides = array<i32>} : memref<512xi32, #tpu.memory_space<vmem>>, vector<16xi32>,
      %slice3A_1370 = vector.extract_strided_slice %get3A_1369 {offsets = [9], sizes = [1], strides = [1]} : vector<16xi32> to vector<1xi32>
      %squeeze3A_1371 = vector.extract %slice3A_1370[0] : i32 from vector<1xi32>
      %and3A_1372 = arith.constant 127 : i32
      %and3A_1373 = arith.andi %squeeze3A_1371, %and3A_1372 : i32
      %broadcast_in_dim3A_1374 = vector.broadcast %and3A_1373 : i32 to vector<16xi32>
      %get3A_1375 = arith.index_cast %mul3A_406 : i32 to index
      %get3A_1376 = tpu.vector_load %arg8[%get3A_1375] {strides = array<i32>} : memref<512xi32, #tpu.memory_space<vmem>>, vector<16xi32>,
      %slice3A_1377 = vector.extract_strided_slice %get3A_1376 {offsets = [9], sizes = [1], strides = [1]} : vector<16xi32> to vector<1xi32>
      %squeeze3A_1378 = vector.extract %slice3A_1377[0] : i32 from vector<1xi32>
      %and3A_1379 = arith.constant 127 : i32
      %and3A_1380 = arith.andi %squeeze3A_1378, %and3A_1379 : i32
      %broadcast_in_dim3A_1381 = vector.broadcast %and3A_1380 : i32 to vector<16xi32>
      %gather3A_1382 = arith.constant 1 : i32
      %gather3A_1383 = arith.constant 0 : i32
      %gather3A_1384 = arith.constant 0 : i32
      %gather3A_1385 = tpu.memref_slice %arg9[%gather3A_1382, %gather3A_1383, %gather3A_1384] : memref<8x32x128xf32, #tpu.memory_space<vmem>> -> memref<1x32x128xf32, #tpu.memory_space<vmem>>
      %gather3A_1386 = tpu.memref_squeeze %gather3A_1385 : memref<1x32x128xf32, #tpu.memory_space<vmem>> -> memref<32x128xf32, #tpu.memory_space<vmem>>
      %gather3A_1387 = tpu.vector_load_idx %gather3A_1386[%iota3A, %broadcast_in_dim3A_1374] : memref<32x128xf32, #tpu.memory_space<vmem>>[vector<16xi32>, vector<16xi32>], vector<16xf32>,
      %add3A_1388 = arith.constant 16 : i32
      %add3A_1389 = vector.broadcast %add3A_1388 : i32 to vector<16xi32>
      %add3A_1390 = arith.addi %iota3A, %add3A_1389 : vector<16xi32>
      %gather3A_1391 = arith.constant 1 : i32
      %gather3A_1392 = arith.constant 0 : i32
      %gather3A_1393 = arith.constant 0 : i32
      %gather3A_1394 = tpu.memref_slice %arg9[%gather3A_1391, %gather3A_1392, %gather3A_1393] : memref<8x32x128xf32, #tpu.memory_space<vmem>> -> memref<1x32x128xf32, #tpu.memory_space<vmem>>
      %gather3A_1395 = tpu.memref_squeeze %gather3A_1394 : memref<1x32x128xf32, #tpu.memory_space<vmem>> -> memref<32x128xf32, #tpu.memory_space<vmem>>
      %gather3A_1396 = tpu.vector_load_idx %gather3A_1395[%add3A_1390, %broadcast_in_dim3A_1374] : memref<32x128xf32, #tpu.memory_space<vmem>>[vector<16xi32>, vector<16xi32>], vector<16xf32>,
      %gather3A_1397 = arith.constant 1 : i32
      %gather3A_1398 = arith.constant 0 : i32
      %gather3A_1399 = arith.constant 0 : i32
      %gather3A_1400 = tpu.memref_slice %arg10[%gather3A_1397, %gather3A_1398, %gather3A_1399] : memref<8x32x128xf32, #tpu.memory_space<vmem>> -> memref<1x32x128xf32, #tpu.memory_space<vmem>>
      %gather3A_1401 = tpu.memref_squeeze %gather3A_1400 : memref<1x32x128xf32, #tpu.memory_space<vmem>> -> memref<32x128xf32, #tpu.memory_space<vmem>>
      %gather3A_1402 = tpu.vector_load_idx %gather3A_1401[%iota3A, %broadcast_in_dim3A_1381] : memref<32x128xf32, #tpu.memory_space<vmem>>[vector<16xi32>, vector<16xi32>], vector<16xf32>,
      %add3A_1403 = arith.constant 16 : i32
      %add3A_1404 = vector.broadcast %add3A_1403 : i32 to vector<16xi32>
      %add3A_1405 = arith.addi %iota3A, %add3A_1404 : vector<16xi32>
      %gather3A_1406 = arith.constant 1 : i32
      %gather3A_1407 = arith.constant 0 : i32
      %gather3A_1408 = arith.constant 0 : i32
      %gather3A_1409 = tpu.memref_slice %arg10[%gather3A_1406, %gather3A_1407, %gather3A_1408] : memref<8x32x128xf32, #tpu.memory_space<vmem>> -> memref<1x32x128xf32, #tpu.memory_space<vmem>>
      %gather3A_1410 = tpu.memref_squeeze %gather3A_1409 : memref<1x32x128xf32, #tpu.memory_space<vmem>> -> memref<32x128xf32, #tpu.memory_space<vmem>>
      %gather3A_1411 = tpu.vector_load_idx %gather3A_1410[%add3A_1405, %broadcast_in_dim3A_1381] : memref<32x128xf32, #tpu.memory_space<vmem>>[vector<16xi32>, vector<16xi32>], vector<16xf32>,
      %mul3A_1412 = arith.mulf %gather3A_1387, %gather3A_1402 : vector<16xf32>
      %mul3A_1413 = arith.mulf %gather3A_1396, %gather3A_1411 : vector<16xf32>
      %add3A_1414 = arith.addf %mul3A_1412, %mul3A_1413 : vector<16xf32>
      %reduce_sum3A_1415 = arith.constant true
      %reduce_sum3A_1416 = vector.broadcast %reduce_sum3A_1415 : i1 to vector<16xi1>
      %reduce_sum3A_1417 = tpu.scan <sum>, %add3A_1414 masked %reduce_sum3A_1416 : vector<16xf32>, vector<16xi1> -> vector<16xf32>
      %reduce_sum3A_1418 = vector.extract %reduce_sum3A_1417[15] : f32 from vector<16xf32>
      %add3A_1419 = arith.constant 16 : i32
      %add3A_1420 = arith.addi %mul3A_406, %add3A_1419 : i32
      %add3A_1421 = arith.constant 8 : i32
      %add3A_1422 = arith.addi %add3A_1331, %add3A_1421 : i32
      %lt3A_1423 = arith.constant 512 : i32
      %lt3A_1424 = arith.cmpi slt, %add3A_1422, %lt3A_1423 : i32
      %convert_element_type3A_1425 = arith.extui %lt3A_1424 : i1 to i32
      %cond3A_1426 = arith.constant 0 : i32
      %cond3A_1427 = arith.cmpi ne, %convert_element_type3A_1425, %cond3A_1426 : i32
      scf.if %cond3A_1427 {
        %get3A_2066 = arith.index_cast %add3A_1420 : i32 to index
        %get3A_2067 = tpu.vector_load %arg7[%get3A_2066] {strides = array<i32>} : memref<512xi32, #tpu.memory_space<vmem>>, vector<16xi32>,
        %slice3A_2068 = vector.extract_strided_slice %get3A_2067 {offsets = [1], sizes = [1], strides = [1]} : vector<16xi32> to vector<1xi32>
        %squeeze3A_2069 = vector.extract %slice3A_2068[0] : i32 from vector<1xi32>
        %get3A_2070 = arith.index_cast %add3A_1420 : i32 to index
        %get3A_2071 = tpu.vector_load %arg8[%get3A_2070] {strides = array<i32>} : memref<512xi32, #tpu.memory_space<vmem>>, vector<16xi32>,
        %slice3A_2072 = vector.extract_strided_slice %get3A_2071 {offsets = [1], sizes = [1], strides = [1]} : vector<16xi32> to vector<1xi32>
        %squeeze3A_2073 = vector.extract %slice3A_2072[0] : i32 from vector<1xi32>
        %shift_right_arithmetic3A_2074 = arith.constant 7 : i32
        %shift_right_arithmetic3A_2075 = arith.shrsi %squeeze3A_2069, %shift_right_arithmetic3A_2074 : i32
        %mul3A_2076 = arith.constant 128 : i32
        %mul3A_2077 = arith.muli %shift_right_arithmetic3A_2075, %mul3A_2076 : i32
        %multiple_of3A_2078 = tpu.assume_multiple %mul3A_2077, 128 : i32
        %shift_right_arithmetic3A_2079 = arith.constant 7 : i32
        %shift_right_arithmetic3A_2080 = arith.shrsi %squeeze3A_2073, %shift_right_arithmetic3A_2079 : i32
        %mul3A_2081 = arith.constant 128 : i32
        %mul3A_2082 = arith.muli %shift_right_arithmetic3A_2080, %mul3A_2081 : i32
        %multiple_of3A_2083 = tpu.assume_multiple %mul3A_2082, 128 : i32
        %dma_start3A_2084 = arith.constant 1 : i32
        %dma_start3A_2085 = arith.constant 1 : i32
        %dma_start3A_2086 = arith.constant 0 : i32
        %dma_start3A_2087 = arith.constant 0 : i32
        %dma_start3A_2088 = tpu.memref_slice %arg9[%dma_start3A_2084, %dma_start3A_2086, %dma_start3A_2087] : memref<8x32x128xf32, #tpu.memory_space<vmem>> -> memref<1x32x128xf32, #tpu.memory_space<vmem>>
        %dma_start3A_2089 = tpu.memref_squeeze %dma_start3A_2088 : memref<1x32x128xf32, #tpu.memory_space<vmem>> -> memref<32x128xf32, #tpu.memory_space<vmem>>
        %dma_start3A_2090 = arith.constant 0 : i32
        %dma_start3A_2091 = tpu.memref_slice %arg4[%dma_start3A_2090, %multiple_of3A_2078] : memref<32x1000000xf32, #tpu.memory_space<hbm>> -> memref<32x128xf32, #tpu.memory_space<hbm>>
        %dma_start3A_2092 = tpu.memref_slice %arg12[%dma_start3A_2085] : memref<8x!tpu.dma_semaphore, #tpu.memory_space<semaphore_mem>> -> memref<1x!tpu.dma_semaphore, #tpu.memory_space<semaphore_mem>>
        %dma_start3A_2093 = tpu.memref_squeeze %dma_start3A_2092 : memref<1x!tpu.dma_semaphore, #tpu.memory_space<semaphore_mem>> -> memref<!tpu.dma_semaphore, #tpu.memory_space<semaphore_mem>>
        %dma_start3A_2094 = arith.constant 0 : i32
        %dma_start3A_2095 = arith.constant 0 : i32
        %dma_start3A_2096 = tpu.memref_slice %arg9[%dma_start3A_2084, %dma_start3A_2094, %dma_start3A_2095] : memref<8x32x128xf32, #tpu.memory_space<vmem>> -> memref<1x32x128xf32, #tpu.memory_space<vmem>>
        %dma_start3A_2097 = tpu.memref_squeeze %dma_start3A_2096 : memref<1x32x128xf32, #tpu.memory_space<vmem>> -> memref<32x128xf32, #tpu.memory_space<vmem>>
        %dma_start3A_2098 = arith.constant 0 : i32
        %dma_start3A_2099 = tpu.memref_slice %arg4[%dma_start3A_2098, %multiple_of3A_2078] : memref<32x1000000xf32, #tpu.memory_space<hbm>> -> memref<32x128xf32, #tpu.memory_space<hbm>>
        tpu.enqueue_dma source(%dma_start3A_2099 : memref<32x128xf32, #tpu.memory_space<hbm>>) target(%dma_start3A_2097 : memref<32x128xf32, #tpu.memory_space<vmem>>) target_semaphore(%dma_start3A_2093 : memref<!tpu.dma_semaphore, #tpu.memory_space<semaphore_mem>>)
        %dma_start3A_2100 = arith.constant 1 : i32
        %dma_start3A_2101 = arith.constant 1 : i32
        %dma_start3A_2102 = arith.constant 0 : i32
        %dma_start3A_2103 = arith.constant 0 : i32
        %dma_start3A_2104 = tpu.memref_slice %arg10[%dma_start3A_2100, %dma_start3A_2102, %dma_start3A_2103] : memref<8x32x128xf32, #tpu.memory_space<vmem>> -> memref<1x32x128xf32, #tpu.memory_space<vmem>>
        %dma_start3A_2105 = tpu.memref_squeeze %dma_start3A_2104 : memref<1x32x128xf32, #tpu.memory_space<vmem>> -> memref<32x128xf32, #tpu.memory_space<vmem>>
        %dma_start3A_2106 = arith.constant 0 : i32
        %dma_start3A_2107 = tpu.memref_slice %arg5[%dma_start3A_2106, %multiple_of3A_2083] : memref<32x1000000xf32, #tpu.memory_space<hbm>> -> memref<32x128xf32, #tpu.memory_space<hbm>>
        %dma_start3A_2108 = tpu.memref_slice %arg13[%dma_start3A_2101] : memref<8x!tpu.dma_semaphore, #tpu.memory_space<semaphore_mem>> -> memref<1x!tpu.dma_semaphore, #tpu.memory_space<semaphore_mem>>
        %dma_start3A_2109 = tpu.memref_squeeze %dma_start3A_2108 : memref<1x!tpu.dma_semaphore, #tpu.memory_space<semaphore_mem>> -> memref<!tpu.dma_semaphore, #tpu.memory_space<semaphore_mem>>
        %dma_start3A_2110 = arith.constant 0 : i32
        %dma_start3A_2111 = arith.constant 0 : i32
        %dma_start3A_2112 = tpu.memref_slice %arg10[%dma_start3A_2100, %dma_start3A_2110, %dma_start3A_2111] : memref<8x32x128xf32, #tpu.memory_space<vmem>> -> memref<1x32x128xf32, #tpu.memory_space<vmem>>
        %dma_start3A_2113 = tpu.memref_squeeze %dma_start3A_2112 : memref<1x32x128xf32, #tpu.memory_space<vmem>> -> memref<32x128xf32, #tpu.memory_space<vmem>>
        %dma_start3A_2114 = arith.constant 0 : i32
        %dma_start3A_2115 = tpu.memref_slice %arg5[%dma_start3A_2114, %multiple_of3A_2083] : memref<32x1000000xf32, #tpu.memory_space<hbm>> -> memref<32x128xf32, #tpu.memory_space<hbm>>
        tpu.enqueue_dma source(%dma_start3A_2115 : memref<32x128xf32, #tpu.memory_space<hbm>>) target(%dma_start3A_2113 : memref<32x128xf32, #tpu.memory_space<vmem>>) target_semaphore(%dma_start3A_2109 : memref<!tpu.dma_semaphore, #tpu.memory_space<semaphore_mem>>)
      } else {
      }
      %eq3A_1428 = arith.constant 9 : i32
      %eq3A_1429 = vector.broadcast %eq3A_1428 : i32 to vector<16xi32>
      %eq3A_1430 = arith.cmpi eq, %iota3A, %eq3A_1429 : vector<16xi32>
      %broadcast_in_dim3A_1431 = vector.broadcast %reduce_sum3A_1418 : f32 to vector<16xf32>
      %select_n3A_1432 = arith.select %eq3A_1430, %broadcast_in_dim3A_1431, %select_n3A_1327 : vector<16xi1>, vector<16xf32>
      %add3A_1433 = arith.constant 8 : i32
      %add3A_1434 = arith.addi %mul3A_406, %add3A_1433 : i32
      %add3A_1435 = arith.constant 2 : i32
      %add3A_1436 = arith.addi %add3A_1434, %add3A_1435 : i32
      %dma_wait3A_1437 = arith.constant 2 : i32
      %dma_wait3A_1438 = arith.constant 2 : i32
      %dma_wait3A_1439 = arith.constant 0 : i32
      %dma_wait3A_1440 = arith.constant 0 : i32
      %dma_wait3A_1441 = tpu.memref_slice %arg9[%dma_wait3A_1437, %dma_wait3A_1439, %dma_wait3A_1440] : memref<8x32x128xf32, #tpu.memory_space<vmem>> -> memref<1x32x128xf32, #tpu.memory_space<vmem>>
      %dma_wait3A_1442 = tpu.memref_squeeze %dma_wait3A_1441 : memref<1x32x128xf32, #tpu.memory_space<vmem>> -> memref<32x128xf32, #tpu.memory_space<vmem>>
      %dma_wait3A_1443 = arith.constant 0 : i32
      %dma_wait3A_1444 = arith.constant 0 : i32
      %dma_wait3A_1445 = tpu.memref_slice %arg4[%dma_wait3A_1443, %dma_wait3A_1444] : memref<32x1000000xf32, #tpu.memory_space<hbm>> -> memref<32x128xf32, #tpu.memory_space<hbm>>
      %dma_wait3A_1446 = tpu.memref_slice %arg12[%dma_wait3A_1438] : memref<8x!tpu.dma_semaphore, #tpu.memory_space<semaphore_mem>> -> memref<1x!tpu.dma_semaphore, #tpu.memory_space<semaphore_mem>>
      %dma_wait3A_1447 = tpu.memref_squeeze %dma_wait3A_1446 : memref<1x!tpu.dma_semaphore, #tpu.memory_space<semaphore_mem>> -> memref<!tpu.dma_semaphore, #tpu.memory_space<semaphore_mem>>
      %dma_wait3A_1448 = arith.constant 0 : i32
      %dma_wait3A_1449 = arith.constant 0 : i32
      %dma_wait3A_1450 = tpu.memref_slice %arg9[%dma_wait3A_1437, %dma_wait3A_1448, %dma_wait3A_1449] : memref<8x32x128xf32, #tpu.memory_space<vmem>> -> memref<1x32x128xf32, #tpu.memory_space<vmem>>
      %dma_wait3A_1451 = tpu.memref_squeeze %dma_wait3A_1450 : memref<1x32x128xf32, #tpu.memory_space<vmem>> -> memref<32x128xf32, #tpu.memory_space<vmem>>
      %dma_wait3A_1452 = arith.constant 0 : i32
      %dma_wait3A_1453 = arith.constant 0 : i32
      %dma_wait3A_1454 = tpu.memref_slice %arg4[%dma_wait3A_1452, %dma_wait3A_1453] : memref<32x1000000xf32, #tpu.memory_space<hbm>> -> memref<32x128xf32, #tpu.memory_space<hbm>>
      tpu.wait_dma2 semaphore(%dma_wait3A_1447 : memref<!tpu.dma_semaphore, #tpu.memory_space<semaphore_mem>>) src(%dma_wait3A_1454 : memref<32x128xf32, #tpu.memory_space<hbm>>) dst(%dma_wait3A_1451 : memref<32x128xf32, #tpu.memory_space<vmem>>)
      %dma_wait3A_1455 = arith.constant 2 : i32
      %dma_wait3A_1456 = arith.constant 2 : i32
      %dma_wait3A_1457 = arith.constant 0 : i32
      %dma_wait3A_1458 = arith.constant 0 : i32
      %dma_wait3A_1459 = tpu.memref_slice %arg10[%dma_wait3A_1455, %dma_wait3A_1457, %dma_wait3A_1458] : memref<8x32x128xf32, #tpu.memory_space<vmem>> -> memref<1x32x128xf32, #tpu.memory_space<vmem>>
      %dma_wait3A_1460 = tpu.memref_squeeze %dma_wait3A_1459 : memref<1x32x128xf32, #tpu.memory_space<vmem>> -> memref<32x128xf32, #tpu.memory_space<vmem>>
      %dma_wait3A_1461 = arith.constant 0 : i32
      %dma_wait3A_1462 = arith.constant 0 : i32
      %dma_wait3A_1463 = tpu.memref_slice %arg5[%dma_wait3A_1461, %dma_wait3A_1462] : memref<32x1000000xf32, #tpu.memory_space<hbm>> -> memref<32x128xf32, #tpu.memory_space<hbm>>
      %dma_wait3A_1464 = tpu.memref_slice %arg13[%dma_wait3A_1456] : memref<8x!tpu.dma_semaphore, #tpu.memory_space<semaphore_mem>> -> memref<1x!tpu.dma_semaphore, #tpu.memory_space<semaphore_mem>>
      %dma_wait3A_1465 = tpu.memref_squeeze %dma_wait3A_1464 : memref<1x!tpu.dma_semaphore, #tpu.memory_space<semaphore_mem>> -> memref<!tpu.dma_semaphore, #tpu.memory_space<semaphore_mem>>
      %dma_wait3A_1466 = arith.constant 0 : i32
      %dma_wait3A_1467 = arith.constant 0 : i32
      %dma_wait3A_1468 = tpu.memref_slice %arg10[%dma_wait3A_1455, %dma_wait3A_1466, %dma_wait3A_1467] : memref<8x32x128xf32, #tpu.memory_space<vmem>> -> memref<1x32x128xf32, #tpu.memory_space<vmem>>
      %dma_wait3A_1469 = tpu.memref_squeeze %dma_wait3A_1468 : memref<1x32x128xf32, #tpu.memory_space<vmem>> -> memref<32x128xf32, #tpu.memory_space<vmem>>
      %dma_wait3A_1470 = arith.constant 0 : i32
      %dma_wait3A_1471 = arith.constant 0 : i32
      %dma_wait3A_1472 = tpu.memref_slice %arg5[%dma_wait3A_1470, %dma_wait3A_1471] : memref<32x1000000xf32, #tpu.memory_space<hbm>> -> memref<32x128xf32, #tpu.memory_space<hbm>>
      tpu.wait_dma2 semaphore(%dma_wait3A_1465 : memref<!tpu.dma_semaphore, #tpu.memory_space<semaphore_mem>>) src(%dma_wait3A_1472 : memref<32x128xf32, #tpu.memory_space<hbm>>) dst(%dma_wait3A_1469 : memref<32x128xf32, #tpu.memory_space<vmem>>)
      %get3A_1473 = arith.index_cast %mul3A_406 : i32 to index
      %get3A_1474 = tpu.vector_load %arg7[%get3A_1473] {strides = array<i32>} : memref<512xi32, #tpu.memory_space<vmem>>, vector<16xi32>,
      %slice3A_1475 = vector.extract_strided_slice %get3A_1474 {offsets = [10], sizes = [1], strides = [1]} : vector<16xi32> to vector<1xi32>
      %squeeze3A_1476 = vector.extract %slice3A_1475[0] : i32 from vector<1xi32>
      %and3A_1477 = arith.constant 127 : i32
      %and3A_1478 = arith.andi %squeeze3A_1476, %and3A_1477 : i32
      %broadcast_in_dim3A_1479 = vector.broadcast %and3A_1478 : i32 to vector<16xi32>
      %get3A_1480 = arith.index_cast %mul3A_406 : i32 to index
      %get3A_1481 = tpu.vector_load %arg8[%get3A_1480] {strides = array<i32>} : memref<512xi32, #tpu.memory_space<vmem>>, vector<16xi32>,
      %slice3A_1482 = vector.extract_strided_slice %get3A_1481 {offsets = [10], sizes = [1], strides = [1]} : vector<16xi32> to vector<1xi32>
      %squeeze3A_1483 = vector.extract %slice3A_1482[0] : i32 from vector<1xi32>
      %and3A_1484 = arith.constant 127 : i32
      %and3A_1485 = arith.andi %squeeze3A_1483, %and3A_1484 : i32
      %broadcast_in_dim3A_1486 = vector.broadcast %and3A_1485 : i32 to vector<16xi32>
      %gather3A_1487 = arith.constant 2 : i32
      %gather3A_1488 = arith.constant 0 : i32
      %gather3A_1489 = arith.constant 0 : i32
      %gather3A_1490 = tpu.memref_slice %arg9[%gather3A_1487, %gather3A_1488, %gather3A_1489] : memref<8x32x128xf32, #tpu.memory_space<vmem>> -> memref<1x32x128xf32, #tpu.memory_space<vmem>>
      %gather3A_1491 = tpu.memref_squeeze %gather3A_1490 : memref<1x32x128xf32, #tpu.memory_space<vmem>> -> memref<32x128xf32, #tpu.memory_space<vmem>>
      %gather3A_1492 = tpu.vector_load_idx %gather3A_1491[%iota3A, %broadcast_in_dim3A_1479] : memref<32x128xf32, #tpu.memory_space<vmem>>[vector<16xi32>, vector<16xi32>], vector<16xf32>,
      %add3A_1493 = arith.constant 16 : i32
      %add3A_1494 = vector.broadcast %add3A_1493 : i32 to vector<16xi32>
      %add3A_1495 = arith.addi %iota3A, %add3A_1494 : vector<16xi32>
      %gather3A_1496 = arith.constant 2 : i32
      %gather3A_1497 = arith.constant 0 : i32
      %gather3A_1498 = arith.constant 0 : i32
      %gather3A_1499 = tpu.memref_slice %arg9[%gather3A_1496, %gather3A_1497, %gather3A_1498] : memref<8x32x128xf32, #tpu.memory_space<vmem>> -> memref<1x32x128xf32, #tpu.memory_space<vmem>>
      %gather3A_1500 = tpu.memref_squeeze %gather3A_1499 : memref<1x32x128xf32, #tpu.memory_space<vmem>> -> memref<32x128xf32, #tpu.memory_space<vmem>>
      %gather3A_1501 = tpu.vector_load_idx %gather3A_1500[%add3A_1495, %broadcast_in_dim3A_1479] : memref<32x128xf32, #tpu.memory_space<vmem>>[vector<16xi32>, vector<16xi32>], vector<16xf32>,
      %gather3A_1502 = arith.constant 2 : i32
      %gather3A_1503 = arith.constant 0 : i32
      %gather3A_1504 = arith.constant 0 : i32
      %gather3A_1505 = tpu.memref_slice %arg10[%gather3A_1502, %gather3A_1503, %gather3A_1504] : memref<8x32x128xf32, #tpu.memory_space<vmem>> -> memref<1x32x128xf32, #tpu.memory_space<vmem>>
      %gather3A_1506 = tpu.memref_squeeze %gather3A_1505 : memref<1x32x128xf32, #tpu.memory_space<vmem>> -> memref<32x128xf32, #tpu.memory_space<vmem>>
      %gather3A_1507 = tpu.vector_load_idx %gather3A_1506[%iota3A, %broadcast_in_dim3A_1486] : memref<32x128xf32, #tpu.memory_space<vmem>>[vector<16xi32>, vector<16xi32>], vector<16xf32>,
      %add3A_1508 = arith.constant 16 : i32
      %add3A_1509 = vector.broadcast %add3A_1508 : i32 to vector<16xi32>
      %add3A_1510 = arith.addi %iota3A, %add3A_1509 : vector<16xi32>
      %gather3A_1511 = arith.constant 2 : i32
      %gather3A_1512 = arith.constant 0 : i32
      %gather3A_1513 = arith.constant 0 : i32
      %gather3A_1514 = tpu.memref_slice %arg10[%gather3A_1511, %gather3A_1512, %gather3A_1513] : memref<8x32x128xf32, #tpu.memory_space<vmem>> -> memref<1x32x128xf32, #tpu.memory_space<vmem>>
      %gather3A_1515 = tpu.memref_squeeze %gather3A_1514 : memref<1x32x128xf32, #tpu.memory_space<vmem>> -> memref<32x128xf32, #tpu.memory_space<vmem>>
      %gather3A_1516 = tpu.vector_load_idx %gather3A_1515[%add3A_1510, %broadcast_in_dim3A_1486] : memref<32x128xf32, #tpu.memory_space<vmem>>[vector<16xi32>, vector<16xi32>], vector<16xf32>,
      %mul3A_1517 = arith.mulf %gather3A_1492, %gather3A_1507 : vector<16xf32>
      %mul3A_1518 = arith.mulf %gather3A_1501, %gather3A_1516 : vector<16xf32>
      %add3A_1519 = arith.addf %mul3A_1517, %mul3A_1518 : vector<16xf32>
      %reduce_sum3A_1520 = arith.constant true
      %reduce_sum3A_1521 = vector.broadcast %reduce_sum3A_1520 : i1 to vector<16xi1>
      %reduce_sum3A_1522 = tpu.scan <sum>, %add3A_1519 masked %reduce_sum3A_1521 : vector<16xf32>, vector<16xi1> -> vector<16xf32>
      %reduce_sum3A_1523 = vector.extract %reduce_sum3A_1522[15] : f32 from vector<16xf32>
      %add3A_1524 = arith.constant 16 : i32
      %add3A_1525 = arith.addi %mul3A_406, %add3A_1524 : i32
      %add3A_1526 = arith.constant 8 : i32
      %add3A_1527 = arith.addi %add3A_1436, %add3A_1526 : i32
      %lt3A_1528 = arith.constant 512 : i32
      %lt3A_1529 = arith.cmpi slt, %add3A_1527, %lt3A_1528 : i32
      %convert_element_type3A_1530 = arith.extui %lt3A_1529 : i1 to i32
      %cond3A_1531 = arith.constant 0 : i32
      %cond3A_1532 = arith.cmpi ne, %convert_element_type3A_1530, %cond3A_1531 : i32
      scf.if %cond3A_1532 {
        %get3A_2066 = arith.index_cast %add3A_1525 : i32 to index
        %get3A_2067 = tpu.vector_load %arg7[%get3A_2066] {strides = array<i32>} : memref<512xi32, #tpu.memory_space<vmem>>, vector<16xi32>,
        %slice3A_2068 = vector.extract_strided_slice %get3A_2067 {offsets = [2], sizes = [1], strides = [1]} : vector<16xi32> to vector<1xi32>
        %squeeze3A_2069 = vector.extract %slice3A_2068[0] : i32 from vector<1xi32>
        %get3A_2070 = arith.index_cast %add3A_1525 : i32 to index
        %get3A_2071 = tpu.vector_load %arg8[%get3A_2070] {strides = array<i32>} : memref<512xi32, #tpu.memory_space<vmem>>, vector<16xi32>,
        %slice3A_2072 = vector.extract_strided_slice %get3A_2071 {offsets = [2], sizes = [1], strides = [1]} : vector<16xi32> to vector<1xi32>
        %squeeze3A_2073 = vector.extract %slice3A_2072[0] : i32 from vector<1xi32>
        %shift_right_arithmetic3A_2074 = arith.constant 7 : i32
        %shift_right_arithmetic3A_2075 = arith.shrsi %squeeze3A_2069, %shift_right_arithmetic3A_2074 : i32
        %mul3A_2076 = arith.constant 128 : i32
        %mul3A_2077 = arith.muli %shift_right_arithmetic3A_2075, %mul3A_2076 : i32
        %multiple_of3A_2078 = tpu.assume_multiple %mul3A_2077, 128 : i32
        %shift_right_arithmetic3A_2079 = arith.constant 7 : i32
        %shift_right_arithmetic3A_2080 = arith.shrsi %squeeze3A_2073, %shift_right_arithmetic3A_2079 : i32
        %mul3A_2081 = arith.constant 128 : i32
        %mul3A_2082 = arith.muli %shift_right_arithmetic3A_2080, %mul3A_2081 : i32
        %multiple_of3A_2083 = tpu.assume_multiple %mul3A_2082, 128 : i32
        %dma_start3A_2084 = arith.constant 2 : i32
        %dma_start3A_2085 = arith.constant 2 : i32
        %dma_start3A_2086 = arith.constant 0 : i32
        %dma_start3A_2087 = arith.constant 0 : i32
        %dma_start3A_2088 = tpu.memref_slice %arg9[%dma_start3A_2084, %dma_start3A_2086, %dma_start3A_2087] : memref<8x32x128xf32, #tpu.memory_space<vmem>> -> memref<1x32x128xf32, #tpu.memory_space<vmem>>
        %dma_start3A_2089 = tpu.memref_squeeze %dma_start3A_2088 : memref<1x32x128xf32, #tpu.memory_space<vmem>> -> memref<32x128xf32, #tpu.memory_space<vmem>>
        %dma_start3A_2090 = arith.constant 0 : i32
        %dma_start3A_2091 = tpu.memref_slice %arg4[%dma_start3A_2090, %multiple_of3A_2078] : memref<32x1000000xf32, #tpu.memory_space<hbm>> -> memref<32x128xf32, #tpu.memory_space<hbm>>
        %dma_start3A_2092 = tpu.memref_slice %arg12[%dma_start3A_2085] : memref<8x!tpu.dma_semaphore, #tpu.memory_space<semaphore_mem>> -> memref<1x!tpu.dma_semaphore, #tpu.memory_space<semaphore_mem>>
        %dma_start3A_2093 = tpu.memref_squeeze %dma_start3A_2092 : memref<1x!tpu.dma_semaphore, #tpu.memory_space<semaphore_mem>> -> memref<!tpu.dma_semaphore, #tpu.memory_space<semaphore_mem>>
        %dma_start3A_2094 = arith.constant 0 : i32
        %dma_start3A_2095 = arith.constant 0 : i32
        %dma_start3A_2096 = tpu.memref_slice %arg9[%dma_start3A_2084, %dma_start3A_2094, %dma_start3A_2095] : memref<8x32x128xf32, #tpu.memory_space<vmem>> -> memref<1x32x128xf32, #tpu.memory_space<vmem>>
        %dma_start3A_2097 = tpu.memref_squeeze %dma_start3A_2096 : memref<1x32x128xf32, #tpu.memory_space<vmem>> -> memref<32x128xf32, #tpu.memory_space<vmem>>
        %dma_start3A_2098 = arith.constant 0 : i32
        %dma_start3A_2099 = tpu.memref_slice %arg4[%dma_start3A_2098, %multiple_of3A_2078] : memref<32x1000000xf32, #tpu.memory_space<hbm>> -> memref<32x128xf32, #tpu.memory_space<hbm>>
        tpu.enqueue_dma source(%dma_start3A_2099 : memref<32x128xf32, #tpu.memory_space<hbm>>) target(%dma_start3A_2097 : memref<32x128xf32, #tpu.memory_space<vmem>>) target_semaphore(%dma_start3A_2093 : memref<!tpu.dma_semaphore, #tpu.memory_space<semaphore_mem>>)
        %dma_start3A_2100 = arith.constant 2 : i32
        %dma_start3A_2101 = arith.constant 2 : i32
        %dma_start3A_2102 = arith.constant 0 : i32
        %dma_start3A_2103 = arith.constant 0 : i32
        %dma_start3A_2104 = tpu.memref_slice %arg10[%dma_start3A_2100, %dma_start3A_2102, %dma_start3A_2103] : memref<8x32x128xf32, #tpu.memory_space<vmem>> -> memref<1x32x128xf32, #tpu.memory_space<vmem>>
        %dma_start3A_2105 = tpu.memref_squeeze %dma_start3A_2104 : memref<1x32x128xf32, #tpu.memory_space<vmem>> -> memref<32x128xf32, #tpu.memory_space<vmem>>
        %dma_start3A_2106 = arith.constant 0 : i32
        %dma_start3A_2107 = tpu.memref_slice %arg5[%dma_start3A_2106, %multiple_of3A_2083] : memref<32x1000000xf32, #tpu.memory_space<hbm>> -> memref<32x128xf32, #tpu.memory_space<hbm>>
        %dma_start3A_2108 = tpu.memref_slice %arg13[%dma_start3A_2101] : memref<8x!tpu.dma_semaphore, #tpu.memory_space<semaphore_mem>> -> memref<1x!tpu.dma_semaphore, #tpu.memory_space<semaphore_mem>>
        %dma_start3A_2109 = tpu.memref_squeeze %dma_start3A_2108 : memref<1x!tpu.dma_semaphore, #tpu.memory_space<semaphore_mem>> -> memref<!tpu.dma_semaphore, #tpu.memory_space<semaphore_mem>>
        %dma_start3A_2110 = arith.constant 0 : i32
        %dma_start3A_2111 = arith.constant 0 : i32
        %dma_start3A_2112 = tpu.memref_slice %arg10[%dma_start3A_2100, %dma_start3A_2110, %dma_start3A_2111] : memref<8x32x128xf32, #tpu.memory_space<vmem>> -> memref<1x32x128xf32, #tpu.memory_space<vmem>>
        %dma_start3A_2113 = tpu.memref_squeeze %dma_start3A_2112 : memref<1x32x128xf32, #tpu.memory_space<vmem>> -> memref<32x128xf32, #tpu.memory_space<vmem>>
        %dma_start3A_2114 = arith.constant 0 : i32
        %dma_start3A_2115 = tpu.memref_slice %arg5[%dma_start3A_2114, %multiple_of3A_2083] : memref<32x1000000xf32, #tpu.memory_space<hbm>> -> memref<32x128xf32, #tpu.memory_space<hbm>>
        tpu.enqueue_dma source(%dma_start3A_2115 : memref<32x128xf32, #tpu.memory_space<hbm>>) target(%dma_start3A_2113 : memref<32x128xf32, #tpu.memory_space<vmem>>) target_semaphore(%dma_start3A_2109 : memref<!tpu.dma_semaphore, #tpu.memory_space<semaphore_mem>>)
      } else {
      }
      %eq3A_1533 = arith.constant 10 : i32
      %eq3A_1534 = vector.broadcast %eq3A_1533 : i32 to vector<16xi32>
      %eq3A_1535 = arith.cmpi eq, %iota3A, %eq3A_1534 : vector<16xi32>
      %broadcast_in_dim3A_1536 = vector.broadcast %reduce_sum3A_1523 : f32 to vector<16xf32>
      %select_n3A_1537 = arith.select %eq3A_1535, %broadcast_in_dim3A_1536, %select_n3A_1432 : vector<16xi1>, vector<16xf32>
      %add3A_1538 = arith.constant 8 : i32
      %add3A_1539 = arith.addi %mul3A_406, %add3A_1538 : i32
      %add3A_1540 = arith.constant 3 : i32
      %add3A_1541 = arith.addi %add3A_1539, %add3A_1540 : i32
      %dma_wait3A_1542 = arith.constant 3 : i32
      %dma_wait3A_1543 = arith.constant 3 : i32
      %dma_wait3A_1544 = arith.constant 0 : i32
      %dma_wait3A_1545 = arith.constant 0 : i32
      %dma_wait3A_1546 = tpu.memref_slice %arg9[%dma_wait3A_1542, %dma_wait3A_1544, %dma_wait3A_1545] : memref<8x32x128xf32, #tpu.memory_space<vmem>> -> memref<1x32x128xf32, #tpu.memory_space<vmem>>
      %dma_wait3A_1547 = tpu.memref_squeeze %dma_wait3A_1546 : memref<1x32x128xf32, #tpu.memory_space<vmem>> -> memref<32x128xf32, #tpu.memory_space<vmem>>
      %dma_wait3A_1548 = arith.constant 0 : i32
      %dma_wait3A_1549 = arith.constant 0 : i32
      %dma_wait3A_1550 = tpu.memref_slice %arg4[%dma_wait3A_1548, %dma_wait3A_1549] : memref<32x1000000xf32, #tpu.memory_space<hbm>> -> memref<32x128xf32, #tpu.memory_space<hbm>>
      %dma_wait3A_1551 = tpu.memref_slice %arg12[%dma_wait3A_1543] : memref<8x!tpu.dma_semaphore, #tpu.memory_space<semaphore_mem>> -> memref<1x!tpu.dma_semaphore, #tpu.memory_space<semaphore_mem>>
      %dma_wait3A_1552 = tpu.memref_squeeze %dma_wait3A_1551 : memref<1x!tpu.dma_semaphore, #tpu.memory_space<semaphore_mem>> -> memref<!tpu.dma_semaphore, #tpu.memory_space<semaphore_mem>>
      %dma_wait3A_1553 = arith.constant 0 : i32
      %dma_wait3A_1554 = arith.constant 0 : i32
      %dma_wait3A_1555 = tpu.memref_slice %arg9[%dma_wait3A_1542, %dma_wait3A_1553, %dma_wait3A_1554] : memref<8x32x128xf32, #tpu.memory_space<vmem>> -> memref<1x32x128xf32, #tpu.memory_space<vmem>>
      %dma_wait3A_1556 = tpu.memref_squeeze %dma_wait3A_1555 : memref<1x32x128xf32, #tpu.memory_space<vmem>> -> memref<32x128xf32, #tpu.memory_space<vmem>>
      %dma_wait3A_1557 = arith.constant 0 : i32
      %dma_wait3A_1558 = arith.constant 0 : i32
      %dma_wait3A_1559 = tpu.memref_slice %arg4[%dma_wait3A_1557, %dma_wait3A_1558] : memref<32x1000000xf32, #tpu.memory_space<hbm>> -> memref<32x128xf32, #tpu.memory_space<hbm>>
      tpu.wait_dma2 semaphore(%dma_wait3A_1552 : memref<!tpu.dma_semaphore, #tpu.memory_space<semaphore_mem>>) src(%dma_wait3A_1559 : memref<32x128xf32, #tpu.memory_space<hbm>>) dst(%dma_wait3A_1556 : memref<32x128xf32, #tpu.memory_space<vmem>>)
      %dma_wait3A_1560 = arith.constant 3 : i32
      %dma_wait3A_1561 = arith.constant 3 : i32
      %dma_wait3A_1562 = arith.constant 0 : i32
      %dma_wait3A_1563 = arith.constant 0 : i32
      %dma_wait3A_1564 = tpu.memref_slice %arg10[%dma_wait3A_1560, %dma_wait3A_1562, %dma_wait3A_1563] : memref<8x32x128xf32, #tpu.memory_space<vmem>> -> memref<1x32x128xf32, #tpu.memory_space<vmem>>
      %dma_wait3A_1565 = tpu.memref_squeeze %dma_wait3A_1564 : memref<1x32x128xf32, #tpu.memory_space<vmem>> -> memref<32x128xf32, #tpu.memory_space<vmem>>
      %dma_wait3A_1566 = arith.constant 0 : i32
      %dma_wait3A_1567 = arith.constant 0 : i32
      %dma_wait3A_1568 = tpu.memref_slice %arg5[%dma_wait3A_1566, %dma_wait3A_1567] : memref<32x1000000xf32, #tpu.memory_space<hbm>> -> memref<32x128xf32, #tpu.memory_space<hbm>>
      %dma_wait3A_1569 = tpu.memref_slice %arg13[%dma_wait3A_1561] : memref<8x!tpu.dma_semaphore, #tpu.memory_space<semaphore_mem>> -> memref<1x!tpu.dma_semaphore, #tpu.memory_space<semaphore_mem>>
      %dma_wait3A_1570 = tpu.memref_squeeze %dma_wait3A_1569 : memref<1x!tpu.dma_semaphore, #tpu.memory_space<semaphore_mem>> -> memref<!tpu.dma_semaphore, #tpu.memory_space<semaphore_mem>>
      %dma_wait3A_1571 = arith.constant 0 : i32
      %dma_wait3A_1572 = arith.constant 0 : i32
      %dma_wait3A_1573 = tpu.memref_slice %arg10[%dma_wait3A_1560, %dma_wait3A_1571, %dma_wait3A_1572] : memref<8x32x128xf32, #tpu.memory_space<vmem>> -> memref<1x32x128xf32, #tpu.memory_space<vmem>>
      %dma_wait3A_1574 = tpu.memref_squeeze %dma_wait3A_1573 : memref<1x32x128xf32, #tpu.memory_space<vmem>> -> memref<32x128xf32, #tpu.memory_space<vmem>>
      %dma_wait3A_1575 = arith.constant 0 : i32
      %dma_wait3A_1576 = arith.constant 0 : i32
      %dma_wait3A_1577 = tpu.memref_slice %arg5[%dma_wait3A_1575, %dma_wait3A_1576] : memref<32x1000000xf32, #tpu.memory_space<hbm>> -> memref<32x128xf32, #tpu.memory_space<hbm>>
      tpu.wait_dma2 semaphore(%dma_wait3A_1570 : memref<!tpu.dma_semaphore, #tpu.memory_space<semaphore_mem>>) src(%dma_wait3A_1577 : memref<32x128xf32, #tpu.memory_space<hbm>>) dst(%dma_wait3A_1574 : memref<32x128xf32, #tpu.memory_space<vmem>>)
      %get3A_1578 = arith.index_cast %mul3A_406 : i32 to index
      %get3A_1579 = tpu.vector_load %arg7[%get3A_1578] {strides = array<i32>} : memref<512xi32, #tpu.memory_space<vmem>>, vector<16xi32>,
      %slice3A_1580 = vector.extract_strided_slice %get3A_1579 {offsets = [11], sizes = [1], strides = [1]} : vector<16xi32> to vector<1xi32>
      %squeeze3A_1581 = vector.extract %slice3A_1580[0] : i32 from vector<1xi32>
      %and3A_1582 = arith.constant 127 : i32
      %and3A_1583 = arith.andi %squeeze3A_1581, %and3A_1582 : i32
      %broadcast_in_dim3A_1584 = vector.broadcast %and3A_1583 : i32 to vector<16xi32>
      %get3A_1585 = arith.index_cast %mul3A_406 : i32 to index
      %get3A_1586 = tpu.vector_load %arg8[%get3A_1585] {strides = array<i32>} : memref<512xi32, #tpu.memory_space<vmem>>, vector<16xi32>,
      %slice3A_1587 = vector.extract_strided_slice %get3A_1586 {offsets = [11], sizes = [1], strides = [1]} : vector<16xi32> to vector<1xi32>
      %squeeze3A_1588 = vector.extract %slice3A_1587[0] : i32 from vector<1xi32>
      %and3A_1589 = arith.constant 127 : i32
      %and3A_1590 = arith.andi %squeeze3A_1588, %and3A_1589 : i32
      %broadcast_in_dim3A_1591 = vector.broadcast %and3A_1590 : i32 to vector<16xi32>
      %gather3A_1592 = arith.constant 3 : i32
      %gather3A_1593 = arith.constant 0 : i32
      %gather3A_1594 = arith.constant 0 : i32
      %gather3A_1595 = tpu.memref_slice %arg9[%gather3A_1592, %gather3A_1593, %gather3A_1594] : memref<8x32x128xf32, #tpu.memory_space<vmem>> -> memref<1x32x128xf32, #tpu.memory_space<vmem>>
      %gather3A_1596 = tpu.memref_squeeze %gather3A_1595 : memref<1x32x128xf32, #tpu.memory_space<vmem>> -> memref<32x128xf32, #tpu.memory_space<vmem>>
      %gather3A_1597 = tpu.vector_load_idx %gather3A_1596[%iota3A, %broadcast_in_dim3A_1584] : memref<32x128xf32, #tpu.memory_space<vmem>>[vector<16xi32>, vector<16xi32>], vector<16xf32>,
      %add3A_1598 = arith.constant 16 : i32
      %add3A_1599 = vector.broadcast %add3A_1598 : i32 to vector<16xi32>
      %add3A_1600 = arith.addi %iota3A, %add3A_1599 : vector<16xi32>
      %gather3A_1601 = arith.constant 3 : i32
      %gather3A_1602 = arith.constant 0 : i32
      %gather3A_1603 = arith.constant 0 : i32
      %gather3A_1604 = tpu.memref_slice %arg9[%gather3A_1601, %gather3A_1602, %gather3A_1603] : memref<8x32x128xf32, #tpu.memory_space<vmem>> -> memref<1x32x128xf32, #tpu.memory_space<vmem>>
      %gather3A_1605 = tpu.memref_squeeze %gather3A_1604 : memref<1x32x128xf32, #tpu.memory_space<vmem>> -> memref<32x128xf32, #tpu.memory_space<vmem>>
      %gather3A_1606 = tpu.vector_load_idx %gather3A_1605[%add3A_1600, %broadcast_in_dim3A_1584] : memref<32x128xf32, #tpu.memory_space<vmem>>[vector<16xi32>, vector<16xi32>], vector<16xf32>,
      %gather3A_1607 = arith.constant 3 : i32
      %gather3A_1608 = arith.constant 0 : i32
      %gather3A_1609 = arith.constant 0 : i32
      %gather3A_1610 = tpu.memref_slice %arg10[%gather3A_1607, %gather3A_1608, %gather3A_1609] : memref<8x32x128xf32, #tpu.memory_space<vmem>> -> memref<1x32x128xf32, #tpu.memory_space<vmem>>
      %gather3A_1611 = tpu.memref_squeeze %gather3A_1610 : memref<1x32x128xf32, #tpu.memory_space<vmem>> -> memref<32x128xf32, #tpu.memory_space<vmem>>
      %gather3A_1612 = tpu.vector_load_idx %gather3A_1611[%iota3A, %broadcast_in_dim3A_1591] : memref<32x128xf32, #tpu.memory_space<vmem>>[vector<16xi32>, vector<16xi32>], vector<16xf32>,
      %add3A_1613 = arith.constant 16 : i32
      %add3A_1614 = vector.broadcast %add3A_1613 : i32 to vector<16xi32>
      %add3A_1615 = arith.addi %iota3A, %add3A_1614 : vector<16xi32>
      %gather3A_1616 = arith.constant 3 : i32
      %gather3A_1617 = arith.constant 0 : i32
      %gather3A_1618 = arith.constant 0 : i32
      %gather3A_1619 = tpu.memref_slice %arg10[%gather3A_1616, %gather3A_1617, %gather3A_1618] : memref<8x32x128xf32, #tpu.memory_space<vmem>> -> memref<1x32x128xf32, #tpu.memory_space<vmem>>
      %gather3A_1620 = tpu.memref_squeeze %gather3A_1619 : memref<1x32x128xf32, #tpu.memory_space<vmem>> -> memref<32x128xf32, #tpu.memory_space<vmem>>
      %gather3A_1621 = tpu.vector_load_idx %gather3A_1620[%add3A_1615, %broadcast_in_dim3A_1591] : memref<32x128xf32, #tpu.memory_space<vmem>>[vector<16xi32>, vector<16xi32>], vector<16xf32>,
      %mul3A_1622 = arith.mulf %gather3A_1597, %gather3A_1612 : vector<16xf32>
      %mul3A_1623 = arith.mulf %gather3A_1606, %gather3A_1621 : vector<16xf32>
      %add3A_1624 = arith.addf %mul3A_1622, %mul3A_1623 : vector<16xf32>
      %reduce_sum3A_1625 = arith.constant true
      %reduce_sum3A_1626 = vector.broadcast %reduce_sum3A_1625 : i1 to vector<16xi1>
      %reduce_sum3A_1627 = tpu.scan <sum>, %add3A_1624 masked %reduce_sum3A_1626 : vector<16xf32>, vector<16xi1> -> vector<16xf32>
      %reduce_sum3A_1628 = vector.extract %reduce_sum3A_1627[15] : f32 from vector<16xf32>
      %add3A_1629 = arith.constant 16 : i32
      %add3A_1630 = arith.addi %mul3A_406, %add3A_1629 : i32
      %add3A_1631 = arith.constant 8 : i32
      %add3A_1632 = arith.addi %add3A_1541, %add3A_1631 : i32
      %lt3A_1633 = arith.constant 512 : i32
      %lt3A_1634 = arith.cmpi slt, %add3A_1632, %lt3A_1633 : i32
      %convert_element_type3A_1635 = arith.extui %lt3A_1634 : i1 to i32
      %cond3A_1636 = arith.constant 0 : i32
      %cond3A_1637 = arith.cmpi ne, %convert_element_type3A_1635, %cond3A_1636 : i32
      scf.if %cond3A_1637 {
        %get3A_2066 = arith.index_cast %add3A_1630 : i32 to index
        %get3A_2067 = tpu.vector_load %arg7[%get3A_2066] {strides = array<i32>} : memref<512xi32, #tpu.memory_space<vmem>>, vector<16xi32>,
        %slice3A_2068 = vector.extract_strided_slice %get3A_2067 {offsets = [3], sizes = [1], strides = [1]} : vector<16xi32> to vector<1xi32>
        %squeeze3A_2069 = vector.extract %slice3A_2068[0] : i32 from vector<1xi32>
        %get3A_2070 = arith.index_cast %add3A_1630 : i32 to index
        %get3A_2071 = tpu.vector_load %arg8[%get3A_2070] {strides = array<i32>} : memref<512xi32, #tpu.memory_space<vmem>>, vector<16xi32>,
        %slice3A_2072 = vector.extract_strided_slice %get3A_2071 {offsets = [3], sizes = [1], strides = [1]} : vector<16xi32> to vector<1xi32>
        %squeeze3A_2073 = vector.extract %slice3A_2072[0] : i32 from vector<1xi32>
        %shift_right_arithmetic3A_2074 = arith.constant 7 : i32
        %shift_right_arithmetic3A_2075 = arith.shrsi %squeeze3A_2069, %shift_right_arithmetic3A_2074 : i32
        %mul3A_2076 = arith.constant 128 : i32
        %mul3A_2077 = arith.muli %shift_right_arithmetic3A_2075, %mul3A_2076 : i32
        %multiple_of3A_2078 = tpu.assume_multiple %mul3A_2077, 128 : i32
        %shift_right_arithmetic3A_2079 = arith.constant 7 : i32
        %shift_right_arithmetic3A_2080 = arith.shrsi %squeeze3A_2073, %shift_right_arithmetic3A_2079 : i32
        %mul3A_2081 = arith.constant 128 : i32
        %mul3A_2082 = arith.muli %shift_right_arithmetic3A_2080, %mul3A_2081 : i32
        %multiple_of3A_2083 = tpu.assume_multiple %mul3A_2082, 128 : i32
        %dma_start3A_2084 = arith.constant 3 : i32
        %dma_start3A_2085 = arith.constant 3 : i32
        %dma_start3A_2086 = arith.constant 0 : i32
        %dma_start3A_2087 = arith.constant 0 : i32
        %dma_start3A_2088 = tpu.memref_slice %arg9[%dma_start3A_2084, %dma_start3A_2086, %dma_start3A_2087] : memref<8x32x128xf32, #tpu.memory_space<vmem>> -> memref<1x32x128xf32, #tpu.memory_space<vmem>>
        %dma_start3A_2089 = tpu.memref_squeeze %dma_start3A_2088 : memref<1x32x128xf32, #tpu.memory_space<vmem>> -> memref<32x128xf32, #tpu.memory_space<vmem>>
        %dma_start3A_2090 = arith.constant 0 : i32
        %dma_start3A_2091 = tpu.memref_slice %arg4[%dma_start3A_2090, %multiple_of3A_2078] : memref<32x1000000xf32, #tpu.memory_space<hbm>> -> memref<32x128xf32, #tpu.memory_space<hbm>>
        %dma_start3A_2092 = tpu.memref_slice %arg12[%dma_start3A_2085] : memref<8x!tpu.dma_semaphore, #tpu.memory_space<semaphore_mem>> -> memref<1x!tpu.dma_semaphore, #tpu.memory_space<semaphore_mem>>
        %dma_start3A_2093 = tpu.memref_squeeze %dma_start3A_2092 : memref<1x!tpu.dma_semaphore, #tpu.memory_space<semaphore_mem>> -> memref<!tpu.dma_semaphore, #tpu.memory_space<semaphore_mem>>
        %dma_start3A_2094 = arith.constant 0 : i32
        %dma_start3A_2095 = arith.constant 0 : i32
        %dma_start3A_2096 = tpu.memref_slice %arg9[%dma_start3A_2084, %dma_start3A_2094, %dma_start3A_2095] : memref<8x32x128xf32, #tpu.memory_space<vmem>> -> memref<1x32x128xf32, #tpu.memory_space<vmem>>
        %dma_start3A_2097 = tpu.memref_squeeze %dma_start3A_2096 : memref<1x32x128xf32, #tpu.memory_space<vmem>> -> memref<32x128xf32, #tpu.memory_space<vmem>>
        %dma_start3A_2098 = arith.constant 0 : i32
        %dma_start3A_2099 = tpu.memref_slice %arg4[%dma_start3A_2098, %multiple_of3A_2078] : memref<32x1000000xf32, #tpu.memory_space<hbm>> -> memref<32x128xf32, #tpu.memory_space<hbm>>
        tpu.enqueue_dma source(%dma_start3A_2099 : memref<32x128xf32, #tpu.memory_space<hbm>>) target(%dma_start3A_2097 : memref<32x128xf32, #tpu.memory_space<vmem>>) target_semaphore(%dma_start3A_2093 : memref<!tpu.dma_semaphore, #tpu.memory_space<semaphore_mem>>)
        %dma_start3A_2100 = arith.constant 3 : i32
        %dma_start3A_2101 = arith.constant 3 : i32
        %dma_start3A_2102 = arith.constant 0 : i32
        %dma_start3A_2103 = arith.constant 0 : i32
        %dma_start3A_2104 = tpu.memref_slice %arg10[%dma_start3A_2100, %dma_start3A_2102, %dma_start3A_2103] : memref<8x32x128xf32, #tpu.memory_space<vmem>> -> memref<1x32x128xf32, #tpu.memory_space<vmem>>
        %dma_start3A_2105 = tpu.memref_squeeze %dma_start3A_2104 : memref<1x32x128xf32, #tpu.memory_space<vmem>> -> memref<32x128xf32, #tpu.memory_space<vmem>>
        %dma_start3A_2106 = arith.constant 0 : i32
        %dma_start3A_2107 = tpu.memref_slice %arg5[%dma_start3A_2106, %multiple_of3A_2083] : memref<32x1000000xf32, #tpu.memory_space<hbm>> -> memref<32x128xf32, #tpu.memory_space<hbm>>
        %dma_start3A_2108 = tpu.memref_slice %arg13[%dma_start3A_2101] : memref<8x!tpu.dma_semaphore, #tpu.memory_space<semaphore_mem>> -> memref<1x!tpu.dma_semaphore, #tpu.memory_space<semaphore_mem>>
        %dma_start3A_2109 = tpu.memref_squeeze %dma_start3A_2108 : memref<1x!tpu.dma_semaphore, #tpu.memory_space<semaphore_mem>> -> memref<!tpu.dma_semaphore, #tpu.memory_space<semaphore_mem>>
        %dma_start3A_2110 = arith.constant 0 : i32
        %dma_start3A_2111 = arith.constant 0 : i32
        %dma_start3A_2112 = tpu.memref_slice %arg10[%dma_start3A_2100, %dma_start3A_2110, %dma_start3A_2111] : memref<8x32x128xf32, #tpu.memory_space<vmem>> -> memref<1x32x128xf32, #tpu.memory_space<vmem>>
        %dma_start3A_2113 = tpu.memref_squeeze %dma_start3A_2112 : memref<1x32x128xf32, #tpu.memory_space<vmem>> -> memref<32x128xf32, #tpu.memory_space<vmem>>
        %dma_start3A_2114 = arith.constant 0 : i32
        %dma_start3A_2115 = tpu.memref_slice %arg5[%dma_start3A_2114, %multiple_of3A_2083] : memref<32x1000000xf32, #tpu.memory_space<hbm>> -> memref<32x128xf32, #tpu.memory_space<hbm>>
        tpu.enqueue_dma source(%dma_start3A_2115 : memref<32x128xf32, #tpu.memory_space<hbm>>) target(%dma_start3A_2113 : memref<32x128xf32, #tpu.memory_space<vmem>>) target_semaphore(%dma_start3A_2109 : memref<!tpu.dma_semaphore, #tpu.memory_space<semaphore_mem>>)
      } else {
      }
      %eq3A_1638 = arith.constant 11 : i32
      %eq3A_1639 = vector.broadcast %eq3A_1638 : i32 to vector<16xi32>
      %eq3A_1640 = arith.cmpi eq, %iota3A, %eq3A_1639 : vector<16xi32>
      %broadcast_in_dim3A_1641 = vector.broadcast %reduce_sum3A_1628 : f32 to vector<16xf32>
      %select_n3A_1642 = arith.select %eq3A_1640, %broadcast_in_dim3A_1641, %select_n3A_1537 : vector<16xi1>, vector<16xf32>
      %add3A_1643 = arith.constant 8 : i32
      %add3A_1644 = arith.addi %mul3A_406, %add3A_1643 : i32
      %add3A_1645 = arith.constant 4 : i32
      %add3A_1646 = arith.addi %add3A_1644, %add3A_1645 : i32
      %dma_wait3A_1647 = arith.constant 4 : i32
      %dma_wait3A_1648 = arith.constant 4 : i32
      %dma_wait3A_1649 = arith.constant 0 : i32
      %dma_wait3A_1650 = arith.constant 0 : i32
      %dma_wait3A_1651 = tpu.memref_slice %arg9[%dma_wait3A_1647, %dma_wait3A_1649, %dma_wait3A_1650] : memref<8x32x128xf32, #tpu.memory_space<vmem>> -> memref<1x32x128xf32, #tpu.memory_space<vmem>>
      %dma_wait3A_1652 = tpu.memref_squeeze %dma_wait3A_1651 : memref<1x32x128xf32, #tpu.memory_space<vmem>> -> memref<32x128xf32, #tpu.memory_space<vmem>>
      %dma_wait3A_1653 = arith.constant 0 : i32
      %dma_wait3A_1654 = arith.constant 0 : i32
      %dma_wait3A_1655 = tpu.memref_slice %arg4[%dma_wait3A_1653, %dma_wait3A_1654] : memref<32x1000000xf32, #tpu.memory_space<hbm>> -> memref<32x128xf32, #tpu.memory_space<hbm>>
      %dma_wait3A_1656 = tpu.memref_slice %arg12[%dma_wait3A_1648] : memref<8x!tpu.dma_semaphore, #tpu.memory_space<semaphore_mem>> -> memref<1x!tpu.dma_semaphore, #tpu.memory_space<semaphore_mem>>
      %dma_wait3A_1657 = tpu.memref_squeeze %dma_wait3A_1656 : memref<1x!tpu.dma_semaphore, #tpu.memory_space<semaphore_mem>> -> memref<!tpu.dma_semaphore, #tpu.memory_space<semaphore_mem>>
      %dma_wait3A_1658 = arith.constant 0 : i32
      %dma_wait3A_1659 = arith.constant 0 : i32
      %dma_wait3A_1660 = tpu.memref_slice %arg9[%dma_wait3A_1647, %dma_wait3A_1658, %dma_wait3A_1659] : memref<8x32x128xf32, #tpu.memory_space<vmem>> -> memref<1x32x128xf32, #tpu.memory_space<vmem>>
      %dma_wait3A_1661 = tpu.memref_squeeze %dma_wait3A_1660 : memref<1x32x128xf32, #tpu.memory_space<vmem>> -> memref<32x128xf32, #tpu.memory_space<vmem>>
      %dma_wait3A_1662 = arith.constant 0 : i32
      %dma_wait3A_1663 = arith.constant 0 : i32
      %dma_wait3A_1664 = tpu.memref_slice %arg4[%dma_wait3A_1662, %dma_wait3A_1663] : memref<32x1000000xf32, #tpu.memory_space<hbm>> -> memref<32x128xf32, #tpu.memory_space<hbm>>
      tpu.wait_dma2 semaphore(%dma_wait3A_1657 : memref<!tpu.dma_semaphore, #tpu.memory_space<semaphore_mem>>) src(%dma_wait3A_1664 : memref<32x128xf32, #tpu.memory_space<hbm>>) dst(%dma_wait3A_1661 : memref<32x128xf32, #tpu.memory_space<vmem>>)
      %dma_wait3A_1665 = arith.constant 4 : i32
      %dma_wait3A_1666 = arith.constant 4 : i32
      %dma_wait3A_1667 = arith.constant 0 : i32
      %dma_wait3A_1668 = arith.constant 0 : i32
      %dma_wait3A_1669 = tpu.memref_slice %arg10[%dma_wait3A_1665, %dma_wait3A_1667, %dma_wait3A_1668] : memref<8x32x128xf32, #tpu.memory_space<vmem>> -> memref<1x32x128xf32, #tpu.memory_space<vmem>>
      %dma_wait3A_1670 = tpu.memref_squeeze %dma_wait3A_1669 : memref<1x32x128xf32, #tpu.memory_space<vmem>> -> memref<32x128xf32, #tpu.memory_space<vmem>>
      %dma_wait3A_1671 = arith.constant 0 : i32
      %dma_wait3A_1672 = arith.constant 0 : i32
      %dma_wait3A_1673 = tpu.memref_slice %arg5[%dma_wait3A_1671, %dma_wait3A_1672] : memref<32x1000000xf32, #tpu.memory_space<hbm>> -> memref<32x128xf32, #tpu.memory_space<hbm>>
      %dma_wait3A_1674 = tpu.memref_slice %arg13[%dma_wait3A_1666] : memref<8x!tpu.dma_semaphore, #tpu.memory_space<semaphore_mem>> -> memref<1x!tpu.dma_semaphore, #tpu.memory_space<semaphore_mem>>
      %dma_wait3A_1675 = tpu.memref_squeeze %dma_wait3A_1674 : memref<1x!tpu.dma_semaphore, #tpu.memory_space<semaphore_mem>> -> memref<!tpu.dma_semaphore, #tpu.memory_space<semaphore_mem>>
      %dma_wait3A_1676 = arith.constant 0 : i32
      %dma_wait3A_1677 = arith.constant 0 : i32
      %dma_wait3A_1678 = tpu.memref_slice %arg10[%dma_wait3A_1665, %dma_wait3A_1676, %dma_wait3A_1677] : memref<8x32x128xf32, #tpu.memory_space<vmem>> -> memref<1x32x128xf32, #tpu.memory_space<vmem>>
      %dma_wait3A_1679 = tpu.memref_squeeze %dma_wait3A_1678 : memref<1x32x128xf32, #tpu.memory_space<vmem>> -> memref<32x128xf32, #tpu.memory_space<vmem>>
      %dma_wait3A_1680 = arith.constant 0 : i32
      %dma_wait3A_1681 = arith.constant 0 : i32
      %dma_wait3A_1682 = tpu.memref_slice %arg5[%dma_wait3A_1680, %dma_wait3A_1681] : memref<32x1000000xf32, #tpu.memory_space<hbm>> -> memref<32x128xf32, #tpu.memory_space<hbm>>
      tpu.wait_dma2 semaphore(%dma_wait3A_1675 : memref<!tpu.dma_semaphore, #tpu.memory_space<semaphore_mem>>) src(%dma_wait3A_1682 : memref<32x128xf32, #tpu.memory_space<hbm>>) dst(%dma_wait3A_1679 : memref<32x128xf32, #tpu.memory_space<vmem>>)
      %get3A_1683 = arith.index_cast %mul3A_406 : i32 to index
      %get3A_1684 = tpu.vector_load %arg7[%get3A_1683] {strides = array<i32>} : memref<512xi32, #tpu.memory_space<vmem>>, vector<16xi32>,
      %slice3A_1685 = vector.extract_strided_slice %get3A_1684 {offsets = [12], sizes = [1], strides = [1]} : vector<16xi32> to vector<1xi32>
      %squeeze3A_1686 = vector.extract %slice3A_1685[0] : i32 from vector<1xi32>
      %and3A_1687 = arith.constant 127 : i32
      %and3A_1688 = arith.andi %squeeze3A_1686, %and3A_1687 : i32
      %broadcast_in_dim3A_1689 = vector.broadcast %and3A_1688 : i32 to vector<16xi32>
      %get3A_1690 = arith.index_cast %mul3A_406 : i32 to index
      %get3A_1691 = tpu.vector_load %arg8[%get3A_1690] {strides = array<i32>} : memref<512xi32, #tpu.memory_space<vmem>>, vector<16xi32>,
      %slice3A_1692 = vector.extract_strided_slice %get3A_1691 {offsets = [12], sizes = [1], strides = [1]} : vector<16xi32> to vector<1xi32>
      %squeeze3A_1693 = vector.extract %slice3A_1692[0] : i32 from vector<1xi32>
      %and3A_1694 = arith.constant 127 : i32
      %and3A_1695 = arith.andi %squeeze3A_1693, %and3A_1694 : i32
      %broadcast_in_dim3A_1696 = vector.broadcast %and3A_1695 : i32 to vector<16xi32>
      %gather3A_1697 = arith.constant 4 : i32
      %gather3A_1698 = arith.constant 0 : i32
      %gather3A_1699 = arith.constant 0 : i32
      %gather3A_1700 = tpu.memref_slice %arg9[%gather3A_1697, %gather3A_1698, %gather3A_1699] : memref<8x32x128xf32, #tpu.memory_space<vmem>> -> memref<1x32x128xf32, #tpu.memory_space<vmem>>
      %gather3A_1701 = tpu.memref_squeeze %gather3A_1700 : memref<1x32x128xf32, #tpu.memory_space<vmem>> -> memref<32x128xf32, #tpu.memory_space<vmem>>
      %gather3A_1702 = tpu.vector_load_idx %gather3A_1701[%iota3A, %broadcast_in_dim3A_1689] : memref<32x128xf32, #tpu.memory_space<vmem>>[vector<16xi32>, vector<16xi32>], vector<16xf32>,
      %add3A_1703 = arith.constant 16 : i32
      %add3A_1704 = vector.broadcast %add3A_1703 : i32 to vector<16xi32>
      %add3A_1705 = arith.addi %iota3A, %add3A_1704 : vector<16xi32>
      %gather3A_1706 = arith.constant 4 : i32
      %gather3A_1707 = arith.constant 0 : i32
      %gather3A_1708 = arith.constant 0 : i32
      %gather3A_1709 = tpu.memref_slice %arg9[%gather3A_1706, %gather3A_1707, %gather3A_1708] : memref<8x32x128xf32, #tpu.memory_space<vmem>> -> memref<1x32x128xf32, #tpu.memory_space<vmem>>
      %gather3A_1710 = tpu.memref_squeeze %gather3A_1709 : memref<1x32x128xf32, #tpu.memory_space<vmem>> -> memref<32x128xf32, #tpu.memory_space<vmem>>
      %gather3A_1711 = tpu.vector_load_idx %gather3A_1710[%add3A_1705, %broadcast_in_dim3A_1689] : memref<32x128xf32, #tpu.memory_space<vmem>>[vector<16xi32>, vector<16xi32>], vector<16xf32>,
      %gather3A_1712 = arith.constant 4 : i32
      %gather3A_1713 = arith.constant 0 : i32
      %gather3A_1714 = arith.constant 0 : i32
      %gather3A_1715 = tpu.memref_slice %arg10[%gather3A_1712, %gather3A_1713, %gather3A_1714] : memref<8x32x128xf32, #tpu.memory_space<vmem>> -> memref<1x32x128xf32, #tpu.memory_space<vmem>>
      %gather3A_1716 = tpu.memref_squeeze %gather3A_1715 : memref<1x32x128xf32, #tpu.memory_space<vmem>> -> memref<32x128xf32, #tpu.memory_space<vmem>>
      %gather3A_1717 = tpu.vector_load_idx %gather3A_1716[%iota3A, %broadcast_in_dim3A_1696] : memref<32x128xf32, #tpu.memory_space<vmem>>[vector<16xi32>, vector<16xi32>], vector<16xf32>,
      %add3A_1718 = arith.constant 16 : i32
      %add3A_1719 = vector.broadcast %add3A_1718 : i32 to vector<16xi32>
      %add3A_1720 = arith.addi %iota3A, %add3A_1719 : vector<16xi32>
      %gather3A_1721 = arith.constant 4 : i32
      %gather3A_1722 = arith.constant 0 : i32
      %gather3A_1723 = arith.constant 0 : i32
      %gather3A_1724 = tpu.memref_slice %arg10[%gather3A_1721, %gather3A_1722, %gather3A_1723] : memref<8x32x128xf32, #tpu.memory_space<vmem>> -> memref<1x32x128xf32, #tpu.memory_space<vmem>>
      %gather3A_1725 = tpu.memref_squeeze %gather3A_1724 : memref<1x32x128xf32, #tpu.memory_space<vmem>> -> memref<32x128xf32, #tpu.memory_space<vmem>>
      %gather3A_1726 = tpu.vector_load_idx %gather3A_1725[%add3A_1720, %broadcast_in_dim3A_1696] : memref<32x128xf32, #tpu.memory_space<vmem>>[vector<16xi32>, vector<16xi32>], vector<16xf32>,
      %mul3A_1727 = arith.mulf %gather3A_1702, %gather3A_1717 : vector<16xf32>
      %mul3A_1728 = arith.mulf %gather3A_1711, %gather3A_1726 : vector<16xf32>
      %add3A_1729 = arith.addf %mul3A_1727, %mul3A_1728 : vector<16xf32>
      %reduce_sum3A_1730 = arith.constant true
      %reduce_sum3A_1731 = vector.broadcast %reduce_sum3A_1730 : i1 to vector<16xi1>
      %reduce_sum3A_1732 = tpu.scan <sum>, %add3A_1729 masked %reduce_sum3A_1731 : vector<16xf32>, vector<16xi1> -> vector<16xf32>
      %reduce_sum3A_1733 = vector.extract %reduce_sum3A_1732[15] : f32 from vector<16xf32>
      %add3A_1734 = arith.constant 16 : i32
      %add3A_1735 = arith.addi %mul3A_406, %add3A_1734 : i32
      %add3A_1736 = arith.constant 8 : i32
      %add3A_1737 = arith.addi %add3A_1646, %add3A_1736 : i32
      %lt3A_1738 = arith.constant 512 : i32
      %lt3A_1739 = arith.cmpi slt, %add3A_1737, %lt3A_1738 : i32
      %convert_element_type3A_1740 = arith.extui %lt3A_1739 : i1 to i32
      %cond3A_1741 = arith.constant 0 : i32
      %cond3A_1742 = arith.cmpi ne, %convert_element_type3A_1740, %cond3A_1741 : i32
      scf.if %cond3A_1742 {
        %get3A_2066 = arith.index_cast %add3A_1735 : i32 to index
        %get3A_2067 = tpu.vector_load %arg7[%get3A_2066] {strides = array<i32>} : memref<512xi32, #tpu.memory_space<vmem>>, vector<16xi32>,
        %slice3A_2068 = vector.extract_strided_slice %get3A_2067 {offsets = [4], sizes = [1], strides = [1]} : vector<16xi32> to vector<1xi32>
        %squeeze3A_2069 = vector.extract %slice3A_2068[0] : i32 from vector<1xi32>
        %get3A_2070 = arith.index_cast %add3A_1735 : i32 to index
        %get3A_2071 = tpu.vector_load %arg8[%get3A_2070] {strides = array<i32>} : memref<512xi32, #tpu.memory_space<vmem>>, vector<16xi32>,
        %slice3A_2072 = vector.extract_strided_slice %get3A_2071 {offsets = [4], sizes = [1], strides = [1]} : vector<16xi32> to vector<1xi32>
        %squeeze3A_2073 = vector.extract %slice3A_2072[0] : i32 from vector<1xi32>
        %shift_right_arithmetic3A_2074 = arith.constant 7 : i32
        %shift_right_arithmetic3A_2075 = arith.shrsi %squeeze3A_2069, %shift_right_arithmetic3A_2074 : i32
        %mul3A_2076 = arith.constant 128 : i32
        %mul3A_2077 = arith.muli %shift_right_arithmetic3A_2075, %mul3A_2076 : i32
        %multiple_of3A_2078 = tpu.assume_multiple %mul3A_2077, 128 : i32
        %shift_right_arithmetic3A_2079 = arith.constant 7 : i32
        %shift_right_arithmetic3A_2080 = arith.shrsi %squeeze3A_2073, %shift_right_arithmetic3A_2079 : i32
        %mul3A_2081 = arith.constant 128 : i32
        %mul3A_2082 = arith.muli %shift_right_arithmetic3A_2080, %mul3A_2081 : i32
        %multiple_of3A_2083 = tpu.assume_multiple %mul3A_2082, 128 : i32
        %dma_start3A_2084 = arith.constant 4 : i32
        %dma_start3A_2085 = arith.constant 4 : i32
        %dma_start3A_2086 = arith.constant 0 : i32
        %dma_start3A_2087 = arith.constant 0 : i32
        %dma_start3A_2088 = tpu.memref_slice %arg9[%dma_start3A_2084, %dma_start3A_2086, %dma_start3A_2087] : memref<8x32x128xf32, #tpu.memory_space<vmem>> -> memref<1x32x128xf32, #tpu.memory_space<vmem>>
        %dma_start3A_2089 = tpu.memref_squeeze %dma_start3A_2088 : memref<1x32x128xf32, #tpu.memory_space<vmem>> -> memref<32x128xf32, #tpu.memory_space<vmem>>
        %dma_start3A_2090 = arith.constant 0 : i32
        %dma_start3A_2091 = tpu.memref_slice %arg4[%dma_start3A_2090, %multiple_of3A_2078] : memref<32x1000000xf32, #tpu.memory_space<hbm>> -> memref<32x128xf32, #tpu.memory_space<hbm>>
        %dma_start3A_2092 = tpu.memref_slice %arg12[%dma_start3A_2085] : memref<8x!tpu.dma_semaphore, #tpu.memory_space<semaphore_mem>> -> memref<1x!tpu.dma_semaphore, #tpu.memory_space<semaphore_mem>>
        %dma_start3A_2093 = tpu.memref_squeeze %dma_start3A_2092 : memref<1x!tpu.dma_semaphore, #tpu.memory_space<semaphore_mem>> -> memref<!tpu.dma_semaphore, #tpu.memory_space<semaphore_mem>>
        %dma_start3A_2094 = arith.constant 0 : i32
        %dma_start3A_2095 = arith.constant 0 : i32
        %dma_start3A_2096 = tpu.memref_slice %arg9[%dma_start3A_2084, %dma_start3A_2094, %dma_start3A_2095] : memref<8x32x128xf32, #tpu.memory_space<vmem>> -> memref<1x32x128xf32, #tpu.memory_space<vmem>>
        %dma_start3A_2097 = tpu.memref_squeeze %dma_start3A_2096 : memref<1x32x128xf32, #tpu.memory_space<vmem>> -> memref<32x128xf32, #tpu.memory_space<vmem>>
        %dma_start3A_2098 = arith.constant 0 : i32
        %dma_start3A_2099 = tpu.memref_slice %arg4[%dma_start3A_2098, %multiple_of3A_2078] : memref<32x1000000xf32, #tpu.memory_space<hbm>> -> memref<32x128xf32, #tpu.memory_space<hbm>>
        tpu.enqueue_dma source(%dma_start3A_2099 : memref<32x128xf32, #tpu.memory_space<hbm>>) target(%dma_start3A_2097 : memref<32x128xf32, #tpu.memory_space<vmem>>) target_semaphore(%dma_start3A_2093 : memref<!tpu.dma_semaphore, #tpu.memory_space<semaphore_mem>>)
        %dma_start3A_2100 = arith.constant 4 : i32
        %dma_start3A_2101 = arith.constant 4 : i32
        %dma_start3A_2102 = arith.constant 0 : i32
        %dma_start3A_2103 = arith.constant 0 : i32
        %dma_start3A_2104 = tpu.memref_slice %arg10[%dma_start3A_2100, %dma_start3A_2102, %dma_start3A_2103] : memref<8x32x128xf32, #tpu.memory_space<vmem>> -> memref<1x32x128xf32, #tpu.memory_space<vmem>>
        %dma_start3A_2105 = tpu.memref_squeeze %dma_start3A_2104 : memref<1x32x128xf32, #tpu.memory_space<vmem>> -> memref<32x128xf32, #tpu.memory_space<vmem>>
        %dma_start3A_2106 = arith.constant 0 : i32
        %dma_start3A_2107 = tpu.memref_slice %arg5[%dma_start3A_2106, %multiple_of3A_2083] : memref<32x1000000xf32, #tpu.memory_space<hbm>> -> memref<32x128xf32, #tpu.memory_space<hbm>>
        %dma_start3A_2108 = tpu.memref_slice %arg13[%dma_start3A_2101] : memref<8x!tpu.dma_semaphore, #tpu.memory_space<semaphore_mem>> -> memref<1x!tpu.dma_semaphore, #tpu.memory_space<semaphore_mem>>
        %dma_start3A_2109 = tpu.memref_squeeze %dma_start3A_2108 : memref<1x!tpu.dma_semaphore, #tpu.memory_space<semaphore_mem>> -> memref<!tpu.dma_semaphore, #tpu.memory_space<semaphore_mem>>
        %dma_start3A_2110 = arith.constant 0 : i32
        %dma_start3A_2111 = arith.constant 0 : i32
        %dma_start3A_2112 = tpu.memref_slice %arg10[%dma_start3A_2100, %dma_start3A_2110, %dma_start3A_2111] : memref<8x32x128xf32, #tpu.memory_space<vmem>> -> memref<1x32x128xf32, #tpu.memory_space<vmem>>
        %dma_start3A_2113 = tpu.memref_squeeze %dma_start3A_2112 : memref<1x32x128xf32, #tpu.memory_space<vmem>> -> memref<32x128xf32, #tpu.memory_space<vmem>>
        %dma_start3A_2114 = arith.constant 0 : i32
        %dma_start3A_2115 = tpu.memref_slice %arg5[%dma_start3A_2114, %multiple_of3A_2083] : memref<32x1000000xf32, #tpu.memory_space<hbm>> -> memref<32x128xf32, #tpu.memory_space<hbm>>
        tpu.enqueue_dma source(%dma_start3A_2115 : memref<32x128xf32, #tpu.memory_space<hbm>>) target(%dma_start3A_2113 : memref<32x128xf32, #tpu.memory_space<vmem>>) target_semaphore(%dma_start3A_2109 : memref<!tpu.dma_semaphore, #tpu.memory_space<semaphore_mem>>)
      } else {
      }
      %eq3A_1743 = arith.constant 12 : i32
      %eq3A_1744 = vector.broadcast %eq3A_1743 : i32 to vector<16xi32>
      %eq3A_1745 = arith.cmpi eq, %iota3A, %eq3A_1744 : vector<16xi32>
      %broadcast_in_dim3A_1746 = vector.broadcast %reduce_sum3A_1733 : f32 to vector<16xf32>
      %select_n3A_1747 = arith.select %eq3A_1745, %broadcast_in_dim3A_1746, %select_n3A_1642 : vector<16xi1>, vector<16xf32>
      %add3A_1748 = arith.constant 8 : i32
      %add3A_1749 = arith.addi %mul3A_406, %add3A_1748 : i32
      %add3A_1750 = arith.constant 5 : i32
      %add3A_1751 = arith.addi %add3A_1749, %add3A_1750 : i32
      %dma_wait3A_1752 = arith.constant 5 : i32
      %dma_wait3A_1753 = arith.constant 5 : i32
      %dma_wait3A_1754 = arith.constant 0 : i32
      %dma_wait3A_1755 = arith.constant 0 : i32
      %dma_wait3A_1756 = tpu.memref_slice %arg9[%dma_wait3A_1752, %dma_wait3A_1754, %dma_wait3A_1755] : memref<8x32x128xf32, #tpu.memory_space<vmem>> -> memref<1x32x128xf32, #tpu.memory_space<vmem>>
      %dma_wait3A_1757 = tpu.memref_squeeze %dma_wait3A_1756 : memref<1x32x128xf32, #tpu.memory_space<vmem>> -> memref<32x128xf32, #tpu.memory_space<vmem>>
      %dma_wait3A_1758 = arith.constant 0 : i32
      %dma_wait3A_1759 = arith.constant 0 : i32
      %dma_wait3A_1760 = tpu.memref_slice %arg4[%dma_wait3A_1758, %dma_wait3A_1759] : memref<32x1000000xf32, #tpu.memory_space<hbm>> -> memref<32x128xf32, #tpu.memory_space<hbm>>
      %dma_wait3A_1761 = tpu.memref_slice %arg12[%dma_wait3A_1753] : memref<8x!tpu.dma_semaphore, #tpu.memory_space<semaphore_mem>> -> memref<1x!tpu.dma_semaphore, #tpu.memory_space<semaphore_mem>>
      %dma_wait3A_1762 = tpu.memref_squeeze %dma_wait3A_1761 : memref<1x!tpu.dma_semaphore, #tpu.memory_space<semaphore_mem>> -> memref<!tpu.dma_semaphore, #tpu.memory_space<semaphore_mem>>
      %dma_wait3A_1763 = arith.constant 0 : i32
      %dma_wait3A_1764 = arith.constant 0 : i32
      %dma_wait3A_1765 = tpu.memref_slice %arg9[%dma_wait3A_1752, %dma_wait3A_1763, %dma_wait3A_1764] : memref<8x32x128xf32, #tpu.memory_space<vmem>> -> memref<1x32x128xf32, #tpu.memory_space<vmem>>
      %dma_wait3A_1766 = tpu.memref_squeeze %dma_wait3A_1765 : memref<1x32x128xf32, #tpu.memory_space<vmem>> -> memref<32x128xf32, #tpu.memory_space<vmem>>
      %dma_wait3A_1767 = arith.constant 0 : i32
      %dma_wait3A_1768 = arith.constant 0 : i32
      %dma_wait3A_1769 = tpu.memref_slice %arg4[%dma_wait3A_1767, %dma_wait3A_1768] : memref<32x1000000xf32, #tpu.memory_space<hbm>> -> memref<32x128xf32, #tpu.memory_space<hbm>>
      tpu.wait_dma2 semaphore(%dma_wait3A_1762 : memref<!tpu.dma_semaphore, #tpu.memory_space<semaphore_mem>>) src(%dma_wait3A_1769 : memref<32x128xf32, #tpu.memory_space<hbm>>) dst(%dma_wait3A_1766 : memref<32x128xf32, #tpu.memory_space<vmem>>)
      %dma_wait3A_1770 = arith.constant 5 : i32
      %dma_wait3A_1771 = arith.constant 5 : i32
      %dma_wait3A_1772 = arith.constant 0 : i32
      %dma_wait3A_1773 = arith.constant 0 : i32
      %dma_wait3A_1774 = tpu.memref_slice %arg10[%dma_wait3A_1770, %dma_wait3A_1772, %dma_wait3A_1773] : memref<8x32x128xf32, #tpu.memory_space<vmem>> -> memref<1x32x128xf32, #tpu.memory_space<vmem>>
      %dma_wait3A_1775 = tpu.memref_squeeze %dma_wait3A_1774 : memref<1x32x128xf32, #tpu.memory_space<vmem>> -> memref<32x128xf32, #tpu.memory_space<vmem>>
      %dma_wait3A_1776 = arith.constant 0 : i32
      %dma_wait3A_1777 = arith.constant 0 : i32
      %dma_wait3A_1778 = tpu.memref_slice %arg5[%dma_wait3A_1776, %dma_wait3A_1777] : memref<32x1000000xf32, #tpu.memory_space<hbm>> -> memref<32x128xf32, #tpu.memory_space<hbm>>
      %dma_wait3A_1779 = tpu.memref_slice %arg13[%dma_wait3A_1771] : memref<8x!tpu.dma_semaphore, #tpu.memory_space<semaphore_mem>> -> memref<1x!tpu.dma_semaphore, #tpu.memory_space<semaphore_mem>>
      %dma_wait3A_1780 = tpu.memref_squeeze %dma_wait3A_1779 : memref<1x!tpu.dma_semaphore, #tpu.memory_space<semaphore_mem>> -> memref<!tpu.dma_semaphore, #tpu.memory_space<semaphore_mem>>
      %dma_wait3A_1781 = arith.constant 0 : i32
      %dma_wait3A_1782 = arith.constant 0 : i32
      %dma_wait3A_1783 = tpu.memref_slice %arg10[%dma_wait3A_1770, %dma_wait3A_1781, %dma_wait3A_1782] : memref<8x32x128xf32, #tpu.memory_space<vmem>> -> memref<1x32x128xf32, #tpu.memory_space<vmem>>
      %dma_wait3A_1784 = tpu.memref_squeeze %dma_wait3A_1783 : memref<1x32x128xf32, #tpu.memory_space<vmem>> -> memref<32x128xf32, #tpu.memory_space<vmem>>
      %dma_wait3A_1785 = arith.constant 0 : i32
      %dma_wait3A_1786 = arith.constant 0 : i32
      %dma_wait3A_1787 = tpu.memref_slice %arg5[%dma_wait3A_1785, %dma_wait3A_1786] : memref<32x1000000xf32, #tpu.memory_space<hbm>> -> memref<32x128xf32, #tpu.memory_space<hbm>>
      tpu.wait_dma2 semaphore(%dma_wait3A_1780 : memref<!tpu.dma_semaphore, #tpu.memory_space<semaphore_mem>>) src(%dma_wait3A_1787 : memref<32x128xf32, #tpu.memory_space<hbm>>) dst(%dma_wait3A_1784 : memref<32x128xf32, #tpu.memory_space<vmem>>)
      %get3A_1788 = arith.index_cast %mul3A_406 : i32 to index
      %get3A_1789 = tpu.vector_load %arg7[%get3A_1788] {strides = array<i32>} : memref<512xi32, #tpu.memory_space<vmem>>, vector<16xi32>,
      %slice3A_1790 = vector.extract_strided_slice %get3A_1789 {offsets = [13], sizes = [1], strides = [1]} : vector<16xi32> to vector<1xi32>
      %squeeze3A_1791 = vector.extract %slice3A_1790[0] : i32 from vector<1xi32>
      %and3A_1792 = arith.constant 127 : i32
      %and3A_1793 = arith.andi %squeeze3A_1791, %and3A_1792 : i32
      %broadcast_in_dim3A_1794 = vector.broadcast %and3A_1793 : i32 to vector<16xi32>
      %get3A_1795 = arith.index_cast %mul3A_406 : i32 to index
      %get3A_1796 = tpu.vector_load %arg8[%get3A_1795] {strides = array<i32>} : memref<512xi32, #tpu.memory_space<vmem>>, vector<16xi32>,
      %slice3A_1797 = vector.extract_strided_slice %get3A_1796 {offsets = [13], sizes = [1], strides = [1]} : vector<16xi32> to vector<1xi32>
      %squeeze3A_1798 = vector.extract %slice3A_1797[0] : i32 from vector<1xi32>
      %and3A_1799 = arith.constant 127 : i32
      %and3A_1800 = arith.andi %squeeze3A_1798, %and3A_1799 : i32
      %broadcast_in_dim3A_1801 = vector.broadcast %and3A_1800 : i32 to vector<16xi32>
      %gather3A_1802 = arith.constant 5 : i32
      %gather3A_1803 = arith.constant 0 : i32
      %gather3A_1804 = arith.constant 0 : i32
      %gather3A_1805 = tpu.memref_slice %arg9[%gather3A_1802, %gather3A_1803, %gather3A_1804] : memref<8x32x128xf32, #tpu.memory_space<vmem>> -> memref<1x32x128xf32, #tpu.memory_space<vmem>>
      %gather3A_1806 = tpu.memref_squeeze %gather3A_1805 : memref<1x32x128xf32, #tpu.memory_space<vmem>> -> memref<32x128xf32, #tpu.memory_space<vmem>>
      %gather3A_1807 = tpu.vector_load_idx %gather3A_1806[%iota3A, %broadcast_in_dim3A_1794] : memref<32x128xf32, #tpu.memory_space<vmem>>[vector<16xi32>, vector<16xi32>], vector<16xf32>,
      %add3A_1808 = arith.constant 16 : i32
      %add3A_1809 = vector.broadcast %add3A_1808 : i32 to vector<16xi32>
      %add3A_1810 = arith.addi %iota3A, %add3A_1809 : vector<16xi32>
      %gather3A_1811 = arith.constant 5 : i32
      %gather3A_1812 = arith.constant 0 : i32
      %gather3A_1813 = arith.constant 0 : i32
      %gather3A_1814 = tpu.memref_slice %arg9[%gather3A_1811, %gather3A_1812, %gather3A_1813] : memref<8x32x128xf32, #tpu.memory_space<vmem>> -> memref<1x32x128xf32, #tpu.memory_space<vmem>>
      %gather3A_1815 = tpu.memref_squeeze %gather3A_1814 : memref<1x32x128xf32, #tpu.memory_space<vmem>> -> memref<32x128xf32, #tpu.memory_space<vmem>>
      %gather3A_1816 = tpu.vector_load_idx %gather3A_1815[%add3A_1810, %broadcast_in_dim3A_1794] : memref<32x128xf32, #tpu.memory_space<vmem>>[vector<16xi32>, vector<16xi32>], vector<16xf32>,
      %gather3A_1817 = arith.constant 5 : i32
      %gather3A_1818 = arith.constant 0 : i32
      %gather3A_1819 = arith.constant 0 : i32
      %gather3A_1820 = tpu.memref_slice %arg10[%gather3A_1817, %gather3A_1818, %gather3A_1819] : memref<8x32x128xf32, #tpu.memory_space<vmem>> -> memref<1x32x128xf32, #tpu.memory_space<vmem>>
      %gather3A_1821 = tpu.memref_squeeze %gather3A_1820 : memref<1x32x128xf32, #tpu.memory_space<vmem>> -> memref<32x128xf32, #tpu.memory_space<vmem>>
      %gather3A_1822 = tpu.vector_load_idx %gather3A_1821[%iota3A, %broadcast_in_dim3A_1801] : memref<32x128xf32, #tpu.memory_space<vmem>>[vector<16xi32>, vector<16xi32>], vector<16xf32>,
      %add3A_1823 = arith.constant 16 : i32
      %add3A_1824 = vector.broadcast %add3A_1823 : i32 to vector<16xi32>
      %add3A_1825 = arith.addi %iota3A, %add3A_1824 : vector<16xi32>
      %gather3A_1826 = arith.constant 5 : i32
      %gather3A_1827 = arith.constant 0 : i32
      %gather3A_1828 = arith.constant 0 : i32
      %gather3A_1829 = tpu.memref_slice %arg10[%gather3A_1826, %gather3A_1827, %gather3A_1828] : memref<8x32x128xf32, #tpu.memory_space<vmem>> -> memref<1x32x128xf32, #tpu.memory_space<vmem>>
      %gather3A_1830 = tpu.memref_squeeze %gather3A_1829 : memref<1x32x128xf32, #tpu.memory_space<vmem>> -> memref<32x128xf32, #tpu.memory_space<vmem>>
      %gather3A_1831 = tpu.vector_load_idx %gather3A_1830[%add3A_1825, %broadcast_in_dim3A_1801] : memref<32x128xf32, #tpu.memory_space<vmem>>[vector<16xi32>, vector<16xi32>], vector<16xf32>,
      %mul3A_1832 = arith.mulf %gather3A_1807, %gather3A_1822 : vector<16xf32>
      %mul3A_1833 = arith.mulf %gather3A_1816, %gather3A_1831 : vector<16xf32>
      %add3A_1834 = arith.addf %mul3A_1832, %mul3A_1833 : vector<16xf32>
      %reduce_sum3A_1835 = arith.constant true
      %reduce_sum3A_1836 = vector.broadcast %reduce_sum3A_1835 : i1 to vector<16xi1>
      %reduce_sum3A_1837 = tpu.scan <sum>, %add3A_1834 masked %reduce_sum3A_1836 : vector<16xf32>, vector<16xi1> -> vector<16xf32>
      %reduce_sum3A_1838 = vector.extract %reduce_sum3A_1837[15] : f32 from vector<16xf32>
      %add3A_1839 = arith.constant 16 : i32
      %add3A_1840 = arith.addi %mul3A_406, %add3A_1839 : i32
      %add3A_1841 = arith.constant 8 : i32
      %add3A_1842 = arith.addi %add3A_1751, %add3A_1841 : i32
      %lt3A_1843 = arith.constant 512 : i32
      %lt3A_1844 = arith.cmpi slt, %add3A_1842, %lt3A_1843 : i32
      %convert_element_type3A_1845 = arith.extui %lt3A_1844 : i1 to i32
      %cond3A_1846 = arith.constant 0 : i32
      %cond3A_1847 = arith.cmpi ne, %convert_element_type3A_1845, %cond3A_1846 : i32
      scf.if %cond3A_1847 {
        %get3A_2066 = arith.index_cast %add3A_1840 : i32 to index
        %get3A_2067 = tpu.vector_load %arg7[%get3A_2066] {strides = array<i32>} : memref<512xi32, #tpu.memory_space<vmem>>, vector<16xi32>,
        %slice3A_2068 = vector.extract_strided_slice %get3A_2067 {offsets = [5], sizes = [1], strides = [1]} : vector<16xi32> to vector<1xi32>
        %squeeze3A_2069 = vector.extract %slice3A_2068[0] : i32 from vector<1xi32>
        %get3A_2070 = arith.index_cast %add3A_1840 : i32 to index
        %get3A_2071 = tpu.vector_load %arg8[%get3A_2070] {strides = array<i32>} : memref<512xi32, #tpu.memory_space<vmem>>, vector<16xi32>,
        %slice3A_2072 = vector.extract_strided_slice %get3A_2071 {offsets = [5], sizes = [1], strides = [1]} : vector<16xi32> to vector<1xi32>
        %squeeze3A_2073 = vector.extract %slice3A_2072[0] : i32 from vector<1xi32>
        %shift_right_arithmetic3A_2074 = arith.constant 7 : i32
        %shift_right_arithmetic3A_2075 = arith.shrsi %squeeze3A_2069, %shift_right_arithmetic3A_2074 : i32
        %mul3A_2076 = arith.constant 128 : i32
        %mul3A_2077 = arith.muli %shift_right_arithmetic3A_2075, %mul3A_2076 : i32
        %multiple_of3A_2078 = tpu.assume_multiple %mul3A_2077, 128 : i32
        %shift_right_arithmetic3A_2079 = arith.constant 7 : i32
        %shift_right_arithmetic3A_2080 = arith.shrsi %squeeze3A_2073, %shift_right_arithmetic3A_2079 : i32
        %mul3A_2081 = arith.constant 128 : i32
        %mul3A_2082 = arith.muli %shift_right_arithmetic3A_2080, %mul3A_2081 : i32
        %multiple_of3A_2083 = tpu.assume_multiple %mul3A_2082, 128 : i32
        %dma_start3A_2084 = arith.constant 5 : i32
        %dma_start3A_2085 = arith.constant 5 : i32
        %dma_start3A_2086 = arith.constant 0 : i32
        %dma_start3A_2087 = arith.constant 0 : i32
        %dma_start3A_2088 = tpu.memref_slice %arg9[%dma_start3A_2084, %dma_start3A_2086, %dma_start3A_2087] : memref<8x32x128xf32, #tpu.memory_space<vmem>> -> memref<1x32x128xf32, #tpu.memory_space<vmem>>
        %dma_start3A_2089 = tpu.memref_squeeze %dma_start3A_2088 : memref<1x32x128xf32, #tpu.memory_space<vmem>> -> memref<32x128xf32, #tpu.memory_space<vmem>>
        %dma_start3A_2090 = arith.constant 0 : i32
        %dma_start3A_2091 = tpu.memref_slice %arg4[%dma_start3A_2090, %multiple_of3A_2078] : memref<32x1000000xf32, #tpu.memory_space<hbm>> -> memref<32x128xf32, #tpu.memory_space<hbm>>
        %dma_start3A_2092 = tpu.memref_slice %arg12[%dma_start3A_2085] : memref<8x!tpu.dma_semaphore, #tpu.memory_space<semaphore_mem>> -> memref<1x!tpu.dma_semaphore, #tpu.memory_space<semaphore_mem>>
        %dma_start3A_2093 = tpu.memref_squeeze %dma_start3A_2092 : memref<1x!tpu.dma_semaphore, #tpu.memory_space<semaphore_mem>> -> memref<!tpu.dma_semaphore, #tpu.memory_space<semaphore_mem>>
        %dma_start3A_2094 = arith.constant 0 : i32
        %dma_start3A_2095 = arith.constant 0 : i32
        %dma_start3A_2096 = tpu.memref_slice %arg9[%dma_start3A_2084, %dma_start3A_2094, %dma_start3A_2095] : memref<8x32x128xf32, #tpu.memory_space<vmem>> -> memref<1x32x128xf32, #tpu.memory_space<vmem>>
        %dma_start3A_2097 = tpu.memref_squeeze %dma_start3A_2096 : memref<1x32x128xf32, #tpu.memory_space<vmem>> -> memref<32x128xf32, #tpu.memory_space<vmem>>
        %dma_start3A_2098 = arith.constant 0 : i32
        %dma_start3A_2099 = tpu.memref_slice %arg4[%dma_start3A_2098, %multiple_of3A_2078] : memref<32x1000000xf32, #tpu.memory_space<hbm>> -> memref<32x128xf32, #tpu.memory_space<hbm>>
        tpu.enqueue_dma source(%dma_start3A_2099 : memref<32x128xf32, #tpu.memory_space<hbm>>) target(%dma_start3A_2097 : memref<32x128xf32, #tpu.memory_space<vmem>>) target_semaphore(%dma_start3A_2093 : memref<!tpu.dma_semaphore, #tpu.memory_space<semaphore_mem>>)
        %dma_start3A_2100 = arith.constant 5 : i32
        %dma_start3A_2101 = arith.constant 5 : i32
        %dma_start3A_2102 = arith.constant 0 : i32
        %dma_start3A_2103 = arith.constant 0 : i32
        %dma_start3A_2104 = tpu.memref_slice %arg10[%dma_start3A_2100, %dma_start3A_2102, %dma_start3A_2103] : memref<8x32x128xf32, #tpu.memory_space<vmem>> -> memref<1x32x128xf32, #tpu.memory_space<vmem>>
        %dma_start3A_2105 = tpu.memref_squeeze %dma_start3A_2104 : memref<1x32x128xf32, #tpu.memory_space<vmem>> -> memref<32x128xf32, #tpu.memory_space<vmem>>
        %dma_start3A_2106 = arith.constant 0 : i32
        %dma_start3A_2107 = tpu.memref_slice %arg5[%dma_start3A_2106, %multiple_of3A_2083] : memref<32x1000000xf32, #tpu.memory_space<hbm>> -> memref<32x128xf32, #tpu.memory_space<hbm>>
        %dma_start3A_2108 = tpu.memref_slice %arg13[%dma_start3A_2101] : memref<8x!tpu.dma_semaphore, #tpu.memory_space<semaphore_mem>> -> memref<1x!tpu.dma_semaphore, #tpu.memory_space<semaphore_mem>>
        %dma_start3A_2109 = tpu.memref_squeeze %dma_start3A_2108 : memref<1x!tpu.dma_semaphore, #tpu.memory_space<semaphore_mem>> -> memref<!tpu.dma_semaphore, #tpu.memory_space<semaphore_mem>>
        %dma_start3A_2110 = arith.constant 0 : i32
        %dma_start3A_2111 = arith.constant 0 : i32
        %dma_start3A_2112 = tpu.memref_slice %arg10[%dma_start3A_2100, %dma_start3A_2110, %dma_start3A_2111] : memref<8x32x128xf32, #tpu.memory_space<vmem>> -> memref<1x32x128xf32, #tpu.memory_space<vmem>>
        %dma_start3A_2113 = tpu.memref_squeeze %dma_start3A_2112 : memref<1x32x128xf32, #tpu.memory_space<vmem>> -> memref<32x128xf32, #tpu.memory_space<vmem>>
        %dma_start3A_2114 = arith.constant 0 : i32
        %dma_start3A_2115 = tpu.memref_slice %arg5[%dma_start3A_2114, %multiple_of3A_2083] : memref<32x1000000xf32, #tpu.memory_space<hbm>> -> memref<32x128xf32, #tpu.memory_space<hbm>>
        tpu.enqueue_dma source(%dma_start3A_2115 : memref<32x128xf32, #tpu.memory_space<hbm>>) target(%dma_start3A_2113 : memref<32x128xf32, #tpu.memory_space<vmem>>) target_semaphore(%dma_start3A_2109 : memref<!tpu.dma_semaphore, #tpu.memory_space<semaphore_mem>>)
      } else {
      }
      %eq3A_1848 = arith.constant 13 : i32
      %eq3A_1849 = vector.broadcast %eq3A_1848 : i32 to vector<16xi32>
      %eq3A_1850 = arith.cmpi eq, %iota3A, %eq3A_1849 : vector<16xi32>
      %broadcast_in_dim3A_1851 = vector.broadcast %reduce_sum3A_1838 : f32 to vector<16xf32>
      %select_n3A_1852 = arith.select %eq3A_1850, %broadcast_in_dim3A_1851, %select_n3A_1747 : vector<16xi1>, vector<16xf32>
      %add3A_1853 = arith.constant 8 : i32
      %add3A_1854 = arith.addi %mul3A_406, %add3A_1853 : i32
      %add3A_1855 = arith.constant 6 : i32
      %add3A_1856 = arith.addi %add3A_1854, %add3A_1855 : i32
      %dma_wait3A_1857 = arith.constant 6 : i32
      %dma_wait3A_1858 = arith.constant 6 : i32
      %dma_wait3A_1859 = arith.constant 0 : i32
      %dma_wait3A_1860 = arith.constant 0 : i32
      %dma_wait3A_1861 = tpu.memref_slice %arg9[%dma_wait3A_1857, %dma_wait3A_1859, %dma_wait3A_1860] : memref<8x32x128xf32, #tpu.memory_space<vmem>> -> memref<1x32x128xf32, #tpu.memory_space<vmem>>
      %dma_wait3A_1862 = tpu.memref_squeeze %dma_wait3A_1861 : memref<1x32x128xf32, #tpu.memory_space<vmem>> -> memref<32x128xf32, #tpu.memory_space<vmem>>
      %dma_wait3A_1863 = arith.constant 0 : i32
      %dma_wait3A_1864 = arith.constant 0 : i32
      %dma_wait3A_1865 = tpu.memref_slice %arg4[%dma_wait3A_1863, %dma_wait3A_1864] : memref<32x1000000xf32, #tpu.memory_space<hbm>> -> memref<32x128xf32, #tpu.memory_space<hbm>>
      %dma_wait3A_1866 = tpu.memref_slice %arg12[%dma_wait3A_1858] : memref<8x!tpu.dma_semaphore, #tpu.memory_space<semaphore_mem>> -> memref<1x!tpu.dma_semaphore, #tpu.memory_space<semaphore_mem>>
      %dma_wait3A_1867 = tpu.memref_squeeze %dma_wait3A_1866 : memref<1x!tpu.dma_semaphore, #tpu.memory_space<semaphore_mem>> -> memref<!tpu.dma_semaphore, #tpu.memory_space<semaphore_mem>>
      %dma_wait3A_1868 = arith.constant 0 : i32
      %dma_wait3A_1869 = arith.constant 0 : i32
      %dma_wait3A_1870 = tpu.memref_slice %arg9[%dma_wait3A_1857, %dma_wait3A_1868, %dma_wait3A_1869] : memref<8x32x128xf32, #tpu.memory_space<vmem>> -> memref<1x32x128xf32, #tpu.memory_space<vmem>>
      %dma_wait3A_1871 = tpu.memref_squeeze %dma_wait3A_1870 : memref<1x32x128xf32, #tpu.memory_space<vmem>> -> memref<32x128xf32, #tpu.memory_space<vmem>>
      %dma_wait3A_1872 = arith.constant 0 : i32
      %dma_wait3A_1873 = arith.constant 0 : i32
      %dma_wait3A_1874 = tpu.memref_slice %arg4[%dma_wait3A_1872, %dma_wait3A_1873] : memref<32x1000000xf32, #tpu.memory_space<hbm>> -> memref<32x128xf32, #tpu.memory_space<hbm>>
      tpu.wait_dma2 semaphore(%dma_wait3A_1867 : memref<!tpu.dma_semaphore, #tpu.memory_space<semaphore_mem>>) src(%dma_wait3A_1874 : memref<32x128xf32, #tpu.memory_space<hbm>>) dst(%dma_wait3A_1871 : memref<32x128xf32, #tpu.memory_space<vmem>>)
      %dma_wait3A_1875 = arith.constant 6 : i32
      %dma_wait3A_1876 = arith.constant 6 : i32
      %dma_wait3A_1877 = arith.constant 0 : i32
      %dma_wait3A_1878 = arith.constant 0 : i32
      %dma_wait3A_1879 = tpu.memref_slice %arg10[%dma_wait3A_1875, %dma_wait3A_1877, %dma_wait3A_1878] : memref<8x32x128xf32, #tpu.memory_space<vmem>> -> memref<1x32x128xf32, #tpu.memory_space<vmem>>
      %dma_wait3A_1880 = tpu.memref_squeeze %dma_wait3A_1879 : memref<1x32x128xf32, #tpu.memory_space<vmem>> -> memref<32x128xf32, #tpu.memory_space<vmem>>
      %dma_wait3A_1881 = arith.constant 0 : i32
      %dma_wait3A_1882 = arith.constant 0 : i32
      %dma_wait3A_1883 = tpu.memref_slice %arg5[%dma_wait3A_1881, %dma_wait3A_1882] : memref<32x1000000xf32, #tpu.memory_space<hbm>> -> memref<32x128xf32, #tpu.memory_space<hbm>>
      %dma_wait3A_1884 = tpu.memref_slice %arg13[%dma_wait3A_1876] : memref<8x!tpu.dma_semaphore, #tpu.memory_space<semaphore_mem>> -> memref<1x!tpu.dma_semaphore, #tpu.memory_space<semaphore_mem>>
      %dma_wait3A_1885 = tpu.memref_squeeze %dma_wait3A_1884 : memref<1x!tpu.dma_semaphore, #tpu.memory_space<semaphore_mem>> -> memref<!tpu.dma_semaphore, #tpu.memory_space<semaphore_mem>>
      %dma_wait3A_1886 = arith.constant 0 : i32
      %dma_wait3A_1887 = arith.constant 0 : i32
      %dma_wait3A_1888 = tpu.memref_slice %arg10[%dma_wait3A_1875, %dma_wait3A_1886, %dma_wait3A_1887] : memref<8x32x128xf32, #tpu.memory_space<vmem>> -> memref<1x32x128xf32, #tpu.memory_space<vmem>>
      %dma_wait3A_1889 = tpu.memref_squeeze %dma_wait3A_1888 : memref<1x32x128xf32, #tpu.memory_space<vmem>> -> memref<32x128xf32, #tpu.memory_space<vmem>>
      %dma_wait3A_1890 = arith.constant 0 : i32
      %dma_wait3A_1891 = arith.constant 0 : i32
      %dma_wait3A_1892 = tpu.memref_slice %arg5[%dma_wait3A_1890, %dma_wait3A_1891] : memref<32x1000000xf32, #tpu.memory_space<hbm>> -> memref<32x128xf32, #tpu.memory_space<hbm>>
      tpu.wait_dma2 semaphore(%dma_wait3A_1885 : memref<!tpu.dma_semaphore, #tpu.memory_space<semaphore_mem>>) src(%dma_wait3A_1892 : memref<32x128xf32, #tpu.memory_space<hbm>>) dst(%dma_wait3A_1889 : memref<32x128xf32, #tpu.memory_space<vmem>>)
      %get3A_1893 = arith.index_cast %mul3A_406 : i32 to index
      %get3A_1894 = tpu.vector_load %arg7[%get3A_1893] {strides = array<i32>} : memref<512xi32, #tpu.memory_space<vmem>>, vector<16xi32>,
      %slice3A_1895 = vector.extract_strided_slice %get3A_1894 {offsets = [14], sizes = [1], strides = [1]} : vector<16xi32> to vector<1xi32>
      %squeeze3A_1896 = vector.extract %slice3A_1895[0] : i32 from vector<1xi32>
      %and3A_1897 = arith.constant 127 : i32
      %and3A_1898 = arith.andi %squeeze3A_1896, %and3A_1897 : i32
      %broadcast_in_dim3A_1899 = vector.broadcast %and3A_1898 : i32 to vector<16xi32>
      %get3A_1900 = arith.index_cast %mul3A_406 : i32 to index
      %get3A_1901 = tpu.vector_load %arg8[%get3A_1900] {strides = array<i32>} : memref<512xi32, #tpu.memory_space<vmem>>, vector<16xi32>,
      %slice3A_1902 = vector.extract_strided_slice %get3A_1901 {offsets = [14], sizes = [1], strides = [1]} : vector<16xi32> to vector<1xi32>
      %squeeze3A_1903 = vector.extract %slice3A_1902[0] : i32 from vector<1xi32>
      %and3A_1904 = arith.constant 127 : i32
      %and3A_1905 = arith.andi %squeeze3A_1903, %and3A_1904 : i32
      %broadcast_in_dim3A_1906 = vector.broadcast %and3A_1905 : i32 to vector<16xi32>
      %gather3A_1907 = arith.constant 6 : i32
      %gather3A_1908 = arith.constant 0 : i32
      %gather3A_1909 = arith.constant 0 : i32
      %gather3A_1910 = tpu.memref_slice %arg9[%gather3A_1907, %gather3A_1908, %gather3A_1909] : memref<8x32x128xf32, #tpu.memory_space<vmem>> -> memref<1x32x128xf32, #tpu.memory_space<vmem>>
      %gather3A_1911 = tpu.memref_squeeze %gather3A_1910 : memref<1x32x128xf32, #tpu.memory_space<vmem>> -> memref<32x128xf32, #tpu.memory_space<vmem>>
      %gather3A_1912 = tpu.vector_load_idx %gather3A_1911[%iota3A, %broadcast_in_dim3A_1899] : memref<32x128xf32, #tpu.memory_space<vmem>>[vector<16xi32>, vector<16xi32>], vector<16xf32>,
      %add3A_1913 = arith.constant 16 : i32
      %add3A_1914 = vector.broadcast %add3A_1913 : i32 to vector<16xi32>
      %add3A_1915 = arith.addi %iota3A, %add3A_1914 : vector<16xi32>
      %gather3A_1916 = arith.constant 6 : i32
      %gather3A_1917 = arith.constant 0 : i32
      %gather3A_1918 = arith.constant 0 : i32
      %gather3A_1919 = tpu.memref_slice %arg9[%gather3A_1916, %gather3A_1917, %gather3A_1918] : memref<8x32x128xf32, #tpu.memory_space<vmem>> -> memref<1x32x128xf32, #tpu.memory_space<vmem>>
      %gather3A_1920 = tpu.memref_squeeze %gather3A_1919 : memref<1x32x128xf32, #tpu.memory_space<vmem>> -> memref<32x128xf32, #tpu.memory_space<vmem>>
      %gather3A_1921 = tpu.vector_load_idx %gather3A_1920[%add3A_1915, %broadcast_in_dim3A_1899] : memref<32x128xf32, #tpu.memory_space<vmem>>[vector<16xi32>, vector<16xi32>], vector<16xf32>,
      %gather3A_1922 = arith.constant 6 : i32
      %gather3A_1923 = arith.constant 0 : i32
      %gather3A_1924 = arith.constant 0 : i32
      %gather3A_1925 = tpu.memref_slice %arg10[%gather3A_1922, %gather3A_1923, %gather3A_1924] : memref<8x32x128xf32, #tpu.memory_space<vmem>> -> memref<1x32x128xf32, #tpu.memory_space<vmem>>
      %gather3A_1926 = tpu.memref_squeeze %gather3A_1925 : memref<1x32x128xf32, #tpu.memory_space<vmem>> -> memref<32x128xf32, #tpu.memory_space<vmem>>
      %gather3A_1927 = tpu.vector_load_idx %gather3A_1926[%iota3A, %broadcast_in_dim3A_1906] : memref<32x128xf32, #tpu.memory_space<vmem>>[vector<16xi32>, vector<16xi32>], vector<16xf32>,
      %add3A_1928 = arith.constant 16 : i32
      %add3A_1929 = vector.broadcast %add3A_1928 : i32 to vector<16xi32>
      %add3A_1930 = arith.addi %iota3A, %add3A_1929 : vector<16xi32>
      %gather3A_1931 = arith.constant 6 : i32
      %gather3A_1932 = arith.constant 0 : i32
      %gather3A_1933 = arith.constant 0 : i32
      %gather3A_1934 = tpu.memref_slice %arg10[%gather3A_1931, %gather3A_1932, %gather3A_1933] : memref<8x32x128xf32, #tpu.memory_space<vmem>> -> memref<1x32x128xf32, #tpu.memory_space<vmem>>
      %gather3A_1935 = tpu.memref_squeeze %gather3A_1934 : memref<1x32x128xf32, #tpu.memory_space<vmem>> -> memref<32x128xf32, #tpu.memory_space<vmem>>
      %gather3A_1936 = tpu.vector_load_idx %gather3A_1935[%add3A_1930, %broadcast_in_dim3A_1906] : memref<32x128xf32, #tpu.memory_space<vmem>>[vector<16xi32>, vector<16xi32>], vector<16xf32>,
      %mul3A_1937 = arith.mulf %gather3A_1912, %gather3A_1927 : vector<16xf32>
      %mul3A_1938 = arith.mulf %gather3A_1921, %gather3A_1936 : vector<16xf32>
      %add3A_1939 = arith.addf %mul3A_1937, %mul3A_1938 : vector<16xf32>
      %reduce_sum3A_1940 = arith.constant true
      %reduce_sum3A_1941 = vector.broadcast %reduce_sum3A_1940 : i1 to vector<16xi1>
      %reduce_sum3A_1942 = tpu.scan <sum>, %add3A_1939 masked %reduce_sum3A_1941 : vector<16xf32>, vector<16xi1> -> vector<16xf32>
      %reduce_sum3A_1943 = vector.extract %reduce_sum3A_1942[15] : f32 from vector<16xf32>
      %add3A_1944 = arith.constant 16 : i32
      %add3A_1945 = arith.addi %mul3A_406, %add3A_1944 : i32
      %add3A_1946 = arith.constant 8 : i32
      %add3A_1947 = arith.addi %add3A_1856, %add3A_1946 : i32
      %lt3A_1948 = arith.constant 512 : i32
      %lt3A_1949 = arith.cmpi slt, %add3A_1947, %lt3A_1948 : i32
      %convert_element_type3A_1950 = arith.extui %lt3A_1949 : i1 to i32
      %cond3A_1951 = arith.constant 0 : i32
      %cond3A_1952 = arith.cmpi ne, %convert_element_type3A_1950, %cond3A_1951 : i32
      scf.if %cond3A_1952 {
        %get3A_2066 = arith.index_cast %add3A_1945 : i32 to index
        %get3A_2067 = tpu.vector_load %arg7[%get3A_2066] {strides = array<i32>} : memref<512xi32, #tpu.memory_space<vmem>>, vector<16xi32>,
        %slice3A_2068 = vector.extract_strided_slice %get3A_2067 {offsets = [6], sizes = [1], strides = [1]} : vector<16xi32> to vector<1xi32>
        %squeeze3A_2069 = vector.extract %slice3A_2068[0] : i32 from vector<1xi32>
        %get3A_2070 = arith.index_cast %add3A_1945 : i32 to index
        %get3A_2071 = tpu.vector_load %arg8[%get3A_2070] {strides = array<i32>} : memref<512xi32, #tpu.memory_space<vmem>>, vector<16xi32>,
        %slice3A_2072 = vector.extract_strided_slice %get3A_2071 {offsets = [6], sizes = [1], strides = [1]} : vector<16xi32> to vector<1xi32>
        %squeeze3A_2073 = vector.extract %slice3A_2072[0] : i32 from vector<1xi32>
        %shift_right_arithmetic3A_2074 = arith.constant 7 : i32
        %shift_right_arithmetic3A_2075 = arith.shrsi %squeeze3A_2069, %shift_right_arithmetic3A_2074 : i32
        %mul3A_2076 = arith.constant 128 : i32
        %mul3A_2077 = arith.muli %shift_right_arithmetic3A_2075, %mul3A_2076 : i32
        %multiple_of3A_2078 = tpu.assume_multiple %mul3A_2077, 128 : i32
        %shift_right_arithmetic3A_2079 = arith.constant 7 : i32
        %shift_right_arithmetic3A_2080 = arith.shrsi %squeeze3A_2073, %shift_right_arithmetic3A_2079 : i32
        %mul3A_2081 = arith.constant 128 : i32
        %mul3A_2082 = arith.muli %shift_right_arithmetic3A_2080, %mul3A_2081 : i32
        %multiple_of3A_2083 = tpu.assume_multiple %mul3A_2082, 128 : i32
        %dma_start3A_2084 = arith.constant 6 : i32
        %dma_start3A_2085 = arith.constant 6 : i32
        %dma_start3A_2086 = arith.constant 0 : i32
        %dma_start3A_2087 = arith.constant 0 : i32
        %dma_start3A_2088 = tpu.memref_slice %arg9[%dma_start3A_2084, %dma_start3A_2086, %dma_start3A_2087] : memref<8x32x128xf32, #tpu.memory_space<vmem>> -> memref<1x32x128xf32, #tpu.memory_space<vmem>>
        %dma_start3A_2089 = tpu.memref_squeeze %dma_start3A_2088 : memref<1x32x128xf32, #tpu.memory_space<vmem>> -> memref<32x128xf32, #tpu.memory_space<vmem>>
        %dma_start3A_2090 = arith.constant 0 : i32
        %dma_start3A_2091 = tpu.memref_slice %arg4[%dma_start3A_2090, %multiple_of3A_2078] : memref<32x1000000xf32, #tpu.memory_space<hbm>> -> memref<32x128xf32, #tpu.memory_space<hbm>>
        %dma_start3A_2092 = tpu.memref_slice %arg12[%dma_start3A_2085] : memref<8x!tpu.dma_semaphore, #tpu.memory_space<semaphore_mem>> -> memref<1x!tpu.dma_semaphore, #tpu.memory_space<semaphore_mem>>
        %dma_start3A_2093 = tpu.memref_squeeze %dma_start3A_2092 : memref<1x!tpu.dma_semaphore, #tpu.memory_space<semaphore_mem>> -> memref<!tpu.dma_semaphore, #tpu.memory_space<semaphore_mem>>
        %dma_start3A_2094 = arith.constant 0 : i32
        %dma_start3A_2095 = arith.constant 0 : i32
        %dma_start3A_2096 = tpu.memref_slice %arg9[%dma_start3A_2084, %dma_start3A_2094, %dma_start3A_2095] : memref<8x32x128xf32, #tpu.memory_space<vmem>> -> memref<1x32x128xf32, #tpu.memory_space<vmem>>
        %dma_start3A_2097 = tpu.memref_squeeze %dma_start3A_2096 : memref<1x32x128xf32, #tpu.memory_space<vmem>> -> memref<32x128xf32, #tpu.memory_space<vmem>>
        %dma_start3A_2098 = arith.constant 0 : i32
        %dma_start3A_2099 = tpu.memref_slice %arg4[%dma_start3A_2098, %multiple_of3A_2078] : memref<32x1000000xf32, #tpu.memory_space<hbm>> -> memref<32x128xf32, #tpu.memory_space<hbm>>
        tpu.enqueue_dma source(%dma_start3A_2099 : memref<32x128xf32, #tpu.memory_space<hbm>>) target(%dma_start3A_2097 : memref<32x128xf32, #tpu.memory_space<vmem>>) target_semaphore(%dma_start3A_2093 : memref<!tpu.dma_semaphore, #tpu.memory_space<semaphore_mem>>)
        %dma_start3A_2100 = arith.constant 6 : i32
        %dma_start3A_2101 = arith.constant 6 : i32
        %dma_start3A_2102 = arith.constant 0 : i32
        %dma_start3A_2103 = arith.constant 0 : i32
        %dma_start3A_2104 = tpu.memref_slice %arg10[%dma_start3A_2100, %dma_start3A_2102, %dma_start3A_2103] : memref<8x32x128xf32, #tpu.memory_space<vmem>> -> memref<1x32x128xf32, #tpu.memory_space<vmem>>
        %dma_start3A_2105 = tpu.memref_squeeze %dma_start3A_2104 : memref<1x32x128xf32, #tpu.memory_space<vmem>> -> memref<32x128xf32, #tpu.memory_space<vmem>>
        %dma_start3A_2106 = arith.constant 0 : i32
        %dma_start3A_2107 = tpu.memref_slice %arg5[%dma_start3A_2106, %multiple_of3A_2083] : memref<32x1000000xf32, #tpu.memory_space<hbm>> -> memref<32x128xf32, #tpu.memory_space<hbm>>
        %dma_start3A_2108 = tpu.memref_slice %arg13[%dma_start3A_2101] : memref<8x!tpu.dma_semaphore, #tpu.memory_space<semaphore_mem>> -> memref<1x!tpu.dma_semaphore, #tpu.memory_space<semaphore_mem>>
        %dma_start3A_2109 = tpu.memref_squeeze %dma_start3A_2108 : memref<1x!tpu.dma_semaphore, #tpu.memory_space<semaphore_mem>> -> memref<!tpu.dma_semaphore, #tpu.memory_space<semaphore_mem>>
        %dma_start3A_2110 = arith.constant 0 : i32
        %dma_start3A_2111 = arith.constant 0 : i32
        %dma_start3A_2112 = tpu.memref_slice %arg10[%dma_start3A_2100, %dma_start3A_2110, %dma_start3A_2111] : memref<8x32x128xf32, #tpu.memory_space<vmem>> -> memref<1x32x128xf32, #tpu.memory_space<vmem>>
        %dma_start3A_2113 = tpu.memref_squeeze %dma_start3A_2112 : memref<1x32x128xf32, #tpu.memory_space<vmem>> -> memref<32x128xf32, #tpu.memory_space<vmem>>
        %dma_start3A_2114 = arith.constant 0 : i32
        %dma_start3A_2115 = tpu.memref_slice %arg5[%dma_start3A_2114, %multiple_of3A_2083] : memref<32x1000000xf32, #tpu.memory_space<hbm>> -> memref<32x128xf32, #tpu.memory_space<hbm>>
        tpu.enqueue_dma source(%dma_start3A_2115 : memref<32x128xf32, #tpu.memory_space<hbm>>) target(%dma_start3A_2113 : memref<32x128xf32, #tpu.memory_space<vmem>>) target_semaphore(%dma_start3A_2109 : memref<!tpu.dma_semaphore, #tpu.memory_space<semaphore_mem>>)
      } else {
      }
      %eq3A_1953 = arith.constant 14 : i32
      %eq3A_1954 = vector.broadcast %eq3A_1953 : i32 to vector<16xi32>
      %eq3A_1955 = arith.cmpi eq, %iota3A, %eq3A_1954 : vector<16xi32>
      %broadcast_in_dim3A_1956 = vector.broadcast %reduce_sum3A_1943 : f32 to vector<16xf32>
      %select_n3A_1957 = arith.select %eq3A_1955, %broadcast_in_dim3A_1956, %select_n3A_1852 : vector<16xi1>, vector<16xf32>
      %add3A_1958 = arith.constant 8 : i32
      %add3A_1959 = arith.addi %mul3A_406, %add3A_1958 : i32
      %add3A_1960 = arith.constant 7 : i32
      %add3A_1961 = arith.addi %add3A_1959, %add3A_1960 : i32
      %dma_wait3A_1962 = arith.constant 7 : i32
      %dma_wait3A_1963 = arith.constant 7 : i32
      %dma_wait3A_1964 = arith.constant 0 : i32
      %dma_wait3A_1965 = arith.constant 0 : i32
      %dma_wait3A_1966 = tpu.memref_slice %arg9[%dma_wait3A_1962, %dma_wait3A_1964, %dma_wait3A_1965] : memref<8x32x128xf32, #tpu.memory_space<vmem>> -> memref<1x32x128xf32, #tpu.memory_space<vmem>>
      %dma_wait3A_1967 = tpu.memref_squeeze %dma_wait3A_1966 : memref<1x32x128xf32, #tpu.memory_space<vmem>> -> memref<32x128xf32, #tpu.memory_space<vmem>>
      %dma_wait3A_1968 = arith.constant 0 : i32
      %dma_wait3A_1969 = arith.constant 0 : i32
      %dma_wait3A_1970 = tpu.memref_slice %arg4[%dma_wait3A_1968, %dma_wait3A_1969] : memref<32x1000000xf32, #tpu.memory_space<hbm>> -> memref<32x128xf32, #tpu.memory_space<hbm>>
      %dma_wait3A_1971 = tpu.memref_slice %arg12[%dma_wait3A_1963] : memref<8x!tpu.dma_semaphore, #tpu.memory_space<semaphore_mem>> -> memref<1x!tpu.dma_semaphore, #tpu.memory_space<semaphore_mem>>
      %dma_wait3A_1972 = tpu.memref_squeeze %dma_wait3A_1971 : memref<1x!tpu.dma_semaphore, #tpu.memory_space<semaphore_mem>> -> memref<!tpu.dma_semaphore, #tpu.memory_space<semaphore_mem>>
      %dma_wait3A_1973 = arith.constant 0 : i32
      %dma_wait3A_1974 = arith.constant 0 : i32
      %dma_wait3A_1975 = tpu.memref_slice %arg9[%dma_wait3A_1962, %dma_wait3A_1973, %dma_wait3A_1974] : memref<8x32x128xf32, #tpu.memory_space<vmem>> -> memref<1x32x128xf32, #tpu.memory_space<vmem>>
      %dma_wait3A_1976 = tpu.memref_squeeze %dma_wait3A_1975 : memref<1x32x128xf32, #tpu.memory_space<vmem>> -> memref<32x128xf32, #tpu.memory_space<vmem>>
      %dma_wait3A_1977 = arith.constant 0 : i32
      %dma_wait3A_1978 = arith.constant 0 : i32
      %dma_wait3A_1979 = tpu.memref_slice %arg4[%dma_wait3A_1977, %dma_wait3A_1978] : memref<32x1000000xf32, #tpu.memory_space<hbm>> -> memref<32x128xf32, #tpu.memory_space<hbm>>
      tpu.wait_dma2 semaphore(%dma_wait3A_1972 : memref<!tpu.dma_semaphore, #tpu.memory_space<semaphore_mem>>) src(%dma_wait3A_1979 : memref<32x128xf32, #tpu.memory_space<hbm>>) dst(%dma_wait3A_1976 : memref<32x128xf32, #tpu.memory_space<vmem>>)
      %dma_wait3A_1980 = arith.constant 7 : i32
      %dma_wait3A_1981 = arith.constant 7 : i32
      %dma_wait3A_1982 = arith.constant 0 : i32
      %dma_wait3A_1983 = arith.constant 0 : i32
      %dma_wait3A_1984 = tpu.memref_slice %arg10[%dma_wait3A_1980, %dma_wait3A_1982, %dma_wait3A_1983] : memref<8x32x128xf32, #tpu.memory_space<vmem>> -> memref<1x32x128xf32, #tpu.memory_space<vmem>>
      %dma_wait3A_1985 = tpu.memref_squeeze %dma_wait3A_1984 : memref<1x32x128xf32, #tpu.memory_space<vmem>> -> memref<32x128xf32, #tpu.memory_space<vmem>>
      %dma_wait3A_1986 = arith.constant 0 : i32
      %dma_wait3A_1987 = arith.constant 0 : i32
      %dma_wait3A_1988 = tpu.memref_slice %arg5[%dma_wait3A_1986, %dma_wait3A_1987] : memref<32x1000000xf32, #tpu.memory_space<hbm>> -> memref<32x128xf32, #tpu.memory_space<hbm>>
      %dma_wait3A_1989 = tpu.memref_slice %arg13[%dma_wait3A_1981] : memref<8x!tpu.dma_semaphore, #tpu.memory_space<semaphore_mem>> -> memref<1x!tpu.dma_semaphore, #tpu.memory_space<semaphore_mem>>
      %dma_wait3A_1990 = tpu.memref_squeeze %dma_wait3A_1989 : memref<1x!tpu.dma_semaphore, #tpu.memory_space<semaphore_mem>> -> memref<!tpu.dma_semaphore, #tpu.memory_space<semaphore_mem>>
      %dma_wait3A_1991 = arith.constant 0 : i32
      %dma_wait3A_1992 = arith.constant 0 : i32
      %dma_wait3A_1993 = tpu.memref_slice %arg10[%dma_wait3A_1980, %dma_wait3A_1991, %dma_wait3A_1992] : memref<8x32x128xf32, #tpu.memory_space<vmem>> -> memref<1x32x128xf32, #tpu.memory_space<vmem>>
      %dma_wait3A_1994 = tpu.memref_squeeze %dma_wait3A_1993 : memref<1x32x128xf32, #tpu.memory_space<vmem>> -> memref<32x128xf32, #tpu.memory_space<vmem>>
      %dma_wait3A_1995 = arith.constant 0 : i32
      %dma_wait3A_1996 = arith.constant 0 : i32
      %dma_wait3A_1997 = tpu.memref_slice %arg5[%dma_wait3A_1995, %dma_wait3A_1996] : memref<32x1000000xf32, #tpu.memory_space<hbm>> -> memref<32x128xf32, #tpu.memory_space<hbm>>
      tpu.wait_dma2 semaphore(%dma_wait3A_1990 : memref<!tpu.dma_semaphore, #tpu.memory_space<semaphore_mem>>) src(%dma_wait3A_1997 : memref<32x128xf32, #tpu.memory_space<hbm>>) dst(%dma_wait3A_1994 : memref<32x128xf32, #tpu.memory_space<vmem>>)
      %get3A_1998 = arith.index_cast %mul3A_406 : i32 to index
      %get3A_1999 = tpu.vector_load %arg7[%get3A_1998] {strides = array<i32>} : memref<512xi32, #tpu.memory_space<vmem>>, vector<16xi32>,
      %slice3A_2000 = vector.extract_strided_slice %get3A_1999 {offsets = [15], sizes = [1], strides = [1]} : vector<16xi32> to vector<1xi32>
      %squeeze3A_2001 = vector.extract %slice3A_2000[0] : i32 from vector<1xi32>
      %and3A_2002 = arith.constant 127 : i32
      %and3A_2003 = arith.andi %squeeze3A_2001, %and3A_2002 : i32
      %broadcast_in_dim3A_2004 = vector.broadcast %and3A_2003 : i32 to vector<16xi32>
      %get3A_2005 = arith.index_cast %mul3A_406 : i32 to index
      %get3A_2006 = tpu.vector_load %arg8[%get3A_2005] {strides = array<i32>} : memref<512xi32, #tpu.memory_space<vmem>>, vector<16xi32>,
      %slice3A_2007 = vector.extract_strided_slice %get3A_2006 {offsets = [15], sizes = [1], strides = [1]} : vector<16xi32> to vector<1xi32>
      %squeeze3A_2008 = vector.extract %slice3A_2007[0] : i32 from vector<1xi32>
      %and3A_2009 = arith.constant 127 : i32
      %and3A_2010 = arith.andi %squeeze3A_2008, %and3A_2009 : i32
      %broadcast_in_dim3A_2011 = vector.broadcast %and3A_2010 : i32 to vector<16xi32>
      %gather3A_2012 = arith.constant 7 : i32
      %gather3A_2013 = arith.constant 0 : i32
      %gather3A_2014 = arith.constant 0 : i32
      %gather3A_2015 = tpu.memref_slice %arg9[%gather3A_2012, %gather3A_2013, %gather3A_2014] : memref<8x32x128xf32, #tpu.memory_space<vmem>> -> memref<1x32x128xf32, #tpu.memory_space<vmem>>
      %gather3A_2016 = tpu.memref_squeeze %gather3A_2015 : memref<1x32x128xf32, #tpu.memory_space<vmem>> -> memref<32x128xf32, #tpu.memory_space<vmem>>
      %gather3A_2017 = tpu.vector_load_idx %gather3A_2016[%iota3A, %broadcast_in_dim3A_2004] : memref<32x128xf32, #tpu.memory_space<vmem>>[vector<16xi32>, vector<16xi32>], vector<16xf32>,
      %add3A_2018 = arith.constant 16 : i32
      %add3A_2019 = vector.broadcast %add3A_2018 : i32 to vector<16xi32>
      %add3A_2020 = arith.addi %iota3A, %add3A_2019 : vector<16xi32>
      %gather3A_2021 = arith.constant 7 : i32
      %gather3A_2022 = arith.constant 0 : i32
      %gather3A_2023 = arith.constant 0 : i32
      %gather3A_2024 = tpu.memref_slice %arg9[%gather3A_2021, %gather3A_2022, %gather3A_2023] : memref<8x32x128xf32, #tpu.memory_space<vmem>> -> memref<1x32x128xf32, #tpu.memory_space<vmem>>
      %gather3A_2025 = tpu.memref_squeeze %gather3A_2024 : memref<1x32x128xf32, #tpu.memory_space<vmem>> -> memref<32x128xf32, #tpu.memory_space<vmem>>
      %gather3A_2026 = tpu.vector_load_idx %gather3A_2025[%add3A_2020, %broadcast_in_dim3A_2004] : memref<32x128xf32, #tpu.memory_space<vmem>>[vector<16xi32>, vector<16xi32>], vector<16xf32>,
      %gather3A_2027 = arith.constant 7 : i32
      %gather3A_2028 = arith.constant 0 : i32
      %gather3A_2029 = arith.constant 0 : i32
      %gather3A_2030 = tpu.memref_slice %arg10[%gather3A_2027, %gather3A_2028, %gather3A_2029] : memref<8x32x128xf32, #tpu.memory_space<vmem>> -> memref<1x32x128xf32, #tpu.memory_space<vmem>>
      %gather3A_2031 = tpu.memref_squeeze %gather3A_2030 : memref<1x32x128xf32, #tpu.memory_space<vmem>> -> memref<32x128xf32, #tpu.memory_space<vmem>>
      %gather3A_2032 = tpu.vector_load_idx %gather3A_2031[%iota3A, %broadcast_in_dim3A_2011] : memref<32x128xf32, #tpu.memory_space<vmem>>[vector<16xi32>, vector<16xi32>], vector<16xf32>,
      %add3A_2033 = arith.constant 16 : i32
      %add3A_2034 = vector.broadcast %add3A_2033 : i32 to vector<16xi32>
      %add3A_2035 = arith.addi %iota3A, %add3A_2034 : vector<16xi32>
      %gather3A_2036 = arith.constant 7 : i32
      %gather3A_2037 = arith.constant 0 : i32
      %gather3A_2038 = arith.constant 0 : i32
      %gather3A_2039 = tpu.memref_slice %arg10[%gather3A_2036, %gather3A_2037, %gather3A_2038] : memref<8x32x128xf32, #tpu.memory_space<vmem>> -> memref<1x32x128xf32, #tpu.memory_space<vmem>>
      %gather3A_2040 = tpu.memref_squeeze %gather3A_2039 : memref<1x32x128xf32, #tpu.memory_space<vmem>> -> memref<32x128xf32, #tpu.memory_space<vmem>>
      %gather3A_2041 = tpu.vector_load_idx %gather3A_2040[%add3A_2035, %broadcast_in_dim3A_2011] : memref<32x128xf32, #tpu.memory_space<vmem>>[vector<16xi32>, vector<16xi32>], vector<16xf32>,
      %mul3A_2042 = arith.mulf %gather3A_2017, %gather3A_2032 : vector<16xf32>
      %mul3A_2043 = arith.mulf %gather3A_2026, %gather3A_2041 : vector<16xf32>
      %add3A_2044 = arith.addf %mul3A_2042, %mul3A_2043 : vector<16xf32>
      %reduce_sum3A_2045 = arith.constant true
      %reduce_sum3A_2046 = vector.broadcast %reduce_sum3A_2045 : i1 to vector<16xi1>
      %reduce_sum3A_2047 = tpu.scan <sum>, %add3A_2044 masked %reduce_sum3A_2046 : vector<16xf32>, vector<16xi1> -> vector<16xf32>
      %reduce_sum3A_2048 = vector.extract %reduce_sum3A_2047[15] : f32 from vector<16xf32>
      %add3A_2049 = arith.constant 16 : i32
      %add3A_2050 = arith.addi %mul3A_406, %add3A_2049 : i32
      %add3A_2051 = arith.constant 8 : i32
      %add3A_2052 = arith.addi %add3A_1961, %add3A_2051 : i32
      %lt3A_2053 = arith.constant 512 : i32
      %lt3A_2054 = arith.cmpi slt, %add3A_2052, %lt3A_2053 : i32
      %convert_element_type3A_2055 = arith.extui %lt3A_2054 : i1 to i32
      %cond3A_2056 = arith.constant 0 : i32
      %cond3A_2057 = arith.cmpi ne, %convert_element_type3A_2055, %cond3A_2056 : i32
      scf.if %cond3A_2057 {
        %get3A_2066 = arith.index_cast %add3A_2050 : i32 to index
        %get3A_2067 = tpu.vector_load %arg7[%get3A_2066] {strides = array<i32>} : memref<512xi32, #tpu.memory_space<vmem>>, vector<16xi32>,
        %slice3A_2068 = vector.extract_strided_slice %get3A_2067 {offsets = [7], sizes = [1], strides = [1]} : vector<16xi32> to vector<1xi32>
        %squeeze3A_2069 = vector.extract %slice3A_2068[0] : i32 from vector<1xi32>
        %get3A_2070 = arith.index_cast %add3A_2050 : i32 to index
        %get3A_2071 = tpu.vector_load %arg8[%get3A_2070] {strides = array<i32>} : memref<512xi32, #tpu.memory_space<vmem>>, vector<16xi32>,
        %slice3A_2072 = vector.extract_strided_slice %get3A_2071 {offsets = [7], sizes = [1], strides = [1]} : vector<16xi32> to vector<1xi32>
        %squeeze3A_2073 = vector.extract %slice3A_2072[0] : i32 from vector<1xi32>
        %shift_right_arithmetic3A_2074 = arith.constant 7 : i32
        %shift_right_arithmetic3A_2075 = arith.shrsi %squeeze3A_2069, %shift_right_arithmetic3A_2074 : i32
        %mul3A_2076 = arith.constant 128 : i32
        %mul3A_2077 = arith.muli %shift_right_arithmetic3A_2075, %mul3A_2076 : i32
        %multiple_of3A_2078 = tpu.assume_multiple %mul3A_2077, 128 : i32
        %shift_right_arithmetic3A_2079 = arith.constant 7 : i32
        %shift_right_arithmetic3A_2080 = arith.shrsi %squeeze3A_2073, %shift_right_arithmetic3A_2079 : i32
        %mul3A_2081 = arith.constant 128 : i32
        %mul3A_2082 = arith.muli %shift_right_arithmetic3A_2080, %mul3A_2081 : i32
        %multiple_of3A_2083 = tpu.assume_multiple %mul3A_2082, 128 : i32
        %dma_start3A_2084 = arith.constant 7 : i32
        %dma_start3A_2085 = arith.constant 7 : i32
        %dma_start3A_2086 = arith.constant 0 : i32
        %dma_start3A_2087 = arith.constant 0 : i32
        %dma_start3A_2088 = tpu.memref_slice %arg9[%dma_start3A_2084, %dma_start3A_2086, %dma_start3A_2087] : memref<8x32x128xf32, #tpu.memory_space<vmem>> -> memref<1x32x128xf32, #tpu.memory_space<vmem>>
        %dma_start3A_2089 = tpu.memref_squeeze %dma_start3A_2088 : memref<1x32x128xf32, #tpu.memory_space<vmem>> -> memref<32x128xf32, #tpu.memory_space<vmem>>
        %dma_start3A_2090 = arith.constant 0 : i32
        %dma_start3A_2091 = tpu.memref_slice %arg4[%dma_start3A_2090, %multiple_of3A_2078] : memref<32x1000000xf32, #tpu.memory_space<hbm>> -> memref<32x128xf32, #tpu.memory_space<hbm>>
        %dma_start3A_2092 = tpu.memref_slice %arg12[%dma_start3A_2085] : memref<8x!tpu.dma_semaphore, #tpu.memory_space<semaphore_mem>> -> memref<1x!tpu.dma_semaphore, #tpu.memory_space<semaphore_mem>>
        %dma_start3A_2093 = tpu.memref_squeeze %dma_start3A_2092 : memref<1x!tpu.dma_semaphore, #tpu.memory_space<semaphore_mem>> -> memref<!tpu.dma_semaphore, #tpu.memory_space<semaphore_mem>>
        %dma_start3A_2094 = arith.constant 0 : i32
        %dma_start3A_2095 = arith.constant 0 : i32
        %dma_start3A_2096 = tpu.memref_slice %arg9[%dma_start3A_2084, %dma_start3A_2094, %dma_start3A_2095] : memref<8x32x128xf32, #tpu.memory_space<vmem>> -> memref<1x32x128xf32, #tpu.memory_space<vmem>>
        %dma_start3A_2097 = tpu.memref_squeeze %dma_start3A_2096 : memref<1x32x128xf32, #tpu.memory_space<vmem>> -> memref<32x128xf32, #tpu.memory_space<vmem>>
        %dma_start3A_2098 = arith.constant 0 : i32
        %dma_start3A_2099 = tpu.memref_slice %arg4[%dma_start3A_2098, %multiple_of3A_2078] : memref<32x1000000xf32, #tpu.memory_space<hbm>> -> memref<32x128xf32, #tpu.memory_space<hbm>>
        tpu.enqueue_dma source(%dma_start3A_2099 : memref<32x128xf32, #tpu.memory_space<hbm>>) target(%dma_start3A_2097 : memref<32x128xf32, #tpu.memory_space<vmem>>) target_semaphore(%dma_start3A_2093 : memref<!tpu.dma_semaphore, #tpu.memory_space<semaphore_mem>>)
        %dma_start3A_2100 = arith.constant 7 : i32
        %dma_start3A_2101 = arith.constant 7 : i32
        %dma_start3A_2102 = arith.constant 0 : i32
        %dma_start3A_2103 = arith.constant 0 : i32
        %dma_start3A_2104 = tpu.memref_slice %arg10[%dma_start3A_2100, %dma_start3A_2102, %dma_start3A_2103] : memref<8x32x128xf32, #tpu.memory_space<vmem>> -> memref<1x32x128xf32, #tpu.memory_space<vmem>>
        %dma_start3A_2105 = tpu.memref_squeeze %dma_start3A_2104 : memref<1x32x128xf32, #tpu.memory_space<vmem>> -> memref<32x128xf32, #tpu.memory_space<vmem>>
        %dma_start3A_2106 = arith.constant 0 : i32
        %dma_start3A_2107 = tpu.memref_slice %arg5[%dma_start3A_2106, %multiple_of3A_2083] : memref<32x1000000xf32, #tpu.memory_space<hbm>> -> memref<32x128xf32, #tpu.memory_space<hbm>>
        %dma_start3A_2108 = tpu.memref_slice %arg13[%dma_start3A_2101] : memref<8x!tpu.dma_semaphore, #tpu.memory_space<semaphore_mem>> -> memref<1x!tpu.dma_semaphore, #tpu.memory_space<semaphore_mem>>
        %dma_start3A_2109 = tpu.memref_squeeze %dma_start3A_2108 : memref<1x!tpu.dma_semaphore, #tpu.memory_space<semaphore_mem>> -> memref<!tpu.dma_semaphore, #tpu.memory_space<semaphore_mem>>
        %dma_start3A_2110 = arith.constant 0 : i32
        %dma_start3A_2111 = arith.constant 0 : i32
        %dma_start3A_2112 = tpu.memref_slice %arg10[%dma_start3A_2100, %dma_start3A_2110, %dma_start3A_2111] : memref<8x32x128xf32, #tpu.memory_space<vmem>> -> memref<1x32x128xf32, #tpu.memory_space<vmem>>
        %dma_start3A_2113 = tpu.memref_squeeze %dma_start3A_2112 : memref<1x32x128xf32, #tpu.memory_space<vmem>> -> memref<32x128xf32, #tpu.memory_space<vmem>>
        %dma_start3A_2114 = arith.constant 0 : i32
        %dma_start3A_2115 = tpu.memref_slice %arg5[%dma_start3A_2114, %multiple_of3A_2083] : memref<32x1000000xf32, #tpu.memory_space<hbm>> -> memref<32x128xf32, #tpu.memory_space<hbm>>
        tpu.enqueue_dma source(%dma_start3A_2115 : memref<32x128xf32, #tpu.memory_space<hbm>>) target(%dma_start3A_2113 : memref<32x128xf32, #tpu.memory_space<vmem>>) target_semaphore(%dma_start3A_2109 : memref<!tpu.dma_semaphore, #tpu.memory_space<semaphore_mem>>)
      } else {
      }
      %eq3A_2058 = arith.constant 15 : i32
      %eq3A_2059 = vector.broadcast %eq3A_2058 : i32 to vector<16xi32>
      %eq3A_2060 = arith.cmpi eq, %iota3A, %eq3A_2059 : vector<16xi32>
      %broadcast_in_dim3A_2061 = vector.broadcast %reduce_sum3A_2048 : f32 to vector<16xf32>
      %select_n3A_2062 = arith.select %eq3A_2060, %broadcast_in_dim3A_2061, %select_n3A_1957 : vector<16xi1>, vector<16xf32>
      %add3A_2063 = vector.broadcast %mul3A_406 : i32 to vector<16xi32>
      %add3A_2064 = arith.addi %add3A_2063, %iota3A : vector<16xi32>
      tpu.vector_store_idx %arg11[%add3A_2064], %select_n3A_2062 : memref<512xf32, #tpu.memory_space<vmem>>[vector<16xi32>], vector<16xf32>,
      %scan3A_2065 = arith.constant 0 : i32
      scf.yield %scan3A_2065 : i32
    }
    %scan3A_402 = arith.constant 32 : i32
    "tpu.region"() ({
      %run_scoped3A = tpu.sem_alloc : memref<!tpu.dma_semaphore, #tpu.memory_space<semaphore_mem>>
      %dma_start3A_403 = tpu.memref_slice %arg6[%mul3A_2] : memref<16384xf32, #tpu.memory_space<hbm>> -> memref<512xf32, #tpu.memory_space<hbm>>
      %dma_start3A_404 = tpu.memref_slice %arg6[%mul3A_2] : memref<16384xf32, #tpu.memory_space<hbm>> -> memref<512xf32, #tpu.memory_space<hbm>>
      tpu.enqueue_dma source(%arg11 : memref<512xf32, #tpu.memory_space<vmem>>) target(%dma_start3A_404 : memref<512xf32, #tpu.memory_space<hbm>>) target_semaphore(%run_scoped3A : memref<!tpu.dma_semaphore, #tpu.memory_space<semaphore_mem>>)
      %dma_wait3A = tpu.memref_slice %arg6[%mul3A_2] : memref<16384xf32, #tpu.memory_space<hbm>> -> memref<512xf32, #tpu.memory_space<hbm>>
      %dma_wait3A_405 = tpu.memref_slice %arg6[%mul3A_2] : memref<16384xf32, #tpu.memory_space<hbm>> -> memref<512xf32, #tpu.memory_space<hbm>>
      tpu.wait_dma2 semaphore(%run_scoped3A : memref<!tpu.dma_semaphore, #tpu.memory_space<semaphore_mem>>) src(%arg11 : memref<512xf32, #tpu.memory_space<vmem>>) dst(%dma_wait3A_405 : memref<512xf32, #tpu.memory_space<hbm>>)
      tpu.yield
    }) : () -> ()
    return
  }
}

</mosaic_0001>

<sc_bundles>
// kernel: kernel.3.cloned.1.call-start
scs
__scs_entry_jumppad:
0x0: {  	(pc) =	sbr.rel $0x88, $3  }
0x1: {  	(tag) =	ssettag $0x0;
	lr =	simm.s32 $0x1  }
0x2: {  	[smem:$0x3F9D] =	sst lr;
	_ =	strace $0xD0000000  }
0x3: {  	_ = 	snop  }
0x4: {  	_ = 	snop  }
0x5: {  	_ = 	snop  }
0x6: {  	_ = 	snop  }
0x7: {  	_ = 	snop  }
__scs_overlays_trampoline_lowered:
0x8: {  	[smem:$0x3FAC] =	sst s0  }
0x9: {  	[smem:$0x3FAD] =	sst s1  }
0xa: {  	[smem:$0x3FAE] =	sst s2  }
0xb: {  	[smem:$0x3FAF] =	sst s3  }
0xc: {  	[smem:$0x3FB0] =	sst s4  }
0xd: {  	[smem:$0x3FB1] =	sst s5  }
0xe: {  	[smem:$0x3FB2] =	sst s6  }
0xf: {  	[smem:$0x3FB3] =	sst s7  }
0x10: {  	[smem:$0x3FB4] =	sst s8  }
0x11: {  	[smem:$0x3FB5] =	sst s9;
	s0 =	simm.s32 @!p0 $0x0  }
0x12: {  	s1 =	sld [smem:$0x3F9B];
	s0 =	simm.s32 @p0 $0x1  }
0x13: {  	[smem:$0x3FB6] =	sst s0;
	s0 =	simm.s32 @!p1 $0x0  }
0x14: {  	s2 =	sld [smem:$0x3F9A];
	s0 =	simm.s32 @p1 $0x1  }
0x15: {  	[smem:$0x3FB7] =	sst s0;
	s0 =	simm.s32 @!p2 $0x0  }
0x16: {  	s3 =	sld [smem:$0x3FDB];
	s0 =	simm.s32 @p2 $0x1  }
0x17: {  	s4 =	simm.s32 $0x1BF5;
	[smem:$0x3FB9] =	sst s0  }
0x18: {  	s0 =	sld [smem:$0x3F9C];
	_ =	swait.ge [sflag:s4], $0x0  }
0x19: {  	s7 =	sld [smem:$0x3F9D]  }
0x1a: {  	s8 =	sadd.s32 $0xFFFFE003, lr  }
0x1b: {  	s9 =	sadd.s32 $0xFFFFFEF7, lr;
	s5 =	simm.s32 $0xFFFFFFFF;
	p2 =	slt.u32 s8, $0xFFFFF086  }
0x1c: {  	p1 =	slt.u32 s9, $0xF7A;
	s5 =	simm.s32 @!p2 $0x0  }
0x1d: {  	s5 =	simm.s32 @p1 $0x1;
	p0 =	seq.s32 s7, s2  }
0x1e: {  	s7 =	smul.u32 @!p0 $0xF7A, s2;
	p2 =	seq.s32 @!p0 s5, $0x0  }
0x1f: {  	s9 =	smul.u32 $0xF7A, s1;
	s8 =	simm.s32 @!p0 $0x1BF5;
	p2 =	por !p2, p0  }
0x20: {  	[sflag:s8] =	ssyncset.s32 @!p0 $0xFFFFF086;
	s6 =	sadd.s32 @!p0 s3, s7;
	s7 =	simm.s32 @!p0 $0x108  }
0x21: {  	s3 =	sadd.s32 s3, s9;
	s6 =	sadd.s32 @!p0 $0x88, s6;
	s7 =	simm.s32 @p2 $0x1082  }
0x22: {  	[simem:s7], [sflag:s8] =	dma.local @!p0 [hbm:s6], $0xF7A  }
0x23: {  	s9 =	sor.u32 $0xD0000000, s2;
	s6 =	simm.s32 $0x108;
	_ =	swait.ge @!p0 [sflag:s8], $0x0  }
0x24: {  	s3 =	sadd.s32 $0x88, s3;
	s6 =	simm.s32 @!p1 $0x1082;
	[sflag:s4] =	ssyncset.s32 $0xFFFFF086  }
0x25: {  	[simem:s6], [sflag:s4] =	dma.local [hbm:s3], $0xF7A  }
0x26: {  	[smem:$0x3F9D] =	sst s1;
	(tag) =	ssettag s2;
	_ =	strace s9  }
0x27: {  	s1 =	sld [smem:$0x3FAD]  }
0x28: {  	s2 =	sld [smem:$0x3FAE]  }
0x29: {  	s4 =	sld [smem:$0x3FB0]  }
0x2a: {  	p0 =	seq.s32 s5, $0x0;
	s5 =	sld [smem:$0x3FB1]  }
0x2b: {  	s6 =	sld [smem:$0x3FB2]  }
0x2c: {  	s7 =	sld [smem:$0x3FB3]  }
0x2d: {  	s3 =	simm.s32 $0x108;
	s8 =	sld [smem:$0x3FB4]  }
0x2e: {  	s3 =	simm.s32 @!p0 $0x1082;
	s9 =	sld [smem:$0x3FB5]  }
0x2f: {  	lr =	sadd.s32 s0, s3;
	s0 =	sld [smem:$0x3FAC]  }
0x30: {  	s3 =	sld [smem:$0x3FAF]  }
0x31: {  	[smem:$0x3FB8] =	sst s10  }
0x32: {  	s10 =	sld [smem:$0x3FB6];
	_ =	sdelay $0x3  }
0x33: {  	p0 =	seq.s32 s10, $0x1;
	s10 =	sld [smem:$0x3FB8];
	_ =	sdelay $0x3  }
0x34: {  	[smem:$0x3FB8] =	sst s10  }
0x35: {  	s10 =	sld [smem:$0x3FB7];
	_ =	sdelay $0x3  }
0x36: {  	p1 =	seq.s32 s10, $0x1;
	s10 =	sld [smem:$0x3FB8];
	_ =	sdelay $0x3  }
0x37: {  	[smem:$0x3FB8] =	sst s10  }
0x38: {  	s10 =	sld [smem:$0x3FB9]  }
0x39: {  	_ = 	snop;
	(pc) =	sbr.ind lr, $3  }
0x3a: {  	_ = 	snop  }
0x3b: {  	_ = 	snop  }
0x3c: {  	p2 =	seq.s32 s10, $0x1;
	s10 =	sld [smem:$0x3FB8]  }
0x3d: {  	_ =	shalt  }
0x3e: {  	_ =	shalt  }
0x3f: {  	_ =	shalt  }
0x40: {  	_ =	shalt  }
0x41: {  	_ =	shalt  }
0x42: {  	_ =	shalt  }
0x43: {  	_ =	shalt  }
0x44: {  	_ =	shalt  }
0x45: {  	_ =	shalt  }
0x46: {  	_ =	shalt  }
0x47: {  	_ =	shalt  }
0x48: {  	_ =	shalt  }
0x49: {  	_ =	shalt  }
0x4a: {  	_ =	shalt  }
0x4b: {  	_ =	shalt  }
0x4c: {  	_ =	shalt  }
0x4d: {  	_ =	shalt  }
0x4e: {  	_ =	shalt  }
0x4f: {  	_ =	shalt  }
0x50: {  	_ =	shalt  }
0x51: {  	_ =	shalt  }
0x52: {  	_ =	shalt  }
0x53: {  	_ =	shalt  }
0x54: {  	_ =	shalt  }
0x55: {  	_ =	shalt  }
0x56: {  	_ =	shalt  }
0x57: {  	_ =	shalt  }
0x58: {  	_ =	shalt  }
0x59: {  	_ =	shalt  }
0x5a: {  	_ =	shalt  }
0x5b: {  	_ =	shalt  }
0x5c: {  	_ =	shalt  }
0x5d: {  	_ =	shalt  }
0x5e: {  	_ =	shalt  }
0x5f: {  	_ =	shalt  }
0x60: {  	_ =	shalt  }
0x61: {  	_ =	shalt  }
0x62: {  	_ =	shalt  }
0x63: {  	_ =	shalt  }
0x64: {  	_ =	shalt  }
0x65: {  	_ =	shalt  }
0x66: {  	_ =	shalt  }
0x67: {  	_ =	shalt  }
0x68: {  	_ =	shalt  }
0x69: {  	_ =	shalt  }
0x6a: {  	_ =	shalt  }
0x6b: {  	_ =	shalt  }
0x6c: {  	_ =	shalt  }
0x6d: {  	_ =	shalt  }
0x6e: {  	_ =	shalt  }
0x6f: {  	_ =	shalt  }
0x70: {  	_ =	shalt  }
0x71: {  	_ =	shalt  }
0x72: {  	_ =	shalt  }
0x73: {  	_ =	shalt  }
0x74: {  	_ =	shalt  }
0x75: {  	_ =	shalt  }
0x76: {  	_ =	shalt  }
0x77: {  	_ =	shalt  }
0x78: {  	_ =	shalt  }
0x79: {  	_ =	shalt  }
0x7a: {  	_ =	shalt  }
0x7b: {  	_ =	shalt  }
0x7c: {  	_ =	shalt  }
0x7d: {  	_ =	shalt  }
0x7e: {  	_ =	shalt  }
0x7f: {  	_ =	shalt  }
0x80: {  	_ =	shalt  }
0x81: {  	_ =	shalt  }
0x82: {  	_ =	shalt  }
0x83: {  	_ =	shalt  }
0x84: {  	_ =	shalt  }
0x85: {  	_ =	shalt  }
0x86: {  	_ =	shalt  }
0x87: {  	_ =	shalt  }
.Lfunc_end0:
.L_simem_size_0:
called_computation_lowered:
.L_overlay_start_0:
0x88: {  	s2 =	sld [smem:$0x3FD9]  }
0x89: {  	s3 =	sld [smem:$0x3FFE];
	_ =	sdelay $0x1  }
0x8a: {  	s1 =	srdreg.scid  }
0x8b: {  	s0 =	sand.u32 $0x1, s1  }
0x8c: {  	s18 =	sshll.u32 s0, $0xA;
	s2 =	sadd.s32 s3, s2  }
0x8d: {  	s2 =	sadd.s32 s2, s18  }
0x8e: {  	[smem:$0x3FC4] =	sst s2  }
0x8f: {  	_ = 	snop  }
0x90: {  	s2 =	sld [smem:$0x3FC9]  }
0x91: {  	s19 =	sld [smem:$0x3FC8]  }
0x92: {  	s4 =	sld [smem:$0x3FC7]  }
0x93: {  	s5 =	sld [smem:$0x3FC6]  }
0x94: {  	s6 =	sld [smem:$0x3FD0];
	(tm) =	ssettm $0x1  }
0x95: {  	s7 =	sld [smem:$0x3FFB];
	_ =	sdelay $0x3  }
0x96: {  	_ =	strace s7  }
0x97: {  	s7 =	sld [smem:$0x3FFC];
	_ =	sdelay $0x3  }
0x98: {  	_ =	strace s7  }
0x99: {  	s7 =	sld [smem:$0x3FFD];
	_ =	sdelay $0x3  }
0x9a: {  	_ =	strace s7  }
0x9b: {  	_ =	strace $0x8FFFFFFF  }
0x9c: {  	s20 =	sld [smem:$0x3FDB];
	_ =	sdelay $0x1  }
0x9d: {  	s8 =	simm.s32 $_scs_section_size  }
0x9e: {  	s9 =	simm.s32 $_size__tile_overlayer_lowered;
	s10 =	simm.s32 $_tile_overlayer_lowered  }
0x9f: {  	s23 =	simm.s32 $0x1BFF;
	s22 =	sshll.u32 s10, $0x1;
	s7 =	sadd.s32 s8, s20  }
0xa0: {  	s11 =	simm.s32 $0x0;
	s21 =	sshll.u32 s9, $0x1;
	s9 =	sadd.s32 s22, s7  }
0xa1: {  	[timem:s11], [sflag:s23] =	dma.local [hbm:s9], s21  }
0xa2: {  	_ =	swait.ge [sflag:s23], s21  }
0xa3: {  	s8 =	ssub.s32 $0x0, s21;
	[sflag:s23] =	ssyncset.done $0x0  }
0xa4: {  	[sflag:s23] =	ssyncadd.s32 s8;
	_ =	sdelay $0x1  }
0xa5: {  	s24 =	simm.s32 $0x1B8B  }
0xa6: {  	_ =	swait.ge [sflag:s24], $0x1  }
0xa7: {  	[sflag:s24] =	ssyncset.done $0x0  }
0xa8: {  	s25 =	simm.s32 $0x1B8E;
	[sflag:s24] =	ssyncadd.s32 $0xFFFFFFFF  }
0xa9: {  	s26 =	simm.s32 $execute0_lowered;
	[smem:$0x3FD2] =	sst s25  }
0xaa: {  	s8 =	sshll.u32 s26, $0x1;
	_ =	strace $0x80000046;
	[dreg:$0x1] =	wrdreg $0xFFFFFFFF  }
0xab: {  	s28 =	simm.s32 $_size_execute0_lowered;
	s7 =	sadd.s32 s7, s8;
	[dreg:$0x0] =	wrdreg $0x0  }
0xac: {  	s8 =	sshll.u32 s28, $0x1;
	[dreg:$0x2] =	wrdreg s7  }
0xad: {  	[dreg:$0x3] =	wrdreg s8  }
0xae: {  	[dreg:$0x4] =	wrdreg $0xC0  }
0xaf: {  	_ =	task [dreg:s11], $0x5FFFF  }
0xb0: {  	[dreg:$0x1] =	wrdreg $0xFFFFFFFF  }
0xb1: {  	[dreg:$0x0] =	wrdreg $0x60  }
0xb2: {  	[dreg:$0x2] =	wrdreg s2  }
0xb3: {  	[dreg:$0x3] =	wrdreg s19  }
0xb4: {  	[dreg:$0x4] =	wrdreg s4  }
0xb5: {  	[dreg:$0x5] =	wrdreg s5  }
0xb6: {  	[dreg:$0x6] =	wrdreg s6  }
0xb7: {  	[dreg:$0x7] =	wrdreg $0x9  }
0xb8: {  	_ =	task.clear_ibuf [dreg:s11], $0x8FFFF;
	_ =	strace $0x90000046  }
0xb9: {  	s29 =	simm.s32 $0x9;
	_ =	strace $0x80000048  }
0xba: {  	_ =	swait.ge [sflag:s29], $0x1  }
0xbb: {  	[sflag:s29] =	ssyncadd.s32 $0xFFFFFFFF  }
0xbc: {  	_ =	strace $0x90000048  }
0xbd: {  	_ =	sfence  }
0xbe: {  	s30 =	sld [smem:$0x0];
	_ =	sdelay $0x2  }
0xbf: {  	s31 =	sshll.u32 s1, $0xD;
	s1 =	sshrl.u32 s1, $0x2  }
0xc0: {  	s3 =	sand.u32 $0x4000, s31;
	s1 =	sadd.s32 s1, s30  }
0xc1: {  	s0 =	sor.u32 s3, s0;
	s1 =	sshll.u32 s1, $0x11  }
0xc2: {  	s0 =	sor.u32 s1, s0  }
0xc3: {  	s0 =	sadd.s32 $0x8F2B, s0  }
0xc4: {  	[sflag:s0] =	ssyncadd.remote.s32 $0x1  }
0xc5: {  	_ =	sfence.sel $0xFFFF  }
0xc6: {  	[dreg:$0x0] =	wrdreg $0xFFFFFFFF;
	(pc) =	sbr.abs _section_cstart, $3  }
0xc7: {  	[dreg:$0x1] =	wrdreg $0xFFFFFFFF  }
0xc8: {  	_ =	task.clear_ibuf [dreg:s11], $0x2FFFF;
	_ =	strace $0x9FFFFFFF  }
0xc9: {  	(tm) =	ssettm $0x7FFFFFFF  }
tec
execute0_lowered:
.L_overlay_start_1:
0x0: {  	(tag) =	ssettag $0x1  }
0x1: {  	s0 =	rddreg [dreg:$0x0]  }
0x2: {  	s3 =	rddreg [dreg:$0x1]  }
0x3: {  	s31 =	rddreg [dreg:$0x2]  }
0x4: {  	s2 =	rddreg [dreg:$0x3]  }
0x5: {  	s4 =	rddreg [dreg:$0x4];
	s5 =	srdreg.scid;
	s17 =	simm.s32 $0x0  }
0x6: {  	s7 =	stileid.u32;
	s19 =	simm.s32 $0x11;
	s10 =	simm.s32 $0x7A1400  }
0x7: {  	s11 =	simm.s32 $0x400;
	s21 =	simm.s32 $0x8400;
	s20 =	simm.s32 $0x1400  }
0x8: {  	s22 =	simm.s32 $0x9400;
	s1 =	simm.s32 $0x2400;
	s13 =	simm.s32 $0xA400  }
0x9: {  	s28 =	simm.s32 $0x4400;
	s9 =	simm.s32 $0xC400;
	s30 =	simm.s32 $0xF400  }
0xa: {  	s23 =	simm.s32 $0xB;
	s14 =	simm.s32 $0xC;
	s29 =	simm.s32 $0xD  }
0xb: {  	s5 =	sand.u32 $0x1, s5;
	s7 =	sshll.u32 s7, $0x7;
	[smem:$0x7FF] =	sst s17  }
0xc: {  	s6 =	ssub.s32 $0x2, s5;
	s5 =	sshll.u32 s5, $0x6;
	_ =	strace $0x80000047  }
0xd: {  	s8 =	sshrl.u32 s6, $0x1;
	s5 =	sor.u32 s5, s7;
	s7 =	simm.s32 $0x7400  }
0xe: {  	v0 =	vlaneseq.u32;
	vm0 =	vmmov $0x1;
	vm1 =	vmmov $0x3;
	s6 =	ssub.s32 s6, s8;
	s0 =	sadd.s32 s0, s5;
	s24 =	sadd.s32 s3, s5  }
0xf: {  	vm2 =	vmmov $0x7;
	vm3 =	vmmov $0xf;
	vm4 =	vmmov $0x1f;
	s25 =	sadd.s32 s4, s5;
	s8 =	simm.s32 $0xB400;
	[dreg:$0x6] =	wrdreg s0  }
0x10: {  	vm5 =	vmmov $0x3f;
	vm6 =	vmmov $0x7f;
	vm7 =	vcmask $0x2320;
	s3 =	simm.s32 $0xD400;
	s5 =	simm.s32 $0x6400;
	[dreg:$0x7] =	wrdreg s24  }
0x11: {  	vm8 =	vcmask $0x2724;
	vm9 =	vcmask $0x2B28;
	v1 =	vmul.u32 $0x80, v0;
	s4 =	simm.s32 $0x0;
	[dreg:$0x8] =	wrdreg s25;
	s26 =	smax.u32 s6, $0x1  }
0x12: {  	vm10 =	vcmask $0x2F2C;
	vm11 =	vcmask $0x3330;
	vm12 =	vcmask $0x3734;
	s25 =	simm.s32 $0x3400;
	s0 =	simm.s32 $0x5400;
	s6 =	simm.s32 $0xE400  }
0x13: {  	vm13 =	vcmask $0x3B38;
	vm14 =	vmmov $0x7fff;
	v2 =	vor.u32 $0x800, v1;
	s24 =	simm.s32 $0x5;
	[dreg:$0x9] =	wrdreg s26;
	s26 =	simm.s32 $0x4  }
.LBB2_1:
0x14: {  	[dreg:$0xa] =	wrdreg s4  }
0x15: {  	s16 =	rddreg [dreg:$0x6]  }
0x16: {  	[tilespmem:s17], [sflag:$0x11] =	stream.linear.gather [hbm4b:s16+s17], $0x200, $0x38;
	[tilespmem:$0x10600] =	vst v63  }
0x17: {  	_ =	swait.ge [sflag:s19], $0x200  }
0x18: {  	[sflag:s19] =	ssyncset.done $0x0  }
0x19: {  	s16 =	simm.s32 $0x200;
	s18 =	rddreg [dreg:$0x7];
	[sflag:s19] =	ssyncadd.s32 $0xFFFFFE00  }
0x1a: {  	[tilespmem:s16], [sflag:$0x11] =	stream.linear.gather [hbm4b:s18+s17], $0x200, $0x38;
	[tilespmem:$0x10600] =	vst v63  }
0x1b: {  	_ =	swait.ge [sflag:s19], $0x200  }
0x1c: {  	[sflag:s19] =	ssyncset.done $0x0  }
0x1d: {  	[sflag:s19] =	ssyncadd.s32 $0xFFFFFE00  }
0x1e: {  	v3 =	vld [tilespmem:$0x0];
	_ =	sdelay $0x1  }
0x1f: {  	v4 =	vld [tilespmem:$0x200];
	_ =	sdelay $0x2  }
0x20: {  	(v2sf) =	vpush v3, $0x0;
	_ =	sdelay $0x1  }
0x21: {  	(v2sf) =	vpush v4, $0x0;
	_ =	sdelay $0xc  }
0x22: {  	s15 =	spop (v2sf)  }
0x23: {  	s17 =	sand.u32 $0xFFFFF80, s15  }
0x24: {  	s18 =	spop (v2sf);
	s17 =	sadd.s32 s31, s17  }
0x25: {  	[tilespmem:s11], [sflag:$0x1] =	stream.strided.gather [hbm4b:s17+s11], $0x1000, s10, s11, $0x38;
	[tilespmem:$0x10600] =	vst v63  }
0x26: {  	s17 =	sand.u32 $0xFFFFF80, s18  }
0x27: {  	s17 =	sadd.s32 s2, s17  }
0x28: {  	[tilespmem:s21], [sflag:$0x9] =	stream.strided.gather [hbm4b:s17+s11], $0x1000, s10, s11, $0x38;
	[tilespmem:$0x10600] =	vst v63  }
0x29: {  	v3 =	vld [tilespmem:$0x0];
	_ =	sdelay $0x3  }
0x2a: {  	v57 =	vld [tilespmem:$0x200]  }
0x2b: {  	(v2sf) =	vpush v3, $0x1;
	_ =	sdelay $0x3  }
0x2c: {  	(v2sf) =	vpush v57, $0x1;
	_ =	sdelay $0xa  }
0x2d: {  	s19 =	spop (v2sf)  }
0x2e: {  	s17 =	sand.u32 $0xFFFFF80, s19  }
0x2f: {  	s17 =	sadd.s32 s31, s17  }
0x30: {  	[tilespmem:s20], [sflag:$0x2] =	stream.strided.gather [hbm4b:s17+s11], $0x1000, s10, s11, $0x38;
	[tilespmem:$0x10600] =	vst v63  }
0x31: {  	s20 =	spop (v2sf)  }
0x32: {  	s17 =	sand.u32 $0xFFFFF80, s20  }
0x33: {  	s17 =	sadd.s32 s2, s17  }
0x34: {  	[tilespmem:s22], [sflag:$0xA] =	stream.strided.gather [hbm4b:s17+s11], $0x1000, s10, s11, $0x38;
	[tilespmem:$0x10600] =	vst v63  }
0x35: {  	v3 =	vld [tilespmem:$0x0];
	_ =	sdelay $0x3  }
0x36: {  	v58 =	vld [tilespmem:$0x200]  }
0x37: {  	(v2sf) =	vpush v3, $0x2;
	_ =	sdelay $0x3  }
0x38: {  	(v2sf) =	vpush v58, $0x2;
	_ =	sdelay $0xa  }
0x39: {  	s22 =	spop (v2sf)  }
0x3a: {  	s17 =	sand.u32 $0xFFFFF80, s22  }
0x3b: {  	s17 =	sadd.s32 s31, s17  }
0x3c: {  	[tilespmem:s1], [sflag:$0x3] =	stream.strided.gather [hbm4b:s17+s11], $0x1000, s10, s11, $0x38;
	[tilespmem:$0x10600] =	vst v63  }
0x3d: {  	s1 =	spop (v2sf)  }
0x3e: {  	s17 =	sand.u32 $0xFFFFF80, s1  }
0x3f: {  	s17 =	sadd.s32 s2, s17  }
0x40: {  	[tilespmem:s13], [sflag:$0xB] =	stream.strided.gather [hbm4b:s17+s11], $0x1000, s10, s11, $0x38;
	[tilespmem:$0x10600] =	vst v63  }
0x41: {  	v3 =	vld [tilespmem:$0x0];
	_ =	sdelay $0x1  }
0x42: {  	v59 =	vld [tilespmem:$0x200];
	_ =	sdelay $0x2  }
0x43: {  	(v2sf) =	vpush v3, $0x3;
	_ =	sdelay $0x1  }
0x44: {  	(v2sf) =	vpush v59, $0x3;
	_ =	sdelay $0xc  }
0x45: {  	s4 =	spop (v2sf)  }
0x46: {  	s17 =	sand.u32 $0xFFFFF80, s4  }
0x47: {  	s12 =	spop (v2sf);
	s17 =	sadd.s32 s31, s17  }
0x48: {  	[tilespmem:s25], [sflag:$0x4] =	stream.strided.gather [hbm4b:s17+s11], $0x1000, s10, s11, $0x38;
	[tilespmem:$0x10600] =	vst v63  }
0x49: {  	s17 =	sand.u32 $0xFFFFF80, s12  }
0x4a: {  	s17 =	sadd.s32 s2, s17  }
0x4b: {  	[tilespmem:s8], [sflag:$0xC] =	stream.strided.gather [hbm4b:s17+s11], $0x1000, s10, s11, $0x38;
	[tilespmem:$0x10600] =	vst v63  }
0x4c: {  	v3 =	vld [tilespmem:$0x0];
	_ =	sdelay $0x1  }
0x4d: {  	v60 =	vld [tilespmem:$0x200];
	_ =	sdelay $0x2  }
0x4e: {  	(v2sf) =	vpush v3, $0x4;
	_ =	sdelay $0x1  }
0x4f: {  	(v2sf) =	vpush v60, $0x4;
	_ =	sdelay $0xc  }
0x50: {  	s13 =	spop (v2sf)  }
0x51: {  	s17 =	sand.u32 $0xFFFFF80, s13  }
0x52: {  	s15 =	spop (v2sf);
	s17 =	sadd.s32 s31, s17  }
0x53: {  	[tilespmem:s28], [sflag:$0x5] =	stream.strided.gather [hbm4b:s17+s11], $0x1000, s10, s11, $0x38;
	[tilespmem:$0x10600] =	vst v63  }
0x54: {  	s17 =	sand.u32 $0xFFFFF80, s15  }
0x55: {  	s17 =	sadd.s32 s2, s17  }
0x56: {  	[tilespmem:s9], [sflag:$0xD] =	stream.strided.gather [hbm4b:s17+s11], $0x1000, s10, s11, $0x38;
	[tilespmem:$0x10600] =	vst v63  }
0x57: {  	v3 =	vld [tilespmem:$0x0];
	_ =	sdelay $0x1  }
0x58: {  	v61 =	vld [tilespmem:$0x200];
	_ =	sdelay $0x2  }
0x59: {  	(v2sf) =	vpush v3, $0x5;
	_ =	sdelay $0x1  }
0x5a: {  	(v2sf) =	vpush v61, $0x5;
	_ =	sdelay $0xc  }
0x5b: {  	s18 =	spop (v2sf)  }
0x5c: {  	s17 =	sand.u32 $0xFFFFF80, s18  }
0x5d: {  	s19 =	spop (v2sf);
	s17 =	sadd.s32 s31, s17  }
0x5e: {  	[tilespmem:s0], [sflag:$0x6] =	stream.strided.gather [hbm4b:s17+s11], $0x1000, s10, s11, $0x38;
	[tilespmem:$0x10600] =	vst v63  }
0x5f: {  	s17 =	sand.u32 $0xFFFFF80, s19  }
0x60: {  	s17 =	sadd.s32 s2, s17  }
0x61: {  	[tilespmem:s3], [sflag:$0xE] =	stream.strided.gather [hbm4b:s17+s11], $0x1000, s10, s11, $0x38;
	[tilespmem:$0x10600] =	vst v63  }
0x62: {  	v3 =	vld [tilespmem:$0x0];
	_ =	sdelay $0x1  }
0x63: {  	v62 =	vld [tilespmem:$0x200];
	_ =	sdelay $0x2  }
0x64: {  	(v2sf) =	vpush v3, $0x6;
	_ =	sdelay $0x1  }
0x65: {  	(v2sf) =	vpush v62, $0x6;
	_ =	sdelay $0xc  }
0x66: {  	s20 =	spop (v2sf)  }
0x67: {  	s17 =	sand.u32 $0xFFFFF80, s20  }
0x68: {  	s22 =	spop (v2sf);
	s17 =	sadd.s32 s31, s17  }
0x69: {  	[tilespmem:s5], [sflag:$0x7] =	stream.strided.gather [hbm4b:s17+s11], $0x1000, s10, s11, $0x38;
	[tilespmem:$0x10600] =	vst v63  }
0x6a: {  	s17 =	sand.u32 $0xFFFFF80, s22  }
0x6b: {  	s17 =	sadd.s32 s2, s17  }
0x6c: {  	[tilespmem:s6], [sflag:$0xF] =	stream.strided.gather [hbm4b:s17+s11], $0x1000, s10, s11, $0x38;
	[tilespmem:$0x10600] =	vst v63  }
0x6d: {  	v3 =	vld [tilespmem:$0x0];
	_ =	sdelay $0x1  }
0x6e: {  	v63 =	vld [tilespmem:$0x200];
	_ =	sdelay $0x2  }
0x6f: {  	(v2sf) =	vpush v3, $0x7;
	_ =	sdelay $0x1  }
0x70: {  	(v2sf) =	vpush v63, $0x7;
	_ =	sdelay $0xc  }
0x71: {  	s25 =	spop (v2sf)  }
0x72: {  	s17 =	sand.u32 $0xFFFFF80, s25  }
0x73: {  	s28 =	spop (v2sf);
	s17 =	sadd.s32 s31, s17  }
0x74: {  	[tilespmem:s7], [sflag:$0x8] =	stream.strided.gather [hbm4b:s17+s11], $0x1000, s10, s11, $0x38;
	[tilespmem:$0x10600] =	vst v63  }
0x75: {  	s17 =	sand.u32 $0xFFFFF80, s28  }
0x76: {  	s17 =	sadd.s32 s2, s17  }
0x77: {  	[tilespmem:s30], [sflag:$0x10] =	stream.strided.gather [hbm4b:s17+s11], $0x1000, s10, s11, $0x38;
	[tilespmem:$0x10600] =	vst v63  }
0x78: {  	s18 =	simm.s32 $0x0;
	s17 =	simm.s32 $0x0  }
.LBB2_2:
0x79: {  	s8 =	simm.s32 $0x1  }
0x7a: {  	_ =	swait.ge [sflag:s8], $0x1000  }
0x7b: {  	[sflag:s8] =	ssyncset.done $0x0  }
0x7c: {  	s0 =	simm.s32 $0x9;
	[sflag:s8] =	ssyncadd.s32 $0xFFFFF000  }
0x7d: {  	_ =	swait.ge [sflag:s0], $0x1000  }
0x7e: {  	[sflag:s0] =	ssyncset.done $0x0  }
0x7f: {  	[sflag:s0] =	ssyncadd.s32 $0xFFFFF000  }
0x80: {  	v3 =	vld [tilespmem:s17+$0x0];
	_ =	sdelay $0x1  }
0x81: {  	v4 =	vld [tilespmem:s16+$0x0];
	_ =	sdelay $0x2  }
0x82: {  	(v2sf) =	vpush v3, $0x0;
	_ =	sdelay $0x1  }
0x83: {  	(v2sf) =	vpush v4, $0x0;
	_ =	sdelay $0xc  }
0x84: {  	s19 =	spop (v2sf)  }
0x85: {  	s19 =	sand.u32 $0x7F, s19  }
0x86: {  	s20 =	spop (v2sf);
	v5 =	vor.u32 s19, v1  }
0x87: {  	s20 =	sand.u32 $0x7F, s20;
	v6 =	vor.u32 s19, v2  }
0x88: {  	v7 =	vor.u32 s20, v1  }
0x89: {  	v8 =	vor.u32 s20, v2;
	_ =	sdelay $0x1  }
0x8a: {  	v5 =	vld.idx.msk [tilespmem:v5+s11+$0x0], $0xffff  }
0x8b: {  	(v2sf) =	vpush v3, $0x8;
	v3 =	vld.idx.msk [tilespmem:v6+s11+$0x0], $0xffff  }
0x8c: {  	v45 =	vld.idx.msk [tilespmem:v7+s21+$0x0], $0xffff  }
0x8d: {  	(v2sf) =	vpush v4, $0x8;
	v46 =	vld.idx.msk [tilespmem:v8+s21+$0x0], $0xffff;
	_ =	sdelay $0x4  }
0x8e: {  	v47 =	vmul.f32 v45, v5;
	v3 =	vmul.f32 v46, v3;
	_ =	sdelay $0x1  }
0x8f: {  	v3 =	vadd.f32 v3, v47;
	_ =	sdelay $0x1  }
0x90: {  	(xrf2) =	vadd.scan.msk.f32 $0xffff, v3;
	_ =	sdelay $0x3  }
0x91: {  	s4 =	spop (v2sf)  }
0x92: {  	s19 =	sand.u32 $0xFFFFF80, s4  }
0x93: {  	s5 =	spop (v2sf);
	s19 =	sadd.s32 s31, s19  }
0x94: {  	[tilespmem:s11], [sflag:$0x1] =	stream.strided.gather [hbm4b:s19+s11], $0x1000, s10, s11, $0x38;
	[tilespmem:$0x10600] =	vst v63  }
0x95: {  	s19 =	sand.u32 $0xFFFFF80, s5  }
0x96: {  	s4 =	simm.s32 $0x2;
	s19 =	sadd.s32 s2, s19  }
0x97: {  	[tilespmem:s21], [sflag:$0x9] =	stream.strided.gather [hbm4b:s19+s11], $0x1000, s10, s11, $0x38;
	v3, _, _ =	vpop (xrf2);
	[tilespmem:$0x10600] =	vst v63  }
0x98: {  	_ =	swait.ge [sflag:s4], $0x1000  }
0x99: {  	[sflag:s4] =	ssyncset.done $0x0  }
0x9a: {  	s3 =	simm.s32 $0xA;
	[sflag:s4] =	ssyncadd.s32 $0xFFFFF000  }
0x9b: {  	_ =	swait.ge [sflag:s3], $0x1000  }
0x9c: {  	[sflag:s3] =	ssyncset.done $0x0  }
0x9d: {  	[sflag:s3] =	ssyncadd.s32 $0xFFFFF000  }
0x9e: {  	v48 =	vld [tilespmem:s17+$0x0];
	_ =	sdelay $0x1  }
0x9f: {  	v49 =	vld [tilespmem:s16+$0x0];
	_ =	sdelay $0x2  }
0xa0: {  	(v2sf) =	vpush v48, $0x1;
	_ =	sdelay $0x1  }
0xa1: {  	(v2sf) =	vpush v49, $0x1;
	_ =	sdelay $0xc  }
0xa2: {  	s6 =	spop (v2sf)  }
0xa3: {  	s19 =	sand.u32 $0x7F, s6  }
0xa4: {  	s7 =	spop (v2sf);
	v50 =	vor.u32 s19, v1  }
0xa5: {  	s20 =	sand.u32 $0x7F, s7;
	v51 =	vor.u32 s19, v2  }
0xa6: {  	v52 =	vor.u32 s20, v1  }
0xa7: {  	v9 =	vor.u32 s20, v2  }
0xa8: {  	s30 =	simm.s32 $0x1400  }
0xa9: {  	v6 =	vld.idx.msk [tilespmem:v50+s30+$0x0], $0xffff  }
0xaa: {  	(v2sf) =	vpush v48, $0x9;
	s7 =	simm.s32 $0x9400;
	v53 =	vld.idx.msk [tilespmem:v51+s30+$0x0], $0xffff  }
0xab: {  	v54 =	vld.idx.msk [tilespmem:v52+s7+$0x0], $0xffff  }
0xac: {  	(v2sf) =	vpush v49, $0x9;
	v55 =	vld.idx.msk [tilespmem:v9+s7+$0x0], $0xffff;
	_ =	sdelay $0x4  }
0xad: {  	v56 =	vmul.f32 v54, v6;
	v4 =	vmul.f32 v55, v53;
	_ =	sdelay $0x1  }
0xae: {  	v4 =	vadd.f32 v4, v56;
	_ =	sdelay $0x1  }
0xaf: {  	(xrf2) =	vadd.scan.msk.f32 $0xffff, v4;
	_ =	sdelay $0x3  }
0xb0: {  	s9 =	spop (v2sf)  }
0xb1: {  	s19 =	sand.u32 $0xFFFFF80, s9  }
0xb2: {  	s12 =	spop (v2sf);
	s19 =	sadd.s32 s31, s19  }
0xb3: {  	[tilespmem:s30], [sflag:$0x2] =	stream.strided.gather [hbm4b:s19+s11], $0x1000, s10, s11, $0x38;
	[tilespmem:$0x10600] =	vst v63  }
0xb4: {  	s19 =	sand.u32 $0xFFFFF80, s12  }
0xb5: {  	s1 =	simm.s32 $0x3;
	s19 =	sadd.s32 s2, s19  }
0xb6: {  	[tilespmem:s7], [sflag:$0xA] =	stream.strided.gather [hbm4b:s19+s11], $0x1000, s10, s11, $0x38;
	v4, _, _ =	vpop (xrf2);
	[tilespmem:$0x10600] =	vst v63  }
0xb7: {  	_ =	swait.ge [sflag:s1], $0x1000  }
0xb8: {  	[sflag:s1] =	ssyncset.done $0x0  }
0xb9: {  	[sflag:s1] =	ssyncadd.s32 $0xFFFFF000  }
0xba: {  	_ =	swait.ge [sflag:s23], $0x1000  }
0xbb: {  	[sflag:s23] =	ssyncset.done $0x0  }
0xbc: {  	[sflag:s23] =	ssyncadd.s32 $0xFFFFF000  }
0xbd: {  	v57 =	vld [tilespmem:s17+$0x0];
	_ =	sdelay $0x1  }
0xbe: {  	v58 =	vld [tilespmem:s16+$0x0];
	_ =	sdelay $0x2  }
0xbf: {  	(v2sf) =	vpush v57, $0x2;
	_ =	sdelay $0x1  }
0xc0: {  	(v2sf) =	vpush v58, $0x2;
	_ =	sdelay $0xc  }
0xc1: {  	s13 =	spop (v2sf)  }
0xc2: {  	s19 =	sand.u32 $0x7F, s13  }
0xc3: {  	s15 =	spop (v2sf);
	v59 =	vor.u32 s19, v1  }
0xc4: {  	s20 =	sand.u32 $0x7F, s15;
	v60 =	vor.u32 s19, v2  }
0xc5: {  	v61 =	vor.u32 s20, v1  }
0xc6: {  	v10 =	vor.u32 s20, v2  }
0xc7: {  	s28 =	simm.s32 $0x2400  }
0xc8: {  	v7 =	vld.idx.msk [tilespmem:v59+s28+$0x0], $0xffff  }
0xc9: {  	s6 =	simm.s32 $0xA400;
	(v2sf) =	vpush v57, $0xA;
	v62 =	vld.idx.msk [tilespmem:v60+s28+$0x0], $0xffff  }
0xca: {  	v63 =	vld.idx.msk [tilespmem:v61+s6+$0x0], $0xffff  }
0xcb: {  	(v2sf) =	vpush v58, $0xA;
	v12 =	vld.idx.msk [tilespmem:v10+s6+$0x0], $0xffff;
	_ =	sdelay $0x4  }
0xcc: {  	v13 =	vmul.f32 v63, v7;
	v5 =	vmul.f32 v12, v62;
	_ =	sdelay $0x1  }
0xcd: {  	v5 =	vadd.f32 v5, v13;
	_ =	sdelay $0x1  }
0xce: {  	(xrf2) =	vadd.scan.msk.f32 $0xffff, v5;
	_ =	sdelay $0x3  }
0xcf: {  	s22 =	spop (v2sf)  }
0xd0: {  	s19 =	sand.u32 $0xFFFFF80, s22  }
0xd1: {  	s25 =	spop (v2sf);
	s19 =	sadd.s32 s31, s19  }
0xd2: {  	[tilespmem:s28], [sflag:$0x3] =	stream.strided.gather [hbm4b:s19+s11], $0x1000, s10, s11, $0x38;
	[tilespmem:$0x10600] =	vst v63  }
0xd3: {  	s19 =	sand.u32 $0xFFFFF80, s25  }
0xd4: {  	s19 =	sadd.s32 s2, s19  }
0xd5: {  	[tilespmem:s6], [sflag:$0xB] =	stream.strided.gather [hbm4b:s19+s11], $0x1000, s10, s11, $0x38;
	v5, _, _ =	vpop (xrf2);
	[tilespmem:$0x10600] =	vst v63  }
0xd6: {  	_ =	swait.ge [sflag:s26], $0x1000  }
0xd7: {  	[sflag:s26] =	ssyncset.done $0x0  }
0xd8: {  	[sflag:s26] =	ssyncadd.s32 $0xFFFFF000  }
0xd9: {  	_ =	swait.ge [sflag:s14], $0x1000  }
0xda: {  	[sflag:s14] =	ssyncset.done $0x0  }
0xdb: {  	[sflag:s14] =	ssyncadd.s32 $0xFFFFF000  }
0xdc: {  	v14 =	vld [tilespmem:s17+$0x0];
	_ =	sdelay $0x1  }
0xdd: {  	v15 =	vld [tilespmem:s16+$0x0];
	_ =	sdelay $0x2  }
0xde: {  	(v2sf) =	vpush v14, $0x3;
	_ =	sdelay $0x1  }
0xdf: {  	(v2sf) =	vpush v15, $0x3;
	_ =	sdelay $0xc  }
0xe0: {  	s5 =	spop (v2sf)  }
0xe1: {  	s19 =	sand.u32 $0x7F, s5  }
0xe2: {  	s9 =	spop (v2sf);
	v16 =	vor.u32 s19, v1  }
0xe3: {  	s20 =	sand.u32 $0x7F, s9;
	v17 =	vor.u32 s19, v2  }
0xe4: {  	v18 =	vor.u32 s20, v1  }
0xe5: {  	v11 =	vor.u32 s20, v2  }
0xe6: {  	s25 =	simm.s32 $0x3400  }
0xe7: {  	v8 =	vld.idx.msk [tilespmem:v16+s25+$0x0], $0xffff  }
0xe8: {  	(v2sf) =	vpush v14, $0xB;
	s9 =	simm.s32 $0xB400;
	v19 =	vld.idx.msk [tilespmem:v17+s25+$0x0], $0xffff  }
0xe9: {  	v20 =	vld.idx.msk [tilespmem:v18+s9+$0x0], $0xffff  }
0xea: {  	(v2sf) =	vpush v15, $0xB;
	v21 =	vld.idx.msk [tilespmem:v11+s9+$0x0], $0xffff;
	_ =	sdelay $0x4  }
0xeb: {  	v22 =	vmul.f32 v20, v8;
	v6 =	vmul.f32 v21, v19;
	_ =	sdelay $0x1  }
0xec: {  	v6 =	vadd.f32 v6, v22;
	_ =	sdelay $0x1  }
0xed: {  	(xrf2) =	vadd.scan.msk.f32 $0xffff, v6;
	_ =	sdelay $0x3  }
0xee: {  	s12 =	spop (v2sf)  }
0xef: {  	s19 =	sand.u32 $0xFFFFF80, s12  }
0xf0: {  	s20 =	spop (v2sf);
	s19 =	sadd.s32 s31, s19  }
0xf1: {  	[tilespmem:s25], [sflag:$0x4] =	stream.strided.gather [hbm4b:s19+s11], $0x1000, s10, s11, $0x38;
	[tilespmem:$0x10600] =	vst v63  }
0xf2: {  	s19 =	sand.u32 $0xFFFFF80, s20  }
0xf3: {  	s19 =	sadd.s32 s2, s19  }
0xf4: {  	[tilespmem:s9], [sflag:$0xC] =	stream.strided.gather [hbm4b:s19+s11], $0x1000, s10, s11, $0x38;
	v6, _, _ =	vpop (xrf2);
	[tilespmem:$0x10600] =	vst v63  }
0xf5: {  	_ =	swait.ge [sflag:s24], $0x1000  }
0xf6: {  	[sflag:s24] =	ssyncset.done $0x0  }
0xf7: {  	[sflag:s24] =	ssyncadd.s32 $0xFFFFF000  }
0xf8: {  	_ =	swait.ge [sflag:s29], $0x1000  }
0xf9: {  	[sflag:s29] =	ssyncset.done $0x0  }
0xfa: {  	[sflag:s29] =	ssyncadd.s32 $0xFFFFF000  }
0xfb: {  	v23 =	vld [tilespmem:s17+$0x0];
	_ =	sdelay $0x1  }
0xfc: {  	v24 =	vld [tilespmem:s16+$0x0];
	_ =	sdelay $0x2  }
0xfd: {  	(v2sf) =	vpush v23, $0x4;
	_ =	sdelay $0x1  }
0xfe: {  	(v2sf) =	vpush v24, $0x4;
	_ =	sdelay $0xc  }
0xff: {  	s5 =	spop (v2sf)  }
0x100: {  	s19 =	sand.u32 $0x7F, s5  }
0x101: {  	s12 =	spop (v2sf);
	v25 =	vor.u32 s19, v1  }
0x102: {  	s20 =	sand.u32 $0x7F, s12;
	v26 =	vor.u32 s19, v2  }
0x103: {  	v27 =	vor.u32 s20, v1  }
0x104: {  	v12 =	vor.u32 s20, v2  }
0x105: {  	s5 =	simm.s32 $0x4400  }
0x106: {  	(v2sf) =	vpush v23, $0xC;
	v9 =	vld.idx.msk [tilespmem:v25+s5+$0x0], $0xffff  }
0x107: {  	v28 =	vld.idx.msk [tilespmem:v26+s5+$0x0], $0xffff;
	s5 =	simm.s32 $0xC400  }
0x108: {  	v29 =	vld.idx.msk [tilespmem:v27+s5+$0x0], $0xffff  }
0x109: {  	v30 =	vld.idx.msk [tilespmem:v12+s5+$0x0], $0xffff  }
0x10a: {  	(v2sf) =	vpush v24, $0xC;
	_ =	sdelay $0x3  }
0x10b: {  	v31 =	vmul.f32 v29, v9;
	v7 =	vmul.f32 v30, v28;
	_ =	sdelay $0x1  }
0x10c: {  	v7 =	vadd.f32 v7, v31;
	_ =	sdelay $0x1  }
0x10d: {  	(xrf2) =	vadd.scan.msk.f32 $0xffff, v7;
	_ =	sdelay $0x2  }
0x10e: {  	s20 =	spop (v2sf)  }
0x10f: {  	s19 =	sand.u32 $0xFFFFF80, s20  }
0x110: {  	s12 =	simm.s32 $0x4400;
	s19 =	sadd.s32 s31, s19  }
0x111: {  	[tilespmem:s12], [sflag:$0x5] =	stream.strided.gather [hbm4b:s19+s11], $0x1000, s10, s11, $0x38;
	[tilespmem:$0x10600] =	vst v63  }
0x112: {  	s12 =	spop (v2sf)  }
0x113: {  	s19 =	sand.u32 $0xFFFFF80, s12  }
0x114: {  	s12 =	simm.s32 $0x6;
	s19 =	sadd.s32 s2, s19  }
0x115: {  	[tilespmem:s5], [sflag:$0xD] =	stream.strided.gather [hbm4b:s19+s11], $0x1000, s10, s11, $0x38;
	v7, _, _ =	vpop (xrf2);
	[tilespmem:$0x10600] =	vst v63  }
0x116: {  	_ =	swait.ge [sflag:s12], $0x1000  }
0x117: {  	[sflag:s12] =	ssyncset.done $0x0  }
0x118: {  	s22 =	simm.s32 $0xE;
	[sflag:s12] =	ssyncadd.s32 $0xFFFFF000  }
0x119: {  	_ =	swait.ge [sflag:s22], $0x1000  }
0x11a: {  	[sflag:s22] =	ssyncset.done $0x0  }
0x11b: {  	[sflag:s22] =	ssyncadd.s32 $0xFFFFF000  }
0x11c: {  	v32 =	vld [tilespmem:s17+$0x0];
	_ =	sdelay $0x1  }
0x11d: {  	v33 =	vld [tilespmem:s16+$0x0];
	_ =	sdelay $0x2  }
0x11e: {  	(v2sf) =	vpush v32, $0x5;
	_ =	sdelay $0x1  }
0x11f: {  	(v2sf) =	vpush v33, $0x5;
	_ =	sdelay $0xc  }
0x120: {  	s20 =	spop (v2sf)  }
0x121: {  	s19 =	sand.u32 $0x7F, s20  }
0x122: {  	s22 =	spop (v2sf);
	v34 =	vor.u32 s19, v1  }
0x123: {  	s20 =	sand.u32 $0x7F, s22;
	v35 =	vor.u32 s19, v2  }
0x124: {  	v36 =	vor.u32 s20, v1  }
0x125: {  	v13 =	vor.u32 s20, v2  }
0x126: {  	s20 =	simm.s32 $0x5400  }
0x127: {  	(v2sf) =	vpush v32, $0xD;
	v10 =	vld.idx.msk [tilespmem:v34+s20+$0x0], $0xffff  }
0x128: {  	s22 =	simm.s32 $0xD400;
	v37 =	vld.idx.msk [tilespmem:v35+s20+$0x0], $0xffff  }
0x129: {  	v38 =	vld.idx.msk [tilespmem:v36+s22+$0x0], $0xffff  }
0x12a: {  	v39 =	vld.idx.msk [tilespmem:v13+s22+$0x0], $0xffff  }
0x12b: {  	(v2sf) =	vpush v33, $0xD;
	_ =	sdelay $0x3  }
0x12c: {  	v40 =	vmul.f32 v38, v10;
	v8 =	vmul.f32 v39, v37;
	_ =	sdelay $0x1  }
0x12d: {  	v8 =	vadd.f32 v8, v40;
	_ =	sdelay $0x1  }
0x12e: {  	(xrf2) =	vadd.scan.msk.f32 $0xffff, v8;
	_ =	sdelay $0x2  }
0x12f: {  	s19 =	spop (v2sf)  }
0x130: {  	s19 =	sand.u32 $0xFFFFF80, s19  }
0x131: {  	s20 =	simm.s32 $0x5400;
	s19 =	sadd.s32 s31, s19  }
0x132: {  	[tilespmem:s20], [sflag:$0x6] =	stream.strided.gather [hbm4b:s19+s11], $0x1000, s10, s11, $0x38;
	[tilespmem:$0x10600] =	vst v63  }
0x133: {  	s20 =	spop (v2sf)  }
0x134: {  	s19 =	sand.u32 $0xFFFFF80, s20  }
0x135: {  	s13 =	simm.s32 $0x7;
	s22 =	simm.s32 $0xD400;
	s19 =	sadd.s32 s2, s19  }
0x136: {  	[tilespmem:s22], [sflag:$0xE] =	stream.strided.gather [hbm4b:s19+s11], $0x1000, s10, s11, $0x38;
	v8, _, _ =	vpop (xrf2);
	[tilespmem:$0x10600] =	vst v63  }
0x137: {  	_ =	swait.ge [sflag:s13], $0x1000  }
0x138: {  	[sflag:s13] =	ssyncset.done $0x0  }
0x139: {  	[sflag:s13] =	ssyncadd.s32 $0xFFFFF000;
	s13 =	simm.s32 $0xF  }
0x13a: {  	_ =	swait.ge [sflag:s13], $0x1000  }
0x13b: {  	[sflag:s13] =	ssyncset.done $0x0  }
0x13c: {  	[sflag:s13] =	ssyncadd.s32 $0xFFFFF000  }
0x13d: {  	v41 =	vld [tilespmem:s17+$0x0];
	_ =	sdelay $0x1  }
0x13e: {  	v42 =	vld [tilespmem:s16+$0x0];
	_ =	sdelay $0x2  }
0x13f: {  	(v2sf) =	vpush v41, $0x6;
	_ =	sdelay $0x1  }
0x140: {  	(v2sf) =	vpush v42, $0x6;
	_ =	sdelay $0xc  }
0x141: {  	s20 =	spop (v2sf)  }
0x142: {  	s19 =	sand.u32 $0x7F, s20  }
0x143: {  	s22 =	spop (v2sf);
	v43 =	vor.u32 s19, v1  }
0x144: {  	s20 =	sand.u32 $0x7F, s22;
	v44 =	vor.u32 s19, v2  }
0x145: {  	v45 =	vor.u32 s20, v1  }
0x146: {  	v14 =	vor.u32 s20, v2  }
0x147: {  	s20 =	simm.s32 $0x6400  }
0x148: {  	(v2sf) =	vpush v41, $0xE;
	v11 =	vld.idx.msk [tilespmem:v43+s20+$0x0], $0xffff  }
0x149: {  	s22 =	simm.s32 $0xE400;
	v46 =	vld.idx.msk [tilespmem:v44+s20+$0x0], $0xffff  }
0x14a: {  	v47 =	vld.idx.msk [tilespmem:v45+s22+$0x0], $0xffff  }
0x14b: {  	v48 =	vld.idx.msk [tilespmem:v14+s22+$0x0], $0xffff  }
0x14c: {  	(v2sf) =	vpush v42, $0xE;
	_ =	sdelay $0x3  }
0x14d: {  	v49 =	vmul.f32 v47, v11;
	v9 =	vmul.f32 v48, v46;
	_ =	sdelay $0x1  }
0x14e: {  	v9 =	vadd.f32 v9, v49;
	_ =	sdelay $0x1  }
0x14f: {  	(xrf2) =	vadd.scan.msk.f32 $0xffff, v9;
	_ =	sdelay $0x2  }
0x150: {  	s19 =	spop (v2sf)  }
0x151: {  	s19 =	sand.u32 $0xFFFFF80, s19  }
0x152: {  	s20 =	simm.s32 $0x6400;
	s19 =	sadd.s32 s31, s19  }
0x153: {  	[tilespmem:s20], [sflag:$0x7] =	stream.strided.gather [hbm4b:s19+s11], $0x1000, s10, s11, $0x38;
	[tilespmem:$0x10600] =	vst v63  }
0x154: {  	s20 =	spop (v2sf)  }
0x155: {  	s19 =	sand.u32 $0xFFFFF80, s20  }
0x156: {  	s15 =	simm.s32 $0x8;
	s22 =	simm.s32 $0xE400;
	s19 =	sadd.s32 s2, s19  }
0x157: {  	[tilespmem:s22], [sflag:$0xF] =	stream.strided.gather [hbm4b:s19+s11], $0x1000, s10, s11, $0x38;
	v9, _, _ =	vpop (xrf2);
	[tilespmem:$0x10600] =	vst v63  }
0x158: {  	_ =	swait.ge [sflag:s15], $0x1000  }
0x159: {  	[sflag:s15] =	ssyncset.done $0x0  }
0x15a: {  	[sflag:s15] =	ssyncadd.s32 $0xFFFFF000;
	s15 =	simm.s32 $0x10  }
0x15b: {  	_ =	swait.ge [sflag:s15], $0x1000  }
0x15c: {  	[sflag:s15] =	ssyncset.done $0x0  }
0x15d: {  	[sflag:s15] =	ssyncadd.s32 $0xFFFFF000  }
0x15e: {  	v50 =	vld [tilespmem:s17+$0x0];
	_ =	sdelay $0x1  }
0x15f: {  	v51 =	vld [tilespmem:s16+$0x0];
	_ =	sdelay $0x2  }
0x160: {  	(v2sf) =	vpush v50, $0x7;
	_ =	sdelay $0x1  }
0x161: {  	(v2sf) =	vpush v51, $0x7;
	_ =	sdelay $0xc  }
0x162: {  	s20 =	spop (v2sf)  }
0x163: {  	s19 =	sand.u32 $0x7F, s20  }
0x164: {  	s22 =	spop (v2sf);
	v52 =	vor.u32 s19, v1  }
0x165: {  	s20 =	sand.u32 $0x7F, s22;
	v53 =	vor.u32 s19, v2  }
0x166: {  	v54 =	vor.u32 s20, v1  }
0x167: {  	v15 =	vor.u32 s20, v2  }
0x168: {  	s20 =	simm.s32 $0x7400  }
0x169: {  	(v2sf) =	vpush v50, $0xF;
	v12 =	vld.idx.msk [tilespmem:v52+s20+$0x0], $0xffff  }
0x16a: {  	s22 =	simm.s32 $0xF400;
	v55 =	vld.idx.msk [tilespmem:v53+s20+$0x0], $0xffff  }
0x16b: {  	v56 =	vld.idx.msk [tilespmem:v54+s22+$0x0], $0xffff  }
0x16c: {  	v57 =	vld.idx.msk [tilespmem:v15+s22+$0x0], $0xffff  }
0x16d: {  	(v2sf) =	vpush v51, $0xF;
	_ =	sdelay $0x3  }
0x16e: {  	v58 =	vmul.f32 v56, v12;
	v10 =	vmul.f32 v57, v55;
	_ =	sdelay $0x1  }
0x16f: {  	v10 =	vadd.f32 v10, v58;
	_ =	sdelay $0x1  }
0x170: {  	(xrf2) =	vadd.scan.msk.f32 $0xffff, v10;
	_ =	sdelay $0x2  }
0x171: {  	s19 =	spop (v2sf)  }
0x172: {  	s19 =	sand.u32 $0xFFFFF80, s19  }
0x173: {  	s20 =	simm.s32 $0x7400;
	s19 =	sadd.s32 s31, s19  }
0x174: {  	[tilespmem:s20], [sflag:$0x8] =	stream.strided.gather [hbm4b:s19+s11], $0x1000, s10, s11, $0x38;
	[tilespmem:$0x10600] =	vst v63  }
0x175: {  	s20 =	spop (v2sf)  }
0x176: {  	s19 =	sand.u32 $0xFFFFF80, s20  }
0x177: {  	s22 =	simm.s32 $0xF400;
	s19 =	sadd.s32 s2, s19  }
0x178: {  	[tilespmem:s22], [sflag:$0x10] =	stream.strided.gather [hbm4b:s19+s11], $0x1000, s10, s11, $0x38;
	v10, _, _ =	vpop (xrf2);
	[tilespmem:$0x10600] =	vst v63  }
0x179: {  	_ =	swait.ge [sflag:s8], $0x1000  }
0x17a: {  	[sflag:s8] =	ssyncset.done $0x0  }
0x17b: {  	[sflag:s8] =	ssyncadd.s32 $0xFFFFF000  }
0x17c: {  	_ =	swait.ge [sflag:s0], $0x1000  }
0x17d: {  	[sflag:s0] =	ssyncset.done $0x0  }
0x17e: {  	[sflag:s0] =	ssyncadd.s32 $0xFFFFF000  }
0x17f: {  	v59 =	vld [tilespmem:s17+$0x0];
	_ =	sdelay $0x1  }
0x180: {  	v60 =	vld [tilespmem:s16+$0x0];
	_ =	sdelay $0x2  }
0x181: {  	(v2sf) =	vpush v59, $0x8;
	_ =	sdelay $0x1  }
0x182: {  	(v2sf) =	vpush v60, $0x8;
	_ =	sdelay $0xc  }
0x183: {  	s22 =	spop (v2sf)  }
0x184: {  	p0 =	seq.s32 s18, $0x1F0;
	s19 =	sand.u32 $0x7F, s22  }
0x185: {  	v12 =	vld @!p0 [tilespmem:s17+$0x10];
	s0 =	spop (v2sf);
	v61 =	vor.u32 s19, v1  }
0x186: {  	s20 =	sand.u32 $0x7F, s0;
	v62 =	vor.u32 s19, v2  }
0x187: {  	v63 =	vor.u32 s20, v1  }
0x188: {  	v20 =	vor.u32 s20, v2  }
0x189: {  	v16 =	vld @!p0 [tilespmem:s16+$0x10]  }
0x18a: {  	(v2sf) =	vpush @!p0 v12, $0x0;
	v11 =	vld.idx.msk [tilespmem:v61+s11+$0x0], $0xffff  }
0x18b: {  	v21 =	vld.idx.msk [tilespmem:v62+s11+$0x0], $0xffff  }
0x18c: {  	v22 =	vld.idx.msk [tilespmem:v63+s21+$0x0], $0xffff  }
0x18d: {  	v23 =	vld.idx.msk [tilespmem:v20+s21+$0x0], $0xffff  }
0x18e: {  	(v2sf) =	vpush @!p0 v16, $0x0;
	_ =	sdelay $0x3  }
0x18f: {  	v11 =	vmul.f32 v22, v11;
	v12 =	vmul.f32 v23, v21;
	_ =	sdelay $0x1  }
0x190: {  	v11 =	vadd.f32 v12, v11;
	_ =	sdelay $0x1  }
0x191: {  	(xrf2) =	vadd.scan.msk.f32 $0xffff, v11;
	_ =	sdelay $0x2  }
0x192: {  	s19 =	spop @!p0 (v2sf)  }
0x193: {  	s19 =	sand.u32 @!p0 $0xFFFFF80, s19  }
0x194: {  	s20 =	simm.s32 @!p0 $0x400;
	s21 =	sadd.s32 @!p0 s31, s19;
	s19 =	simm.s32 @!p0 $0x7A1400  }
0x195: {  	[tilespmem:s20], [sflag:$0x1] =	stream.strided.gather @!p0 [hbm4b:s21+s20], $0x1000, s19, s20, $0x38;
	[tilespmem:$0x10600] =	vst v63  }
0x196: {  	s21 =	spop @!p0 (v2sf)  }
0x197: {  	s21 =	sand.u32 @!p0 $0xFFFFF80, s21  }
0x198: {  	s22 =	simm.s32 @!p0 $0x8400;
	s21 =	sadd.s32 @!p0 s2, s21  }
0x199: {  	[tilespmem:s22], [sflag:$0x9] =	stream.strided.gather @!p0 [hbm4b:s21+s20], $0x1000, s19, s20, $0x38;
	v11, _, _ =	vpop (xrf2);
	[tilespmem:$0x10600] =	vst v63  }
0x19a: {  	_ =	swait.ge [sflag:s4], $0x1000  }
0x19b: {  	[sflag:s4] =	ssyncset.done $0x0  }
0x19c: {  	[sflag:s4] =	ssyncadd.s32 $0xFFFFF000  }
0x19d: {  	_ =	swait.ge [sflag:s3], $0x1000  }
0x19e: {  	[sflag:s3] =	ssyncset.done $0x0  }
0x19f: {  	[sflag:s3] =	ssyncadd.s32 $0xFFFFF000  }
0x1a0: {  	v24 =	vld [tilespmem:s17+$0x0];
	_ =	sdelay $0x1  }
0x1a1: {  	v25 =	vld [tilespmem:s16+$0x0];
	_ =	sdelay $0x2  }
0x1a2: {  	(v2sf) =	vpush v24, $0x9;
	_ =	sdelay $0x1  }
0x1a3: {  	(v2sf) =	vpush v25, $0x9;
	_ =	sdelay $0xc  }
0x1a4: {  	s4 =	spop (v2sf)  }
0x1a5: {  	s21 =	sand.u32 $0x7F, s4  }
0x1a6: {  	v13 =	vld @!p0 [tilespmem:s17+$0x10];
	s8 =	spop (v2sf);
	v26 =	vor.u32 s21, v1  }
0x1a7: {  	s22 =	sand.u32 $0x7F, s8;
	v27 =	vor.u32 s21, v2  }
0x1a8: {  	v28 =	vor.u32 s22, v1  }
0x1a9: {  	v29 =	vor.u32 s22, v2  }
0x1aa: {  	v17 =	vld @!p0 [tilespmem:s16+$0x10]  }
0x1ab: {  	(v2sf) =	vpush @!p0 v13, $0x1;
	v12 =	vld.idx.msk [tilespmem:v26+s30+$0x0], $0xffff  }
0x1ac: {  	v30 =	vld.idx.msk [tilespmem:v27+s30+$0x0], $0xffff  }
0x1ad: {  	v31 =	vld.idx.msk [tilespmem:v28+s7+$0x0], $0xffff  }
0x1ae: {  	v32 =	vld.idx.msk [tilespmem:v29+s7+$0x0], $0xffff  }
0x1af: {  	(v2sf) =	vpush @!p0 v17, $0x1;
	_ =	sdelay $0x3  }
0x1b0: {  	v12 =	vmul.f32 v31, v12;
	v13 =	vmul.f32 v32, v30;
	_ =	sdelay $0x1  }
0x1b1: {  	v12 =	vadd.f32 v13, v12;
	_ =	sdelay $0x1  }
0x1b2: {  	(xrf2) =	vadd.scan.msk.f32 $0xffff, v12;
	_ =	sdelay $0x2  }
0x1b3: {  	s21 =	spop @!p0 (v2sf)  }
0x1b4: {  	s21 =	sand.u32 @!p0 $0xFFFFF80, s21  }
0x1b5: {  	s22 =	simm.s32 @!p0 $0x1400;
	s21 =	sadd.s32 @!p0 s31, s21  }
0x1b6: {  	[tilespmem:s22], [sflag:$0x2] =	stream.strided.gather @!p0 [hbm4b:s21+s20], $0x1000, s19, s20, $0x38;
	[tilespmem:$0x10600] =	vst v63  }
0x1b7: {  	s21 =	spop @!p0 (v2sf)  }
0x1b8: {  	s21 =	sand.u32 @!p0 $0xFFFFF80, s21  }
0x1b9: {  	s22 =	simm.s32 @!p0 $0x9400;
	s21 =	sadd.s32 @!p0 s2, s21  }
0x1ba: {  	[tilespmem:s22], [sflag:$0xA] =	stream.strided.gather @!p0 [hbm4b:s21+s20], $0x1000, s19, s20, $0x38;
	v12, _, _ =	vpop (xrf2);
	[tilespmem:$0x10600] =	vst v63  }
0x1bb: {  	_ =	swait.ge [sflag:s1], $0x1000  }
0x1bc: {  	[sflag:s1] =	ssyncset.done $0x0  }
0x1bd: {  	[sflag:s1] =	ssyncadd.s32 $0xFFFFF000  }
0x1be: {  	_ =	swait.ge [sflag:s23], $0x1000  }
0x1bf: {  	[sflag:s23] =	ssyncset.done $0x0  }
0x1c0: {  	[sflag:s23] =	ssyncadd.s32 $0xFFFFF000  }
0x1c1: {  	v33 =	vld [tilespmem:s17+$0x0];
	_ =	sdelay $0x1  }
0x1c2: {  	v34 =	vld [tilespmem:s16+$0x0];
	_ =	sdelay $0x2  }
0x1c3: {  	(v2sf) =	vpush v33, $0xA;
	_ =	sdelay $0x1  }
0x1c4: {  	(v2sf) =	vpush v34, $0xA;
	_ =	sdelay $0xc  }
0x1c5: {  	s0 =	spop (v2sf)  }
0x1c6: {  	s21 =	sand.u32 $0x7F, s0  }
0x1c7: {  	v14 =	vld @!p0 [tilespmem:s17+$0x10];
	s1 =	spop (v2sf);
	v35 =	vor.u32 s21, v1  }
0x1c8: {  	s22 =	sand.u32 $0x7F, s1;
	v36 =	vor.u32 s21, v2  }
0x1c9: {  	v37 =	vor.u32 s22, v1  }
0x1ca: {  	v38 =	vor.u32 s22, v2  }
0x1cb: {  	v18 =	vld @!p0 [tilespmem:s16+$0x10]  }
0x1cc: {  	(v2sf) =	vpush @!p0 v14, $0x2;
	v13 =	vld.idx.msk [tilespmem:v35+s28+$0x0], $0xffff  }
0x1cd: {  	v39 =	vld.idx.msk [tilespmem:v36+s28+$0x0], $0xffff  }
0x1ce: {  	v40 =	vld.idx.msk [tilespmem:v37+s6+$0x0], $0xffff  }
0x1cf: {  	v41 =	vld.idx.msk [tilespmem:v38+s6+$0x0], $0xffff  }
0x1d0: {  	(v2sf) =	vpush @!p0 v18, $0x2;
	_ =	sdelay $0x3  }
0x1d1: {  	v13 =	vmul.f32 v40, v13;
	v14 =	vmul.f32 v41, v39;
	_ =	sdelay $0x1  }
0x1d2: {  	v13 =	vadd.f32 v14, v13;
	_ =	sdelay $0x1  }
0x1d3: {  	(xrf2) =	vadd.scan.msk.f32 $0xffff, v13;
	_ =	sdelay $0x2  }
0x1d4: {  	s21 =	spop @!p0 (v2sf)  }
0x1d5: {  	s21 =	sand.u32 @!p0 $0xFFFFF80, s21  }
0x1d6: {  	s22 =	simm.s32 @!p0 $0x2400;
	s21 =	sadd.s32 @!p0 s31, s21  }
0x1d7: {  	[tilespmem:s22], [sflag:$0x3] =	stream.strided.gather @!p0 [hbm4b:s21+s20], $0x1000, s19, s20, $0x38;
	[tilespmem:$0x10600] =	vst v63  }
0x1d8: {  	s21 =	spop @!p0 (v2sf)  }
0x1d9: {  	s21 =	sand.u32 @!p0 $0xFFFFF80, s21  }
0x1da: {  	s22 =	simm.s32 @!p0 $0xA400;
	s21 =	sadd.s32 @!p0 s2, s21  }
0x1db: {  	[tilespmem:s22], [sflag:$0xB] =	stream.strided.gather @!p0 [hbm4b:s21+s20], $0x1000, s19, s20, $0x38;
	v13, _, _ =	vpop (xrf2);
	[tilespmem:$0x10600] =	vst v63  }
0x1dc: {  	_ =	swait.ge [sflag:s26], $0x1000  }
0x1dd: {  	[sflag:s26] =	ssyncset.done $0x0  }
0x1de: {  	[sflag:s26] =	ssyncadd.s32 $0xFFFFF000  }
0x1df: {  	_ =	swait.ge [sflag:s14], $0x1000  }
0x1e0: {  	[sflag:s14] =	ssyncset.done $0x0  }
0x1e1: {  	[sflag:s14] =	ssyncadd.s32 $0xFFFFF000  }
0x1e2: {  	v42 =	vld [tilespmem:s17+$0x0];
	_ =	sdelay $0x1  }
0x1e3: {  	v43 =	vld [tilespmem:s16+$0x0];
	_ =	sdelay $0x2  }
0x1e4: {  	(v2sf) =	vpush v42, $0xB;
	_ =	sdelay $0x1  }
0x1e5: {  	(v2sf) =	vpush v43, $0xB;
	_ =	sdelay $0xc  }
0x1e6: {  	s3 =	spop (v2sf)  }
0x1e7: {  	s21 =	sand.u32 $0x7F, s3  }
0x1e8: {  	v15 =	vld @!p0 [tilespmem:s17+$0x10];
	s4 =	spop (v2sf);
	v44 =	vor.u32 s21, v1  }
0x1e9: {  	s22 =	sand.u32 $0x7F, s4;
	v45 =	vor.u32 s21, v2  }
0x1ea: {  	v46 =	vor.u32 s22, v1  }
0x1eb: {  	v47 =	vor.u32 s22, v2  }
0x1ec: {  	v19 =	vld @!p0 [tilespmem:s16+$0x10]  }
0x1ed: {  	(v2sf) =	vpush @!p0 v15, $0x3;
	v14 =	vld.idx.msk [tilespmem:v44+s25+$0x0], $0xffff  }
0x1ee: {  	v48 =	vld.idx.msk [tilespmem:v45+s25+$0x0], $0xffff  }
0x1ef: {  	v49 =	vld.idx.msk [tilespmem:v46+s9+$0x0], $0xffff  }
0x1f0: {  	v50 =	vld.idx.msk [tilespmem:v47+s9+$0x0], $0xffff  }
0x1f1: {  	(v2sf) =	vpush @!p0 v19, $0x3;
	_ =	sdelay $0x3  }
0x1f2: {  	v14 =	vmul.f32 v49, v14;
	v15 =	vmul.f32 v50, v48;
	_ =	sdelay $0x1  }
0x1f3: {  	v14 =	vadd.f32 v15, v14;
	_ =	sdelay $0x1  }
0x1f4: {  	(xrf2) =	vadd.scan.msk.f32 $0xffff, v14;
	_ =	sdelay $0x2  }
0x1f5: {  	s21 =	spop @!p0 (v2sf)  }
0x1f6: {  	s21 =	sand.u32 @!p0 $0xFFFFF80, s21  }
0x1f7: {  	s22 =	simm.s32 @!p0 $0x3400;
	s21 =	sadd.s32 @!p0 s31, s21  }
0x1f8: {  	[tilespmem:s22], [sflag:$0x4] =	stream.strided.gather @!p0 [hbm4b:s21+s20], $0x1000, s19, s20, $0x38;
	[tilespmem:$0x10600] =	vst v63  }
0x1f9: {  	s21 =	spop @!p0 (v2sf)  }
0x1fa: {  	s21 =	sand.u32 @!p0 $0xFFFFF80, s21  }
0x1fb: {  	s22 =	simm.s32 @!p0 $0xB400;
	s21 =	sadd.s32 @!p0 s2, s21  }
0x1fc: {  	[tilespmem:s22], [sflag:$0xC] =	stream.strided.gather @!p0 [hbm4b:s21+s20], $0x1000, s19, s20, $0x38;
	v14, _, _ =	vpop (xrf2);
	[tilespmem:$0x10600] =	vst v63  }
0x1fd: {  	_ =	swait.ge [sflag:s24], $0x1000  }
0x1fe: {  	[sflag:s24] =	ssyncset.done $0x0  }
0x1ff: {  	[sflag:s24] =	ssyncadd.s32 $0xFFFFF000  }
0x200: {  	_ =	swait.ge [sflag:s29], $0x1000  }
0x201: {  	[sflag:s29] =	ssyncset.done $0x0  }
0x202: {  	[sflag:s29] =	ssyncadd.s32 $0xFFFFF000  }
0x203: {  	v51 =	vld [tilespmem:s17+$0x0];
	_ =	sdelay $0x1  }
0x204: {  	v52 =	vld [tilespmem:s16+$0x0];
	_ =	sdelay $0x2  }
0x205: {  	(v2sf) =	vpush v51, $0xC;
	_ =	sdelay $0x1  }
0x206: {  	(v2sf) =	vpush v52, $0xC;
	_ =	sdelay $0xc  }
0x207: {  	s7 =	spop (v2sf)  }
0x208: {  	s21 =	sand.u32 $0x7F, s7  }
0x209: {  	v16 =	vld @!p0 [tilespmem:s17+$0x10];
	s8 =	spop (v2sf);
	v53 =	vor.u32 s21, v1  }
0x20a: {  	s22 =	sand.u32 $0x7F, s8;
	v54 =	vor.u32 s21, v2  }
0x20b: {  	v55 =	vor.u32 s22, v1  }
0x20c: {  	v56 =	vor.u32 s22, v2  }
0x20d: {  	s25 =	simm.s32 $0x4400;
	v20 =	vld @!p0 [tilespmem:s16+$0x10]  }
0x20e: {  	(v2sf) =	vpush @!p0 v16, $0x4;
	v15 =	vld.idx.msk [tilespmem:v53+s25+$0x0], $0xffff  }
0x20f: {  	v57 =	vld.idx.msk [tilespmem:v54+s25+$0x0], $0xffff  }
0x210: {  	v58 =	vld.idx.msk [tilespmem:v55+s5+$0x0], $0xffff  }
0x211: {  	v59 =	vld.idx.msk [tilespmem:v56+s5+$0x0], $0xffff  }
0x212: {  	(v2sf) =	vpush @!p0 v20, $0x4;
	_ =	sdelay $0x3  }
0x213: {  	v15 =	vmul.f32 v58, v15;
	v16 =	vmul.f32 v59, v57;
	_ =	sdelay $0x1  }
0x214: {  	v15 =	vadd.f32 v16, v15;
	_ =	sdelay $0x1  }
0x215: {  	(xrf2) =	vadd.scan.msk.f32 $0xffff, v15;
	_ =	sdelay $0x2  }
0x216: {  	s21 =	spop @!p0 (v2sf)  }
0x217: {  	s21 =	sand.u32 @!p0 $0xFFFFF80, s21  }
0x218: {  	s22 =	simm.s32 @!p0 $0x4400;
	s21 =	sadd.s32 @!p0 s31, s21  }
0x219: {  	[tilespmem:s22], [sflag:$0x5] =	stream.strided.gather @!p0 [hbm4b:s21+s20], $0x1000, s19, s20, $0x38;
	[tilespmem:$0x10600] =	vst v63  }
0x21a: {  	s21 =	spop @!p0 (v2sf)  }
0x21b: {  	s21 =	sand.u32 @!p0 $0xFFFFF80, s21  }
0x21c: {  	s22 =	simm.s32 @!p0 $0xC400;
	s21 =	sadd.s32 @!p0 s2, s21  }
0x21d: {  	[tilespmem:s22], [sflag:$0xD] =	stream.strided.gather @!p0 [hbm4b:s21+s20], $0x1000, s19, s20, $0x38;
	v15, _, _ =	vpop (xrf2);
	[tilespmem:$0x10600] =	vst v63  }
0x21e: {  	_ =	swait.ge [sflag:s12], $0x1000  }
0x21f: {  	[sflag:s12] =	ssyncset.done $0x0  }
0x220: {  	s6 =	simm.s32 $0xE;
	[sflag:s12] =	ssyncadd.s32 $0xFFFFF000  }
0x221: {  	_ =	swait.ge [sflag:s6], $0x1000  }
0x222: {  	[sflag:s6] =	ssyncset.done $0x0  }
0x223: {  	[sflag:s6] =	ssyncadd.s32 $0xFFFFF000  }
0x224: {  	v60 =	vld [tilespmem:s17+$0x0];
	_ =	sdelay $0x1  }
0x225: {  	v61 =	vld [tilespmem:s16+$0x0];
	_ =	sdelay $0x2  }
0x226: {  	(v2sf) =	vpush v60, $0xD;
	_ =	sdelay $0x1  }
0x227: {  	(v2sf) =	vpush v61, $0xD;
	_ =	sdelay $0xc  }
0x228: {  	s0 =	spop (v2sf)  }
0x229: {  	s21 =	sand.u32 $0x7F, s0  }
0x22a: {  	v17 =	vld @!p0 [tilespmem:s17+$0x10];
	s1 =	spop (v2sf);
	v62 =	vor.u32 s21, v1  }
0x22b: {  	s22 =	sand.u32 $0x7F, s1;
	v63 =	vor.u32 s21, v2  }
0x22c: {  	v24 =	vor.u32 s22, v1  }
0x22d: {  	v25 =	vor.u32 s22, v2  }
0x22e: {  	s3 =	simm.s32 $0x5400;
	v21 =	vld @!p0 [tilespmem:s16+$0x10]  }
0x22f: {  	(v2sf) =	vpush @!p0 v17, $0x5;
	v16 =	vld.idx.msk [tilespmem:v62+s3+$0x0], $0xffff  }
0x230: {  	s4 =	simm.s32 $0xD400;
	v26 =	vld.idx.msk [tilespmem:v63+s3+$0x0], $0xffff  }
0x231: {  	v27 =	vld.idx.msk [tilespmem:v24+s4+$0x0], $0xffff  }
0x232: {  	v28 =	vld.idx.msk [tilespmem:v25+s4+$0x0], $0xffff  }
0x233: {  	(v2sf) =	vpush @!p0 v21, $0x5;
	_ =	sdelay $0x3  }
0x234: {  	v16 =	vmul.f32 v27, v16;
	v17 =	vmul.f32 v28, v26;
	_ =	sdelay $0x1  }
0x235: {  	v16 =	vadd.f32 v17, v16;
	_ =	sdelay $0x1  }
0x236: {  	(xrf2) =	vadd.scan.msk.f32 $0xffff, v16;
	_ =	sdelay $0x2  }
0x237: {  	s21 =	spop @!p0 (v2sf)  }
0x238: {  	s21 =	sand.u32 @!p0 $0xFFFFF80, s21  }
0x239: {  	s22 =	simm.s32 @!p0 $0x5400;
	s21 =	sadd.s32 @!p0 s31, s21  }
0x23a: {  	[tilespmem:s22], [sflag:$0x6] =	stream.strided.gather @!p0 [hbm4b:s21+s20], $0x1000, s19, s20, $0x38;
	[tilespmem:$0x10600] =	vst v63  }
0x23b: {  	s21 =	spop @!p0 (v2sf)  }
0x23c: {  	s21 =	sand.u32 @!p0 $0xFFFFF80, s21  }
0x23d: {  	s30 =	simm.s32 $0x7;
	s22 =	simm.s32 @!p0 $0xD400;
	s21 =	sadd.s32 @!p0 s2, s21  }
0x23e: {  	[tilespmem:s22], [sflag:$0xE] =	stream.strided.gather @!p0 [hbm4b:s21+s20], $0x1000, s19, s20, $0x38;
	v16, _, _ =	vpop (xrf2);
	[tilespmem:$0x10600] =	vst v63  }
0x23f: {  	_ =	swait.ge [sflag:s30], $0x1000  }
0x240: {  	[sflag:s30] =	ssyncset.done $0x0  }
0x241: {  	[sflag:s30] =	ssyncadd.s32 $0xFFFFF000  }
0x242: {  	_ =	swait.ge [sflag:s13], $0x1000  }
0x243: {  	[sflag:s13] =	ssyncset.done $0x0  }
0x244: {  	[sflag:s13] =	ssyncadd.s32 $0xFFFFF000  }
0x245: {  	v29 =	vld [tilespmem:s17+$0x0];
	_ =	sdelay $0x1  }
0x246: {  	v30 =	vld [tilespmem:s16+$0x0];
	_ =	sdelay $0x2  }
0x247: {  	(v2sf) =	vpush v29, $0xE;
	_ =	sdelay $0x1  }
0x248: {  	(v2sf) =	vpush v30, $0xE;
	_ =	sdelay $0xc  }
0x249: {  	s7 =	spop (v2sf)  }
0x24a: {  	s21 =	sand.u32 $0x7F, s7  }
0x24b: {  	v18 =	vld @!p0 [tilespmem:s17+$0x10];
	s8 =	spop (v2sf);
	v31 =	vor.u32 s21, v1  }
0x24c: {  	s22 =	sand.u32 $0x7F, s8;
	v32 =	vor.u32 s21, v2  }
0x24d: {  	v33 =	vor.u32 s22, v1  }
0x24e: {  	v34 =	vor.u32 s22, v2  }
0x24f: {  	s9 =	simm.s32 $0x6400;
	v22 =	vld @!p0 [tilespmem:s16+$0x10]  }
0x250: {  	(v2sf) =	vpush @!p0 v18, $0x6;
	v17 =	vld.idx.msk [tilespmem:v31+s9+$0x0], $0xffff  }
0x251: {  	s12 =	simm.s32 $0xE400;
	v35 =	vld.idx.msk [tilespmem:v32+s9+$0x0], $0xffff  }
0x252: {  	v36 =	vld.idx.msk [tilespmem:v33+s12+$0x0], $0xffff  }
0x253: {  	v37 =	vld.idx.msk [tilespmem:v34+s12+$0x0], $0xffff  }
0x254: {  	(v2sf) =	vpush @!p0 v22, $0x6;
	_ =	sdelay $0x3  }
0x255: {  	v17 =	vmul.f32 v36, v17;
	v18 =	vmul.f32 v37, v35;
	_ =	sdelay $0x1  }
0x256: {  	v17 =	vadd.f32 v18, v17;
	_ =	sdelay $0x1  }
0x257: {  	(xrf2) =	vadd.scan.msk.f32 $0xffff, v17;
	_ =	sdelay $0x2  }
0x258: {  	s21 =	spop @!p0 (v2sf)  }
0x259: {  	s21 =	sand.u32 @!p0 $0xFFFFF80, s21  }
0x25a: {  	s22 =	simm.s32 @!p0 $0x6400;
	s21 =	sadd.s32 @!p0 s31, s21  }
0x25b: {  	[tilespmem:s22], [sflag:$0x7] =	stream.strided.gather @!p0 [hbm4b:s21+s20], $0x1000, s19, s20, $0x38;
	[tilespmem:$0x10600] =	vst v63  }
0x25c: {  	s21 =	spop @!p0 (v2sf)  }
0x25d: {  	s21 =	sand.u32 @!p0 $0xFFFFF80, s21  }
0x25e: {  	s28 =	simm.s32 $0x8;
	s22 =	simm.s32 @!p0 $0xE400;
	s21 =	sadd.s32 @!p0 s2, s21  }
0x25f: {  	[tilespmem:s22], [sflag:$0xF] =	stream.strided.gather @!p0 [hbm4b:s21+s20], $0x1000, s19, s20, $0x38;
	v17, _, _ =	vpop (xrf2);
	[tilespmem:$0x10600] =	vst v63  }
0x260: {  	_ =	swait.ge [sflag:s28], $0x1000  }
0x261: {  	[sflag:s28] =	ssyncset.done $0x0  }
0x262: {  	[sflag:s28] =	ssyncadd.s32 $0xFFFFF000  }
0x263: {  	_ =	swait.ge [sflag:s15], $0x1000  }
0x264: {  	[sflag:s15] =	ssyncset.done $0x0  }
0x265: {  	[sflag:s15] =	ssyncadd.s32 $0xFFFFF000  }
0x266: {  	v38 =	vld [tilespmem:s17+$0x0];
	_ =	sdelay $0x1  }
0x267: {  	v39 =	vld [tilespmem:s16+$0x0];
	_ =	sdelay $0x2  }
0x268: {  	(v2sf) =	vpush v38, $0xF;
	_ =	sdelay $0x1  }
0x269: {  	(v2sf) =	vpush v39, $0xF;
	_ =	sdelay $0xa  }
0x26a: {  	v18 =	vld @!p0 [tilespmem:s17+$0x10];
	_ =	sdelay $0x1  }
0x26b: {  	s13 =	spop (v2sf)  }
0x26c: {  	s21 =	sand.u32 $0x7F, s13  }
0x26d: {  	v23 =	vld @!p0 [tilespmem:s16+$0x10];
	s15 =	spop (v2sf);
	v40 =	vor.u32 s21, v1  }
0x26e: {  	(v2sf) =	vpush @!p0 v18, $0x7;
	s22 =	sand.u32 $0x7F, s15;
	v42 =	vor.u32 s21, v2  }
0x26f: {  	v41 =	vor.u32 s22, v1  }
0x270: {  	v43 =	vor.u32 s22, v2  }
0x271: {  	s25 =	simm.s32 $0x7400  }
0x272: {  	(v2sf) =	vpush @!p0 v23, $0x7;
	v44 =	vld.idx.msk [tilespmem:v40+s25+$0x0], $0xffff  }
0x273: {  	s28 =	simm.s32 $0xF400;
	v46 =	vld.idx.msk [tilespmem:v42+s25+$0x0], $0xffff  }
0x274: {  	v45 =	vld.idx.msk [tilespmem:v41+s28+$0x0], $0xffff  }
0x275: {  	v47 =	vld.idx.msk [tilespmem:v43+s28+$0x0], $0xffff;
	_ =	sdelay $0x2  }
0x276: {  	v3 =	vbroadcast v3, $0xF  }
0x277: {  	v4 =	vbroadcast v4, $0xF;
	v5 =	vbroadcast v5, $0xF  }
0x278: {  	v18 =	vmul.f32 v45, v44;
	v48 =	vmul.f32 v47, v46  }
0x279: {  	v3 =	vsel vm0, v3, v4;
	v49 =	vbroadcast v6, $0xF  }
0x27a: {  	v3 =	vsel vm1, v3, v5;
	v51 =	vbroadcast v7, $0xF;
	v50 =	vadd.f32 v48, v18  }
0x27b: {  	v3 =	vsel vm2, v3, v49;
	v52 =	vbroadcast v8, $0xF;
	s21 =	spop @!p0 (v2sf)  }
0x27c: {  	v3 =	vsel vm3, v3, v51;
	v53 =	vbroadcast v9, $0xF;
	s21 =	sand.u32 @!p0 $0xFFFFF80, s21;
	(xrf2) =	vadd.scan.msk.f32 $0xffff, v50  }
0x27d: {  	v3 =	vsel vm4, v3, v52;
	v54 =	vbroadcast v10, $0xF;
	s22 =	simm.s32 @!p0 $0x7400;
	s21 =	sadd.s32 @!p0 s31, s21  }
0x27e: {  	v55 =	vbroadcast v11, $0xF;
	v3 =	vsel vm5, v3, v53;
	[tilespmem:s22], [sflag:$0x8] =	stream.strided.gather @!p0 [hbm4b:s21+s20], $0x1000, s19, s20, $0x38;
	[tilespmem:$0x10600] =	vst v63  }
0x27f: {  	v56 =	vbroadcast v12, $0xF;
	v3 =	vsel vm6, v3, v54;
	s21 =	spop @!p0 (v2sf)  }
0x280: {  	v3 =	vsel vm7, v55, v3;
	v57 =	vbroadcast v13, $0xF;
	s21 =	sand.u32 @!p0 $0xFFFFF80, s21  }
0x281: {  	v3 =	vsel vm8, v56, v3;
	v58 =	vbroadcast v14, $0xF;
	v61 =	vor.u32 s18, v0;
	s18 =	sadd.s32 $0x10, s18;
	s22 =	simm.s32 @!p0 $0xF400;
	s21 =	sadd.s32 @!p0 s2, s21  }
0x282: {  	v3 =	vsel vm9, v57, v3;
	v59 =	vbroadcast v15, $0xF;
	[tilespmem:s22], [sflag:$0x10] =	stream.strided.gather @!p0 [hbm4b:s21+s20], $0x1000, s19, s20, $0x38;
	[tilespmem:$0x10600] =	vst v63  }
0x283: {  	v3 =	vsel vm10, v58, v3;
	v60 =	vbroadcast v16, $0xF;
	p0 =	sne.s32 s18, $0x200  }
.Ltmp0:
0x284: {  	v3 =	vsel vm11, v59, v3;
	v62 =	vbroadcast v17, $0xF;
	(pc) =	sbr.rel @p0 .LBB2_2-.Ltmp0, $4  }
0x285: {  	v3 =	vsel vm12, v60, v3  }
0x286: {  	v3 =	vsel vm13, v62, v3;
	v63, _, _ =	vpop (xrf2)  }
0x287: {  	s30 =	simm.s32 $0x10400;
	v3 =	vsel vm14, v3, v63  }
0x288: {  	s17 =	sadd.s32 $0x10, s17;
	s16 =	sadd.s32 $0x10, s16;
	s21 =	simm.s32 $0x8400;
	[tilespmem:v61+s30+$0x0] =	vst.idx.msk $0xffff, v3  }
0x289: {  	s17 =	simm.s32 $0x0  }
0x28a: {  	s16 =	rddreg [dreg:$0x8];
	s0 =	simm.s32 $0x10400;
	s19 =	simm.s32 $0x11  }
0x28b: {  	[hbm4b:s16+s17] =	stream.linear.scatter [tilespmem:s0], [sflag:$0x11], $0x200, $0x38;
	[tilespmem:$0x10600] =	vst v63  }
0x28c: {  	_ =	swait.ge [sflag:s19], $0x200  }
0x28d: {  	s4 =	rddreg [dreg:$0xa]  }
0x28e: {  	s25 =	rddreg [dreg:$0x9];
	s4 =	sadd.s32 $0x1, s4  }
0x28f: {  	s20 =	simm.s32 $0x1400;
	s22 =	simm.s32 $0x9400;
	p0 =	sne.s32 s4, s25  }
.Ltmp1:
0x290: {  	s1 =	simm.s32 $0x2400;
	s13 =	simm.s32 $0xA400;
	(pc) =	sbr.rel @p0 .LBB2_1-.Ltmp1, $4  }
0x291: {  	s8 =	simm.s32 $0xB400;
	s28 =	simm.s32 $0x4400;
	s9 =	simm.s32 $0xC400  }
0x292: {  	s3 =	simm.s32 $0xD400;
	s5 =	simm.s32 $0x6400;
	s6 =	simm.s32 $0xE400  }
0x293: {  	s7 =	simm.s32 $0x7400;
	s30 =	simm.s32 $0xF400;
	[sflag:s19] =	ssyncset.done $0x0  }
0x294: {  	s0 =	simm.s32 $0x5400;
	[sflag:s19] =	ssyncadd.s32 $0xFFFFFE00;
	s25 =	simm.s32 $0x3400  }
0x295: {  	_ =	sfence.sel $0x180000  }
0x296: {  	[bflag:$0x0] =	sbarrier.arrive $0xFFFF  }
0x297: {  	_ =	strace $0x90000047  }
0x298: {  	s0 =	stileid.u32;
	[bflag:$0x2] =	sbarrier.arrive $0xFFFF  }
0x299: {  	p0 =	sne.s32 s0, $0x0;
	s0 =	rddreg [dreg:$0x5]  }
0x29a: {  	s0 =	sadd.s32 @!p0 $0x100000, s0  }
0x29b: {  	[sflag:s0] =	ssyncadd.tile.s32 @!p0 $0x1;
	_ =	shalt  }
.Lfunc_end2:
_tile_overlayer_lowered:
.L_overlay_start_2:
0x29c: {  	(tag) =	ssettag $0x2  }
0x29d: {  	s0 =	rddreg [dreg:$0x0];
	s2 =	stileid.u32  }
0x29e: {  	s1 =	rddreg [dreg:$0x1];
	p0 =	sne.s32 s2, $0x0  }
0x29f: {  	s3 =	rddreg [dreg:$0x2];
	[bflag:$0x3] =	sbarrier.arrive $0xFFFF;
	s2 =	simm.s32 @!p0 $0x1C11  }
0x2a0: {  	[timem:s3], [sflag:s2] =	dma.local @!p0 [hbm:s0], s1  }
0x2a1: {  	s0 =	simm.s32 @!p0 $0x11  }
0x2a2: {  	_ =	swait.ge @!p0 [sflag:s0], s1  }
0x2a3: {  	s1 =	ssub.s32 @!p0 $0x0, s1;
	[sflag:s0] =	ssyncset.done @!p0 $0x0  }
0x2a4: {  	[sflag:s0] =	ssyncadd.s32 @!p0 s1  }
0x2a5: {  	[bflag:$0x3] =	sbarrier.arrive $0xFFFF  }
0x2a6: {  	_ =	shalt  }

</sc_bundles>
